<compile_context>
chip_gen: v7x
topology: tpu7x:2x2x1
jax: 0.10.2.dev20260603
libtpu: 0.0.44.dev20260713+nightly
codegen_flags: <defaults>
</compile_context>

<pallas_src>
import functools

import jax
import jax.numpy as jnp
from jax import lax
from jax.experimental import pallas as pl
from jax.experimental.pallas import tpu as pltpu
from jax.experimental.pallas import tpu_sc as plsc

N = 10000
D = 128
NC = 2
NS = 16
L = 16
NW = NC * NS
F = D // NW
NP = 10240
NPC = NP // NS
CHUNK = 3200
DCH = 2000


def _rsqrt16(v):
    vi = plsc.bitcast(v, jnp.int32)
    yi = jnp.int32(0x5F3759DF) - lax.shift_right_logical(vi, 1)
    y = plsc.bitcast(yi, jnp.float32)
    for _ in range(3):
        y = y * (1.5 - 0.5 * v * y * y)
    return y


def _zero_f32(ref, n):
    z = jnp.zeros((L,), jnp.float32)

    @plsc.parallel_loop(0, n // L, 1, unroll=4)
    def _(i):
        ref[pl.ds(i * L, L)] = z


def _sc_body(xtl, sdl, ewl, xtg, sdg, ewg,
             accl, accg,
             xp01, xp23, ac0, ac1, ac2, ac3,
             dinv_v, sdb, ewb, tmp, sh_part, sh_red, sems):
    xps = (xp01, xp23)
    acs = (ac0, ac1, ac2, ac3)
    cid = lax.axis_index("c")
    sid = lax.axis_index("s")
    wid = sid * NC + cid

    def run_graph(xtH, sdH, ewH, accH):
        E = sdH.shape[0]

        for d in range(F):
            doff = pl.multiple_of((wid * F + d) * N, N)
            pltpu.async_copy(xtH.at[pl.ds(doff, N)], acs[d], sems.at[2])

        _zero_f32(dinv_v, NP)
        epert = E // NS
        base = pl.multiple_of(sid * epert, DCH)

        ndch = epert // DCH

        def dissue(k, slot):
            off = pl.multiple_of(base + k * DCH, DCH)
            sl = pl.ds(slot * CHUNK, DCH)
            pltpu.async_copy(sdH.at[pl.ds(off, DCH)], sdb.at[sl],
                             sems.at[slot])
            pltpu.async_copy(ewH.at[pl.ds(off, DCH)], ewb.at[sl],
                             sems.at[slot])

        def ddrain(slot):
            sl = pl.ds(slot * CHUNK, DCH)
            pltpu.make_async_copy(sdH.at[pl.ds(0, DCH)], sdb.at[sl],
                                  sems.at[slot]).wait()
            pltpu.make_async_copy(ewH.at[pl.ds(0, DCH)], ewb.at[sl],
                                  sems.at[slot]).wait()

        dissue(0, 0)

        def deg_pair(kk, _):
            for slot in (0, 1):
                k = kk * 2 + slot

                @pl.when(k < ndch)
                def _():
                    @pl.when(k + 1 < ndch)
                    def _():
                        dissue(k + 1, 1 - slot)

                    ddrain(slot)

                    @plsc.parallel_loop(0, DCH // L, 1, unroll=4)
                    def _(i):
                        d16 = jnp.bitwise_and(
                            sdb[pl.ds(slot * CHUNK + i * L, L)], 0x3FFF)
                        w16 = ewb[pl.ds(slot * CHUNK + i * L, L)]
                        plsc.addupdate_scatter(dinv_v, [d16], w16)

            return 0

        lax.fori_loop(0, (ndch + 1) // 2, deg_pair, 0)

        for r in range(NS):
            pltpu.async_copy(
                dinv_v.at[pl.ds(r * NPC, NPC)],
                sh_part.at[pl.ds((r * NS + sid) * NPC, NPC)], sems.at[1])
        for r in range(NS):
            pltpu.make_async_copy(
                dinv_v.at[pl.ds(0, NPC)],
                sh_part.at[pl.ds(sid * NPC, NPC)], sems.at[1]).wait()
        plsc.subcore_barrier()

        spb = pl.multiple_of(sid * (NS * NPC), NS * NPC)
        pltpu.sync_copy(sh_part.at[pl.ds(spb, NS * NPC)], dinv_v)

        @plsc.parallel_loop(0, NPC // L, 1, unroll=2)
        def _(i):
            acc = dinv_v[pl.ds(i * L, L)]
            for t in range(1, NS):
                acc += dinv_v[pl.ds(t * NPC + i * L, L)]
            tmp[pl.ds(i * L, L)] = _rsqrt16(acc + 1.0)

        cbase = pl.multiple_of(sid * NPC, NPC)
        pltpu.sync_copy(tmp.at[pl.ds(0, NPC)], sh_red.at[pl.ds(cbase, NPC)])
        plsc.subcore_barrier()
        pltpu.sync_copy(sh_red, dinv_v)

        for d in range(F):
            pltpu.make_async_copy(xtH.at[pl.ds(0, N)], acs[d],
                                  sems.at[2]).wait()
        for p in range(2):
            a0, a1, xp = acs[2 * p], acs[2 * p + 1], xps[p]

            @plsc.parallel_loop(0, N // L, 1, unroll=4)
            def _(i):
                dv = dinv_v[pl.ds(i * L, L)]
                u0 = a0[pl.ds(i * L, L)] * dv
                u1 = a1[pl.ds(i * L, L)] * dv
                a0[pl.ds(i * L, L)] = u0
                a1[pl.ds(i * L, L)] = u1
                pk = plsc.pack(u0, u1, format=plsc.PackFormat.INTERLEAVED)
                xp[pl.ds(i * L, L)] = plsc.bitcast(pk, jnp.int32)

        nch = E // CHUNK

        def issue(k, slot):
            off = pl.multiple_of(k * CHUNK, CHUNK)
            sl = pl.ds(slot * CHUNK, CHUNK)
            pltpu.async_copy(sdH.at[pl.ds(off, CHUNK)], sdb.at[sl],
                             sems.at[slot])
            pltpu.async_copy(ewH.at[pl.ds(off, CHUNK)], ewb.at[sl],
                             sems.at[slot])

        def drain(slot):
            sl = pl.ds(slot * CHUNK, CHUNK)
            pltpu.make_async_copy(sdH.at[pl.ds(0, CHUNK)], sdb.at[sl],
                                  sems.at[slot]).wait()
            pltpu.make_async_copy(ewH.at[pl.ds(0, CHUNK)], ewb.at[sl],
                                  sems.at[slot]).wait()

        def process(slot):
            @plsc.parallel_loop(0, CHUNK // L, 1, unroll=4)
            def _(i):
                sd16 = sdb[pl.ds(slot * CHUNK + i * L, L)]
                s16 = lax.shift_right_logical(sd16, 14)
                d16 = jnp.bitwise_and(sd16, 0x3FFF)
                w16 = ewb[pl.ds(slot * CHUNK + i * L, L)]
                for p in range(2):
                    g = plsc.load_gather(xps[p], [s16])
                    u0, u1 = plsc.unpack(
                        plsc.bitcast(g, jnp.bfloat16),
                        format=plsc.PackFormat.INTERLEAVED)
                    plsc.addupdate_scatter(acs[2 * p], [d16], u0 * w16)
                    plsc.addupdate_scatter(acs[2 * p + 1], [d16], u1 * w16)

        issue(0, 0)

        def pair(kk, _):
            for slot in (0, 1):
                k = kk * 2 + slot

                @pl.when(k + 1 < nch)
                def _():
                    issue(k + 1, 1 - slot)

                drain(slot)
                process(slot)
            return 0

        lax.fori_loop(0, nch // 2, pair, 0)

        for d in range(F):
            ad = acs[d]

            @plsc.parallel_loop(0, N // L, 1, unroll=4)
            def _(i):
                ad[pl.ds(i * L, L)] *= dinv_v[pl.ds(i * L, L)]

            doff = pl.multiple_of((wid * F + d) * N, N)
            pltpu.sync_copy(ad, accH.at[pl.ds(doff, N)])

    run_graph(xtl, sdl, ewl, accl)
    run_graph(xtg, sdg, ewg, accg)


_sc_propagate = pl.kernel(
    _sc_body,
    out_type=[
        jax.ShapeDtypeStruct((D * N,), jnp.float32),
        jax.ShapeDtypeStruct((D * N,), jnp.float32),
    ],
    mesh=plsc.VectorSubcoreMesh(core_axis_name="c", subcore_axis_name="s"),
    compiler_params=pltpu.CompilerParams(needs_layout_passes=False),
    scratch_types=[
        pltpu.VMEM((N,), jnp.int32),
        pltpu.VMEM((N,), jnp.int32),
        pltpu.VMEM((N,), jnp.float32),
        pltpu.VMEM((N,), jnp.float32),
        pltpu.VMEM((N,), jnp.float32),
        pltpu.VMEM((N,), jnp.float32),
        pltpu.VMEM((NP,), jnp.float32),
        pltpu.VMEM((2 * CHUNK,), jnp.int32),
        pltpu.VMEM((2 * CHUNK,), jnp.float32),
        pltpu.VMEM((2 * NPC,), jnp.float32),
        pltpu.VMEM_SHARED((NS * NS * NPC,), jnp.float32),
        pltpu.VMEM_SHARED((NP,), jnp.float32),
        pltpu.SemaphoreType.DMA((3,)),
    ],
)


def _gates(yT, Wz, bz, Lz, lzb, Wh, bh, Lh, lhb):
    Lzt = Lz[...][:D, :]
    Mz = jnp.dot(Wz[...], Lzt, preferred_element_type=jnp.float32)
    czb = jnp.dot(bz[...], Lzt, preferred_element_type=jnp.float32) + lzb[...]
    Lht = Lh[...][:D, :]
    Mh = jnp.dot(Wh[...], Lht, preferred_element_type=jnp.float32)
    chb = jnp.dot(bh[...], Lht, preferred_element_type=jnp.float32) + lhb[...]
    z = lax.dot_general(yT, Mz, (((0,), (0,)), ((), ())),
                        preferred_element_type=jnp.float32)
    h = lax.dot_general(yT, Mh, (((0,), (0,)), ((), ())),
                        preferred_element_type=jnp.float32)
    return (1.0 - jax.nn.sigmoid(z + czb)) * jnp.tanh(h + chb)


def _tc_body(ytl, ytg,
             Wzl, bzl, Lzl, lzbl, Whl, bhl, Lhl, lhbl,
             Wzg, bzg, Lzg, lzbg, Whg, bhg, Lhg, lhbg,
             outl, outg):
    outl[...] = _gates(ytl[...], Wzl, bzl, Lzl, lzbl, Whl, bhl, Lhl, lhbl)
    outg[...] = _gates(ytg[...], Wzg, bzg, Lzg, lzbg, Whg, bhg, Lhg, lhbg)


_tc_combine = pl.pallas_call(
    _tc_body,
    out_shape=[jax.ShapeDtypeStruct((N, D), jnp.float32),
               jax.ShapeDtypeStruct((N, D), jnp.float32)],
)


def _param_block(params):
    Wz, bz, Lz, lzb, _Wr, _br, _Lr, _lrb, Wh, bh, Lh, lhb = params
    return (Wz, bz.reshape(1, D), Lz, lzb.reshape(1, D),
            Wh, bh.reshape(1, D), Lh, lhb.reshape(1, D))


def kernel(local_x, global_x, local_edge_index, global_edge_index,
           local_edge_weight, global_edge_weight, local_params, global_params):
    xtl = local_x.T.reshape(-1)
    xtg = global_x.T.reshape(-1)
    sdl = jnp.bitwise_or(jnp.left_shift(local_edge_index[0], 14),
                         local_edge_index[1])
    sdg = jnp.bitwise_or(jnp.left_shift(global_edge_index[0], 14),
                         global_edge_index[1])
    ytl, ytg = _sc_propagate(xtl, sdl, local_edge_weight,
                             xtg, sdg, global_edge_weight)
    out_l, out_g = _tc_combine(
        ytl.reshape(D, N), ytg.reshape(D, N),
        *_param_block(local_params), *_param_block(global_params))
    return (out_l, out_g)

# --- scband reference (transcript-rebuilt; emitter-appended) ---
"""Pipeline reference for scband-local-global-model-39384850104363 (READ-ONLY COPY).

The authoritative reference and input builder live on the scoring server;
editing this copy changes nothing except your own understanding.
"""

import jax, jax.numpy as jnp
import numpy as np

N_LOCAL = 10000
N_GLOBAL = 10000
E_LOCAL = 320000
E_GLOBAL = 160000
D_IN = 128
D_OUT = 128


def _make_tgcn_params(key, d_in, d_out):
    ks = jax.random.split(key, 12)
    s_in = 1.0 / np.sqrt(d_in)
    s_lin = 1.0 / np.sqrt(2 * d_out)

    def u(k, shape, s):
        return jax.random.uniform(k, shape, jnp.float32, -s, s)

    params = []
    for i in range(3):
        params.append(u(ks[4 * i + 0], (d_in, d_out), s_in))      # GCNConv weight
        params.append(u(ks[4 * i + 1], (d_out,), s_in))           # GCNConv bias
        params.append(u(ks[4 * i + 2], (2 * d_out, d_out), s_lin))  # gate Linear weight
        params.append(u(ks[4 * i + 3], (d_out,), s_lin))          # gate Linear bias
    return tuple(params)


def setup_inputs(seed: int = 0):
    key = jax.random.key(seed)
    k = jax.random.split(key, 8)
    local_x = jax.random.normal(k[0], (N_LOCAL, D_IN), jnp.float32)
    global_x = jax.random.normal(k[1], (N_GLOBAL, D_IN), jnp.float32)
    local_edge_index = jax.random.randint(k[2], (2, E_LOCAL), 0, N_LOCAL, jnp.int32)
    global_edge_index = jax.random.randint(k[3], (2, E_GLOBAL), 0, N_GLOBAL, jnp.int32)
    local_edge_weight = jax.random.uniform(k[4], (E_LOCAL,), jnp.float32)
    global_edge_weight = jax.random.uniform(k[5], (E_GLOBAL,), jnp.float32)
    local_params = _make_tgcn_params(k[6], D_IN, D_OUT)
    global_params = _make_tgcn_params(k[7], D_IN, D_OUT)
    return {
        'local_x': local_x,
        'global_x': global_x,
        'local_edge_index': local_edge_index,
        'global_edge_index': global_edge_index,
        'local_edge_weight': local_edge_weight,
        'global_edge_weight': global_edge_weight,
        'local_params': local_params,
        'global_params': global_params,
    }


def _gcn_conv(x, src, dst, ew, W, b, n):
    # GCNConv with added self-loops and symmetric normalization
    loop = jnp.arange(n, dtype=src.dtype)
    src_f = jnp.concatenate([src, loop])
    dst_f = jnp.concatenate([dst, loop])
    ew_f = jnp.concatenate([ew, jnp.ones((n,), x.dtype)])
    deg = jax.ops.segment_sum(ew_f, dst_f, num_segments=n)
    dinv = jnp.where(deg > 0, jax.lax.rsqrt(jnp.maximum(deg, 1e-12)), 0.0)
    norm = dinv[src_f] * ew_f * dinv[dst_f]
    xw = x @ W
    msg = xw[src_f] * norm[:, None]
    return jax.ops.segment_sum(msg, dst_f, num_segments=n) + b


def _tgcn_cell(x, edge_index, edge_weight, H, p):
    # TGCN GRU cell: Z/R gates and candidate state, each via a GCNConv + Linear on [conv_out, H]
    n = x.shape[0]
    src, dst = edge_index[0], edge_index[1]
    Wz, bz, Lz, lzb, Wr, br, Lr, lrb, Wh, bh, Lh, lhb = p
    cz = _gcn_conv(x, src, dst, edge_weight, Wz, bz, n)
    Z = jax.nn.sigmoid(jnp.concatenate([cz, H], axis=-1) @ Lz + lzb)
    cr = _gcn_conv(x, src, dst, edge_weight, Wr, br, n)
    R = jax.nn.sigmoid(jnp.concatenate([cr, H], axis=-1) @ Lr + lrb)
    ch = _gcn_conv(x, src, dst, edge_weight, Wh, bh, n)
    H_tilde = jnp.tanh(jnp.concatenate([ch, H * R], axis=-1) @ Lh + lhb)
    return Z * H + (1.0 - Z) * H_tilde


def reference(local_x, global_x, local_edge_index, global_edge_index, local_edge_weight, global_edge_weight, local_params, global_params):
    H_l = jnp.zeros((local_x.shape[0], D_OUT), local_x.dtype)
    H_g = jnp.zeros((global_x.shape[0], D_OUT), global_x.dtype)
    local_out = _tgcn_cell(local_x, local_edge_index, local_edge_weight, H_l, local_params)
    global_out = _tgcn_cell(global_x, global_edge_index, global_edge_weight, H_g, global_params)
    return (local_out, global_out)

if __name__ == "__main__":
    import jax
    _d = setup_inputs()
    print(jax.jit(kernel)(*tuple(_d.values())))

</pallas_src>

<mosaic_0001>
#map = affine_map<(d0, d1) -> (0)>
module attributes {stable_mosaic.version = 14 : i64} {
  func.func @_sc_body(%arg0: i32, %arg1: i32, %arg2: memref<1280000xf32, #tpu.memory_space<hbm>>, %arg3: memref<320000xi32, #tpu.memory_space<hbm>>, %arg4: memref<320000xf32, #tpu.memory_space<hbm>>, %arg5: memref<1280000xf32, #tpu.memory_space<hbm>>, %arg6: memref<160000xi32, #tpu.memory_space<hbm>>, %arg7: memref<160000xf32, #tpu.memory_space<hbm>>, %arg8: memref<1280000xf32, #tpu.memory_space<hbm>>, %arg9: memref<1280000xf32, #tpu.memory_space<hbm>>, %arg10: memref<10000xi32, #tpu.memory_space<vmem>>, %arg11: memref<10000xi32, #tpu.memory_space<vmem>>, %arg12: memref<10000xf32, #tpu.memory_space<vmem>>, %arg13: memref<10000xf32, #tpu.memory_space<vmem>>, %arg14: memref<10000xf32, #tpu.memory_space<vmem>>, %arg15: memref<10000xf32, #tpu.memory_space<vmem>>, %arg16: memref<10240xf32, #tpu.memory_space<vmem>>, %arg17: memref<6400xi32, #tpu.memory_space<vmem>>, %arg18: memref<6400xf32, #tpu.memory_space<vmem>>, %arg19: memref<1280xf32, #tpu.memory_space<vmem>>, %arg20: memref<163840xf32, #tpu.memory_space<vmem_shared>>, %arg21: memref<10240xf32, #tpu.memory_space<vmem_shared>>, %arg22: memref<3x!tpu.dma_semaphore, #tpu.memory_space<semaphore_mem>>) attributes {dimension_semantics = [#tpu.dimension_semantics<core_parallel>, #tpu.dimension_semantics<subcore_parallel>], iteration_bounds = array<i64: 2, 16>, scalar_prefetch = 0 : i64, scratch_operands = 13 : i64, tpu.core_type = #tpu.core_type<sc_vector_subcore>, window_params = [{transform_indices = #map}, {transform_indices = #map}, {transform_indices = #map}, {transform_indices = #map}, {transform_indices = #map}, {transform_indices = #map}, {transform_indices = #map}, {transform_indices = #map}]} {
    %mul3A = arith.constant 2 : i32
    %mul3A_0 = arith.muli %arg1, %mul3A : i32
    %add3A = arith.addi %mul3A_0, %arg0 : i32
    %mul3A_1 = arith.constant 4 : i32
    %mul3A_2 = arith.muli %add3A, %mul3A_1 : i32
    %add3A_3 = arith.constant 0 : i32
    %add3A_4 = arith.addi %mul3A_2, %add3A_3 : i32
    %mul3A_5 = arith.constant 10000 : i32
    %mul3A_6 = arith.muli %add3A_4, %mul3A_5 : i32
    %multiple_of3A = tpu.assume_multiple %mul3A_6, 10000 : i32
    %dma_start3A = arith.constant 2 : i32
    %dma_start3A_7 = tpu.memref_slice %arg2[%multiple_of3A] : memref<1280000xf32, #tpu.memory_space<hbm>> -> memref<10000xf32, #tpu.memory_space<hbm>>
    %dma_start3A_8 = tpu.memref_slice %arg22[%dma_start3A] : memref<3x!tpu.dma_semaphore, #tpu.memory_space<semaphore_mem>> -> memref<1x!tpu.dma_semaphore, #tpu.memory_space<semaphore_mem>>
    %dma_start3A_9 = tpu.memref_squeeze %dma_start3A_8 : memref<1x!tpu.dma_semaphore, #tpu.memory_space<semaphore_mem>> -> memref<!tpu.dma_semaphore, #tpu.memory_space<semaphore_mem>>
    %dma_start3A_10 = tpu.memref_slice %arg2[%multiple_of3A] : memref<1280000xf32, #tpu.memory_space<hbm>> -> memref<10000xf32, #tpu.memory_space<hbm>>
    tpu.enqueue_dma source(%dma_start3A_10 : memref<10000xf32, #tpu.memory_space<hbm>>) target(%arg12 : memref<10000xf32, #tpu.memory_space<vmem>>) target_semaphore(%dma_start3A_9 : memref<!tpu.dma_semaphore, #tpu.memory_space<semaphore_mem>>)
    %mul3A_11 = arith.constant 4 : i32
    %mul3A_12 = arith.muli %add3A, %mul3A_11 : i32
    %add3A_13 = arith.constant 1 : i32
    %add3A_14 = arith.addi %mul3A_12, %add3A_13 : i32
    %mul3A_15 = arith.constant 10000 : i32
    %mul3A_16 = arith.muli %add3A_14, %mul3A_15 : i32
    %multiple_of3A_17 = tpu.assume_multiple %mul3A_16, 10000 : i32
    %dma_start3A_18 = arith.constant 2 : i32
    %dma_start3A_19 = tpu.memref_slice %arg2[%multiple_of3A_17] : memref<1280000xf32, #tpu.memory_space<hbm>> -> memref<10000xf32, #tpu.memory_space<hbm>>
    %dma_start3A_20 = tpu.memref_slice %arg22[%dma_start3A_18] : memref<3x!tpu.dma_semaphore, #tpu.memory_space<semaphore_mem>> -> memref<1x!tpu.dma_semaphore, #tpu.memory_space<semaphore_mem>>
    %dma_start3A_21 = tpu.memref_squeeze %dma_start3A_20 : memref<1x!tpu.dma_semaphore, #tpu.memory_space<semaphore_mem>> -> memref<!tpu.dma_semaphore, #tpu.memory_space<semaphore_mem>>
    %dma_start3A_22 = tpu.memref_slice %arg2[%multiple_of3A_17] : memref<1280000xf32, #tpu.memory_space<hbm>> -> memref<10000xf32, #tpu.memory_space<hbm>>
    tpu.enqueue_dma source(%dma_start3A_22 : memref<10000xf32, #tpu.memory_space<hbm>>) target(%arg13 : memref<10000xf32, #tpu.memory_space<vmem>>) target_semaphore(%dma_start3A_21 : memref<!tpu.dma_semaphore, #tpu.memory_space<semaphore_mem>>)
    %mul3A_23 = arith.constant 4 : i32
    %mul3A_24 = arith.muli %add3A, %mul3A_23 : i32
    %add3A_25 = arith.constant 2 : i32
    %add3A_26 = arith.addi %mul3A_24, %add3A_25 : i32
    %mul3A_27 = arith.constant 10000 : i32
    %mul3A_28 = arith.muli %add3A_26, %mul3A_27 : i32
    %multiple_of3A_29 = tpu.assume_multiple %mul3A_28, 10000 : i32
    %dma_start3A_30 = arith.constant 2 : i32
    %dma_start3A_31 = tpu.memref_slice %arg2[%multiple_of3A_29] : memref<1280000xf32, #tpu.memory_space<hbm>> -> memref<10000xf32, #tpu.memory_space<hbm>>
    %dma_start3A_32 = tpu.memref_slice %arg22[%dma_start3A_30] : memref<3x!tpu.dma_semaphore, #tpu.memory_space<semaphore_mem>> -> memref<1x!tpu.dma_semaphore, #tpu.memory_space<semaphore_mem>>
    %dma_start3A_33 = tpu.memref_squeeze %dma_start3A_32 : memref<1x!tpu.dma_semaphore, #tpu.memory_space<semaphore_mem>> -> memref<!tpu.dma_semaphore, #tpu.memory_space<semaphore_mem>>
    %dma_start3A_34 = tpu.memref_slice %arg2[%multiple_of3A_29] : memref<1280000xf32, #tpu.memory_space<hbm>> -> memref<10000xf32, #tpu.memory_space<hbm>>
    tpu.enqueue_dma source(%dma_start3A_34 : memref<10000xf32, #tpu.memory_space<hbm>>) target(%arg14 : memref<10000xf32, #tpu.memory_space<vmem>>) target_semaphore(%dma_start3A_33 : memref<!tpu.dma_semaphore, #tpu.memory_space<semaphore_mem>>)
    %mul3A_35 = arith.constant 4 : i32
    %mul3A_36 = arith.muli %add3A, %mul3A_35 : i32
    %add3A_37 = arith.constant 3 : i32
    %add3A_38 = arith.addi %mul3A_36, %add3A_37 : i32
    %mul3A_39 = arith.constant 10000 : i32
    %mul3A_40 = arith.muli %add3A_38, %mul3A_39 : i32
    %multiple_of3A_41 = tpu.assume_multiple %mul3A_40, 10000 : i32
    %dma_start3A_42 = arith.constant 2 : i32
    %dma_start3A_43 = tpu.memref_slice %arg2[%multiple_of3A_41] : memref<1280000xf32, #tpu.memory_space<hbm>> -> memref<10000xf32, #tpu.memory_space<hbm>>
    %dma_start3A_44 = tpu.memref_slice %arg22[%dma_start3A_42] : memref<3x!tpu.dma_semaphore, #tpu.memory_space<semaphore_mem>> -> memref<1x!tpu.dma_semaphore, #tpu.memory_space<semaphore_mem>>
    %dma_start3A_45 = tpu.memref_squeeze %dma_start3A_44 : memref<1x!tpu.dma_semaphore, #tpu.memory_space<semaphore_mem>> -> memref<!tpu.dma_semaphore, #tpu.memory_space<semaphore_mem>>
    %dma_start3A_46 = tpu.memref_slice %arg2[%multiple_of3A_41] : memref<1280000xf32, #tpu.memory_space<hbm>> -> memref<10000xf32, #tpu.memory_space<hbm>>
    tpu.enqueue_dma source(%dma_start3A_46 : memref<10000xf32, #tpu.memory_space<hbm>>) target(%arg15 : memref<10000xf32, #tpu.memory_space<vmem>>) target_semaphore(%dma_start3A_45 : memref<!tpu.dma_semaphore, #tpu.memory_space<semaphore_mem>>)
    %broadcast_in_dim3A = arith.constant 0.000000e+00 : f32
    %broadcast_in_dim3A_47 = vector.broadcast %broadcast_in_dim3A : f32 to vector<16xf32>
    %parallel_loop3A = arith.constant 0 : i32
    %parallel_loop3A_48 = arith.constant 640 : i32
    %parallel_loop3A_49 = arith.constant 1 : i32
    scf.for %parallel_loop3A_1154 = %parallel_loop3A to %parallel_loop3A_48 step %parallel_loop3A_49  : i32 {
      %parallel_loop3A_1155 = arith.constant 16 : i32
      %parallel_loop3A_1156 = arith.muli %parallel_loop3A_1154, %parallel_loop3A_1155 : i32
      %parallel_loop3A_1157 = arith.index_cast %parallel_loop3A_1156 : i32 to index
      %parallel_loop3A_1158 = tpu.vector_load %arg16[%parallel_loop3A_1157] {strides = array<i32>} : memref<10240xf32, #tpu.memory_space<vmem>>, vector<16xf32>,
      tpu.vector_store %arg16[%parallel_loop3A_1157], %broadcast_in_dim3A_47 {strides = array<i32>} : memref<10240xf32, #tpu.memory_space<vmem>>, vector<16xf32>,
    } {sc.loop_unroll_factor = 4 : i64, sc.parallel_access}
    %mul3A_50 = arith.constant 20000 : i32
    %mul3A_51 = arith.muli %arg1, %mul3A_50 : i32
    %multiple_of3A_52 = tpu.assume_multiple %mul3A_51, 2000 : i32
    %add3A_53 = arith.constant 0 : i32
    %add3A_54 = arith.addi %multiple_of3A_52, %add3A_53 : i32
    %multiple_of3A_55 = tpu.assume_multiple %add3A_54, 2000 : i32
    %dma_start3A_56 = arith.constant 0 : i32
    %dma_start3A_57 = arith.constant 0 : i32
    %dma_start3A_58 = tpu.memref_slice %arg17[%dma_start3A_57] : memref<6400xi32, #tpu.memory_space<vmem>> -> memref<2000xi32, #tpu.memory_space<vmem>>
    %dma_start3A_59 = tpu.memref_slice %arg3[%multiple_of3A_55] : memref<320000xi32, #tpu.memory_space<hbm>> -> memref<2000xi32, #tpu.memory_space<hbm>>
    %dma_start3A_60 = tpu.memref_slice %arg22[%dma_start3A_56] : memref<3x!tpu.dma_semaphore, #tpu.memory_space<semaphore_mem>> -> memref<1x!tpu.dma_semaphore, #tpu.memory_space<semaphore_mem>>
    %dma_start3A_61 = tpu.memref_squeeze %dma_start3A_60 : memref<1x!tpu.dma_semaphore, #tpu.memory_space<semaphore_mem>> -> memref<!tpu.dma_semaphore, #tpu.memory_space<semaphore_mem>>
    %dma_start3A_62 = arith.constant 0 : i32
    %dma_start3A_63 = tpu.memref_slice %arg17[%dma_start3A_62] : memref<6400xi32, #tpu.memory_space<vmem>> -> memref<2000xi32, #tpu.memory_space<vmem>>
    %dma_start3A_64 = tpu.memref_slice %arg3[%multiple_of3A_55] : memref<320000xi32, #tpu.memory_space<hbm>> -> memref<2000xi32, #tpu.memory_space<hbm>>
    tpu.enqueue_dma source(%dma_start3A_64 : memref<2000xi32, #tpu.memory_space<hbm>>) target(%dma_start3A_63 : memref<2000xi32, #tpu.memory_space<vmem>>) target_semaphore(%dma_start3A_61 : memref<!tpu.dma_semaphore, #tpu.memory_space<semaphore_mem>>)
    %dma_start3A_65 = arith.constant 0 : i32
    %dma_start3A_66 = arith.constant 0 : i32
    %dma_start3A_67 = tpu.memref_slice %arg18[%dma_start3A_66] : memref<6400xf32, #tpu.memory_space<vmem>> -> memref<2000xf32, #tpu.memory_space<vmem>>
    %dma_start3A_68 = tpu.memref_slice %arg4[%multiple_of3A_55] : memref<320000xf32, #tpu.memory_space<hbm>> -> memref<2000xf32, #tpu.memory_space<hbm>>
    %dma_start3A_69 = tpu.memref_slice %arg22[%dma_start3A_65] : memref<3x!tpu.dma_semaphore, #tpu.memory_space<semaphore_mem>> -> memref<1x!tpu.dma_semaphore, #tpu.memory_space<semaphore_mem>>
    %dma_start3A_70 = tpu.memref_squeeze %dma_start3A_69 : memref<1x!tpu.dma_semaphore, #tpu.memory_space<semaphore_mem>> -> memref<!tpu.dma_semaphore, #tpu.memory_space<semaphore_mem>>
    %dma_start3A_71 = arith.constant 0 : i32
    %dma_start3A_72 = tpu.memref_slice %arg18[%dma_start3A_71] : memref<6400xf32, #tpu.memory_space<vmem>> -> memref<2000xf32, #tpu.memory_space<vmem>>
    %dma_start3A_73 = tpu.memref_slice %arg4[%multiple_of3A_55] : memref<320000xf32, #tpu.memory_space<hbm>> -> memref<2000xf32, #tpu.memory_space<hbm>>
    tpu.enqueue_dma source(%dma_start3A_73 : memref<2000xf32, #tpu.memory_space<hbm>>) target(%dma_start3A_72 : memref<2000xf32, #tpu.memory_space<vmem>>) target_semaphore(%dma_start3A_70 : memref<!tpu.dma_semaphore, #tpu.memory_space<semaphore_mem>>)
    %scan3A = arith.constant 0 : i32
    %scan3A_74 = arith.constant 0 : i32
    %scan3A_75 = arith.constant 5 : i32
    %scan3A_76 = arith.addi %scan3A_74, %scan3A_75 : i32
    %scan3A_77 = arith.constant 1 : i32
    %scan3A_78 = scf.for %scan3A_1154 = %scan3A_74 to %scan3A_76 step %scan3A_77 iter_args(%scan3A_1155 = %scan3A) -> (i32)  : i32 {
      %mul3A_1156 = arith.constant 2 : i32
      %mul3A_1157 = arith.muli %scan3A_1154, %mul3A_1156 : i32
      %add3A_1158 = arith.constant 0 : i32
      %add3A_1159 = arith.addi %mul3A_1157, %add3A_1158 : i32
      %lt3A = arith.constant 10 : i32
      %lt3A_1160 = arith.cmpi slt, %add3A_1159, %lt3A : i32
      %convert_element_type3A = arith.extui %lt3A_1160 : i1 to i32
      %cond3A = arith.constant 0 : i32
      %cond3A_1161 = arith.cmpi ne, %convert_element_type3A, %cond3A : i32
      scf.if %cond3A_1161 {
        %add3A_1172 = arith.constant 1 : i32
        %add3A_1173 = arith.addi %add3A_1159, %add3A_1172 : i32
        %lt3A_1174 = arith.constant 10 : i32
        %lt3A_1175 = arith.cmpi slt, %add3A_1173, %lt3A_1174 : i32
        %convert_element_type3A_1176 = arith.extui %lt3A_1175 : i1 to i32
        %cond3A_1177 = arith.constant 0 : i32
        %cond3A_1178 = arith.cmpi ne, %convert_element_type3A_1176, %cond3A_1177 : i32
        scf.if %cond3A_1178 {
          %add3A_1204 = arith.constant 1 : i32
          %add3A_1205 = arith.addi %add3A_1159, %add3A_1204 : i32
          %mul3A_1206 = arith.constant 2000 : i32
          %mul3A_1207 = arith.muli %add3A_1205, %mul3A_1206 : i32
          %add3A_1208 = arith.addi %multiple_of3A_52, %mul3A_1207 : i32
          %multiple_of3A_1209 = tpu.assume_multiple %add3A_1208, 2000 : i32
          %dma_start3A_1210 = arith.constant 1 : i32
          %dma_start3A_1211 = arith.constant 3200 : i32
          %dma_start3A_1212 = tpu.memref_slice %arg17[%dma_start3A_1211] : memref<6400xi32, #tpu.memory_space<vmem>> -> memref<2000xi32, #tpu.memory_space<vmem>>
          %dma_start3A_1213 = tpu.memref_slice %arg3[%multiple_of3A_1209] : memref<320000xi32, #tpu.memory_space<hbm>> -> memref<2000xi32, #tpu.memory_space<hbm>>
          %dma_start3A_1214 = tpu.memref_slice %arg22[%dma_start3A_1210] : memref<3x!tpu.dma_semaphore, #tpu.memory_space<semaphore_mem>> -> memref<1x!tpu.dma_semaphore, #tpu.memory_space<semaphore_mem>>
          %dma_start3A_1215 = tpu.memref_squeeze %dma_start3A_1214 : memref<1x!tpu.dma_semaphore, #tpu.memory_space<semaphore_mem>> -> memref<!tpu.dma_semaphore, #tpu.memory_space<semaphore_mem>>
          %dma_start3A_1216 = arith.constant 3200 : i32
          %dma_start3A_1217 = tpu.memref_slice %arg17[%dma_start3A_1216] : memref<6400xi32, #tpu.memory_space<vmem>> -> memref<2000xi32, #tpu.memory_space<vmem>>
          %dma_start3A_1218 = tpu.memref_slice %arg3[%multiple_of3A_1209] : memref<320000xi32, #tpu.memory_space<hbm>> -> memref<2000xi32, #tpu.memory_space<hbm>>
          tpu.enqueue_dma source(%dma_start3A_1218 : memref<2000xi32, #tpu.memory_space<hbm>>) target(%dma_start3A_1217 : memref<2000xi32, #tpu.memory_space<vmem>>) target_semaphore(%dma_start3A_1215 : memref<!tpu.dma_semaphore, #tpu.memory_space<semaphore_mem>>)
          %dma_start3A_1219 = arith.constant 1 : i32
          %dma_start3A_1220 = arith.constant 3200 : i32
          %dma_start3A_1221 = tpu.memref_slice %arg18[%dma_start3A_1220] : memref<6400xf32, #tpu.memory_space<vmem>> -> memref<2000xf32, #tpu.memory_space<vmem>>
          %dma_start3A_1222 = tpu.memref_slice %arg4[%multiple_of3A_1209] : memref<320000xf32, #tpu.memory_space<hbm>> -> memref<2000xf32, #tpu.memory_space<hbm>>
          %dma_start3A_1223 = tpu.memref_slice %arg22[%dma_start3A_1219] : memref<3x!tpu.dma_semaphore, #tpu.memory_space<semaphore_mem>> -> memref<1x!tpu.dma_semaphore, #tpu.memory_space<semaphore_mem>>
          %dma_start3A_1224 = tpu.memref_squeeze %dma_start3A_1223 : memref<1x!tpu.dma_semaphore, #tpu.memory_space<semaphore_mem>> -> memref<!tpu.dma_semaphore, #tpu.memory_space<semaphore_mem>>
          %dma_start3A_1225 = arith.constant 3200 : i32
          %dma_start3A_1226 = tpu.memref_slice %arg18[%dma_start3A_1225] : memref<6400xf32, #tpu.memory_space<vmem>> -> memref<2000xf32, #tpu.memory_space<vmem>>
          %dma_start3A_1227 = tpu.memref_slice %arg4[%multiple_of3A_1209] : memref<320000xf32, #tpu.memory_space<hbm>> -> memref<2000xf32, #tpu.memory_space<hbm>>
          tpu.enqueue_dma source(%dma_start3A_1227 : memref<2000xf32, #tpu.memory_space<hbm>>) target(%dma_start3A_1226 : memref<2000xf32, #tpu.memory_space<vmem>>) target_semaphore(%dma_start3A_1224 : memref<!tpu.dma_semaphore, #tpu.memory_space<semaphore_mem>>)
        } else {
        }
        %dma_wait3A_1179 = arith.constant 0 : i32
        %dma_wait3A_1180 = arith.constant 0 : i32
        %dma_wait3A_1181 = tpu.memref_slice %arg17[%dma_wait3A_1180] : memref<6400xi32, #tpu.memory_space<vmem>> -> memref<2000xi32, #tpu.memory_space<vmem>>
        %dma_wait3A_1182 = arith.constant 0 : i32
        %dma_wait3A_1183 = tpu.memref_slice %arg3[%dma_wait3A_1182] : memref<320000xi32, #tpu.memory_space<hbm>> -> memref<2000xi32, #tpu.memory_space<hbm>>
        %dma_wait3A_1184 = tpu.memref_slice %arg22[%dma_wait3A_1179] : memref<3x!tpu.dma_semaphore, #tpu.memory_space<semaphore_mem>> -> memref<1x!tpu.dma_semaphore, #tpu.memory_space<semaphore_mem>>
        %dma_wait3A_1185 = tpu.memref_squeeze %dma_wait3A_1184 : memref<1x!tpu.dma_semaphore, #tpu.memory_space<semaphore_mem>> -> memref<!tpu.dma_semaphore, #tpu.memory_space<semaphore_mem>>
        %dma_wait3A_1186 = arith.constant 0 : i32
        %dma_wait3A_1187 = tpu.memref_slice %arg17[%dma_wait3A_1186] : memref<6400xi32, #tpu.memory_space<vmem>> -> memref<2000xi32, #tpu.memory_space<vmem>>
        %dma_wait3A_1188 = arith.constant 0 : i32
        %dma_wait3A_1189 = tpu.memref_slice %arg3[%dma_wait3A_1188] : memref<320000xi32, #tpu.memory_space<hbm>> -> memref<2000xi32, #tpu.memory_space<hbm>>
        tpu.wait_dma2 semaphore(%dma_wait3A_1185 : memref<!tpu.dma_semaphore, #tpu.memory_space<semaphore_mem>>) src(%dma_wait3A_1189 : memref<2000xi32, #tpu.memory_space<hbm>>) dst(%dma_wait3A_1187 : memref<2000xi32, #tpu.memory_space<vmem>>)
        %dma_wait3A_1190 = arith.constant 0 : i32
        %dma_wait3A_1191 = arith.constant 0 : i32
        %dma_wait3A_1192 = tpu.memref_slice %arg18[%dma_wait3A_1191] : memref<6400xf32, #tpu.memory_space<vmem>> -> memref<2000xf32, #tpu.memory_space<vmem>>
        %dma_wait3A_1193 = arith.constant 0 : i32
        %dma_wait3A_1194 = tpu.memref_slice %arg4[%dma_wait3A_1193] : memref<320000xf32, #tpu.memory_space<hbm>> -> memref<2000xf32, #tpu.memory_space<hbm>>
        %dma_wait3A_1195 = tpu.memref_slice %arg22[%dma_wait3A_1190] : memref<3x!tpu.dma_semaphore, #tpu.memory_space<semaphore_mem>> -> memref<1x!tpu.dma_semaphore, #tpu.memory_space<semaphore_mem>>
        %dma_wait3A_1196 = tpu.memref_squeeze %dma_wait3A_1195 : memref<1x!tpu.dma_semaphore, #tpu.memory_space<semaphore_mem>> -> memref<!tpu.dma_semaphore, #tpu.memory_space<semaphore_mem>>
        %dma_wait3A_1197 = arith.constant 0 : i32
        %dma_wait3A_1198 = tpu.memref_slice %arg18[%dma_wait3A_1197] : memref<6400xf32, #tpu.memory_space<vmem>> -> memref<2000xf32, #tpu.memory_space<vmem>>
        %dma_wait3A_1199 = arith.constant 0 : i32
        %dma_wait3A_1200 = tpu.memref_slice %arg4[%dma_wait3A_1199] : memref<320000xf32, #tpu.memory_space<hbm>> -> memref<2000xf32, #tpu.memory_space<hbm>>
        tpu.wait_dma2 semaphore(%dma_wait3A_1196 : memref<!tpu.dma_semaphore, #tpu.memory_space<semaphore_mem>>) src(%dma_wait3A_1200 : memref<2000xf32, #tpu.memory_space<hbm>>) dst(%dma_wait3A_1198 : memref<2000xf32, #tpu.memory_space<vmem>>)
        %parallel_loop3A_1201 = arith.constant 0 : i32
        %parallel_loop3A_1202 = arith.constant 125 : i32
        %parallel_loop3A_1203 = arith.constant 1 : i32
        scf.for %parallel_loop3A_1204 = %parallel_loop3A_1201 to %parallel_loop3A_1202 step %parallel_loop3A_1203  : i32 {
          %parallel_loop3A_1205 = arith.constant 16 : i32
          %parallel_loop3A_1206 = arith.muli %parallel_loop3A_1204, %parallel_loop3A_1205 : i32
          %parallel_loop3A_1207 = arith.constant 0 : i32
          %parallel_loop3A_1208 = arith.addi %parallel_loop3A_1207, %parallel_loop3A_1206 : i32
          %parallel_loop3A_1209 = arith.index_cast %parallel_loop3A_1208 : i32 to index
          %parallel_loop3A_1210 = tpu.vector_load %arg17[%parallel_loop3A_1209] {strides = array<i32>} : memref<6400xi32, #tpu.memory_space<vmem>>, vector<16xi32>,
          %parallel_loop3A_1211 = arith.constant 16383 : i32
          %parallel_loop3A_1212 = vector.broadcast %parallel_loop3A_1211 : i32 to vector<16xi32>
          %parallel_loop3A_1213 = arith.andi %parallel_loop3A_1210, %parallel_loop3A_1212 : vector<16xi32>
          %parallel_loop3A_1214 = arith.constant 16 : i32
          %parallel_loop3A_1215 = arith.muli %parallel_loop3A_1204, %parallel_loop3A_1214 : i32
          %parallel_loop3A_1216 = arith.constant 0 : i32
          %parallel_loop3A_1217 = arith.addi %parallel_loop3A_1216, %parallel_loop3A_1215 : i32
          %parallel_loop3A_1218 = arith.index_cast %parallel_loop3A_1217 : i32 to index
          %parallel_loop3A_1219 = tpu.vector_load %arg18[%parallel_loop3A_1218] {strides = array<i32>} : memref<6400xf32, #tpu.memory_space<vmem>>, vector<16xf32>,
          tpu.vector_store_idx %arg16[%parallel_loop3A_1213], %parallel_loop3A_1219 {add = true} : memref<10240xf32, #tpu.memory_space<vmem>>[vector<16xi32>], vector<16xf32>,
        } {sc.loop_unroll_factor = 4 : i64, sc.parallel_access}
      } else {
      }
      %mul3A_1162 = arith.constant 2 : i32
      %mul3A_1163 = arith.muli %scan3A_1154, %mul3A_1162 : i32
      %add3A_1164 = arith.constant 1 : i32
      %add3A_1165 = arith.addi %mul3A_1163, %add3A_1164 : i32
      %lt3A_1166 = arith.constant 10 : i32
      %lt3A_1167 = arith.cmpi slt, %add3A_1165, %lt3A_1166 : i32
      %convert_element_type3A_1168 = arith.extui %lt3A_1167 : i1 to i32
      %cond3A_1169 = arith.constant 0 : i32
      %cond3A_1170 = arith.cmpi ne, %convert_element_type3A_1168, %cond3A_1169 : i32
      scf.if %cond3A_1170 {
        %add3A_1172 = arith.constant 1 : i32
        %add3A_1173 = arith.addi %add3A_1165, %add3A_1172 : i32
        %lt3A_1174 = arith.constant 10 : i32
        %lt3A_1175 = arith.cmpi slt, %add3A_1173, %lt3A_1174 : i32
        %convert_element_type3A_1176 = arith.extui %lt3A_1175 : i1 to i32
        %cond3A_1177 = arith.constant 0 : i32
        %cond3A_1178 = arith.cmpi ne, %convert_element_type3A_1176, %cond3A_1177 : i32
        scf.if %cond3A_1178 {
          %add3A_1204 = arith.constant 1 : i32
          %add3A_1205 = arith.addi %add3A_1165, %add3A_1204 : i32
          %mul3A_1206 = arith.constant 2000 : i32
          %mul3A_1207 = arith.muli %add3A_1205, %mul3A_1206 : i32
          %add3A_1208 = arith.addi %multiple_of3A_52, %mul3A_1207 : i32
          %multiple_of3A_1209 = tpu.assume_multiple %add3A_1208, 2000 : i32
          %dma_start3A_1210 = arith.constant 0 : i32
          %dma_start3A_1211 = arith.constant 0 : i32
          %dma_start3A_1212 = tpu.memref_slice %arg17[%dma_start3A_1211] : memref<6400xi32, #tpu.memory_space<vmem>> -> memref<2000xi32, #tpu.memory_space<vmem>>
          %dma_start3A_1213 = tpu.memref_slice %arg3[%multiple_of3A_1209] : memref<320000xi32, #tpu.memory_space<hbm>> -> memref<2000xi32, #tpu.memory_space<hbm>>
          %dma_start3A_1214 = tpu.memref_slice %arg22[%dma_start3A_1210] : memref<3x!tpu.dma_semaphore, #tpu.memory_space<semaphore_mem>> -> memref<1x!tpu.dma_semaphore, #tpu.memory_space<semaphore_mem>>
          %dma_start3A_1215 = tpu.memref_squeeze %dma_start3A_1214 : memref<1x!tpu.dma_semaphore, #tpu.memory_space<semaphore_mem>> -> memref<!tpu.dma_semaphore, #tpu.memory_space<semaphore_mem>>
          %dma_start3A_1216 = arith.constant 0 : i32
          %dma_start3A_1217 = tpu.memref_slice %arg17[%dma_start3A_1216] : memref<6400xi32, #tpu.memory_space<vmem>> -> memref<2000xi32, #tpu.memory_space<vmem>>
          %dma_start3A_1218 = tpu.memref_slice %arg3[%multiple_of3A_1209] : memref<320000xi32, #tpu.memory_space<hbm>> -> memref<2000xi32, #tpu.memory_space<hbm>>
          tpu.enqueue_dma source(%dma_start3A_1218 : memref<2000xi32, #tpu.memory_space<hbm>>) target(%dma_start3A_1217 : memref<2000xi32, #tpu.memory_space<vmem>>) target_semaphore(%dma_start3A_1215 : memref<!tpu.dma_semaphore, #tpu.memory_space<semaphore_mem>>)
          %dma_start3A_1219 = arith.constant 0 : i32
          %dma_start3A_1220 = arith.constant 0 : i32
          %dma_start3A_1221 = tpu.memref_slice %arg18[%dma_start3A_1220] : memref<6400xf32, #tpu.memory_space<vmem>> -> memref<2000xf32, #tpu.memory_space<vmem>>
          %dma_start3A_1222 = tpu.memref_slice %arg4[%multiple_of3A_1209] : memref<320000xf32, #tpu.memory_space<hbm>> -> memref<2000xf32, #tpu.memory_space<hbm>>
          %dma_start3A_1223 = tpu.memref_slice %arg22[%dma_start3A_1219] : memref<3x!tpu.dma_semaphore, #tpu.memory_space<semaphore_mem>> -> memref<1x!tpu.dma_semaphore, #tpu.memory_space<semaphore_mem>>
          %dma_start3A_1224 = tpu.memref_squeeze %dma_start3A_1223 : memref<1x!tpu.dma_semaphore, #tpu.memory_space<semaphore_mem>> -> memref<!tpu.dma_semaphore, #tpu.memory_space<semaphore_mem>>
          %dma_start3A_1225 = arith.constant 0 : i32
          %dma_start3A_1226 = tpu.memref_slice %arg18[%dma_start3A_1225] : memref<6400xf32, #tpu.memory_space<vmem>> -> memref<2000xf32, #tpu.memory_space<vmem>>
          %dma_start3A_1227 = tpu.memref_slice %arg4[%multiple_of3A_1209] : memref<320000xf32, #tpu.memory_space<hbm>> -> memref<2000xf32, #tpu.memory_space<hbm>>
          tpu.enqueue_dma source(%dma_start3A_1227 : memref<2000xf32, #tpu.memory_space<hbm>>) target(%dma_start3A_1226 : memref<2000xf32, #tpu.memory_space<vmem>>) target_semaphore(%dma_start3A_1224 : memref<!tpu.dma_semaphore, #tpu.memory_space<semaphore_mem>>)
        } else {
        }
        %dma_wait3A_1179 = arith.constant 1 : i32
        %dma_wait3A_1180 = arith.constant 3200 : i32
        %dma_wait3A_1181 = tpu.memref_slice %arg17[%dma_wait3A_1180] : memref<6400xi32, #tpu.memory_space<vmem>> -> memref<2000xi32, #tpu.memory_space<vmem>>
        %dma_wait3A_1182 = arith.constant 0 : i32
        %dma_wait3A_1183 = tpu.memref_slice %arg3[%dma_wait3A_1182] : memref<320000xi32, #tpu.memory_space<hbm>> -> memref<2000xi32, #tpu.memory_space<hbm>>
        %dma_wait3A_1184 = tpu.memref_slice %arg22[%dma_wait3A_1179] : memref<3x!tpu.dma_semaphore, #tpu.memory_space<semaphore_mem>> -> memref<1x!tpu.dma_semaphore, #tpu.memory_space<semaphore_mem>>
        %dma_wait3A_1185 = tpu.memref_squeeze %dma_wait3A_1184 : memref<1x!tpu.dma_semaphore, #tpu.memory_space<semaphore_mem>> -> memref<!tpu.dma_semaphore, #tpu.memory_space<semaphore_mem>>
        %dma_wait3A_1186 = arith.constant 3200 : i32
        %dma_wait3A_1187 = tpu.memref_slice %arg17[%dma_wait3A_1186] : memref<6400xi32, #tpu.memory_space<vmem>> -> memref<2000xi32, #tpu.memory_space<vmem>>
        %dma_wait3A_1188 = arith.constant 0 : i32
        %dma_wait3A_1189 = tpu.memref_slice %arg3[%dma_wait3A_1188] : memref<320000xi32, #tpu.memory_space<hbm>> -> memref<2000xi32, #tpu.memory_space<hbm>>
        tpu.wait_dma2 semaphore(%dma_wait3A_1185 : memref<!tpu.dma_semaphore, #tpu.memory_space<semaphore_mem>>) src(%dma_wait3A_1189 : memref<2000xi32, #tpu.memory_space<hbm>>) dst(%dma_wait3A_1187 : memref<2000xi32, #tpu.memory_space<vmem>>)
        %dma_wait3A_1190 = arith.constant 1 : i32
        %dma_wait3A_1191 = arith.constant 3200 : i32
        %dma_wait3A_1192 = tpu.memref_slice %arg18[%dma_wait3A_1191] : memref<6400xf32, #tpu.memory_space<vmem>> -> memref<2000xf32, #tpu.memory_space<vmem>>
        %dma_wait3A_1193 = arith.constant 0 : i32
        %dma_wait3A_1194 = tpu.memref_slice %arg4[%dma_wait3A_1193] : memref<320000xf32, #tpu.memory_space<hbm>> -> memref<2000xf32, #tpu.memory_space<hbm>>
        %dma_wait3A_1195 = tpu.memref_slice %arg22[%dma_wait3A_1190] : memref<3x!tpu.dma_semaphore, #tpu.memory_space<semaphore_mem>> -> memref<1x!tpu.dma_semaphore, #tpu.memory_space<semaphore_mem>>
        %dma_wait3A_1196 = tpu.memref_squeeze %dma_wait3A_1195 : memref<1x!tpu.dma_semaphore, #tpu.memory_space<semaphore_mem>> -> memref<!tpu.dma_semaphore, #tpu.memory_space<semaphore_mem>>
        %dma_wait3A_1197 = arith.constant 3200 : i32
        %dma_wait3A_1198 = tpu.memref_slice %arg18[%dma_wait3A_1197] : memref<6400xf32, #tpu.memory_space<vmem>> -> memref<2000xf32, #tpu.memory_space<vmem>>
        %dma_wait3A_1199 = arith.constant 0 : i32
        %dma_wait3A_1200 = tpu.memref_slice %arg4[%dma_wait3A_1199] : memref<320000xf32, #tpu.memory_space<hbm>> -> memref<2000xf32, #tpu.memory_space<hbm>>
        tpu.wait_dma2 semaphore(%dma_wait3A_1196 : memref<!tpu.dma_semaphore, #tpu.memory_space<semaphore_mem>>) src(%dma_wait3A_1200 : memref<2000xf32, #tpu.memory_space<hbm>>) dst(%dma_wait3A_1198 : memref<2000xf32, #tpu.memory_space<vmem>>)
        %parallel_loop3A_1201 = arith.constant 0 : i32
        %parallel_loop3A_1202 = arith.constant 125 : i32
        %parallel_loop3A_1203 = arith.constant 1 : i32
        scf.for %parallel_loop3A_1204 = %parallel_loop3A_1201 to %parallel_loop3A_1202 step %parallel_loop3A_1203  : i32 {
          %parallel_loop3A_1205 = arith.constant 16 : i32
          %parallel_loop3A_1206 = arith.muli %parallel_loop3A_1204, %parallel_loop3A_1205 : i32
          %parallel_loop3A_1207 = arith.constant 3200 : i32
          %parallel_loop3A_1208 = arith.addi %parallel_loop3A_1207, %parallel_loop3A_1206 : i32
          %parallel_loop3A_1209 = arith.index_cast %parallel_loop3A_1208 : i32 to index
          %parallel_loop3A_1210 = tpu.vector_load %arg17[%parallel_loop3A_1209] {strides = array<i32>} : memref<6400xi32, #tpu.memory_space<vmem>>, vector<16xi32>,
          %parallel_loop3A_1211 = arith.constant 16383 : i32
          %parallel_loop3A_1212 = vector.broadcast %parallel_loop3A_1211 : i32 to vector<16xi32>
          %parallel_loop3A_1213 = arith.andi %parallel_loop3A_1210, %parallel_loop3A_1212 : vector<16xi32>
          %parallel_loop3A_1214 = arith.constant 16 : i32
          %parallel_loop3A_1215 = arith.muli %parallel_loop3A_1204, %parallel_loop3A_1214 : i32
          %parallel_loop3A_1216 = arith.constant 3200 : i32
          %parallel_loop3A_1217 = arith.addi %parallel_loop3A_1216, %parallel_loop3A_1215 : i32
          %parallel_loop3A_1218 = arith.index_cast %parallel_loop3A_1217 : i32 to index
          %parallel_loop3A_1219 = tpu.vector_load %arg18[%parallel_loop3A_1218] {strides = array<i32>} : memref<6400xf32, #tpu.memory_space<vmem>>, vector<16xf32>,
          tpu.vector_store_idx %arg16[%parallel_loop3A_1213], %parallel_loop3A_1219 {add = true} : memref<10240xf32, #tpu.memory_space<vmem>>[vector<16xi32>], vector<16xf32>,
        } {sc.loop_unroll_factor = 4 : i64, sc.parallel_access}
      } else {
      }
      %scan3A_1171 = arith.constant 0 : i32
      scf.yield %scan3A_1171 : i32
    }
    %scan3A_79 = arith.constant 5 : i32
    %add3A_80 = arith.constant 0 : i32
    %add3A_81 = arith.addi %add3A_80, %arg1 : i32
    %mul3A_82 = arith.constant 640 : i32
    %mul3A_83 = arith.muli %add3A_81, %mul3A_82 : i32
    %dma_start3A_84 = arith.constant 1 : i32
    %dma_start3A_85 = arith.constant 0 : i32
    %dma_start3A_86 = tpu.memref_slice %arg16[%dma_start3A_85] : memref<10240xf32, #tpu.memory_space<vmem>> -> memref<640xf32, #tpu.memory_space<vmem>>
    %dma_start3A_87 = tpu.memref_slice %arg20[%mul3A_83] : memref<163840xf32, #tpu.memory_space<vmem_shared>> -> memref<640xf32, #tpu.memory_space<vmem_shared>>
    %dma_start3A_88 = tpu.memref_slice %arg22[%dma_start3A_84] : memref<3x!tpu.dma_semaphore, #tpu.memory_space<semaphore_mem>> -> memref<1x!tpu.dma_semaphore, #tpu.memory_space<semaphore_mem>>
    %dma_start3A_89 = tpu.memref_squeeze %dma_start3A_88 : memref<1x!tpu.dma_semaphore, #tpu.memory_space<semaphore_mem>> -> memref<!tpu.dma_semaphore, #tpu.memory_space<semaphore_mem>>
    %dma_start3A_90 = tpu.memref_slice %arg20[%mul3A_83] : memref<163840xf32, #tpu.memory_space<vmem_shared>> -> memref<640xf32, #tpu.memory_space<vmem_shared>>
    %dma_start3A_91 = arith.constant 0 : i32
    %dma_start3A_92 = tpu.memref_slice %arg16[%dma_start3A_91] : memref<10240xf32, #tpu.memory_space<vmem>> -> memref<640xf32, #tpu.memory_space<vmem>>
    tpu.enqueue_dma source(%dma_start3A_92 : memref<640xf32, #tpu.memory_space<vmem>>) target(%dma_start3A_90 : memref<640xf32, #tpu.memory_space<vmem_shared>>) target_semaphore(%dma_start3A_89 : memref<!tpu.dma_semaphore, #tpu.memory_space<semaphore_mem>>)
    %add3A_93 = arith.constant 16 : i32
    %add3A_94 = arith.addi %add3A_93, %arg1 : i32
    %mul3A_95 = arith.constant 640 : i32
    %mul3A_96 = arith.muli %add3A_94, %mul3A_95 : i32
    %dma_start3A_97 = arith.constant 1 : i32
    %dma_start3A_98 = arith.constant 640 : i32
    %dma_start3A_99 = tpu.memref_slice %arg16[%dma_start3A_98] : memref<10240xf32, #tpu.memory_space<vmem>> -> memref<640xf32, #tpu.memory_space<vmem>>
    %dma_start3A_100 = tpu.memref_slice %arg20[%mul3A_96] : memref<163840xf32, #tpu.memory_space<vmem_shared>> -> memref<640xf32, #tpu.memory_space<vmem_shared>>
    %dma_start3A_101 = tpu.memref_slice %arg22[%dma_start3A_97] : memref<3x!tpu.dma_semaphore, #tpu.memory_space<semaphore_mem>> -> memref<1x!tpu.dma_semaphore, #tpu.memory_space<semaphore_mem>>
    %dma_start3A_102 = tpu.memref_squeeze %dma_start3A_101 : memref<1x!tpu.dma_semaphore, #tpu.memory_space<semaphore_mem>> -> memref<!tpu.dma_semaphore, #tpu.memory_space<semaphore_mem>>
    %dma_start3A_103 = tpu.memref_slice %arg20[%mul3A_96] : memref<163840xf32, #tpu.memory_space<vmem_shared>> -> memref<640xf32, #tpu.memory_space<vmem_shared>>
    %dma_start3A_104 = arith.constant 640 : i32
    %dma_start3A_105 = tpu.memref_slice %arg16[%dma_start3A_104] : memref<10240xf32, #tpu.memory_space<vmem>> -> memref<640xf32, #tpu.memory_space<vmem>>
    tpu.enqueue_dma source(%dma_start3A_105 : memref<640xf32, #tpu.memory_space<vmem>>) target(%dma_start3A_103 : memref<640xf32, #tpu.memory_space<vmem_shared>>) target_semaphore(%dma_start3A_102 : memref<!tpu.dma_semaphore, #tpu.memory_space<semaphore_mem>>)
    %add3A_106 = arith.constant 32 : i32
    %add3A_107 = arith.addi %add3A_106, %arg1 : i32
    %mul3A_108 = arith.constant 640 : i32
    %mul3A_109 = arith.muli %add3A_107, %mul3A_108 : i32
    %dma_start3A_110 = arith.constant 1 : i32
    %dma_start3A_111 = arith.constant 1280 : i32
    %dma_start3A_112 = tpu.memref_slice %arg16[%dma_start3A_111] : memref<10240xf32, #tpu.memory_space<vmem>> -> memref<640xf32, #tpu.memory_space<vmem>>
    %dma_start3A_113 = tpu.memref_slice %arg20[%mul3A_109] : memref<163840xf32, #tpu.memory_space<vmem_shared>> -> memref<640xf32, #tpu.memory_space<vmem_shared>>
    %dma_start3A_114 = tpu.memref_slice %arg22[%dma_start3A_110] : memref<3x!tpu.dma_semaphore, #tpu.memory_space<semaphore_mem>> -> memref<1x!tpu.dma_semaphore, #tpu.memory_space<semaphore_mem>>
    %dma_start3A_115 = tpu.memref_squeeze %dma_start3A_114 : memref<1x!tpu.dma_semaphore, #tpu.memory_space<semaphore_mem>> -> memref<!tpu.dma_semaphore, #tpu.memory_space<semaphore_mem>>
    %dma_start3A_116 = tpu.memref_slice %arg20[%mul3A_109] : memref<163840xf32, #tpu.memory_space<vmem_shared>> -> memref<640xf32, #tpu.memory_space<vmem_shared>>
    %dma_start3A_117 = arith.constant 1280 : i32
    %dma_start3A_118 = tpu.memref_slice %arg16[%dma_start3A_117] : memref<10240xf32, #tpu.memory_space<vmem>> -> memref<640xf32, #tpu.memory_space<vmem>>
    tpu.enqueue_dma source(%dma_start3A_118 : memref<640xf32, #tpu.memory_space<vmem>>) target(%dma_start3A_116 : memref<640xf32, #tpu.memory_space<vmem_shared>>) target_semaphore(%dma_start3A_115 : memref<!tpu.dma_semaphore, #tpu.memory_space<semaphore_mem>>)
    %add3A_119 = arith.constant 48 : i32
    %add3A_120 = arith.addi %add3A_119, %arg1 : i32
    %mul3A_121 = arith.constant 640 : i32
    %mul3A_122 = arith.muli %add3A_120, %mul3A_121 : i32
    %dma_start3A_123 = arith.constant 1 : i32
    %dma_start3A_124 = arith.constant 1920 : i32
    %dma_start3A_125 = tpu.memref_slice %arg16[%dma_start3A_124] : memref<10240xf32, #tpu.memory_space<vmem>> -> memref<640xf32, #tpu.memory_space<vmem>>
    %dma_start3A_126 = tpu.memref_slice %arg20[%mul3A_122] : memref<163840xf32, #tpu.memory_space<vmem_shared>> -> memref<640xf32, #tpu.memory_space<vmem_shared>>
    %dma_start3A_127 = tpu.memref_slice %arg22[%dma_start3A_123] : memref<3x!tpu.dma_semaphore, #tpu.memory_space<semaphore_mem>> -> memref<1x!tpu.dma_semaphore, #tpu.memory_space<semaphore_mem>>
    %dma_start3A_128 = tpu.memref_squeeze %dma_start3A_127 : memref<1x!tpu.dma_semaphore, #tpu.memory_space<semaphore_mem>> -> memref<!tpu.dma_semaphore, #tpu.memory_space<semaphore_mem>>
    %dma_start3A_129 = tpu.memref_slice %arg20[%mul3A_122] : memref<163840xf32, #tpu.memory_space<vmem_shared>> -> memref<640xf32, #tpu.memory_space<vmem_shared>>
    %dma_start3A_130 = arith.constant 1920 : i32
    %dma_start3A_131 = tpu.memref_slice %arg16[%dma_start3A_130] : memref<10240xf32, #tpu.memory_space<vmem>> -> memref<640xf32, #tpu.memory_space<vmem>>
    tpu.enqueue_dma source(%dma_start3A_131 : memref<640xf32, #tpu.memory_space<vmem>>) target(%dma_start3A_129 : memref<640xf32, #tpu.memory_space<vmem_shared>>) target_semaphore(%dma_start3A_128 : memref<!tpu.dma_semaphore, #tpu.memory_space<semaphore_mem>>)
    %add3A_132 = arith.constant 64 : i32
    %add3A_133 = arith.addi %add3A_132, %arg1 : i32
    %mul3A_134 = arith.constant 640 : i32
    %mul3A_135 = arith.muli %add3A_133, %mul3A_134 : i32
    %dma_start3A_136 = arith.constant 1 : i32
    %dma_start3A_137 = arith.constant 2560 : i32
    %dma_start3A_138 = tpu.memref_slice %arg16[%dma_start3A_137] : memref<10240xf32, #tpu.memory_space<vmem>> -> memref<640xf32, #tpu.memory_space<vmem>>
    %dma_start3A_139 = tpu.memref_slice %arg20[%mul3A_135] : memref<163840xf32, #tpu.memory_space<vmem_shared>> -> memref<640xf32, #tpu.memory_space<vmem_shared>>
    %dma_start3A_140 = tpu.memref_slice %arg22[%dma_start3A_136] : memref<3x!tpu.dma_semaphore, #tpu.memory_space<semaphore_mem>> -> memref<1x!tpu.dma_semaphore, #tpu.memory_space<semaphore_mem>>
    %dma_start3A_141 = tpu.memref_squeeze %dma_start3A_140 : memref<1x!tpu.dma_semaphore, #tpu.memory_space<semaphore_mem>> -> memref<!tpu.dma_semaphore, #tpu.memory_space<semaphore_mem>>
    %dma_start3A_142 = tpu.memref_slice %arg20[%mul3A_135] : memref<163840xf32, #tpu.memory_space<vmem_shared>> -> memref<640xf32, #tpu.memory_space<vmem_shared>>
    %dma_start3A_143 = arith.constant 2560 : i32
    %dma_start3A_144 = tpu.memref_slice %arg16[%dma_start3A_143] : memref<10240xf32, #tpu.memory_space<vmem>> -> memref<640xf32, #tpu.memory_space<vmem>>
    tpu.enqueue_dma source(%dma_start3A_144 : memref<640xf32, #tpu.memory_space<vmem>>) target(%dma_start3A_142 : memref<640xf32, #tpu.memory_space<vmem_shared>>) target_semaphore(%dma_start3A_141 : memref<!tpu.dma_semaphore, #tpu.memory_space<semaphore_mem>>)
    %add3A_145 = arith.constant 80 : i32
    %add3A_146 = arith.addi %add3A_145, %arg1 : i32
    %mul3A_147 = arith.constant 640 : i32
    %mul3A_148 = arith.muli %add3A_146, %mul3A_147 : i32
    %dma_start3A_149 = arith.constant 1 : i32
    %dma_start3A_150 = arith.constant 3200 : i32
    %dma_start3A_151 = tpu.memref_slice %arg16[%dma_start3A_150] : memref<10240xf32, #tpu.memory_space<vmem>> -> memref<640xf32, #tpu.memory_space<vmem>>
    %dma_start3A_152 = tpu.memref_slice %arg20[%mul3A_148] : memref<163840xf32, #tpu.memory_space<vmem_shared>> -> memref<640xf32, #tpu.memory_space<vmem_shared>>
    %dma_start3A_153 = tpu.memref_slice %arg22[%dma_start3A_149] : memref<3x!tpu.dma_semaphore, #tpu.memory_space<semaphore_mem>> -> memref<1x!tpu.dma_semaphore, #tpu.memory_space<semaphore_mem>>
    %dma_start3A_154 = tpu.memref_squeeze %dma_start3A_153 : memref<1x!tpu.dma_semaphore, #tpu.memory_space<semaphore_mem>> -> memref<!tpu.dma_semaphore, #tpu.memory_space<semaphore_mem>>
    %dma_start3A_155 = tpu.memref_slice %arg20[%mul3A_148] : memref<163840xf32, #tpu.memory_space<vmem_shared>> -> memref<640xf32, #tpu.memory_space<vmem_shared>>
    %dma_start3A_156 = arith.constant 3200 : i32
    %dma_start3A_157 = tpu.memref_slice %arg16[%dma_start3A_156] : memref<10240xf32, #tpu.memory_space<vmem>> -> memref<640xf32, #tpu.memory_space<vmem>>
    tpu.enqueue_dma source(%dma_start3A_157 : memref<640xf32, #tpu.memory_space<vmem>>) target(%dma_start3A_155 : memref<640xf32, #tpu.memory_space<vmem_shared>>) target_semaphore(%dma_start3A_154 : memref<!tpu.dma_semaphore, #tpu.memory_space<semaphore_mem>>)
    %add3A_158 = arith.constant 96 : i32
    %add3A_159 = arith.addi %add3A_158, %arg1 : i32
    %mul3A_160 = arith.constant 640 : i32
    %mul3A_161 = arith.muli %add3A_159, %mul3A_160 : i32
    %dma_start3A_162 = arith.constant 1 : i32
    %dma_start3A_163 = arith.constant 3840 : i32
    %dma_start3A_164 = tpu.memref_slice %arg16[%dma_start3A_163] : memref<10240xf32, #tpu.memory_space<vmem>> -> memref<640xf32, #tpu.memory_space<vmem>>
    %dma_start3A_165 = tpu.memref_slice %arg20[%mul3A_161] : memref<163840xf32, #tpu.memory_space<vmem_shared>> -> memref<640xf32, #tpu.memory_space<vmem_shared>>
    %dma_start3A_166 = tpu.memref_slice %arg22[%dma_start3A_162] : memref<3x!tpu.dma_semaphore, #tpu.memory_space<semaphore_mem>> -> memref<1x!tpu.dma_semaphore, #tpu.memory_space<semaphore_mem>>
    %dma_start3A_167 = tpu.memref_squeeze %dma_start3A_166 : memref<1x!tpu.dma_semaphore, #tpu.memory_space<semaphore_mem>> -> memref<!tpu.dma_semaphore, #tpu.memory_space<semaphore_mem>>
    %dma_start3A_168 = tpu.memref_slice %arg20[%mul3A_161] : memref<163840xf32, #tpu.memory_space<vmem_shared>> -> memref<640xf32, #tpu.memory_space<vmem_shared>>
    %dma_start3A_169 = arith.constant 3840 : i32
    %dma_start3A_170 = tpu.memref_slice %arg16[%dma_start3A_169] : memref<10240xf32, #tpu.memory_space<vmem>> -> memref<640xf32, #tpu.memory_space<vmem>>
    tpu.enqueue_dma source(%dma_start3A_170 : memref<640xf32, #tpu.memory_space<vmem>>) target(%dma_start3A_168 : memref<640xf32, #tpu.memory_space<vmem_shared>>) target_semaphore(%dma_start3A_167 : memref<!tpu.dma_semaphore, #tpu.memory_space<semaphore_mem>>)
    %add3A_171 = arith.constant 112 : i32
    %add3A_172 = arith.addi %add3A_171, %arg1 : i32
    %mul3A_173 = arith.constant 640 : i32
    %mul3A_174 = arith.muli %add3A_172, %mul3A_173 : i32
    %dma_start3A_175 = arith.constant 1 : i32
    %dma_start3A_176 = arith.constant 4480 : i32
    %dma_start3A_177 = tpu.memref_slice %arg16[%dma_start3A_176] : memref<10240xf32, #tpu.memory_space<vmem>> -> memref<640xf32, #tpu.memory_space<vmem>>
    %dma_start3A_178 = tpu.memref_slice %arg20[%mul3A_174] : memref<163840xf32, #tpu.memory_space<vmem_shared>> -> memref<640xf32, #tpu.memory_space<vmem_shared>>
    %dma_start3A_179 = tpu.memref_slice %arg22[%dma_start3A_175] : memref<3x!tpu.dma_semaphore, #tpu.memory_space<semaphore_mem>> -> memref<1x!tpu.dma_semaphore, #tpu.memory_space<semaphore_mem>>
    %dma_start3A_180 = tpu.memref_squeeze %dma_start3A_179 : memref<1x!tpu.dma_semaphore, #tpu.memory_space<semaphore_mem>> -> memref<!tpu.dma_semaphore, #tpu.memory_space<semaphore_mem>>
    %dma_start3A_181 = tpu.memref_slice %arg20[%mul3A_174] : memref<163840xf32, #tpu.memory_space<vmem_shared>> -> memref<640xf32, #tpu.memory_space<vmem_shared>>
    %dma_start3A_182 = arith.constant 4480 : i32
    %dma_start3A_183 = tpu.memref_slice %arg16[%dma_start3A_182] : memref<10240xf32, #tpu.memory_space<vmem>> -> memref<640xf32, #tpu.memory_space<vmem>>
    tpu.enqueue_dma source(%dma_start3A_183 : memref<640xf32, #tpu.memory_space<vmem>>) target(%dma_start3A_181 : memref<640xf32, #tpu.memory_space<vmem_shared>>) target_semaphore(%dma_start3A_180 : memref<!tpu.dma_semaphore, #tpu.memory_space<semaphore_mem>>)
    %add3A_184 = arith.constant 128 : i32
    %add3A_185 = arith.addi %add3A_184, %arg1 : i32
    %mul3A_186 = arith.constant 640 : i32
    %mul3A_187 = arith.muli %add3A_185, %mul3A_186 : i32
    %dma_start3A_188 = arith.constant 1 : i32
    %dma_start3A_189 = arith.constant 5120 : i32
    %dma_start3A_190 = tpu.memref_slice %arg16[%dma_start3A_189] : memref<10240xf32, #tpu.memory_space<vmem>> -> memref<640xf32, #tpu.memory_space<vmem>>
    %dma_start3A_191 = tpu.memref_slice %arg20[%mul3A_187] : memref<163840xf32, #tpu.memory_space<vmem_shared>> -> memref<640xf32, #tpu.memory_space<vmem_shared>>
    %dma_start3A_192 = tpu.memref_slice %arg22[%dma_start3A_188] : memref<3x!tpu.dma_semaphore, #tpu.memory_space<semaphore_mem>> -> memref<1x!tpu.dma_semaphore, #tpu.memory_space<semaphore_mem>>
    %dma_start3A_193 = tpu.memref_squeeze %dma_start3A_192 : memref<1x!tpu.dma_semaphore, #tpu.memory_space<semaphore_mem>> -> memref<!tpu.dma_semaphore, #tpu.memory_space<semaphore_mem>>
    %dma_start3A_194 = tpu.memref_slice %arg20[%mul3A_187] : memref<163840xf32, #tpu.memory_space<vmem_shared>> -> memref<640xf32, #tpu.memory_space<vmem_shared>>
    %dma_start3A_195 = arith.constant 5120 : i32
    %dma_start3A_196 = tpu.memref_slice %arg16[%dma_start3A_195] : memref<10240xf32, #tpu.memory_space<vmem>> -> memref<640xf32, #tpu.memory_space<vmem>>
    tpu.enqueue_dma source(%dma_start3A_196 : memref<640xf32, #tpu.memory_space<vmem>>) target(%dma_start3A_194 : memref<640xf32, #tpu.memory_space<vmem_shared>>) target_semaphore(%dma_start3A_193 : memref<!tpu.dma_semaphore, #tpu.memory_space<semaphore_mem>>)
    %add3A_197 = arith.constant 144 : i32
    %add3A_198 = arith.addi %add3A_197, %arg1 : i32
    %mul3A_199 = arith.constant 640 : i32
    %mul3A_200 = arith.muli %add3A_198, %mul3A_199 : i32
    %dma_start3A_201 = arith.constant 1 : i32
    %dma_start3A_202 = arith.constant 5760 : i32
    %dma_start3A_203 = tpu.memref_slice %arg16[%dma_start3A_202] : memref<10240xf32, #tpu.memory_space<vmem>> -> memref<640xf32, #tpu.memory_space<vmem>>
    %dma_start3A_204 = tpu.memref_slice %arg20[%mul3A_200] : memref<163840xf32, #tpu.memory_space<vmem_shared>> -> memref<640xf32, #tpu.memory_space<vmem_shared>>
    %dma_start3A_205 = tpu.memref_slice %arg22[%dma_start3A_201] : memref<3x!tpu.dma_semaphore, #tpu.memory_space<semaphore_mem>> -> memref<1x!tpu.dma_semaphore, #tpu.memory_space<semaphore_mem>>
    %dma_start3A_206 = tpu.memref_squeeze %dma_start3A_205 : memref<1x!tpu.dma_semaphore, #tpu.memory_space<semaphore_mem>> -> memref<!tpu.dma_semaphore, #tpu.memory_space<semaphore_mem>>
    %dma_start3A_207 = tpu.memref_slice %arg20[%mul3A_200] : memref<163840xf32, #tpu.memory_space<vmem_shared>> -> memref<640xf32, #tpu.memory_space<vmem_shared>>
    %dma_start3A_208 = arith.constant 5760 : i32
    %dma_start3A_209 = tpu.memref_slice %arg16[%dma_start3A_208] : memref<10240xf32, #tpu.memory_space<vmem>> -> memref<640xf32, #tpu.memory_space<vmem>>
    tpu.enqueue_dma source(%dma_start3A_209 : memref<640xf32, #tpu.memory_space<vmem>>) target(%dma_start3A_207 : memref<640xf32, #tpu.memory_space<vmem_shared>>) target_semaphore(%dma_start3A_206 : memref<!tpu.dma_semaphore, #tpu.memory_space<semaphore_mem>>)
    %add3A_210 = arith.constant 160 : i32
    %add3A_211 = arith.addi %add3A_210, %arg1 : i32
    %mul3A_212 = arith.constant 640 : i32
    %mul3A_213 = arith.muli %add3A_211, %mul3A_212 : i32
    %dma_start3A_214 = arith.constant 1 : i32
    %dma_start3A_215 = arith.constant 6400 : i32
    %dma_start3A_216 = tpu.memref_slice %arg16[%dma_start3A_215] : memref<10240xf32, #tpu.memory_space<vmem>> -> memref<640xf32, #tpu.memory_space<vmem>>
    %dma_start3A_217 = tpu.memref_slice %arg20[%mul3A_213] : memref<163840xf32, #tpu.memory_space<vmem_shared>> -> memref<640xf32, #tpu.memory_space<vmem_shared>>
    %dma_start3A_218 = tpu.memref_slice %arg22[%dma_start3A_214] : memref<3x!tpu.dma_semaphore, #tpu.memory_space<semaphore_mem>> -> memref<1x!tpu.dma_semaphore, #tpu.memory_space<semaphore_mem>>
    %dma_start3A_219 = tpu.memref_squeeze %dma_start3A_218 : memref<1x!tpu.dma_semaphore, #tpu.memory_space<semaphore_mem>> -> memref<!tpu.dma_semaphore, #tpu.memory_space<semaphore_mem>>
    %dma_start3A_220 = tpu.memref_slice %arg20[%mul3A_213] : memref<163840xf32, #tpu.memory_space<vmem_shared>> -> memref<640xf32, #tpu.memory_space<vmem_shared>>
    %dma_start3A_221 = arith.constant 6400 : i32
    %dma_start3A_222 = tpu.memref_slice %arg16[%dma_start3A_221] : memref<10240xf32, #tpu.memory_space<vmem>> -> memref<640xf32, #tpu.memory_space<vmem>>
    tpu.enqueue_dma source(%dma_start3A_222 : memref<640xf32, #tpu.memory_space<vmem>>) target(%dma_start3A_220 : memref<640xf32, #tpu.memory_space<vmem_shared>>) target_semaphore(%dma_start3A_219 : memref<!tpu.dma_semaphore, #tpu.memory_space<semaphore_mem>>)
    %add3A_223 = arith.constant 176 : i32
    %add3A_224 = arith.addi %add3A_223, %arg1 : i32
    %mul3A_225 = arith.constant 640 : i32
    %mul3A_226 = arith.muli %add3A_224, %mul3A_225 : i32
    %dma_start3A_227 = arith.constant 1 : i32
    %dma_start3A_228 = arith.constant 7040 : i32
    %dma_start3A_229 = tpu.memref_slice %arg16[%dma_start3A_228] : memref<10240xf32, #tpu.memory_space<vmem>> -> memref<640xf32, #tpu.memory_space<vmem>>
    %dma_start3A_230 = tpu.memref_slice %arg20[%mul3A_226] : memref<163840xf32, #tpu.memory_space<vmem_shared>> -> memref<640xf32, #tpu.memory_space<vmem_shared>>
    %dma_start3A_231 = tpu.memref_slice %arg22[%dma_start3A_227] : memref<3x!tpu.dma_semaphore, #tpu.memory_space<semaphore_mem>> -> memref<1x!tpu.dma_semaphore, #tpu.memory_space<semaphore_mem>>
    %dma_start3A_232 = tpu.memref_squeeze %dma_start3A_231 : memref<1x!tpu.dma_semaphore, #tpu.memory_space<semaphore_mem>> -> memref<!tpu.dma_semaphore, #tpu.memory_space<semaphore_mem>>
    %dma_start3A_233 = tpu.memref_slice %arg20[%mul3A_226] : memref<163840xf32, #tpu.memory_space<vmem_shared>> -> memref<640xf32, #tpu.memory_space<vmem_shared>>
    %dma_start3A_234 = arith.constant 7040 : i32
    %dma_start3A_235 = tpu.memref_slice %arg16[%dma_start3A_234] : memref<10240xf32, #tpu.memory_space<vmem>> -> memref<640xf32, #tpu.memory_space<vmem>>
    tpu.enqueue_dma source(%dma_start3A_235 : memref<640xf32, #tpu.memory_space<vmem>>) target(%dma_start3A_233 : memref<640xf32, #tpu.memory_space<vmem_shared>>) target_semaphore(%dma_start3A_232 : memref<!tpu.dma_semaphore, #tpu.memory_space<semaphore_mem>>)
    %add3A_236 = arith.constant 192 : i32
    %add3A_237 = arith.addi %add3A_236, %arg1 : i32
    %mul3A_238 = arith.constant 640 : i32
    %mul3A_239 = arith.muli %add3A_237, %mul3A_238 : i32
    %dma_start3A_240 = arith.constant 1 : i32
    %dma_start3A_241 = arith.constant 7680 : i32
    %dma_start3A_242 = tpu.memref_slice %arg16[%dma_start3A_241] : memref<10240xf32, #tpu.memory_space<vmem>> -> memref<640xf32, #tpu.memory_space<vmem>>
    %dma_start3A_243 = tpu.memref_slice %arg20[%mul3A_239] : memref<163840xf32, #tpu.memory_space<vmem_shared>> -> memref<640xf32, #tpu.memory_space<vmem_shared>>
    %dma_start3A_244 = tpu.memref_slice %arg22[%dma_start3A_240] : memref<3x!tpu.dma_semaphore, #tpu.memory_space<semaphore_mem>> -> memref<1x!tpu.dma_semaphore, #tpu.memory_space<semaphore_mem>>
    %dma_start3A_245 = tpu.memref_squeeze %dma_start3A_244 : memref<1x!tpu.dma_semaphore, #tpu.memory_space<semaphore_mem>> -> memref<!tpu.dma_semaphore, #tpu.memory_space<semaphore_mem>>
    %dma_start3A_246 = tpu.memref_slice %arg20[%mul3A_239] : memref<163840xf32, #tpu.memory_space<vmem_shared>> -> memref<640xf32, #tpu.memory_space<vmem_shared>>
    %dma_start3A_247 = arith.constant 7680 : i32
    %dma_start3A_248 = tpu.memref_slice %arg16[%dma_start3A_247] : memref<10240xf32, #tpu.memory_space<vmem>> -> memref<640xf32, #tpu.memory_space<vmem>>
    tpu.enqueue_dma source(%dma_start3A_248 : memref<640xf32, #tpu.memory_space<vmem>>) target(%dma_start3A_246 : memref<640xf32, #tpu.memory_space<vmem_shared>>) target_semaphore(%dma_start3A_245 : memref<!tpu.dma_semaphore, #tpu.memory_space<semaphore_mem>>)
    %add3A_249 = arith.constant 208 : i32
    %add3A_250 = arith.addi %add3A_249, %arg1 : i32
    %mul3A_251 = arith.constant 640 : i32
    %mul3A_252 = arith.muli %add3A_250, %mul3A_251 : i32
    %dma_start3A_253 = arith.constant 1 : i32
    %dma_start3A_254 = arith.constant 8320 : i32
    %dma_start3A_255 = tpu.memref_slice %arg16[%dma_start3A_254] : memref<10240xf32, #tpu.memory_space<vmem>> -> memref<640xf32, #tpu.memory_space<vmem>>
    %dma_start3A_256 = tpu.memref_slice %arg20[%mul3A_252] : memref<163840xf32, #tpu.memory_space<vmem_shared>> -> memref<640xf32, #tpu.memory_space<vmem_shared>>
    %dma_start3A_257 = tpu.memref_slice %arg22[%dma_start3A_253] : memref<3x!tpu.dma_semaphore, #tpu.memory_space<semaphore_mem>> -> memref<1x!tpu.dma_semaphore, #tpu.memory_space<semaphore_mem>>
    %dma_start3A_258 = tpu.memref_squeeze %dma_start3A_257 : memref<1x!tpu.dma_semaphore, #tpu.memory_space<semaphore_mem>> -> memref<!tpu.dma_semaphore, #tpu.memory_space<semaphore_mem>>
    %dma_start3A_259 = tpu.memref_slice %arg20[%mul3A_252] : memref<163840xf32, #tpu.memory_space<vmem_shared>> -> memref<640xf32, #tpu.memory_space<vmem_shared>>
    %dma_start3A_260 = arith.constant 8320 : i32
    %dma_start3A_261 = tpu.memref_slice %arg16[%dma_start3A_260] : memref<10240xf32, #tpu.memory_space<vmem>> -> memref<640xf32, #tpu.memory_space<vmem>>
    tpu.enqueue_dma source(%dma_start3A_261 : memref<640xf32, #tpu.memory_space<vmem>>) target(%dma_start3A_259 : memref<640xf32, #tpu.memory_space<vmem_shared>>) target_semaphore(%dma_start3A_258 : memref<!tpu.dma_semaphore, #tpu.memory_space<semaphore_mem>>)
    %add3A_262 = arith.constant 224 : i32
    %add3A_263 = arith.addi %add3A_262, %arg1 : i32
    %mul3A_264 = arith.constant 640 : i32
    %mul3A_265 = arith.muli %add3A_263, %mul3A_264 : i32
    %dma_start3A_266 = arith.constant 1 : i32
    %dma_start3A_267 = arith.constant 8960 : i32
    %dma_start3A_268 = tpu.memref_slice %arg16[%dma_start3A_267] : memref<10240xf32, #tpu.memory_space<vmem>> -> memref<640xf32, #tpu.memory_space<vmem>>
    %dma_start3A_269 = tpu.memref_slice %arg20[%mul3A_265] : memref<163840xf32, #tpu.memory_space<vmem_shared>> -> memref<640xf32, #tpu.memory_space<vmem_shared>>
    %dma_start3A_270 = tpu.memref_slice %arg22[%dma_start3A_266] : memref<3x!tpu.dma_semaphore, #tpu.memory_space<semaphore_mem>> -> memref<1x!tpu.dma_semaphore, #tpu.memory_space<semaphore_mem>>
    %dma_start3A_271 = tpu.memref_squeeze %dma_start3A_270 : memref<1x!tpu.dma_semaphore, #tpu.memory_space<semaphore_mem>> -> memref<!tpu.dma_semaphore, #tpu.memory_space<semaphore_mem>>
    %dma_start3A_272 = tpu.memref_slice %arg20[%mul3A_265] : memref<163840xf32, #tpu.memory_space<vmem_shared>> -> memref<640xf32, #tpu.memory_space<vmem_shared>>
    %dma_start3A_273 = arith.constant 8960 : i32
    %dma_start3A_274 = tpu.memref_slice %arg16[%dma_start3A_273] : memref<10240xf32, #tpu.memory_space<vmem>> -> memref<640xf32, #tpu.memory_space<vmem>>
    tpu.enqueue_dma source(%dma_start3A_274 : memref<640xf32, #tpu.memory_space<vmem>>) target(%dma_start3A_272 : memref<640xf32, #tpu.memory_space<vmem_shared>>) target_semaphore(%dma_start3A_271 : memref<!tpu.dma_semaphore, #tpu.memory_space<semaphore_mem>>)
    %add3A_275 = arith.constant 240 : i32
    %add3A_276 = arith.addi %add3A_275, %arg1 : i32
    %mul3A_277 = arith.constant 640 : i32
    %mul3A_278 = arith.muli %add3A_276, %mul3A_277 : i32
    %dma_start3A_279 = arith.constant 1 : i32
    %dma_start3A_280 = arith.constant 9600 : i32
    %dma_start3A_281 = tpu.memref_slice %arg16[%dma_start3A_280] : memref<10240xf32, #tpu.memory_space<vmem>> -> memref<640xf32, #tpu.memory_space<vmem>>
    %dma_start3A_282 = tpu.memref_slice %arg20[%mul3A_278] : memref<163840xf32, #tpu.memory_space<vmem_shared>> -> memref<640xf32, #tpu.memory_space<vmem_shared>>
    %dma_start3A_283 = tpu.memref_slice %arg22[%dma_start3A_279] : memref<3x!tpu.dma_semaphore, #tpu.memory_space<semaphore_mem>> -> memref<1x!tpu.dma_semaphore, #tpu.memory_space<semaphore_mem>>
    %dma_start3A_284 = tpu.memref_squeeze %dma_start3A_283 : memref<1x!tpu.dma_semaphore, #tpu.memory_space<semaphore_mem>> -> memref<!tpu.dma_semaphore, #tpu.memory_space<semaphore_mem>>
    %dma_start3A_285 = tpu.memref_slice %arg20[%mul3A_278] : memref<163840xf32, #tpu.memory_space<vmem_shared>> -> memref<640xf32, #tpu.memory_space<vmem_shared>>
    %dma_start3A_286 = arith.constant 9600 : i32
    %dma_start3A_287 = tpu.memref_slice %arg16[%dma_start3A_286] : memref<10240xf32, #tpu.memory_space<vmem>> -> memref<640xf32, #tpu.memory_space<vmem>>
    tpu.enqueue_dma source(%dma_start3A_287 : memref<640xf32, #tpu.memory_space<vmem>>) target(%dma_start3A_285 : memref<640xf32, #tpu.memory_space<vmem_shared>>) target_semaphore(%dma_start3A_284 : memref<!tpu.dma_semaphore, #tpu.memory_space<semaphore_mem>>)
    %mul3A_288 = arith.constant 640 : i32
    %mul3A_289 = arith.muli %arg1, %mul3A_288 : i32
    %dma_wait3A = arith.constant 1 : i32
    %dma_wait3A_290 = arith.constant 0 : i32
    %dma_wait3A_291 = tpu.memref_slice %arg16[%dma_wait3A_290] : memref<10240xf32, #tpu.memory_space<vmem>> -> memref<640xf32, #tpu.memory_space<vmem>>
    %dma_wait3A_292 = tpu.memref_slice %arg20[%mul3A_289] : memref<163840xf32, #tpu.memory_space<vmem_shared>> -> memref<640xf32, #tpu.memory_space<vmem_shared>>
    %dma_wait3A_293 = tpu.memref_slice %arg22[%dma_wait3A] : memref<3x!tpu.dma_semaphore, #tpu.memory_space<semaphore_mem>> -> memref<1x!tpu.dma_semaphore, #tpu.memory_space<semaphore_mem>>
    %dma_wait3A_294 = tpu.memref_squeeze %dma_wait3A_293 : memref<1x!tpu.dma_semaphore, #tpu.memory_space<semaphore_mem>> -> memref<!tpu.dma_semaphore, #tpu.memory_space<semaphore_mem>>
    %dma_wait3A_295 = tpu.memref_slice %arg20[%mul3A_289] : memref<163840xf32, #tpu.memory_space<vmem_shared>> -> memref<640xf32, #tpu.memory_space<vmem_shared>>
    %dma_wait3A_296 = arith.constant 0 : i32
    %dma_wait3A_297 = tpu.memref_slice %arg16[%dma_wait3A_296] : memref<10240xf32, #tpu.memory_space<vmem>> -> memref<640xf32, #tpu.memory_space<vmem>>
    tpu.wait_dma2 semaphore(%dma_wait3A_294 : memref<!tpu.dma_semaphore, #tpu.memory_space<semaphore_mem>>) src(%dma_wait3A_297 : memref<640xf32, #tpu.memory_space<vmem>>) dst(%dma_wait3A_295 : memref<640xf32, #tpu.memory_space<vmem_shared>>)
    %mul3A_298 = arith.constant 640 : i32
    %mul3A_299 = arith.muli %arg1, %mul3A_298 : i32
    %dma_wait3A_300 = arith.constant 1 : i32
    %dma_wait3A_301 = arith.constant 0 : i32
    %dma_wait3A_302 = tpu.memref_slice %arg16[%dma_wait3A_301] : memref<10240xf32, #tpu.memory_space<vmem>> -> memref<640xf32, #tpu.memory_space<vmem>>
    %dma_wait3A_303 = tpu.memref_slice %arg20[%mul3A_299] : memref<163840xf32, #tpu.memory_space<vmem_shared>> -> memref<640xf32, #tpu.memory_space<vmem_shared>>
    %dma_wait3A_304 = tpu.memref_slice %arg22[%dma_wait3A_300] : memref<3x!tpu.dma_semaphore, #tpu.memory_space<semaphore_mem>> -> memref<1x!tpu.dma_semaphore, #tpu.memory_space<semaphore_mem>>
    %dma_wait3A_305 = tpu.memref_squeeze %dma_wait3A_304 : memref<1x!tpu.dma_semaphore, #tpu.memory_space<semaphore_mem>> -> memref<!tpu.dma_semaphore, #tpu.memory_space<semaphore_mem>>
    %dma_wait3A_306 = tpu.memref_slice %arg20[%mul3A_299] : memref<163840xf32, #tpu.memory_space<vmem_shared>> -> memref<640xf32, #tpu.memory_space<vmem_shared>>
    %dma_wait3A_307 = arith.constant 0 : i32
    %dma_wait3A_308 = tpu.memref_slice %arg16[%dma_wait3A_307] : memref<10240xf32, #tpu.memory_space<vmem>> -> memref<640xf32, #tpu.memory_space<vmem>>
    tpu.wait_dma2 semaphore(%dma_wait3A_305 : memref<!tpu.dma_semaphore, #tpu.memory_space<semaphore_mem>>) src(%dma_wait3A_308 : memref<640xf32, #tpu.memory_space<vmem>>) dst(%dma_wait3A_306 : memref<640xf32, #tpu.memory_space<vmem_shared>>)
    %mul3A_309 = arith.constant 640 : i32
    %mul3A_310 = arith.muli %arg1, %mul3A_309 : i32
    %dma_wait3A_311 = arith.constant 1 : i32
    %dma_wait3A_312 = arith.constant 0 : i32
    %dma_wait3A_313 = tpu.memref_slice %arg16[%dma_wait3A_312] : memref<10240xf32, #tpu.memory_space<vmem>> -> memref<640xf32, #tpu.memory_space<vmem>>
    %dma_wait3A_314 = tpu.memref_slice %arg20[%mul3A_310] : memref<163840xf32, #tpu.memory_space<vmem_shared>> -> memref<640xf32, #tpu.memory_space<vmem_shared>>
    %dma_wait3A_315 = tpu.memref_slice %arg22[%dma_wait3A_311] : memref<3x!tpu.dma_semaphore, #tpu.memory_space<semaphore_mem>> -> memref<1x!tpu.dma_semaphore, #tpu.memory_space<semaphore_mem>>
    %dma_wait3A_316 = tpu.memref_squeeze %dma_wait3A_315 : memref<1x!tpu.dma_semaphore, #tpu.memory_space<semaphore_mem>> -> memref<!tpu.dma_semaphore, #tpu.memory_space<semaphore_mem>>
    %dma_wait3A_317 = tpu.memref_slice %arg20[%mul3A_310] : memref<163840xf32, #tpu.memory_space<vmem_shared>> -> memref<640xf32, #tpu.memory_space<vmem_shared>>
    %dma_wait3A_318 = arith.constant 0 : i32
    %dma_wait3A_319 = tpu.memref_slice %arg16[%dma_wait3A_318] : memref<10240xf32, #tpu.memory_space<vmem>> -> memref<640xf32, #tpu.memory_space<vmem>>
    tpu.wait_dma2 semaphore(%dma_wait3A_316 : memref<!tpu.dma_semaphore, #tpu.memory_space<semaphore_mem>>) src(%dma_wait3A_319 : memref<640xf32, #tpu.memory_space<vmem>>) dst(%dma_wait3A_317 : memref<640xf32, #tpu.memory_space<vmem_shared>>)
    %mul3A_320 = arith.constant 640 : i32
    %mul3A_321 = arith.muli %arg1, %mul3A_320 : i32
    %dma_wait3A_322 = arith.constant 1 : i32
    %dma_wait3A_323 = arith.constant 0 : i32
    %dma_wait3A_324 = tpu.memref_slice %arg16[%dma_wait3A_323] : memref<10240xf32, #tpu.memory_space<vmem>> -> memref<640xf32, #tpu.memory_space<vmem>>
    %dma_wait3A_325 = tpu.memref_slice %arg20[%mul3A_321] : memref<163840xf32, #tpu.memory_space<vmem_shared>> -> memref<640xf32, #tpu.memory_space<vmem_shared>>
    %dma_wait3A_326 = tpu.memref_slice %arg22[%dma_wait3A_322] : memref<3x!tpu.dma_semaphore, #tpu.memory_space<semaphore_mem>> -> memref<1x!tpu.dma_semaphore, #tpu.memory_space<semaphore_mem>>
    %dma_wait3A_327 = tpu.memref_squeeze %dma_wait3A_326 : memref<1x!tpu.dma_semaphore, #tpu.memory_space<semaphore_mem>> -> memref<!tpu.dma_semaphore, #tpu.memory_space<semaphore_mem>>
    %dma_wait3A_328 = tpu.memref_slice %arg20[%mul3A_321] : memref<163840xf32, #tpu.memory_space<vmem_shared>> -> memref<640xf32, #tpu.memory_space<vmem_shared>>
    %dma_wait3A_329 = arith.constant 0 : i32
    %dma_wait3A_330 = tpu.memref_slice %arg16[%dma_wait3A_329] : memref<10240xf32, #tpu.memory_space<vmem>> -> memref<640xf32, #tpu.memory_space<vmem>>
    tpu.wait_dma2 semaphore(%dma_wait3A_327 : memref<!tpu.dma_semaphore, #tpu.memory_space<semaphore_mem>>) src(%dma_wait3A_330 : memref<640xf32, #tpu.memory_space<vmem>>) dst(%dma_wait3A_328 : memref<640xf32, #tpu.memory_space<vmem_shared>>)
    %mul3A_331 = arith.constant 640 : i32
    %mul3A_332 = arith.muli %arg1, %mul3A_331 : i32
    %dma_wait3A_333 = arith.constant 1 : i32
    %dma_wait3A_334 = arith.constant 0 : i32
    %dma_wait3A_335 = tpu.memref_slice %arg16[%dma_wait3A_334] : memref<10240xf32, #tpu.memory_space<vmem>> -> memref<640xf32, #tpu.memory_space<vmem>>
    %dma_wait3A_336 = tpu.memref_slice %arg20[%mul3A_332] : memref<163840xf32, #tpu.memory_space<vmem_shared>> -> memref<640xf32, #tpu.memory_space<vmem_shared>>
    %dma_wait3A_337 = tpu.memref_slice %arg22[%dma_wait3A_333] : memref<3x!tpu.dma_semaphore, #tpu.memory_space<semaphore_mem>> -> memref<1x!tpu.dma_semaphore, #tpu.memory_space<semaphore_mem>>
    %dma_wait3A_338 = tpu.memref_squeeze %dma_wait3A_337 : memref<1x!tpu.dma_semaphore, #tpu.memory_space<semaphore_mem>> -> memref<!tpu.dma_semaphore, #tpu.memory_space<semaphore_mem>>
    %dma_wait3A_339 = tpu.memref_slice %arg20[%mul3A_332] : memref<163840xf32, #tpu.memory_space<vmem_shared>> -> memref<640xf32, #tpu.memory_space<vmem_shared>>
    %dma_wait3A_340 = arith.constant 0 : i32
    %dma_wait3A_341 = tpu.memref_slice %arg16[%dma_wait3A_340] : memref<10240xf32, #tpu.memory_space<vmem>> -> memref<640xf32, #tpu.memory_space<vmem>>
    tpu.wait_dma2 semaphore(%dma_wait3A_338 : memref<!tpu.dma_semaphore, #tpu.memory_space<semaphore_mem>>) src(%dma_wait3A_341 : memref<640xf32, #tpu.memory_space<vmem>>) dst(%dma_wait3A_339 : memref<640xf32, #tpu.memory_space<vmem_shared>>)
    %mul3A_342 = arith.constant 640 : i32
    %mul3A_343 = arith.muli %arg1, %mul3A_342 : i32
    %dma_wait3A_344 = arith.constant 1 : i32
    %dma_wait3A_345 = arith.constant 0 : i32
    %dma_wait3A_346 = tpu.memref_slice %arg16[%dma_wait3A_345] : memref<10240xf32, #tpu.memory_space<vmem>> -> memref<640xf32, #tpu.memory_space<vmem>>
    %dma_wait3A_347 = tpu.memref_slice %arg20[%mul3A_343] : memref<163840xf32, #tpu.memory_space<vmem_shared>> -> memref<640xf32, #tpu.memory_space<vmem_shared>>
    %dma_wait3A_348 = tpu.memref_slice %arg22[%dma_wait3A_344] : memref<3x!tpu.dma_semaphore, #tpu.memory_space<semaphore_mem>> -> memref<1x!tpu.dma_semaphore, #tpu.memory_space<semaphore_mem>>
    %dma_wait3A_349 = tpu.memref_squeeze %dma_wait3A_348 : memref<1x!tpu.dma_semaphore, #tpu.memory_space<semaphore_mem>> -> memref<!tpu.dma_semaphore, #tpu.memory_space<semaphore_mem>>
    %dma_wait3A_350 = tpu.memref_slice %arg20[%mul3A_343] : memref<163840xf32, #tpu.memory_space<vmem_shared>> -> memref<640xf32, #tpu.memory_space<vmem_shared>>
    %dma_wait3A_351 = arith.constant 0 : i32
    %dma_wait3A_352 = tpu.memref_slice %arg16[%dma_wait3A_351] : memref<10240xf32, #tpu.memory_space<vmem>> -> memref<640xf32, #tpu.memory_space<vmem>>
    tpu.wait_dma2 semaphore(%dma_wait3A_349 : memref<!tpu.dma_semaphore, #tpu.memory_space<semaphore_mem>>) src(%dma_wait3A_352 : memref<640xf32, #tpu.memory_space<vmem>>) dst(%dma_wait3A_350 : memref<640xf32, #tpu.memory_space<vmem_shared>>)
    %mul3A_353 = arith.constant 640 : i32
    %mul3A_354 = arith.muli %arg1, %mul3A_353 : i32
    %dma_wait3A_355 = arith.constant 1 : i32
    %dma_wait3A_356 = arith.constant 0 : i32
    %dma_wait3A_357 = tpu.memref_slice %arg16[%dma_wait3A_356] : memref<10240xf32, #tpu.memory_space<vmem>> -> memref<640xf32, #tpu.memory_space<vmem>>
    %dma_wait3A_358 = tpu.memref_slice %arg20[%mul3A_354] : memref<163840xf32, #tpu.memory_space<vmem_shared>> -> memref<640xf32, #tpu.memory_space<vmem_shared>>
    %dma_wait3A_359 = tpu.memref_slice %arg22[%dma_wait3A_355] : memref<3x!tpu.dma_semaphore, #tpu.memory_space<semaphore_mem>> -> memref<1x!tpu.dma_semaphore, #tpu.memory_space<semaphore_mem>>
    %dma_wait3A_360 = tpu.memref_squeeze %dma_wait3A_359 : memref<1x!tpu.dma_semaphore, #tpu.memory_space<semaphore_mem>> -> memref<!tpu.dma_semaphore, #tpu.memory_space<semaphore_mem>>
    %dma_wait3A_361 = tpu.memref_slice %arg20[%mul3A_354] : memref<163840xf32, #tpu.memory_space<vmem_shared>> -> memref<640xf32, #tpu.memory_space<vmem_shared>>
    %dma_wait3A_362 = arith.constant 0 : i32
    %dma_wait3A_363 = tpu.memref_slice %arg16[%dma_wait3A_362] : memref<10240xf32, #tpu.memory_space<vmem>> -> memref<640xf32, #tpu.memory_space<vmem>>
    tpu.wait_dma2 semaphore(%dma_wait3A_360 : memref<!tpu.dma_semaphore, #tpu.memory_space<semaphore_mem>>) src(%dma_wait3A_363 : memref<640xf32, #tpu.memory_space<vmem>>) dst(%dma_wait3A_361 : memref<640xf32, #tpu.memory_space<vmem_shared>>)
    %mul3A_364 = arith.constant 640 : i32
    %mul3A_365 = arith.muli %arg1, %mul3A_364 : i32
    %dma_wait3A_366 = arith.constant 1 : i32
    %dma_wait3A_367 = arith.constant 0 : i32
    %dma_wait3A_368 = tpu.memref_slice %arg16[%dma_wait3A_367] : memref<10240xf32, #tpu.memory_space<vmem>> -> memref<640xf32, #tpu.memory_space<vmem>>
    %dma_wait3A_369 = tpu.memref_slice %arg20[%mul3A_365] : memref<163840xf32, #tpu.memory_space<vmem_shared>> -> memref<640xf32, #tpu.memory_space<vmem_shared>>
    %dma_wait3A_370 = tpu.memref_slice %arg22[%dma_wait3A_366] : memref<3x!tpu.dma_semaphore, #tpu.memory_space<semaphore_mem>> -> memref<1x!tpu.dma_semaphore, #tpu.memory_space<semaphore_mem>>
    %dma_wait3A_371 = tpu.memref_squeeze %dma_wait3A_370 : memref<1x!tpu.dma_semaphore, #tpu.memory_space<semaphore_mem>> -> memref<!tpu.dma_semaphore, #tpu.memory_space<semaphore_mem>>
    %dma_wait3A_372 = tpu.memref_slice %arg20[%mul3A_365] : memref<163840xf32, #tpu.memory_space<vmem_shared>> -> memref<640xf32, #tpu.memory_space<vmem_shared>>
    %dma_wait3A_373 = arith.constant 0 : i32
    %dma_wait3A_374 = tpu.memref_slice %arg16[%dma_wait3A_373] : memref<10240xf32, #tpu.memory_space<vmem>> -> memref<640xf32, #tpu.memory_space<vmem>>
    tpu.wait_dma2 semaphore(%dma_wait3A_371 : memref<!tpu.dma_semaphore, #tpu.memory_space<semaphore_mem>>) src(%dma_wait3A_374 : memref<640xf32, #tpu.memory_space<vmem>>) dst(%dma_wait3A_372 : memref<640xf32, #tpu.memory_space<vmem_shared>>)
    %mul3A_375 = arith.constant 640 : i32
    %mul3A_376 = arith.muli %arg1, %mul3A_375 : i32
    %dma_wait3A_377 = arith.constant 1 : i32
    %dma_wait3A_378 = arith.constant 0 : i32
    %dma_wait3A_379 = tpu.memref_slice %arg16[%dma_wait3A_378] : memref<10240xf32, #tpu.memory_space<vmem>> -> memref<640xf32, #tpu.memory_space<vmem>>
    %dma_wait3A_380 = tpu.memref_slice %arg20[%mul3A_376] : memref<163840xf32, #tpu.memory_space<vmem_shared>> -> memref<640xf32, #tpu.memory_space<vmem_shared>>
    %dma_wait3A_381 = tpu.memref_slice %arg22[%dma_wait3A_377] : memref<3x!tpu.dma_semaphore, #tpu.memory_space<semaphore_mem>> -> memref<1x!tpu.dma_semaphore, #tpu.memory_space<semaphore_mem>>
    %dma_wait3A_382 = tpu.memref_squeeze %dma_wait3A_381 : memref<1x!tpu.dma_semaphore, #tpu.memory_space<semaphore_mem>> -> memref<!tpu.dma_semaphore, #tpu.memory_space<semaphore_mem>>
    %dma_wait3A_383 = tpu.memref_slice %arg20[%mul3A_376] : memref<163840xf32, #tpu.memory_space<vmem_shared>> -> memref<640xf32, #tpu.memory_space<vmem_shared>>
    %dma_wait3A_384 = arith.constant 0 : i32
    %dma_wait3A_385 = tpu.memref_slice %arg16[%dma_wait3A_384] : memref<10240xf32, #tpu.memory_space<vmem>> -> memref<640xf32, #tpu.memory_space<vmem>>
    tpu.wait_dma2 semaphore(%dma_wait3A_382 : memref<!tpu.dma_semaphore, #tpu.memory_space<semaphore_mem>>) src(%dma_wait3A_385 : memref<640xf32, #tpu.memory_space<vmem>>) dst(%dma_wait3A_383 : memref<640xf32, #tpu.memory_space<vmem_shared>>)
    %mul3A_386 = arith.constant 640 : i32
    %mul3A_387 = arith.muli %arg1, %mul3A_386 : i32
    %dma_wait3A_388 = arith.constant 1 : i32
    %dma_wait3A_389 = arith.constant 0 : i32
    %dma_wait3A_390 = tpu.memref_slice %arg16[%dma_wait3A_389] : memref<10240xf32, #tpu.memory_space<vmem>> -> memref<640xf32, #tpu.memory_space<vmem>>
    %dma_wait3A_391 = tpu.memref_slice %arg20[%mul3A_387] : memref<163840xf32, #tpu.memory_space<vmem_shared>> -> memref<640xf32, #tpu.memory_space<vmem_shared>>
    %dma_wait3A_392 = tpu.memref_slice %arg22[%dma_wait3A_388] : memref<3x!tpu.dma_semaphore, #tpu.memory_space<semaphore_mem>> -> memref<1x!tpu.dma_semaphore, #tpu.memory_space<semaphore_mem>>
    %dma_wait3A_393 = tpu.memref_squeeze %dma_wait3A_392 : memref<1x!tpu.dma_semaphore, #tpu.memory_space<semaphore_mem>> -> memref<!tpu.dma_semaphore, #tpu.memory_space<semaphore_mem>>
    %dma_wait3A_394 = tpu.memref_slice %arg20[%mul3A_387] : memref<163840xf32, #tpu.memory_space<vmem_shared>> -> memref<640xf32, #tpu.memory_space<vmem_shared>>
    %dma_wait3A_395 = arith.constant 0 : i32
    %dma_wait3A_396 = tpu.memref_slice %arg16[%dma_wait3A_395] : memref<10240xf32, #tpu.memory_space<vmem>> -> memref<640xf32, #tpu.memory_space<vmem>>
    tpu.wait_dma2 semaphore(%dma_wait3A_393 : memref<!tpu.dma_semaphore, #tpu.memory_space<semaphore_mem>>) src(%dma_wait3A_396 : memref<640xf32, #tpu.memory_space<vmem>>) dst(%dma_wait3A_394 : memref<640xf32, #tpu.memory_space<vmem_shared>>)
    %mul3A_397 = arith.constant 640 : i32
    %mul3A_398 = arith.muli %arg1, %mul3A_397 : i32
    %dma_wait3A_399 = arith.constant 1 : i32
    %dma_wait3A_400 = arith.constant 0 : i32
    %dma_wait3A_401 = tpu.memref_slice %arg16[%dma_wait3A_400] : memref<10240xf32, #tpu.memory_space<vmem>> -> memref<640xf32, #tpu.memory_space<vmem>>
    %dma_wait3A_402 = tpu.memref_slice %arg20[%mul3A_398] : memref<163840xf32, #tpu.memory_space<vmem_shared>> -> memref<640xf32, #tpu.memory_space<vmem_shared>>
    %dma_wait3A_403 = tpu.memref_slice %arg22[%dma_wait3A_399] : memref<3x!tpu.dma_semaphore, #tpu.memory_space<semaphore_mem>> -> memref<1x!tpu.dma_semaphore, #tpu.memory_space<semaphore_mem>>
    %dma_wait3A_404 = tpu.memref_squeeze %dma_wait3A_403 : memref<1x!tpu.dma_semaphore, #tpu.memory_space<semaphore_mem>> -> memref<!tpu.dma_semaphore, #tpu.memory_space<semaphore_mem>>
    %dma_wait3A_405 = tpu.memref_slice %arg20[%mul3A_398] : memref<163840xf32, #tpu.memory_space<vmem_shared>> -> memref<640xf32, #tpu.memory_space<vmem_shared>>
    %dma_wait3A_406 = arith.constant 0 : i32
    %dma_wait3A_407 = tpu.memref_slice %arg16[%dma_wait3A_406] : memref<10240xf32, #tpu.memory_space<vmem>> -> memref<640xf32, #tpu.memory_space<vmem>>
    tpu.wait_dma2 semaphore(%dma_wait3A_404 : memref<!tpu.dma_semaphore, #tpu.memory_space<semaphore_mem>>) src(%dma_wait3A_407 : memref<640xf32, #tpu.memory_space<vmem>>) dst(%dma_wait3A_405 : memref<640xf32, #tpu.memory_space<vmem_shared>>)
    %mul3A_408 = arith.constant 640 : i32
    %mul3A_409 = arith.muli %arg1, %mul3A_408 : i32
    %dma_wait3A_410 = arith.constant 1 : i32
    %dma_wait3A_411 = arith.constant 0 : i32
    %dma_wait3A_412 = tpu.memref_slice %arg16[%dma_wait3A_411] : memref<10240xf32, #tpu.memory_space<vmem>> -> memref<640xf32, #tpu.memory_space<vmem>>
    %dma_wait3A_413 = tpu.memref_slice %arg20[%mul3A_409] : memref<163840xf32, #tpu.memory_space<vmem_shared>> -> memref<640xf32, #tpu.memory_space<vmem_shared>>
    %dma_wait3A_414 = tpu.memref_slice %arg22[%dma_wait3A_410] : memref<3x!tpu.dma_semaphore, #tpu.memory_space<semaphore_mem>> -> memref<1x!tpu.dma_semaphore, #tpu.memory_space<semaphore_mem>>
    %dma_wait3A_415 = tpu.memref_squeeze %dma_wait3A_414 : memref<1x!tpu.dma_semaphore, #tpu.memory_space<semaphore_mem>> -> memref<!tpu.dma_semaphore, #tpu.memory_space<semaphore_mem>>
    %dma_wait3A_416 = tpu.memref_slice %arg20[%mul3A_409] : memref<163840xf32, #tpu.memory_space<vmem_shared>> -> memref<640xf32, #tpu.memory_space<vmem_shared>>
    %dma_wait3A_417 = arith.constant 0 : i32
    %dma_wait3A_418 = tpu.memref_slice %arg16[%dma_wait3A_417] : memref<10240xf32, #tpu.memory_space<vmem>> -> memref<640xf32, #tpu.memory_space<vmem>>
    tpu.wait_dma2 semaphore(%dma_wait3A_415 : memref<!tpu.dma_semaphore, #tpu.memory_space<semaphore_mem>>) src(%dma_wait3A_418 : memref<640xf32, #tpu.memory_space<vmem>>) dst(%dma_wait3A_416 : memref<640xf32, #tpu.memory_space<vmem_shared>>)
    %mul3A_419 = arith.constant 640 : i32
    %mul3A_420 = arith.muli %arg1, %mul3A_419 : i32
    %dma_wait3A_421 = arith.constant 1 : i32
    %dma_wait3A_422 = arith.constant 0 : i32
    %dma_wait3A_423 = tpu.memref_slice %arg16[%dma_wait3A_422] : memref<10240xf32, #tpu.memory_space<vmem>> -> memref<640xf32, #tpu.memory_space<vmem>>
    %dma_wait3A_424 = tpu.memref_slice %arg20[%mul3A_420] : memref<163840xf32, #tpu.memory_space<vmem_shared>> -> memref<640xf32, #tpu.memory_space<vmem_shared>>
    %dma_wait3A_425 = tpu.memref_slice %arg22[%dma_wait3A_421] : memref<3x!tpu.dma_semaphore, #tpu.memory_space<semaphore_mem>> -> memref<1x!tpu.dma_semaphore, #tpu.memory_space<semaphore_mem>>
    %dma_wait3A_426 = tpu.memref_squeeze %dma_wait3A_425 : memref<1x!tpu.dma_semaphore, #tpu.memory_space<semaphore_mem>> -> memref<!tpu.dma_semaphore, #tpu.memory_space<semaphore_mem>>
    %dma_wait3A_427 = tpu.memref_slice %arg20[%mul3A_420] : memref<163840xf32, #tpu.memory_space<vmem_shared>> -> memref<640xf32, #tpu.memory_space<vmem_shared>>
    %dma_wait3A_428 = arith.constant 0 : i32
    %dma_wait3A_429 = tpu.memref_slice %arg16[%dma_wait3A_428] : memref<10240xf32, #tpu.memory_space<vmem>> -> memref<640xf32, #tpu.memory_space<vmem>>
    tpu.wait_dma2 semaphore(%dma_wait3A_426 : memref<!tpu.dma_semaphore, #tpu.memory_space<semaphore_mem>>) src(%dma_wait3A_429 : memref<640xf32, #tpu.memory_space<vmem>>) dst(%dma_wait3A_427 : memref<640xf32, #tpu.memory_space<vmem_shared>>)
    %mul3A_430 = arith.constant 640 : i32
    %mul3A_431 = arith.muli %arg1, %mul3A_430 : i32
    %dma_wait3A_432 = arith.constant 1 : i32
    %dma_wait3A_433 = arith.constant 0 : i32
    %dma_wait3A_434 = tpu.memref_slice %arg16[%dma_wait3A_433] : memref<10240xf32, #tpu.memory_space<vmem>> -> memref<640xf32, #tpu.memory_space<vmem>>
    %dma_wait3A_435 = tpu.memref_slice %arg20[%mul3A_431] : memref<163840xf32, #tpu.memory_space<vmem_shared>> -> memref<640xf32, #tpu.memory_space<vmem_shared>>
    %dma_wait3A_436 = tpu.memref_slice %arg22[%dma_wait3A_432] : memref<3x!tpu.dma_semaphore, #tpu.memory_space<semaphore_mem>> -> memref<1x!tpu.dma_semaphore, #tpu.memory_space<semaphore_mem>>
    %dma_wait3A_437 = tpu.memref_squeeze %dma_wait3A_436 : memref<1x!tpu.dma_semaphore, #tpu.memory_space<semaphore_mem>> -> memref<!tpu.dma_semaphore, #tpu.memory_space<semaphore_mem>>
    %dma_wait3A_438 = tpu.memref_slice %arg20[%mul3A_431] : memref<163840xf32, #tpu.memory_space<vmem_shared>> -> memref<640xf32, #tpu.memory_space<vmem_shared>>
    %dma_wait3A_439 = arith.constant 0 : i32
    %dma_wait3A_440 = tpu.memref_slice %arg16[%dma_wait3A_439] : memref<10240xf32, #tpu.memory_space<vmem>> -> memref<640xf32, #tpu.memory_space<vmem>>
    tpu.wait_dma2 semaphore(%dma_wait3A_437 : memref<!tpu.dma_semaphore, #tpu.memory_space<semaphore_mem>>) src(%dma_wait3A_440 : memref<640xf32, #tpu.memory_space<vmem>>) dst(%dma_wait3A_438 : memref<640xf32, #tpu.memory_space<vmem_shared>>)
    %mul3A_441 = arith.constant 640 : i32
    %mul3A_442 = arith.muli %arg1, %mul3A_441 : i32
    %dma_wait3A_443 = arith.constant 1 : i32
    %dma_wait3A_444 = arith.constant 0 : i32
    %dma_wait3A_445 = tpu.memref_slice %arg16[%dma_wait3A_444] : memref<10240xf32, #tpu.memory_space<vmem>> -> memref<640xf32, #tpu.memory_space<vmem>>
    %dma_wait3A_446 = tpu.memref_slice %arg20[%mul3A_442] : memref<163840xf32, #tpu.memory_space<vmem_shared>> -> memref<640xf32, #tpu.memory_space<vmem_shared>>
    %dma_wait3A_447 = tpu.memref_slice %arg22[%dma_wait3A_443] : memref<3x!tpu.dma_semaphore, #tpu.memory_space<semaphore_mem>> -> memref<1x!tpu.dma_semaphore, #tpu.memory_space<semaphore_mem>>
    %dma_wait3A_448 = tpu.memref_squeeze %dma_wait3A_447 : memref<1x!tpu.dma_semaphore, #tpu.memory_space<semaphore_mem>> -> memref<!tpu.dma_semaphore, #tpu.memory_space<semaphore_mem>>
    %dma_wait3A_449 = tpu.memref_slice %arg20[%mul3A_442] : memref<163840xf32, #tpu.memory_space<vmem_shared>> -> memref<640xf32, #tpu.memory_space<vmem_shared>>
    %dma_wait3A_450 = arith.constant 0 : i32
    %dma_wait3A_451 = tpu.memref_slice %arg16[%dma_wait3A_450] : memref<10240xf32, #tpu.memory_space<vmem>> -> memref<640xf32, #tpu.memory_space<vmem>>
    tpu.wait_dma2 semaphore(%dma_wait3A_448 : memref<!tpu.dma_semaphore, #tpu.memory_space<semaphore_mem>>) src(%dma_wait3A_451 : memref<640xf32, #tpu.memory_space<vmem>>) dst(%dma_wait3A_449 : memref<640xf32, #tpu.memory_space<vmem_shared>>)
    %mul3A_452 = arith.constant 640 : i32
    %mul3A_453 = arith.muli %arg1, %mul3A_452 : i32
    %dma_wait3A_454 = arith.constant 1 : i32
    %dma_wait3A_455 = arith.constant 0 : i32
    %dma_wait3A_456 = tpu.memref_slice %arg16[%dma_wait3A_455] : memref<10240xf32, #tpu.memory_space<vmem>> -> memref<640xf32, #tpu.memory_space<vmem>>
    %dma_wait3A_457 = tpu.memref_slice %arg20[%mul3A_453] : memref<163840xf32, #tpu.memory_space<vmem_shared>> -> memref<640xf32, #tpu.memory_space<vmem_shared>>
    %dma_wait3A_458 = tpu.memref_slice %arg22[%dma_wait3A_454] : memref<3x!tpu.dma_semaphore, #tpu.memory_space<semaphore_mem>> -> memref<1x!tpu.dma_semaphore, #tpu.memory_space<semaphore_mem>>
    %dma_wait3A_459 = tpu.memref_squeeze %dma_wait3A_458 : memref<1x!tpu.dma_semaphore, #tpu.memory_space<semaphore_mem>> -> memref<!tpu.dma_semaphore, #tpu.memory_space<semaphore_mem>>
    %dma_wait3A_460 = tpu.memref_slice %arg20[%mul3A_453] : memref<163840xf32, #tpu.memory_space<vmem_shared>> -> memref<640xf32, #tpu.memory_space<vmem_shared>>
    %dma_wait3A_461 = arith.constant 0 : i32
    %dma_wait3A_462 = tpu.memref_slice %arg16[%dma_wait3A_461] : memref<10240xf32, #tpu.memory_space<vmem>> -> memref<640xf32, #tpu.memory_space<vmem>>
    tpu.wait_dma2 semaphore(%dma_wait3A_459 : memref<!tpu.dma_semaphore, #tpu.memory_space<semaphore_mem>>) src(%dma_wait3A_462 : memref<640xf32, #tpu.memory_space<vmem>>) dst(%dma_wait3A_460 : memref<640xf32, #tpu.memory_space<vmem_shared>>)
    %barrier3A = arith.constant 0 : index
    tpu.barrier barrier_id(%barrier3A)
    %mul3A_463 = arith.constant 10240 : i32
    %mul3A_464 = arith.muli %arg1, %mul3A_463 : i32
    %multiple_of3A_465 = tpu.assume_multiple %mul3A_464, 10240 : i32
    "tpu.region"() ({
      %run_scoped3A = tpu.sem_alloc : memref<!tpu.dma_semaphore, #tpu.memory_space<semaphore_mem>>
      %dma_start3A_1154 = tpu.memref_slice %arg20[%multiple_of3A_465] : memref<163840xf32, #tpu.memory_space<vmem_shared>> -> memref<10240xf32, #tpu.memory_space<vmem_shared>>
      %dma_start3A_1155 = tpu.memref_slice %arg20[%multiple_of3A_465] : memref<163840xf32, #tpu.memory_space<vmem_shared>> -> memref<10240xf32, #tpu.memory_space<vmem_shared>>
      tpu.enqueue_dma source(%dma_start3A_1155 : memref<10240xf32, #tpu.memory_space<vmem_shared>>) target(%arg16 : memref<10240xf32, #tpu.memory_space<vmem>>) target_semaphore(%run_scoped3A : memref<!tpu.dma_semaphore, #tpu.memory_space<semaphore_mem>>)
      %dma_wait3A_1156 = tpu.memref_slice %arg20[%multiple_of3A_465] : memref<163840xf32, #tpu.memory_space<vmem_shared>> -> memref<10240xf32, #tpu.memory_space<vmem_shared>>
      %dma_wait3A_1157 = tpu.memref_slice %arg20[%multiple_of3A_465] : memref<163840xf32, #tpu.memory_space<vmem_shared>> -> memref<10240xf32, #tpu.memory_space<vmem_shared>>
      tpu.wait_dma2 semaphore(%run_scoped3A : memref<!tpu.dma_semaphore, #tpu.memory_space<semaphore_mem>>) src(%dma_wait3A_1157 : memref<10240xf32, #tpu.memory_space<vmem_shared>>) dst(%arg16 : memref<10240xf32, #tpu.memory_space<vmem>>)
      tpu.yield
    }) : () -> ()
    %parallel_loop3A_466 = arith.constant 0 : i32
    %parallel_loop3A_467 = arith.constant 40 : i32
    %parallel_loop3A_468 = arith.constant 1 : i32
    scf.for %parallel_loop3A_1154 = %parallel_loop3A_466 to %parallel_loop3A_467 step %parallel_loop3A_468  : i32 {
      %parallel_loop3A_1155 = arith.constant 16 : i32
      %parallel_loop3A_1156 = arith.muli %parallel_loop3A_1154, %parallel_loop3A_1155 : i32
      %parallel_loop3A_1157 = arith.index_cast %parallel_loop3A_1156 : i32 to index
      %parallel_loop3A_1158 = tpu.vector_load %arg16[%parallel_loop3A_1157] {strides = array<i32>} : memref<10240xf32, #tpu.memory_space<vmem>>, vector<16xf32>,
      %parallel_loop3A_1159 = arith.constant 16 : i32
      %parallel_loop3A_1160 = arith.muli %parallel_loop3A_1154, %parallel_loop3A_1159 : i32
      %parallel_loop3A_1161 = arith.constant 640 : i32
      %parallel_loop3A_1162 = arith.addi %parallel_loop3A_1161, %parallel_loop3A_1160 : i32
      %parallel_loop3A_1163 = arith.index_cast %parallel_loop3A_1162 : i32 to index
      %parallel_loop3A_1164 = tpu.vector_load %arg16[%parallel_loop3A_1163] {strides = array<i32>} : memref<10240xf32, #tpu.memory_space<vmem>>, vector<16xf32>,
      %parallel_loop3A_1165 = arith.addf %parallel_loop3A_1158, %parallel_loop3A_1164 : vector<16xf32>
      %parallel_loop3A_1166 = arith.constant 16 : i32
      %parallel_loop3A_1167 = arith.muli %parallel_loop3A_1154, %parallel_loop3A_1166 : i32
      %parallel_loop3A_1168 = arith.constant 1280 : i32
      %parallel_loop3A_1169 = arith.addi %parallel_loop3A_1168, %parallel_loop3A_1167 : i32
      %parallel_loop3A_1170 = arith.index_cast %parallel_loop3A_1169 : i32 to index
      %parallel_loop3A_1171 = tpu.vector_load %arg16[%parallel_loop3A_1170] {strides = array<i32>} : memref<10240xf32, #tpu.memory_space<vmem>>, vector<16xf32>,
      %parallel_loop3A_1172 = arith.addf %parallel_loop3A_1165, %parallel_loop3A_1171 : vector<16xf32>
      %parallel_loop3A_1173 = arith.constant 16 : i32
      %parallel_loop3A_1174 = arith.muli %parallel_loop3A_1154, %parallel_loop3A_1173 : i32
      %parallel_loop3A_1175 = arith.constant 1920 : i32
      %parallel_loop3A_1176 = arith.addi %parallel_loop3A_1175, %parallel_loop3A_1174 : i32
      %parallel_loop3A_1177 = arith.index_cast %parallel_loop3A_1176 : i32 to index
      %parallel_loop3A_1178 = tpu.vector_load %arg16[%parallel_loop3A_1177] {strides = array<i32>} : memref<10240xf32, #tpu.memory_space<vmem>>, vector<16xf32>,
      %parallel_loop3A_1179 = arith.addf %parallel_loop3A_1172, %parallel_loop3A_1178 : vector<16xf32>
      %parallel_loop3A_1180 = arith.constant 16 : i32
      %parallel_loop3A_1181 = arith.muli %parallel_loop3A_1154, %parallel_loop3A_1180 : i32
      %parallel_loop3A_1182 = arith.constant 2560 : i32
      %parallel_loop3A_1183 = arith.addi %parallel_loop3A_1182, %parallel_loop3A_1181 : i32
      %parallel_loop3A_1184 = arith.index_cast %parallel_loop3A_1183 : i32 to index
      %parallel_loop3A_1185 = tpu.vector_load %arg16[%parallel_loop3A_1184] {strides = array<i32>} : memref<10240xf32, #tpu.memory_space<vmem>>, vector<16xf32>,
      %parallel_loop3A_1186 = arith.addf %parallel_loop3A_1179, %parallel_loop3A_1185 : vector<16xf32>
      %parallel_loop3A_1187 = arith.constant 16 : i32
      %parallel_loop3A_1188 = arith.muli %parallel_loop3A_1154, %parallel_loop3A_1187 : i32
      %parallel_loop3A_1189 = arith.constant 3200 : i32
      %parallel_loop3A_1190 = arith.addi %parallel_loop3A_1189, %parallel_loop3A_1188 : i32
      %parallel_loop3A_1191 = arith.index_cast %parallel_loop3A_1190 : i32 to index
      %parallel_loop3A_1192 = tpu.vector_load %arg16[%parallel_loop3A_1191] {strides = array<i32>} : memref<10240xf32, #tpu.memory_space<vmem>>, vector<16xf32>,
      %parallel_loop3A_1193 = arith.addf %parallel_loop3A_1186, %parallel_loop3A_1192 : vector<16xf32>
      %parallel_loop3A_1194 = arith.constant 16 : i32
      %parallel_loop3A_1195 = arith.muli %parallel_loop3A_1154, %parallel_loop3A_1194 : i32
      %parallel_loop3A_1196 = arith.constant 3840 : i32
      %parallel_loop3A_1197 = arith.addi %parallel_loop3A_1196, %parallel_loop3A_1195 : i32
      %parallel_loop3A_1198 = arith.index_cast %parallel_loop3A_1197 : i32 to index
      %parallel_loop3A_1199 = tpu.vector_load %arg16[%parallel_loop3A_1198] {strides = array<i32>} : memref<10240xf32, #tpu.memory_space<vmem>>, vector<16xf32>,
      %parallel_loop3A_1200 = arith.addf %parallel_loop3A_1193, %parallel_loop3A_1199 : vector<16xf32>
      %parallel_loop3A_1201 = arith.constant 16 : i32
      %parallel_loop3A_1202 = arith.muli %parallel_loop3A_1154, %parallel_loop3A_1201 : i32
      %parallel_loop3A_1203 = arith.constant 4480 : i32
      %parallel_loop3A_1204 = arith.addi %parallel_loop3A_1203, %parallel_loop3A_1202 : i32
      %parallel_loop3A_1205 = arith.index_cast %parallel_loop3A_1204 : i32 to index
      %parallel_loop3A_1206 = tpu.vector_load %arg16[%parallel_loop3A_1205] {strides = array<i32>} : memref<10240xf32, #tpu.memory_space<vmem>>, vector<16xf32>,
      %parallel_loop3A_1207 = arith.addf %parallel_loop3A_1200, %parallel_loop3A_1206 : vector<16xf32>
      %parallel_loop3A_1208 = arith.constant 16 : i32
      %parallel_loop3A_1209 = arith.muli %parallel_loop3A_1154, %parallel_loop3A_1208 : i32
      %parallel_loop3A_1210 = arith.constant 5120 : i32
      %parallel_loop3A_1211 = arith.addi %parallel_loop3A_1210, %parallel_loop3A_1209 : i32
      %parallel_loop3A_1212 = arith.index_cast %parallel_loop3A_1211 : i32 to index
      %parallel_loop3A_1213 = tpu.vector_load %arg16[%parallel_loop3A_1212] {strides = array<i32>} : memref<10240xf32, #tpu.memory_space<vmem>>, vector<16xf32>,
      %parallel_loop3A_1214 = arith.addf %parallel_loop3A_1207, %parallel_loop3A_1213 : vector<16xf32>
      %parallel_loop3A_1215 = arith.constant 16 : i32
      %parallel_loop3A_1216 = arith.muli %parallel_loop3A_1154, %parallel_loop3A_1215 : i32
      %parallel_loop3A_1217 = arith.constant 5760 : i32
      %parallel_loop3A_1218 = arith.addi %parallel_loop3A_1217, %parallel_loop3A_1216 : i32
      %parallel_loop3A_1219 = arith.index_cast %parallel_loop3A_1218 : i32 to index
      %parallel_loop3A_1220 = tpu.vector_load %arg16[%parallel_loop3A_1219] {strides = array<i32>} : memref<10240xf32, #tpu.memory_space<vmem>>, vector<16xf32>,
      %parallel_loop3A_1221 = arith.addf %parallel_loop3A_1214, %parallel_loop3A_1220 : vector<16xf32>
      %parallel_loop3A_1222 = arith.constant 16 : i32
      %parallel_loop3A_1223 = arith.muli %parallel_loop3A_1154, %parallel_loop3A_1222 : i32
      %parallel_loop3A_1224 = arith.constant 6400 : i32
      %parallel_loop3A_1225 = arith.addi %parallel_loop3A_1224, %parallel_loop3A_1223 : i32
      %parallel_loop3A_1226 = arith.index_cast %parallel_loop3A_1225 : i32 to index
      %parallel_loop3A_1227 = tpu.vector_load %arg16[%parallel_loop3A_1226] {strides = array<i32>} : memref<10240xf32, #tpu.memory_space<vmem>>, vector<16xf32>,
      %parallel_loop3A_1228 = arith.addf %parallel_loop3A_1221, %parallel_loop3A_1227 : vector<16xf32>
      %parallel_loop3A_1229 = arith.constant 16 : i32
      %parallel_loop3A_1230 = arith.muli %parallel_loop3A_1154, %parallel_loop3A_1229 : i32
      %parallel_loop3A_1231 = arith.constant 7040 : i32
      %parallel_loop3A_1232 = arith.addi %parallel_loop3A_1231, %parallel_loop3A_1230 : i32
      %parallel_loop3A_1233 = arith.index_cast %parallel_loop3A_1232 : i32 to index
      %parallel_loop3A_1234 = tpu.vector_load %arg16[%parallel_loop3A_1233] {strides = array<i32>} : memref<10240xf32, #tpu.memory_space<vmem>>, vector<16xf32>,
      %parallel_loop3A_1235 = arith.addf %parallel_loop3A_1228, %parallel_loop3A_1234 : vector<16xf32>
      %parallel_loop3A_1236 = arith.constant 16 : i32
      %parallel_loop3A_1237 = arith.muli %parallel_loop3A_1154, %parallel_loop3A_1236 : i32
      %parallel_loop3A_1238 = arith.constant 7680 : i32
      %parallel_loop3A_1239 = arith.addi %parallel_loop3A_1238, %parallel_loop3A_1237 : i32
      %parallel_loop3A_1240 = arith.index_cast %parallel_loop3A_1239 : i32 to index
      %parallel_loop3A_1241 = tpu.vector_load %arg16[%parallel_loop3A_1240] {strides = array<i32>} : memref<10240xf32, #tpu.memory_space<vmem>>, vector<16xf32>,
      %parallel_loop3A_1242 = arith.addf %parallel_loop3A_1235, %parallel_loop3A_1241 : vector<16xf32>
      %parallel_loop3A_1243 = arith.constant 16 : i32
      %parallel_loop3A_1244 = arith.muli %parallel_loop3A_1154, %parallel_loop3A_1243 : i32
      %parallel_loop3A_1245 = arith.constant 8320 : i32
      %parallel_loop3A_1246 = arith.addi %parallel_loop3A_1245, %parallel_loop3A_1244 : i32
      %parallel_loop3A_1247 = arith.index_cast %parallel_loop3A_1246 : i32 to index
      %parallel_loop3A_1248 = tpu.vector_load %arg16[%parallel_loop3A_1247] {strides = array<i32>} : memref<10240xf32, #tpu.memory_space<vmem>>, vector<16xf32>,
      %parallel_loop3A_1249 = arith.addf %parallel_loop3A_1242, %parallel_loop3A_1248 : vector<16xf32>
      %parallel_loop3A_1250 = arith.constant 16 : i32
      %parallel_loop3A_1251 = arith.muli %parallel_loop3A_1154, %parallel_loop3A_1250 : i32
      %parallel_loop3A_1252 = arith.constant 8960 : i32
      %parallel_loop3A_1253 = arith.addi %parallel_loop3A_1252, %parallel_loop3A_1251 : i32
      %parallel_loop3A_1254 = arith.index_cast %parallel_loop3A_1253 : i32 to index
      %parallel_loop3A_1255 = tpu.vector_load %arg16[%parallel_loop3A_1254] {strides = array<i32>} : memref<10240xf32, #tpu.memory_space<vmem>>, vector<16xf32>,
      %parallel_loop3A_1256 = arith.addf %parallel_loop3A_1249, %parallel_loop3A_1255 : vector<16xf32>
      %parallel_loop3A_1257 = arith.constant 16 : i32
      %parallel_loop3A_1258 = arith.muli %parallel_loop3A_1154, %parallel_loop3A_1257 : i32
      %parallel_loop3A_1259 = arith.constant 9600 : i32
      %parallel_loop3A_1260 = arith.addi %parallel_loop3A_1259, %parallel_loop3A_1258 : i32
      %parallel_loop3A_1261 = arith.index_cast %parallel_loop3A_1260 : i32 to index
      %parallel_loop3A_1262 = tpu.vector_load %arg16[%parallel_loop3A_1261] {strides = array<i32>} : memref<10240xf32, #tpu.memory_space<vmem>>, vector<16xf32>,
      %parallel_loop3A_1263 = arith.addf %parallel_loop3A_1256, %parallel_loop3A_1262 : vector<16xf32>
      %parallel_loop3A_1264 = arith.constant 1.000000e+00 : f32
      %parallel_loop3A_1265 = vector.broadcast %parallel_loop3A_1264 : f32 to vector<16xf32>
      %parallel_loop3A_1266 = arith.addf %parallel_loop3A_1263, %parallel_loop3A_1265 : vector<16xf32>
      %parallel_loop3A_1267 = vector.bitcast %parallel_loop3A_1266 : vector<16xf32> to vector<16xi32>
      %parallel_loop3A_1268 = arith.constant 1 : i32
      %parallel_loop3A_1269 = vector.broadcast %parallel_loop3A_1268 : i32 to vector<16xi32>
      %parallel_loop3A_1270 = arith.shrui %parallel_loop3A_1267, %parallel_loop3A_1269 : vector<16xi32>
      %parallel_loop3A_1271 = arith.constant 1597463007 : i32
      %parallel_loop3A_1272 = vector.broadcast %parallel_loop3A_1271 : i32 to vector<16xi32>
      %parallel_loop3A_1273 = arith.subi %parallel_loop3A_1272, %parallel_loop3A_1270 : vector<16xi32>
      %parallel_loop3A_1274 = vector.bitcast %parallel_loop3A_1273 : vector<16xi32> to vector<16xf32>
      %parallel_loop3A_1275 = arith.constant 5.000000e-01 : f32
      %parallel_loop3A_1276 = vector.broadcast %parallel_loop3A_1275 : f32 to vector<16xf32>
      %parallel_loop3A_1277 = arith.mulf %parallel_loop3A_1276, %parallel_loop3A_1266 : vector<16xf32>
      %parallel_loop3A_1278 = arith.mulf %parallel_loop3A_1277, %parallel_loop3A_1274 : vector<16xf32>
      %parallel_loop3A_1279 = arith.mulf %parallel_loop3A_1278, %parallel_loop3A_1274 : vector<16xf32>
      %parallel_loop3A_1280 = arith.constant 1.500000e+00 : f32
      %parallel_loop3A_1281 = vector.broadcast %parallel_loop3A_1280 : f32 to vector<16xf32>
      %parallel_loop3A_1282 = arith.subf %parallel_loop3A_1281, %parallel_loop3A_1279 : vector<16xf32>
      %parallel_loop3A_1283 = arith.mulf %parallel_loop3A_1274, %parallel_loop3A_1282 : vector<16xf32>
      %parallel_loop3A_1284 = arith.constant 5.000000e-01 : f32
      %parallel_loop3A_1285 = vector.broadcast %parallel_loop3A_1284 : f32 to vector<16xf32>
      %parallel_loop3A_1286 = arith.mulf %parallel_loop3A_1285, %parallel_loop3A_1266 : vector<16xf32>
      %parallel_loop3A_1287 = arith.mulf %parallel_loop3A_1286, %parallel_loop3A_1283 : vector<16xf32>
      %parallel_loop3A_1288 = arith.mulf %parallel_loop3A_1287, %parallel_loop3A_1283 : vector<16xf32>
      %parallel_loop3A_1289 = arith.constant 1.500000e+00 : f32
      %parallel_loop3A_1290 = vector.broadcast %parallel_loop3A_1289 : f32 to vector<16xf32>
      %parallel_loop3A_1291 = arith.subf %parallel_loop3A_1290, %parallel_loop3A_1288 : vector<16xf32>
      %parallel_loop3A_1292 = arith.mulf %parallel_loop3A_1283, %parallel_loop3A_1291 : vector<16xf32>
      %parallel_loop3A_1293 = arith.constant 5.000000e-01 : f32
      %parallel_loop3A_1294 = vector.broadcast %parallel_loop3A_1293 : f32 to vector<16xf32>
      %parallel_loop3A_1295 = arith.mulf %parallel_loop3A_1294, %parallel_loop3A_1266 : vector<16xf32>
      %parallel_loop3A_1296 = arith.mulf %parallel_loop3A_1295, %parallel_loop3A_1292 : vector<16xf32>
      %parallel_loop3A_1297 = arith.mulf %parallel_loop3A_1296, %parallel_loop3A_1292 : vector<16xf32>
      %parallel_loop3A_1298 = arith.constant 1.500000e+00 : f32
      %parallel_loop3A_1299 = vector.broadcast %parallel_loop3A_1298 : f32 to vector<16xf32>
      %parallel_loop3A_1300 = arith.subf %parallel_loop3A_1299, %parallel_loop3A_1297 : vector<16xf32>
      %parallel_loop3A_1301 = arith.mulf %parallel_loop3A_1292, %parallel_loop3A_1300 : vector<16xf32>
      %parallel_loop3A_1302 = arith.constant 16 : i32
      %parallel_loop3A_1303 = arith.muli %parallel_loop3A_1154, %parallel_loop3A_1302 : i32
      %parallel_loop3A_1304 = arith.index_cast %parallel_loop3A_1303 : i32 to index
      %parallel_loop3A_1305 = tpu.vector_load %arg19[%parallel_loop3A_1304] {strides = array<i32>} : memref<1280xf32, #tpu.memory_space<vmem>>, vector<16xf32>,
      tpu.vector_store %arg19[%parallel_loop3A_1304], %parallel_loop3A_1301 {strides = array<i32>} : memref<1280xf32, #tpu.memory_space<vmem>>, vector<16xf32>,
    } {sc.loop_unroll_factor = 2 : i64, sc.parallel_access}
    %mul3A_469 = arith.constant 640 : i32
    %mul3A_470 = arith.muli %arg1, %mul3A_469 : i32
    %multiple_of3A_471 = tpu.assume_multiple %mul3A_470, 640 : i32
    "tpu.region"() ({
      %run_scoped3A = tpu.sem_alloc : memref<!tpu.dma_semaphore, #tpu.memory_space<semaphore_mem>>
      %dma_start3A_1154 = arith.constant 0 : i32
      %dma_start3A_1155 = tpu.memref_slice %arg19[%dma_start3A_1154] : memref<1280xf32, #tpu.memory_space<vmem>> -> memref<640xf32, #tpu.memory_space<vmem>>
      %dma_start3A_1156 = tpu.memref_slice %arg21[%multiple_of3A_471] : memref<10240xf32, #tpu.memory_space<vmem_shared>> -> memref<640xf32, #tpu.memory_space<vmem_shared>>
      %dma_start3A_1157 = tpu.memref_slice %arg21[%multiple_of3A_471] : memref<10240xf32, #tpu.memory_space<vmem_shared>> -> memref<640xf32, #tpu.memory_space<vmem_shared>>
      %dma_start3A_1158 = arith.constant 0 : i32
      %dma_start3A_1159 = tpu.memref_slice %arg19[%dma_start3A_1158] : memref<1280xf32, #tpu.memory_space<vmem>> -> memref<640xf32, #tpu.memory_space<vmem>>
      tpu.enqueue_dma source(%dma_start3A_1159 : memref<640xf32, #tpu.memory_space<vmem>>) target(%dma_start3A_1157 : memref<640xf32, #tpu.memory_space<vmem_shared>>) target_semaphore(%run_scoped3A : memref<!tpu.dma_semaphore, #tpu.memory_space<semaphore_mem>>)
      %dma_wait3A_1160 = arith.constant 0 : i32
      %dma_wait3A_1161 = tpu.memref_slice %arg19[%dma_wait3A_1160] : memref<1280xf32, #tpu.memory_space<vmem>> -> memref<640xf32, #tpu.memory_space<vmem>>
      %dma_wait3A_1162 = tpu.memref_slice %arg21[%multiple_of3A_471] : memref<10240xf32, #tpu.memory_space<vmem_shared>> -> memref<640xf32, #tpu.memory_space<vmem_shared>>
      %dma_wait3A_1163 = tpu.memref_slice %arg21[%multiple_of3A_471] : memref<10240xf32, #tpu.memory_space<vmem_shared>> -> memref<640xf32, #tpu.memory_space<vmem_shared>>
      %dma_wait3A_1164 = arith.constant 0 : i32
      %dma_wait3A_1165 = tpu.memref_slice %arg19[%dma_wait3A_1164] : memref<1280xf32, #tpu.memory_space<vmem>> -> memref<640xf32, #tpu.memory_space<vmem>>
      tpu.wait_dma2 semaphore(%run_scoped3A : memref<!tpu.dma_semaphore, #tpu.memory_space<semaphore_mem>>) src(%dma_wait3A_1165 : memref<640xf32, #tpu.memory_space<vmem>>) dst(%dma_wait3A_1163 : memref<640xf32, #tpu.memory_space<vmem_shared>>)
      tpu.yield
    }) : () -> ()
    %barrier3A_472 = arith.constant 0 : index
    tpu.barrier barrier_id(%barrier3A_472)
    "tpu.region"() ({
      %run_scoped3A = tpu.sem_alloc : memref<!tpu.dma_semaphore, #tpu.memory_space<semaphore_mem>>
      tpu.enqueue_dma source(%arg21 : memref<10240xf32, #tpu.memory_space<vmem_shared>>) target(%arg16 : memref<10240xf32, #tpu.memory_space<vmem>>) target_semaphore(%run_scoped3A : memref<!tpu.dma_semaphore, #tpu.memory_space<semaphore_mem>>)
      tpu.wait_dma2 semaphore(%run_scoped3A : memref<!tpu.dma_semaphore, #tpu.memory_space<semaphore_mem>>) src(%arg21 : memref<10240xf32, #tpu.memory_space<vmem_shared>>) dst(%arg16 : memref<10240xf32, #tpu.memory_space<vmem>>)
      tpu.yield
    }) : () -> ()
    %dma_wait3A_473 = arith.constant 2 : i32
    %dma_wait3A_474 = arith.constant 0 : i32
    %dma_wait3A_475 = tpu.memref_slice %arg2[%dma_wait3A_474] : memref<1280000xf32, #tpu.memory_space<hbm>> -> memref<10000xf32, #tpu.memory_space<hbm>>
    %dma_wait3A_476 = tpu.memref_slice %arg22[%dma_wait3A_473] : memref<3x!tpu.dma_semaphore, #tpu.memory_space<semaphore_mem>> -> memref<1x!tpu.dma_semaphore, #tpu.memory_space<semaphore_mem>>
    %dma_wait3A_477 = tpu.memref_squeeze %dma_wait3A_476 : memref<1x!tpu.dma_semaphore, #tpu.memory_space<semaphore_mem>> -> memref<!tpu.dma_semaphore, #tpu.memory_space<semaphore_mem>>
    %dma_wait3A_478 = arith.constant 0 : i32
    %dma_wait3A_479 = tpu.memref_slice %arg2[%dma_wait3A_478] : memref<1280000xf32, #tpu.memory_space<hbm>> -> memref<10000xf32, #tpu.memory_space<hbm>>
    tpu.wait_dma2 semaphore(%dma_wait3A_477 : memref<!tpu.dma_semaphore, #tpu.memory_space<semaphore_mem>>) src(%dma_wait3A_479 : memref<10000xf32, #tpu.memory_space<hbm>>) dst(%arg12 : memref<10000xf32, #tpu.memory_space<vmem>>)
    %dma_wait3A_480 = arith.constant 2 : i32
    %dma_wait3A_481 = arith.constant 0 : i32
    %dma_wait3A_482 = tpu.memref_slice %arg2[%dma_wait3A_481] : memref<1280000xf32, #tpu.memory_space<hbm>> -> memref<10000xf32, #tpu.memory_space<hbm>>
    %dma_wait3A_483 = tpu.memref_slice %arg22[%dma_wait3A_480] : memref<3x!tpu.dma_semaphore, #tpu.memory_space<semaphore_mem>> -> memref<1x!tpu.dma_semaphore, #tpu.memory_space<semaphore_mem>>
    %dma_wait3A_484 = tpu.memref_squeeze %dma_wait3A_483 : memref<1x!tpu.dma_semaphore, #tpu.memory_space<semaphore_mem>> -> memref<!tpu.dma_semaphore, #tpu.memory_space<semaphore_mem>>
    %dma_wait3A_485 = arith.constant 0 : i32
    %dma_wait3A_486 = tpu.memref_slice %arg2[%dma_wait3A_485] : memref<1280000xf32, #tpu.memory_space<hbm>> -> memref<10000xf32, #tpu.memory_space<hbm>>
    tpu.wait_dma2 semaphore(%dma_wait3A_484 : memref<!tpu.dma_semaphore, #tpu.memory_space<semaphore_mem>>) src(%dma_wait3A_486 : memref<10000xf32, #tpu.memory_space<hbm>>) dst(%arg13 : memref<10000xf32, #tpu.memory_space<vmem>>)
    %dma_wait3A_487 = arith.constant 2 : i32
    %dma_wait3A_488 = arith.constant 0 : i32
    %dma_wait3A_489 = tpu.memref_slice %arg2[%dma_wait3A_488] : memref<1280000xf32, #tpu.memory_space<hbm>> -> memref<10000xf32, #tpu.memory_space<hbm>>
    %dma_wait3A_490 = tpu.memref_slice %arg22[%dma_wait3A_487] : memref<3x!tpu.dma_semaphore, #tpu.memory_space<semaphore_mem>> -> memref<1x!tpu.dma_semaphore, #tpu.memory_space<semaphore_mem>>
    %dma_wait3A_491 = tpu.memref_squeeze %dma_wait3A_490 : memref<1x!tpu.dma_semaphore, #tpu.memory_space<semaphore_mem>> -> memref<!tpu.dma_semaphore, #tpu.memory_space<semaphore_mem>>
    %dma_wait3A_492 = arith.constant 0 : i32
    %dma_wait3A_493 = tpu.memref_slice %arg2[%dma_wait3A_492] : memref<1280000xf32, #tpu.memory_space<hbm>> -> memref<10000xf32, #tpu.memory_space<hbm>>
    tpu.wait_dma2 semaphore(%dma_wait3A_491 : memref<!tpu.dma_semaphore, #tpu.memory_space<semaphore_mem>>) src(%dma_wait3A_493 : memref<10000xf32, #tpu.memory_space<hbm>>) dst(%arg14 : memref<10000xf32, #tpu.memory_space<vmem>>)
    %dma_wait3A_494 = arith.constant 2 : i32
    %dma_wait3A_495 = arith.constant 0 : i32
    %dma_wait3A_496 = tpu.memref_slice %arg2[%dma_wait3A_495] : memref<1280000xf32, #tpu.memory_space<hbm>> -> memref<10000xf32, #tpu.memory_space<hbm>>
    %dma_wait3A_497 = tpu.memref_slice %arg22[%dma_wait3A_494] : memref<3x!tpu.dma_semaphore, #tpu.memory_space<semaphore_mem>> -> memref<1x!tpu.dma_semaphore, #tpu.memory_space<semaphore_mem>>
    %dma_wait3A_498 = tpu.memref_squeeze %dma_wait3A_497 : memref<1x!tpu.dma_semaphore, #tpu.memory_space<semaphore_mem>> -> memref<!tpu.dma_semaphore, #tpu.memory_space<semaphore_mem>>
    %dma_wait3A_499 = arith.constant 0 : i32
    %dma_wait3A_500 = tpu.memref_slice %arg2[%dma_wait3A_499] : memref<1280000xf32, #tpu.memory_space<hbm>> -> memref<10000xf32, #tpu.memory_space<hbm>>
    tpu.wait_dma2 semaphore(%dma_wait3A_498 : memref<!tpu.dma_semaphore, #tpu.memory_space<semaphore_mem>>) src(%dma_wait3A_500 : memref<10000xf32, #tpu.memory_space<hbm>>) dst(%arg15 : memref<10000xf32, #tpu.memory_space<vmem>>)
    %parallel_loop3A_501 = arith.constant 0 : i32
    %parallel_loop3A_502 = arith.constant 625 : i32
    %parallel_loop3A_503 = arith.constant 1 : i32
    scf.for %parallel_loop3A_1154 = %parallel_loop3A_501 to %parallel_loop3A_502 step %parallel_loop3A_503  : i32 {
      %parallel_loop3A_1155 = arith.constant 16 : i32
      %parallel_loop3A_1156 = arith.muli %parallel_loop3A_1154, %parallel_loop3A_1155 : i32
      %parallel_loop3A_1157 = arith.index_cast %parallel_loop3A_1156 : i32 to index
      %parallel_loop3A_1158 = tpu.vector_load %arg16[%parallel_loop3A_1157] {strides = array<i32>} : memref<10240xf32, #tpu.memory_space<vmem>>, vector<16xf32>,
      %parallel_loop3A_1159 = arith.constant 16 : i32
      %parallel_loop3A_1160 = arith.muli %parallel_loop3A_1154, %parallel_loop3A_1159 : i32
      %parallel_loop3A_1161 = arith.index_cast %parallel_loop3A_1160 : i32 to index
      %parallel_loop3A_1162 = tpu.vector_load %arg12[%parallel_loop3A_1161] {strides = array<i32>} : memref<10000xf32, #tpu.memory_space<vmem>>, vector<16xf32>,
      %parallel_loop3A_1163 = arith.mulf %parallel_loop3A_1162, %parallel_loop3A_1158 : vector<16xf32>
      %parallel_loop3A_1164 = arith.constant 16 : i32
      %parallel_loop3A_1165 = arith.muli %parallel_loop3A_1154, %parallel_loop3A_1164 : i32
      %parallel_loop3A_1166 = arith.index_cast %parallel_loop3A_1165 : i32 to index
      %parallel_loop3A_1167 = tpu.vector_load %arg13[%parallel_loop3A_1166] {strides = array<i32>} : memref<10000xf32, #tpu.memory_space<vmem>>, vector<16xf32>,
      %parallel_loop3A_1168 = arith.mulf %parallel_loop3A_1167, %parallel_loop3A_1158 : vector<16xf32>
      %parallel_loop3A_1169 = arith.constant 16 : i32
      %parallel_loop3A_1170 = arith.muli %parallel_loop3A_1154, %parallel_loop3A_1169 : i32
      %parallel_loop3A_1171 = arith.index_cast %parallel_loop3A_1170 : i32 to index
      %parallel_loop3A_1172 = tpu.vector_load %arg12[%parallel_loop3A_1171] {strides = array<i32>} : memref<10000xf32, #tpu.memory_space<vmem>>, vector<16xf32>,
      tpu.vector_store %arg12[%parallel_loop3A_1171], %parallel_loop3A_1163 {strides = array<i32>} : memref<10000xf32, #tpu.memory_space<vmem>>, vector<16xf32>,
      %parallel_loop3A_1173 = arith.constant 16 : i32
      %parallel_loop3A_1174 = arith.muli %parallel_loop3A_1154, %parallel_loop3A_1173 : i32
      %parallel_loop3A_1175 = arith.index_cast %parallel_loop3A_1174 : i32 to index
      %parallel_loop3A_1176 = tpu.vector_load %arg13[%parallel_loop3A_1175] {strides = array<i32>} : memref<10000xf32, #tpu.memory_space<vmem>>, vector<16xf32>,
      tpu.vector_store %arg13[%parallel_loop3A_1175], %parallel_loop3A_1168 {strides = array<i32>} : memref<10000xf32, #tpu.memory_space<vmem>>, vector<16xf32>,
      %parallel_loop3A_1177 = tpu.pack_subelements %parallel_loop3A_1163, %parallel_loop3A_1168 {pack_format = #tpu.pack_format<interleaved>, positions = array<i32: 0, 1>} : vector<16xf32>, vector<16xf32> -> vector<32xbf16>
      %parallel_loop3A_1178 = vector.bitcast %parallel_loop3A_1177 : vector<32xbf16> to vector<16xi32>
      %parallel_loop3A_1179 = arith.constant 16 : i32
      %parallel_loop3A_1180 = arith.muli %parallel_loop3A_1154, %parallel_loop3A_1179 : i32
      %parallel_loop3A_1181 = arith.index_cast %parallel_loop3A_1180 : i32 to index
      %parallel_loop3A_1182 = tpu.vector_load %arg10[%parallel_loop3A_1181] {strides = array<i32>} : memref<10000xi32, #tpu.memory_space<vmem>>, vector<16xi32>,
      tpu.vector_store %arg10[%parallel_loop3A_1181], %parallel_loop3A_1178 {strides = array<i32>} : memref<10000xi32, #tpu.memory_space<vmem>>, vector<16xi32>,
    } {sc.loop_unroll_factor = 4 : i64, sc.parallel_access}
    %parallel_loop3A_504 = arith.constant 0 : i32
    %parallel_loop3A_505 = arith.constant 625 : i32
    %parallel_loop3A_506 = arith.constant 1 : i32
    scf.for %parallel_loop3A_1154 = %parallel_loop3A_504 to %parallel_loop3A_505 step %parallel_loop3A_506  : i32 {
      %parallel_loop3A_1155 = arith.constant 16 : i32
      %parallel_loop3A_1156 = arith.muli %parallel_loop3A_1154, %parallel_loop3A_1155 : i32
      %parallel_loop3A_1157 = arith.index_cast %parallel_loop3A_1156 : i32 to index
      %parallel_loop3A_1158 = tpu.vector_load %arg16[%parallel_loop3A_1157] {strides = array<i32>} : memref<10240xf32, #tpu.memory_space<vmem>>, vector<16xf32>,
      %parallel_loop3A_1159 = arith.constant 16 : i32
      %parallel_loop3A_1160 = arith.muli %parallel_loop3A_1154, %parallel_loop3A_1159 : i32
      %parallel_loop3A_1161 = arith.index_cast %parallel_loop3A_1160 : i32 to index
      %parallel_loop3A_1162 = tpu.vector_load %arg14[%parallel_loop3A_1161] {strides = array<i32>} : memref<10000xf32, #tpu.memory_space<vmem>>, vector<16xf32>,
      %parallel_loop3A_1163 = arith.mulf %parallel_loop3A_1162, %parallel_loop3A_1158 : vector<16xf32>
      %parallel_loop3A_1164 = arith.constant 16 : i32
      %parallel_loop3A_1165 = arith.muli %parallel_loop3A_1154, %parallel_loop3A_1164 : i32
      %parallel_loop3A_1166 = arith.index_cast %parallel_loop3A_1165 : i32 to index
      %parallel_loop3A_1167 = tpu.vector_load %arg15[%parallel_loop3A_1166] {strides = array<i32>} : memref<10000xf32, #tpu.memory_space<vmem>>, vector<16xf32>,
      %parallel_loop3A_1168 = arith.mulf %parallel_loop3A_1167, %parallel_loop3A_1158 : vector<16xf32>
      %parallel_loop3A_1169 = arith.constant 16 : i32
      %parallel_loop3A_1170 = arith.muli %parallel_loop3A_1154, %parallel_loop3A_1169 : i32
      %parallel_loop3A_1171 = arith.index_cast %parallel_loop3A_1170 : i32 to index
      %parallel_loop3A_1172 = tpu.vector_load %arg14[%parallel_loop3A_1171] {strides = array<i32>} : memref<10000xf32, #tpu.memory_space<vmem>>, vector<16xf32>,
      tpu.vector_store %arg14[%parallel_loop3A_1171], %parallel_loop3A_1163 {strides = array<i32>} : memref<10000xf32, #tpu.memory_space<vmem>>, vector<16xf32>,
      %parallel_loop3A_1173 = arith.constant 16 : i32
      %parallel_loop3A_1174 = arith.muli %parallel_loop3A_1154, %parallel_loop3A_1173 : i32
      %parallel_loop3A_1175 = arith.index_cast %parallel_loop3A_1174 : i32 to index
      %parallel_loop3A_1176 = tpu.vector_load %arg15[%parallel_loop3A_1175] {strides = array<i32>} : memref<10000xf32, #tpu.memory_space<vmem>>, vector<16xf32>,
      tpu.vector_store %arg15[%parallel_loop3A_1175], %parallel_loop3A_1168 {strides = array<i32>} : memref<10000xf32, #tpu.memory_space<vmem>>, vector<16xf32>,
      %parallel_loop3A_1177 = tpu.pack_subelements %parallel_loop3A_1163, %parallel_loop3A_1168 {pack_format = #tpu.pack_format<interleaved>, positions = array<i32: 0, 1>} : vector<16xf32>, vector<16xf32> -> vector<32xbf16>
      %parallel_loop3A_1178 = vector.bitcast %parallel_loop3A_1177 : vector<32xbf16> to vector<16xi32>
      %parallel_loop3A_1179 = arith.constant 16 : i32
      %parallel_loop3A_1180 = arith.muli %parallel_loop3A_1154, %parallel_loop3A_1179 : i32
      %parallel_loop3A_1181 = arith.index_cast %parallel_loop3A_1180 : i32 to index
      %parallel_loop3A_1182 = tpu.vector_load %arg11[%parallel_loop3A_1181] {strides = array<i32>} : memref<10000xi32, #tpu.memory_space<vmem>>, vector<16xi32>,
      tpu.vector_store %arg11[%parallel_loop3A_1181], %parallel_loop3A_1178 {strides = array<i32>} : memref<10000xi32, #tpu.memory_space<vmem>>, vector<16xi32>,
    } {sc.loop_unroll_factor = 4 : i64, sc.parallel_access}
    %multiple_of3A_507 = arith.constant 0 : i32
    %multiple_of3A_508 = tpu.assume_multiple %multiple_of3A_507, 3200 : i32
    %dma_start3A_509 = arith.constant 0 : i32
    %dma_start3A_510 = arith.constant 0 : i32
    %dma_start3A_511 = tpu.memref_slice %arg17[%dma_start3A_510] : memref<6400xi32, #tpu.memory_space<vmem>> -> memref<3200xi32, #tpu.memory_space<vmem>>
    %dma_start3A_512 = tpu.memref_slice %arg3[%multiple_of3A_508] : memref<320000xi32, #tpu.memory_space<hbm>> -> memref<3200xi32, #tpu.memory_space<hbm>>
    %dma_start3A_513 = tpu.memref_slice %arg22[%dma_start3A_509] : memref<3x!tpu.dma_semaphore, #tpu.memory_space<semaphore_mem>> -> memref<1x!tpu.dma_semaphore, #tpu.memory_space<semaphore_mem>>
    %dma_start3A_514 = tpu.memref_squeeze %dma_start3A_513 : memref<1x!tpu.dma_semaphore, #tpu.memory_space<semaphore_mem>> -> memref<!tpu.dma_semaphore, #tpu.memory_space<semaphore_mem>>
    %dma_start3A_515 = arith.constant 0 : i32
    %dma_start3A_516 = tpu.memref_slice %arg17[%dma_start3A_515] : memref<6400xi32, #tpu.memory_space<vmem>> -> memref<3200xi32, #tpu.memory_space<vmem>>
    %dma_start3A_517 = tpu.memref_slice %arg3[%multiple_of3A_508] : memref<320000xi32, #tpu.memory_space<hbm>> -> memref<3200xi32, #tpu.memory_space<hbm>>
    tpu.enqueue_dma source(%dma_start3A_517 : memref<3200xi32, #tpu.memory_space<hbm>>) target(%dma_start3A_516 : memref<3200xi32, #tpu.memory_space<vmem>>) target_semaphore(%dma_start3A_514 : memref<!tpu.dma_semaphore, #tpu.memory_space<semaphore_mem>>)
    %dma_start3A_518 = arith.constant 0 : i32
    %dma_start3A_519 = arith.constant 0 : i32
    %dma_start3A_520 = tpu.memref_slice %arg18[%dma_start3A_519] : memref<6400xf32, #tpu.memory_space<vmem>> -> memref<3200xf32, #tpu.memory_space<vmem>>
    %dma_start3A_521 = tpu.memref_slice %arg4[%multiple_of3A_508] : memref<320000xf32, #tpu.memory_space<hbm>> -> memref<3200xf32, #tpu.memory_space<hbm>>
    %dma_start3A_522 = tpu.memref_slice %arg22[%dma_start3A_518] : memref<3x!tpu.dma_semaphore, #tpu.memory_space<semaphore_mem>> -> memref<1x!tpu.dma_semaphore, #tpu.memory_space<semaphore_mem>>
    %dma_start3A_523 = tpu.memref_squeeze %dma_start3A_522 : memref<1x!tpu.dma_semaphore, #tpu.memory_space<semaphore_mem>> -> memref<!tpu.dma_semaphore, #tpu.memory_space<semaphore_mem>>
    %dma_start3A_524 = arith.constant 0 : i32
    %dma_start3A_525 = tpu.memref_slice %arg18[%dma_start3A_524] : memref<6400xf32, #tpu.memory_space<vmem>> -> memref<3200xf32, #tpu.memory_space<vmem>>
    %dma_start3A_526 = tpu.memref_slice %arg4[%multiple_of3A_508] : memref<320000xf32, #tpu.memory_space<hbm>> -> memref<3200xf32, #tpu.memory_space<hbm>>
    tpu.enqueue_dma source(%dma_start3A_526 : memref<3200xf32, #tpu.memory_space<hbm>>) target(%dma_start3A_525 : memref<3200xf32, #tpu.memory_space<vmem>>) target_semaphore(%dma_start3A_523 : memref<!tpu.dma_semaphore, #tpu.memory_space<semaphore_mem>>)
    %scan3A_527 = arith.constant 0 : i32
    %scan3A_528 = arith.constant 0 : i32
    %scan3A_529 = arith.constant 50 : i32
    %scan3A_530 = arith.addi %scan3A_528, %scan3A_529 : i32
    %scan3A_531 = arith.constant 1 : i32
    %scan3A_532 = scf.for %scan3A_1154 = %scan3A_528 to %scan3A_530 step %scan3A_531 iter_args(%scan3A_1155 = %scan3A_527) -> (i32)  : i32 {
      %mul3A_1156 = arith.constant 2 : i32
      %mul3A_1157 = arith.muli %scan3A_1154, %mul3A_1156 : i32
      %add3A_1158 = arith.constant 0 : i32
      %add3A_1159 = arith.addi %mul3A_1157, %add3A_1158 : i32
      %add3A_1160 = arith.constant 1 : i32
      %add3A_1161 = arith.addi %add3A_1159, %add3A_1160 : i32
      %lt3A = arith.constant 100 : i32
      %lt3A_1162 = arith.cmpi slt, %add3A_1161, %lt3A : i32
      %convert_element_type3A = arith.extui %lt3A_1162 : i1 to i32
      %cond3A = arith.constant 0 : i32
      %cond3A_1163 = arith.cmpi ne, %convert_element_type3A, %cond3A : i32
      scf.if %cond3A_1163 {
        %add3A_1226 = arith.constant 1 : i32
        %add3A_1227 = arith.addi %add3A_1159, %add3A_1226 : i32
        %mul3A_1228 = arith.constant 3200 : i32
        %mul3A_1229 = arith.muli %add3A_1227, %mul3A_1228 : i32
        %multiple_of3A_1230 = tpu.assume_multiple %mul3A_1229, 3200 : i32
        %dma_start3A_1231 = arith.constant 1 : i32
        %dma_start3A_1232 = arith.constant 3200 : i32
        %dma_start3A_1233 = tpu.memref_slice %arg17[%dma_start3A_1232] : memref<6400xi32, #tpu.memory_space<vmem>> -> memref<3200xi32, #tpu.memory_space<vmem>>
        %dma_start3A_1234 = tpu.memref_slice %arg3[%multiple_of3A_1230] : memref<320000xi32, #tpu.memory_space<hbm>> -> memref<3200xi32, #tpu.memory_space<hbm>>
        %dma_start3A_1235 = tpu.memref_slice %arg22[%dma_start3A_1231] : memref<3x!tpu.dma_semaphore, #tpu.memory_space<semaphore_mem>> -> memref<1x!tpu.dma_semaphore, #tpu.memory_space<semaphore_mem>>
        %dma_start3A_1236 = tpu.memref_squeeze %dma_start3A_1235 : memref<1x!tpu.dma_semaphore, #tpu.memory_space<semaphore_mem>> -> memref<!tpu.dma_semaphore, #tpu.memory_space<semaphore_mem>>
        %dma_start3A_1237 = arith.constant 3200 : i32
        %dma_start3A_1238 = tpu.memref_slice %arg17[%dma_start3A_1237] : memref<6400xi32, #tpu.memory_space<vmem>> -> memref<3200xi32, #tpu.memory_space<vmem>>
        %dma_start3A_1239 = tpu.memref_slice %arg3[%multiple_of3A_1230] : memref<320000xi32, #tpu.memory_space<hbm>> -> memref<3200xi32, #tpu.memory_space<hbm>>
        tpu.enqueue_dma source(%dma_start3A_1239 : memref<3200xi32, #tpu.memory_space<hbm>>) target(%dma_start3A_1238 : memref<3200xi32, #tpu.memory_space<vmem>>) target_semaphore(%dma_start3A_1236 : memref<!tpu.dma_semaphore, #tpu.memory_space<semaphore_mem>>)
        %dma_start3A_1240 = arith.constant 1 : i32
        %dma_start3A_1241 = arith.constant 3200 : i32
        %dma_start3A_1242 = tpu.memref_slice %arg18[%dma_start3A_1241] : memref<6400xf32, #tpu.memory_space<vmem>> -> memref<3200xf32, #tpu.memory_space<vmem>>
        %dma_start3A_1243 = tpu.memref_slice %arg4[%multiple_of3A_1230] : memref<320000xf32, #tpu.memory_space<hbm>> -> memref<3200xf32, #tpu.memory_space<hbm>>
        %dma_start3A_1244 = tpu.memref_slice %arg22[%dma_start3A_1240] : memref<3x!tpu.dma_semaphore, #tpu.memory_space<semaphore_mem>> -> memref<1x!tpu.dma_semaphore, #tpu.memory_space<semaphore_mem>>
        %dma_start3A_1245 = tpu.memref_squeeze %dma_start3A_1244 : memref<1x!tpu.dma_semaphore, #tpu.memory_space<semaphore_mem>> -> memref<!tpu.dma_semaphore, #tpu.memory_space<semaphore_mem>>
        %dma_start3A_1246 = arith.constant 3200 : i32
        %dma_start3A_1247 = tpu.memref_slice %arg18[%dma_start3A_1246] : memref<6400xf32, #tpu.memory_space<vmem>> -> memref<3200xf32, #tpu.memory_space<vmem>>
        %dma_start3A_1248 = tpu.memref_slice %arg4[%multiple_of3A_1230] : memref<320000xf32, #tpu.memory_space<hbm>> -> memref<3200xf32, #tpu.memory_space<hbm>>
        tpu.enqueue_dma source(%dma_start3A_1248 : memref<3200xf32, #tpu.memory_space<hbm>>) target(%dma_start3A_1247 : memref<3200xf32, #tpu.memory_space<vmem>>) target_semaphore(%dma_start3A_1245 : memref<!tpu.dma_semaphore, #tpu.memory_space<semaphore_mem>>)
      } else {
      }
      %dma_wait3A_1164 = arith.constant 0 : i32
      %dma_wait3A_1165 = arith.constant 0 : i32
      %dma_wait3A_1166 = tpu.memref_slice %arg17[%dma_wait3A_1165] : memref<6400xi32, #tpu.memory_space<vmem>> -> memref<3200xi32, #tpu.memory_space<vmem>>
      %dma_wait3A_1167 = arith.constant 0 : i32
      %dma_wait3A_1168 = tpu.memref_slice %arg3[%dma_wait3A_1167] : memref<320000xi32, #tpu.memory_space<hbm>> -> memref<3200xi32, #tpu.memory_space<hbm>>
      %dma_wait3A_1169 = tpu.memref_slice %arg22[%dma_wait3A_1164] : memref<3x!tpu.dma_semaphore, #tpu.memory_space<semaphore_mem>> -> memref<1x!tpu.dma_semaphore, #tpu.memory_space<semaphore_mem>>
      %dma_wait3A_1170 = tpu.memref_squeeze %dma_wait3A_1169 : memref<1x!tpu.dma_semaphore, #tpu.memory_space<semaphore_mem>> -> memref<!tpu.dma_semaphore, #tpu.memory_space<semaphore_mem>>
      %dma_wait3A_1171 = arith.constant 0 : i32
      %dma_wait3A_1172 = tpu.memref_slice %arg17[%dma_wait3A_1171] : memref<6400xi32, #tpu.memory_space<vmem>> -> memref<3200xi32, #tpu.memory_space<vmem>>
      %dma_wait3A_1173 = arith.constant 0 : i32
      %dma_wait3A_1174 = tpu.memref_slice %arg3[%dma_wait3A_1173] : memref<320000xi32, #tpu.memory_space<hbm>> -> memref<3200xi32, #tpu.memory_space<hbm>>
      tpu.wait_dma2 semaphore(%dma_wait3A_1170 : memref<!tpu.dma_semaphore, #tpu.memory_space<semaphore_mem>>) src(%dma_wait3A_1174 : memref<3200xi32, #tpu.memory_space<hbm>>) dst(%dma_wait3A_1172 : memref<3200xi32, #tpu.memory_space<vmem>>)
      %dma_wait3A_1175 = arith.constant 0 : i32
      %dma_wait3A_1176 = arith.constant 0 : i32
      %dma_wait3A_1177 = tpu.memref_slice %arg18[%dma_wait3A_1176] : memref<6400xf32, #tpu.memory_space<vmem>> -> memref<3200xf32, #tpu.memory_space<vmem>>
      %dma_wait3A_1178 = arith.constant 0 : i32
      %dma_wait3A_1179 = tpu.memref_slice %arg4[%dma_wait3A_1178] : memref<320000xf32, #tpu.memory_space<hbm>> -> memref<3200xf32, #tpu.memory_space<hbm>>
      %dma_wait3A_1180 = tpu.memref_slice %arg22[%dma_wait3A_1175] : memref<3x!tpu.dma_semaphore, #tpu.memory_space<semaphore_mem>> -> memref<1x!tpu.dma_semaphore, #tpu.memory_space<semaphore_mem>>
      %dma_wait3A_1181 = tpu.memref_squeeze %dma_wait3A_1180 : memref<1x!tpu.dma_semaphore, #tpu.memory_space<semaphore_mem>> -> memref<!tpu.dma_semaphore, #tpu.memory_space<semaphore_mem>>
      %dma_wait3A_1182 = arith.constant 0 : i32
      %dma_wait3A_1183 = tpu.memref_slice %arg18[%dma_wait3A_1182] : memref<6400xf32, #tpu.memory_space<vmem>> -> memref<3200xf32, #tpu.memory_space<vmem>>
      %dma_wait3A_1184 = arith.constant 0 : i32
      %dma_wait3A_1185 = tpu.memref_slice %arg4[%dma_wait3A_1184] : memref<320000xf32, #tpu.memory_space<hbm>> -> memref<3200xf32, #tpu.memory_space<hbm>>
      tpu.wait_dma2 semaphore(%dma_wait3A_1181 : memref<!tpu.dma_semaphore, #tpu.memory_space<semaphore_mem>>) src(%dma_wait3A_1185 : memref<3200xf32, #tpu.memory_space<hbm>>) dst(%dma_wait3A_1183 : memref<3200xf32, #tpu.memory_space<vmem>>)
      %parallel_loop3A_1186 = arith.constant 0 : i32
      %parallel_loop3A_1187 = arith.constant 200 : i32
      %parallel_loop3A_1188 = arith.constant 1 : i32
      scf.for %parallel_loop3A_1226 = %parallel_loop3A_1186 to %parallel_loop3A_1187 step %parallel_loop3A_1188  : i32 {
        %parallel_loop3A_1227 = arith.constant 16 : i32
        %parallel_loop3A_1228 = arith.muli %parallel_loop3A_1226, %parallel_loop3A_1227 : i32
        %parallel_loop3A_1229 = arith.constant 0 : i32
        %parallel_loop3A_1230 = arith.addi %parallel_loop3A_1229, %parallel_loop3A_1228 : i32
        %parallel_loop3A_1231 = arith.index_cast %parallel_loop3A_1230 : i32 to index
        %parallel_loop3A_1232 = tpu.vector_load %arg17[%parallel_loop3A_1231] {strides = array<i32>} : memref<6400xi32, #tpu.memory_space<vmem>>, vector<16xi32>,
        %parallel_loop3A_1233 = arith.constant 14 : i32
        %parallel_loop3A_1234 = vector.broadcast %parallel_loop3A_1233 : i32 to vector<16xi32>
        %parallel_loop3A_1235 = arith.shrui %parallel_loop3A_1232, %parallel_loop3A_1234 : vector<16xi32>
        %parallel_loop3A_1236 = arith.constant 16383 : i32
        %parallel_loop3A_1237 = vector.broadcast %parallel_loop3A_1236 : i32 to vector<16xi32>
        %parallel_loop3A_1238 = arith.andi %parallel_loop3A_1232, %parallel_loop3A_1237 : vector<16xi32>
        %parallel_loop3A_1239 = arith.constant 16 : i32
        %parallel_loop3A_1240 = arith.muli %parallel_loop3A_1226, %parallel_loop3A_1239 : i32
        %parallel_loop3A_1241 = arith.constant 0 : i32
        %parallel_loop3A_1242 = arith.addi %parallel_loop3A_1241, %parallel_loop3A_1240 : i32
        %parallel_loop3A_1243 = arith.index_cast %parallel_loop3A_1242 : i32 to index
        %parallel_loop3A_1244 = tpu.vector_load %arg18[%parallel_loop3A_1243] {strides = array<i32>} : memref<6400xf32, #tpu.memory_space<vmem>>, vector<16xf32>,
        %parallel_loop3A_1245 = tpu.vector_load_idx %arg10[%parallel_loop3A_1235] : memref<10000xi32, #tpu.memory_space<vmem>>[vector<16xi32>], vector<16xi32>,
        %parallel_loop3A_1246 = vector.bitcast %parallel_loop3A_1245 : vector<16xi32> to vector<32xbf16>
        %parallel_loop3A_1247 = tpu.unpack_subelements %parallel_loop3A_1246, 0 {pack_format = #tpu.pack_format<interleaved>} : vector<32xbf16> -> vector<16xf32>
        %parallel_loop3A_1248 = tpu.unpack_subelements %parallel_loop3A_1246, 1 {pack_format = #tpu.pack_format<interleaved>} : vector<32xbf16> -> vector<16xf32>
        %parallel_loop3A_1249 = arith.mulf %parallel_loop3A_1247, %parallel_loop3A_1244 : vector<16xf32>
        tpu.vector_store_idx %arg12[%parallel_loop3A_1238], %parallel_loop3A_1249 {add = true} : memref<10000xf32, #tpu.memory_space<vmem>>[vector<16xi32>], vector<16xf32>,
        %parallel_loop3A_1250 = arith.mulf %parallel_loop3A_1248, %parallel_loop3A_1244 : vector<16xf32>
        tpu.vector_store_idx %arg13[%parallel_loop3A_1238], %parallel_loop3A_1250 {add = true} : memref<10000xf32, #tpu.memory_space<vmem>>[vector<16xi32>], vector<16xf32>,
        %parallel_loop3A_1251 = tpu.vector_load_idx %arg11[%parallel_loop3A_1235] : memref<10000xi32, #tpu.memory_space<vmem>>[vector<16xi32>], vector<16xi32>,
        %parallel_loop3A_1252 = vector.bitcast %parallel_loop3A_1251 : vector<16xi32> to vector<32xbf16>
        %parallel_loop3A_1253 = tpu.unpack_subelements %parallel_loop3A_1252, 0 {pack_format = #tpu.pack_format<interleaved>} : vector<32xbf16> -> vector<16xf32>
        %parallel_loop3A_1254 = tpu.unpack_subelements %parallel_loop3A_1252, 1 {pack_format = #tpu.pack_format<interleaved>} : vector<32xbf16> -> vector<16xf32>
        %parallel_loop3A_1255 = arith.mulf %parallel_loop3A_1253, %parallel_loop3A_1244 : vector<16xf32>
        tpu.vector_store_idx %arg14[%parallel_loop3A_1238], %parallel_loop3A_1255 {add = true} : memref<10000xf32, #tpu.memory_space<vmem>>[vector<16xi32>], vector<16xf32>,
        %parallel_loop3A_1256 = arith.mulf %parallel_loop3A_1254, %parallel_loop3A_1244 : vector<16xf32>
        tpu.vector_store_idx %arg15[%parallel_loop3A_1238], %parallel_loop3A_1256 {add = true} : memref<10000xf32, #tpu.memory_space<vmem>>[vector<16xi32>], vector<16xf32>,
      } {sc.loop_unroll_factor = 4 : i64, sc.parallel_access}
      %mul3A_1189 = arith.constant 2 : i32
      %mul3A_1190 = arith.muli %scan3A_1154, %mul3A_1189 : i32
      %add3A_1191 = arith.constant 1 : i32
      %add3A_1192 = arith.addi %mul3A_1190, %add3A_1191 : i32
      %add3A_1193 = arith.constant 1 : i32
      %add3A_1194 = arith.addi %add3A_1192, %add3A_1193 : i32
      %lt3A_1195 = arith.constant 100 : i32
      %lt3A_1196 = arith.cmpi slt, %add3A_1194, %lt3A_1195 : i32
      %convert_element_type3A_1197 = arith.extui %lt3A_1196 : i1 to i32
      %cond3A_1198 = arith.constant 0 : i32
      %cond3A_1199 = arith.cmpi ne, %convert_element_type3A_1197, %cond3A_1198 : i32
      scf.if %cond3A_1199 {
        %add3A_1226 = arith.constant 1 : i32
        %add3A_1227 = arith.addi %add3A_1192, %add3A_1226 : i32
        %mul3A_1228 = arith.constant 3200 : i32
        %mul3A_1229 = arith.muli %add3A_1227, %mul3A_1228 : i32
        %multiple_of3A_1230 = tpu.assume_multiple %mul3A_1229, 3200 : i32
        %dma_start3A_1231 = arith.constant 0 : i32
        %dma_start3A_1232 = arith.constant 0 : i32
        %dma_start3A_1233 = tpu.memref_slice %arg17[%dma_start3A_1232] : memref<6400xi32, #tpu.memory_space<vmem>> -> memref<3200xi32, #tpu.memory_space<vmem>>
        %dma_start3A_1234 = tpu.memref_slice %arg3[%multiple_of3A_1230] : memref<320000xi32, #tpu.memory_space<hbm>> -> memref<3200xi32, #tpu.memory_space<hbm>>
        %dma_start3A_1235 = tpu.memref_slice %arg22[%dma_start3A_1231] : memref<3x!tpu.dma_semaphore, #tpu.memory_space<semaphore_mem>> -> memref<1x!tpu.dma_semaphore, #tpu.memory_space<semaphore_mem>>
        %dma_start3A_1236 = tpu.memref_squeeze %dma_start3A_1235 : memref<1x!tpu.dma_semaphore, #tpu.memory_space<semaphore_mem>> -> memref<!tpu.dma_semaphore, #tpu.memory_space<semaphore_mem>>
        %dma_start3A_1237 = arith.constant 0 : i32
        %dma_start3A_1238 = tpu.memref_slice %arg17[%dma_start3A_1237] : memref<6400xi32, #tpu.memory_space<vmem>> -> memref<3200xi32, #tpu.memory_space<vmem>>
        %dma_start3A_1239 = tpu.memref_slice %arg3[%multiple_of3A_1230] : memref<320000xi32, #tpu.memory_space<hbm>> -> memref<3200xi32, #tpu.memory_space<hbm>>
        tpu.enqueue_dma source(%dma_start3A_1239 : memref<3200xi32, #tpu.memory_space<hbm>>) target(%dma_start3A_1238 : memref<3200xi32, #tpu.memory_space<vmem>>) target_semaphore(%dma_start3A_1236 : memref<!tpu.dma_semaphore, #tpu.memory_space<semaphore_mem>>)
        %dma_start3A_1240 = arith.constant 0 : i32
        %dma_start3A_1241 = arith.constant 0 : i32
        %dma_start3A_1242 = tpu.memref_slice %arg18[%dma_start3A_1241] : memref<6400xf32, #tpu.memory_space<vmem>> -> memref<3200xf32, #tpu.memory_space<vmem>>
        %dma_start3A_1243 = tpu.memref_slice %arg4[%multiple_of3A_1230] : memref<320000xf32, #tpu.memory_space<hbm>> -> memref<3200xf32, #tpu.memory_space<hbm>>
        %dma_start3A_1244 = tpu.memref_slice %arg22[%dma_start3A_1240] : memref<3x!tpu.dma_semaphore, #tpu.memory_space<semaphore_mem>> -> memref<1x!tpu.dma_semaphore, #tpu.memory_space<semaphore_mem>>
        %dma_start3A_1245 = tpu.memref_squeeze %dma_start3A_1244 : memref<1x!tpu.dma_semaphore, #tpu.memory_space<semaphore_mem>> -> memref<!tpu.dma_semaphore, #tpu.memory_space<semaphore_mem>>
        %dma_start3A_1246 = arith.constant 0 : i32
        %dma_start3A_1247 = tpu.memref_slice %arg18[%dma_start3A_1246] : memref<6400xf32, #tpu.memory_space<vmem>> -> memref<3200xf32, #tpu.memory_space<vmem>>
        %dma_start3A_1248 = tpu.memref_slice %arg4[%multiple_of3A_1230] : memref<320000xf32, #tpu.memory_space<hbm>> -> memref<3200xf32, #tpu.memory_space<hbm>>
        tpu.enqueue_dma source(%dma_start3A_1248 : memref<3200xf32, #tpu.memory_space<hbm>>) target(%dma_start3A_1247 : memref<3200xf32, #tpu.memory_space<vmem>>) target_semaphore(%dma_start3A_1245 : memref<!tpu.dma_semaphore, #tpu.memory_space<semaphore_mem>>)
      } else {
      }
      %dma_wait3A_1200 = arith.constant 1 : i32
      %dma_wait3A_1201 = arith.constant 3200 : i32
      %dma_wait3A_1202 = tpu.memref_slice %arg17[%dma_wait3A_1201] : memref<6400xi32, #tpu.memory_space<vmem>> -> memref<3200xi32, #tpu.memory_space<vmem>>
      %dma_wait3A_1203 = arith.constant 0 : i32
      %dma_wait3A_1204 = tpu.memref_slice %arg3[%dma_wait3A_1203] : memref<320000xi32, #tpu.memory_space<hbm>> -> memref<3200xi32, #tpu.memory_space<hbm>>
      %dma_wait3A_1205 = tpu.memref_slice %arg22[%dma_wait3A_1200] : memref<3x!tpu.dma_semaphore, #tpu.memory_space<semaphore_mem>> -> memref<1x!tpu.dma_semaphore, #tpu.memory_space<semaphore_mem>>
      %dma_wait3A_1206 = tpu.memref_squeeze %dma_wait3A_1205 : memref<1x!tpu.dma_semaphore, #tpu.memory_space<semaphore_mem>> -> memref<!tpu.dma_semaphore, #tpu.memory_space<semaphore_mem>>
      %dma_wait3A_1207 = arith.constant 3200 : i32
      %dma_wait3A_1208 = tpu.memref_slice %arg17[%dma_wait3A_1207] : memref<6400xi32, #tpu.memory_space<vmem>> -> memref<3200xi32, #tpu.memory_space<vmem>>
      %dma_wait3A_1209 = arith.constant 0 : i32
      %dma_wait3A_1210 = tpu.memref_slice %arg3[%dma_wait3A_1209] : memref<320000xi32, #tpu.memory_space<hbm>> -> memref<3200xi32, #tpu.memory_space<hbm>>
      tpu.wait_dma2 semaphore(%dma_wait3A_1206 : memref<!tpu.dma_semaphore, #tpu.memory_space<semaphore_mem>>) src(%dma_wait3A_1210 : memref<3200xi32, #tpu.memory_space<hbm>>) dst(%dma_wait3A_1208 : memref<3200xi32, #tpu.memory_space<vmem>>)
      %dma_wait3A_1211 = arith.constant 1 : i32
      %dma_wait3A_1212 = arith.constant 3200 : i32
      %dma_wait3A_1213 = tpu.memref_slice %arg18[%dma_wait3A_1212] : memref<6400xf32, #tpu.memory_space<vmem>> -> memref<3200xf32, #tpu.memory_space<vmem>>
      %dma_wait3A_1214 = arith.constant 0 : i32
      %dma_wait3A_1215 = tpu.memref_slice %arg4[%dma_wait3A_1214] : memref<320000xf32, #tpu.memory_space<hbm>> -> memref<3200xf32, #tpu.memory_space<hbm>>
      %dma_wait3A_1216 = tpu.memref_slice %arg22[%dma_wait3A_1211] : memref<3x!tpu.dma_semaphore, #tpu.memory_space<semaphore_mem>> -> memref<1x!tpu.dma_semaphore, #tpu.memory_space<semaphore_mem>>
      %dma_wait3A_1217 = tpu.memref_squeeze %dma_wait3A_1216 : memref<1x!tpu.dma_semaphore, #tpu.memory_space<semaphore_mem>> -> memref<!tpu.dma_semaphore, #tpu.memory_space<semaphore_mem>>
      %dma_wait3A_1218 = arith.constant 3200 : i32
      %dma_wait3A_1219 = tpu.memref_slice %arg18[%dma_wait3A_1218] : memref<6400xf32, #tpu.memory_space<vmem>> -> memref<3200xf32, #tpu.memory_space<vmem>>
      %dma_wait3A_1220 = arith.constant 0 : i32
      %dma_wait3A_1221 = tpu.memref_slice %arg4[%dma_wait3A_1220] : memref<320000xf32, #tpu.memory_space<hbm>> -> memref<3200xf32, #tpu.memory_space<hbm>>
      tpu.wait_dma2 semaphore(%dma_wait3A_1217 : memref<!tpu.dma_semaphore, #tpu.memory_space<semaphore_mem>>) src(%dma_wait3A_1221 : memref<3200xf32, #tpu.memory_space<hbm>>) dst(%dma_wait3A_1219 : memref<3200xf32, #tpu.memory_space<vmem>>)
      %parallel_loop3A_1222 = arith.constant 0 : i32
      %parallel_loop3A_1223 = arith.constant 200 : i32
      %parallel_loop3A_1224 = arith.constant 1 : i32
      scf.for %parallel_loop3A_1226 = %parallel_loop3A_1222 to %parallel_loop3A_1223 step %parallel_loop3A_1224  : i32 {
        %parallel_loop3A_1227 = arith.constant 16 : i32
        %parallel_loop3A_1228 = arith.muli %parallel_loop3A_1226, %parallel_loop3A_1227 : i32
        %parallel_loop3A_1229 = arith.constant 3200 : i32
        %parallel_loop3A_1230 = arith.addi %parallel_loop3A_1229, %parallel_loop3A_1228 : i32
        %parallel_loop3A_1231 = arith.index_cast %parallel_loop3A_1230 : i32 to index
        %parallel_loop3A_1232 = tpu.vector_load %arg17[%parallel_loop3A_1231] {strides = array<i32>} : memref<6400xi32, #tpu.memory_space<vmem>>, vector<16xi32>,
        %parallel_loop3A_1233 = arith.constant 14 : i32
        %parallel_loop3A_1234 = vector.broadcast %parallel_loop3A_1233 : i32 to vector<16xi32>
        %parallel_loop3A_1235 = arith.shrui %parallel_loop3A_1232, %parallel_loop3A_1234 : vector<16xi32>
        %parallel_loop3A_1236 = arith.constant 16383 : i32
        %parallel_loop3A_1237 = vector.broadcast %parallel_loop3A_1236 : i32 to vector<16xi32>
        %parallel_loop3A_1238 = arith.andi %parallel_loop3A_1232, %parallel_loop3A_1237 : vector<16xi32>
        %parallel_loop3A_1239 = arith.constant 16 : i32
        %parallel_loop3A_1240 = arith.muli %parallel_loop3A_1226, %parallel_loop3A_1239 : i32
        %parallel_loop3A_1241 = arith.constant 3200 : i32
        %parallel_loop3A_1242 = arith.addi %parallel_loop3A_1241, %parallel_loop3A_1240 : i32
        %parallel_loop3A_1243 = arith.index_cast %parallel_loop3A_1242 : i32 to index
        %parallel_loop3A_1244 = tpu.vector_load %arg18[%parallel_loop3A_1243] {strides = array<i32>} : memref<6400xf32, #tpu.memory_space<vmem>>, vector<16xf32>,
        %parallel_loop3A_1245 = tpu.vector_load_idx %arg10[%parallel_loop3A_1235] : memref<10000xi32, #tpu.memory_space<vmem>>[vector<16xi32>], vector<16xi32>,
        %parallel_loop3A_1246 = vector.bitcast %parallel_loop3A_1245 : vector<16xi32> to vector<32xbf16>
        %parallel_loop3A_1247 = tpu.unpack_subelements %parallel_loop3A_1246, 0 {pack_format = #tpu.pack_format<interleaved>} : vector<32xbf16> -> vector<16xf32>
        %parallel_loop3A_1248 = tpu.unpack_subelements %parallel_loop3A_1246, 1 {pack_format = #tpu.pack_format<interleaved>} : vector<32xbf16> -> vector<16xf32>
        %parallel_loop3A_1249 = arith.mulf %parallel_loop3A_1247, %parallel_loop3A_1244 : vector<16xf32>
        tpu.vector_store_idx %arg12[%parallel_loop3A_1238], %parallel_loop3A_1249 {add = true} : memref<10000xf32, #tpu.memory_space<vmem>>[vector<16xi32>], vector<16xf32>,
        %parallel_loop3A_1250 = arith.mulf %parallel_loop3A_1248, %parallel_loop3A_1244 : vector<16xf32>
        tpu.vector_store_idx %arg13[%parallel_loop3A_1238], %parallel_loop3A_1250 {add = true} : memref<10000xf32, #tpu.memory_space<vmem>>[vector<16xi32>], vector<16xf32>,
        %parallel_loop3A_1251 = tpu.vector_load_idx %arg11[%parallel_loop3A_1235] : memref<10000xi32, #tpu.memory_space<vmem>>[vector<16xi32>], vector<16xi32>,
        %parallel_loop3A_1252 = vector.bitcast %parallel_loop3A_1251 : vector<16xi32> to vector<32xbf16>
        %parallel_loop3A_1253 = tpu.unpack_subelements %parallel_loop3A_1252, 0 {pack_format = #tpu.pack_format<interleaved>} : vector<32xbf16> -> vector<16xf32>
        %parallel_loop3A_1254 = tpu.unpack_subelements %parallel_loop3A_1252, 1 {pack_format = #tpu.pack_format<interleaved>} : vector<32xbf16> -> vector<16xf32>
        %parallel_loop3A_1255 = arith.mulf %parallel_loop3A_1253, %parallel_loop3A_1244 : vector<16xf32>
        tpu.vector_store_idx %arg14[%parallel_loop3A_1238], %parallel_loop3A_1255 {add = true} : memref<10000xf32, #tpu.memory_space<vmem>>[vector<16xi32>], vector<16xf32>,
        %parallel_loop3A_1256 = arith.mulf %parallel_loop3A_1254, %parallel_loop3A_1244 : vector<16xf32>
        tpu.vector_store_idx %arg15[%parallel_loop3A_1238], %parallel_loop3A_1256 {add = true} : memref<10000xf32, #tpu.memory_space<vmem>>[vector<16xi32>], vector<16xf32>,
      } {sc.loop_unroll_factor = 4 : i64, sc.parallel_access}
      %scan3A_1225 = arith.constant 0 : i32
      scf.yield %scan3A_1225 : i32
    }
    %scan3A_533 = arith.constant 50 : i32
    %parallel_loop3A_534 = arith.constant 0 : i32
    %parallel_loop3A_535 = arith.constant 625 : i32
    %parallel_loop3A_536 = arith.constant 1 : i32
    scf.for %parallel_loop3A_1154 = %parallel_loop3A_534 to %parallel_loop3A_535 step %parallel_loop3A_536  : i32 {
      %parallel_loop3A_1155 = arith.constant 16 : i32
      %parallel_loop3A_1156 = arith.muli %parallel_loop3A_1154, %parallel_loop3A_1155 : i32
      %parallel_loop3A_1157 = arith.index_cast %parallel_loop3A_1156 : i32 to index
      %parallel_loop3A_1158 = tpu.vector_load %arg12[%parallel_loop3A_1157] {strides = array<i32>} : memref<10000xf32, #tpu.memory_space<vmem>>, vector<16xf32>,
      %parallel_loop3A_1159 = arith.constant 16 : i32
      %parallel_loop3A_1160 = arith.muli %parallel_loop3A_1154, %parallel_loop3A_1159 : i32
      %parallel_loop3A_1161 = arith.index_cast %parallel_loop3A_1160 : i32 to index
      %parallel_loop3A_1162 = tpu.vector_load %arg16[%parallel_loop3A_1161] {strides = array<i32>} : memref<10240xf32, #tpu.memory_space<vmem>>, vector<16xf32>,
      %parallel_loop3A_1163 = arith.mulf %parallel_loop3A_1158, %parallel_loop3A_1162 : vector<16xf32>
      %parallel_loop3A_1164 = arith.index_cast %parallel_loop3A_1156 : i32 to index
      %parallel_loop3A_1165 = tpu.vector_load %arg12[%parallel_loop3A_1164] {strides = array<i32>} : memref<10000xf32, #tpu.memory_space<vmem>>, vector<16xf32>,
      tpu.vector_store %arg12[%parallel_loop3A_1164], %parallel_loop3A_1163 {strides = array<i32>} : memref<10000xf32, #tpu.memory_space<vmem>>, vector<16xf32>,
    } {sc.loop_unroll_factor = 4 : i64, sc.parallel_access}
    %mul3A_537 = arith.constant 4 : i32
    %mul3A_538 = arith.muli %add3A, %mul3A_537 : i32
    %add3A_539 = arith.constant 0 : i32
    %add3A_540 = arith.addi %mul3A_538, %add3A_539 : i32
    %mul3A_541 = arith.constant 10000 : i32
    %mul3A_542 = arith.muli %add3A_540, %mul3A_541 : i32
    %multiple_of3A_543 = tpu.assume_multiple %mul3A_542, 10000 : i32
    "tpu.region"() ({
      %run_scoped3A = tpu.sem_alloc : memref<!tpu.dma_semaphore, #tpu.memory_space<semaphore_mem>>
      %dma_start3A_1154 = tpu.memref_slice %arg8[%multiple_of3A_543] : memref<1280000xf32, #tpu.memory_space<hbm>> -> memref<10000xf32, #tpu.memory_space<hbm>>
      %dma_start3A_1155 = tpu.memref_slice %arg8[%multiple_of3A_543] : memref<1280000xf32, #tpu.memory_space<hbm>> -> memref<10000xf32, #tpu.memory_space<hbm>>
      tpu.enqueue_dma source(%arg12 : memref<10000xf32, #tpu.memory_space<vmem>>) target(%dma_start3A_1155 : memref<10000xf32, #tpu.memory_space<hbm>>) target_semaphore(%run_scoped3A : memref<!tpu.dma_semaphore, #tpu.memory_space<semaphore_mem>>)
      %dma_wait3A_1156 = tpu.memref_slice %arg8[%multiple_of3A_543] : memref<1280000xf32, #tpu.memory_space<hbm>> -> memref<10000xf32, #tpu.memory_space<hbm>>
      %dma_wait3A_1157 = tpu.memref_slice %arg8[%multiple_of3A_543] : memref<1280000xf32, #tpu.memory_space<hbm>> -> memref<10000xf32, #tpu.memory_space<hbm>>
      tpu.wait_dma2 semaphore(%run_scoped3A : memref<!tpu.dma_semaphore, #tpu.memory_space<semaphore_mem>>) src(%arg12 : memref<10000xf32, #tpu.memory_space<vmem>>) dst(%dma_wait3A_1157 : memref<10000xf32, #tpu.memory_space<hbm>>)
      tpu.yield
    }) : () -> ()
    %parallel_loop3A_544 = arith.constant 0 : i32
    %parallel_loop3A_545 = arith.constant 625 : i32
    %parallel_loop3A_546 = arith.constant 1 : i32
    scf.for %parallel_loop3A_1154 = %parallel_loop3A_544 to %parallel_loop3A_545 step %parallel_loop3A_546  : i32 {
      %parallel_loop3A_1155 = arith.constant 16 : i32
      %parallel_loop3A_1156 = arith.muli %parallel_loop3A_1154, %parallel_loop3A_1155 : i32
      %parallel_loop3A_1157 = arith.index_cast %parallel_loop3A_1156 : i32 to index
      %parallel_loop3A_1158 = tpu.vector_load %arg13[%parallel_loop3A_1157] {strides = array<i32>} : memref<10000xf32, #tpu.memory_space<vmem>>, vector<16xf32>,
      %parallel_loop3A_1159 = arith.constant 16 : i32
      %parallel_loop3A_1160 = arith.muli %parallel_loop3A_1154, %parallel_loop3A_1159 : i32
      %parallel_loop3A_1161 = arith.index_cast %parallel_loop3A_1160 : i32 to index
      %parallel_loop3A_1162 = tpu.vector_load %arg16[%parallel_loop3A_1161] {strides = array<i32>} : memref<10240xf32, #tpu.memory_space<vmem>>, vector<16xf32>,
      %parallel_loop3A_1163 = arith.mulf %parallel_loop3A_1158, %parallel_loop3A_1162 : vector<16xf32>
      %parallel_loop3A_1164 = arith.index_cast %parallel_loop3A_1156 : i32 to index
      %parallel_loop3A_1165 = tpu.vector_load %arg13[%parallel_loop3A_1164] {strides = array<i32>} : memref<10000xf32, #tpu.memory_space<vmem>>, vector<16xf32>,
      tpu.vector_store %arg13[%parallel_loop3A_1164], %parallel_loop3A_1163 {strides = array<i32>} : memref<10000xf32, #tpu.memory_space<vmem>>, vector<16xf32>,
    } {sc.loop_unroll_factor = 4 : i64, sc.parallel_access}
    %mul3A_547 = arith.constant 4 : i32
    %mul3A_548 = arith.muli %add3A, %mul3A_547 : i32
    %add3A_549 = arith.constant 1 : i32
    %add3A_550 = arith.addi %mul3A_548, %add3A_549 : i32
    %mul3A_551 = arith.constant 10000 : i32
    %mul3A_552 = arith.muli %add3A_550, %mul3A_551 : i32
    %multiple_of3A_553 = tpu.assume_multiple %mul3A_552, 10000 : i32
    "tpu.region"() ({
      %run_scoped3A = tpu.sem_alloc : memref<!tpu.dma_semaphore, #tpu.memory_space<semaphore_mem>>
      %dma_start3A_1154 = tpu.memref_slice %arg8[%multiple_of3A_553] : memref<1280000xf32, #tpu.memory_space<hbm>> -> memref<10000xf32, #tpu.memory_space<hbm>>
      %dma_start3A_1155 = tpu.memref_slice %arg8[%multiple_of3A_553] : memref<1280000xf32, #tpu.memory_space<hbm>> -> memref<10000xf32, #tpu.memory_space<hbm>>
      tpu.enqueue_dma source(%arg13 : memref<10000xf32, #tpu.memory_space<vmem>>) target(%dma_start3A_1155 : memref<10000xf32, #tpu.memory_space<hbm>>) target_semaphore(%run_scoped3A : memref<!tpu.dma_semaphore, #tpu.memory_space<semaphore_mem>>)
      %dma_wait3A_1156 = tpu.memref_slice %arg8[%multiple_of3A_553] : memref<1280000xf32, #tpu.memory_space<hbm>> -> memref<10000xf32, #tpu.memory_space<hbm>>
      %dma_wait3A_1157 = tpu.memref_slice %arg8[%multiple_of3A_553] : memref<1280000xf32, #tpu.memory_space<hbm>> -> memref<10000xf32, #tpu.memory_space<hbm>>
      tpu.wait_dma2 semaphore(%run_scoped3A : memref<!tpu.dma_semaphore, #tpu.memory_space<semaphore_mem>>) src(%arg13 : memref<10000xf32, #tpu.memory_space<vmem>>) dst(%dma_wait3A_1157 : memref<10000xf32, #tpu.memory_space<hbm>>)
      tpu.yield
    }) : () -> ()
    %parallel_loop3A_554 = arith.constant 0 : i32
    %parallel_loop3A_555 = arith.constant 625 : i32
    %parallel_loop3A_556 = arith.constant 1 : i32
    scf.for %parallel_loop3A_1154 = %parallel_loop3A_554 to %parallel_loop3A_555 step %parallel_loop3A_556  : i32 {
      %parallel_loop3A_1155 = arith.constant 16 : i32
      %parallel_loop3A_1156 = arith.muli %parallel_loop3A_1154, %parallel_loop3A_1155 : i32
      %parallel_loop3A_1157 = arith.index_cast %parallel_loop3A_1156 : i32 to index
      %parallel_loop3A_1158 = tpu.vector_load %arg14[%parallel_loop3A_1157] {strides = array<i32>} : memref<10000xf32, #tpu.memory_space<vmem>>, vector<16xf32>,
      %parallel_loop3A_1159 = arith.constant 16 : i32
      %parallel_loop3A_1160 = arith.muli %parallel_loop3A_1154, %parallel_loop3A_1159 : i32
      %parallel_loop3A_1161 = arith.index_cast %parallel_loop3A_1160 : i32 to index
      %parallel_loop3A_1162 = tpu.vector_load %arg16[%parallel_loop3A_1161] {strides = array<i32>} : memref<10240xf32, #tpu.memory_space<vmem>>, vector<16xf32>,
      %parallel_loop3A_1163 = arith.mulf %parallel_loop3A_1158, %parallel_loop3A_1162 : vector<16xf32>
      %parallel_loop3A_1164 = arith.index_cast %parallel_loop3A_1156 : i32 to index
      %parallel_loop3A_1165 = tpu.vector_load %arg14[%parallel_loop3A_1164] {strides = array<i32>} : memref<10000xf32, #tpu.memory_space<vmem>>, vector<16xf32>,
      tpu.vector_store %arg14[%parallel_loop3A_1164], %parallel_loop3A_1163 {strides = array<i32>} : memref<10000xf32, #tpu.memory_space<vmem>>, vector<16xf32>,
    } {sc.loop_unroll_factor = 4 : i64, sc.parallel_access}
    %mul3A_557 = arith.constant 4 : i32
    %mul3A_558 = arith.muli %add3A, %mul3A_557 : i32
    %add3A_559 = arith.constant 2 : i32
    %add3A_560 = arith.addi %mul3A_558, %add3A_559 : i32
    %mul3A_561 = arith.constant 10000 : i32
    %mul3A_562 = arith.muli %add3A_560, %mul3A_561 : i32
    %multiple_of3A_563 = tpu.assume_multiple %mul3A_562, 10000 : i32
    "tpu.region"() ({
      %run_scoped3A = tpu.sem_alloc : memref<!tpu.dma_semaphore, #tpu.memory_space<semaphore_mem>>
      %dma_start3A_1154 = tpu.memref_slice %arg8[%multiple_of3A_563] : memref<1280000xf32, #tpu.memory_space<hbm>> -> memref<10000xf32, #tpu.memory_space<hbm>>
      %dma_start3A_1155 = tpu.memref_slice %arg8[%multiple_of3A_563] : memref<1280000xf32, #tpu.memory_space<hbm>> -> memref<10000xf32, #tpu.memory_space<hbm>>
      tpu.enqueue_dma source(%arg14 : memref<10000xf32, #tpu.memory_space<vmem>>) target(%dma_start3A_1155 : memref<10000xf32, #tpu.memory_space<hbm>>) target_semaphore(%run_scoped3A : memref<!tpu.dma_semaphore, #tpu.memory_space<semaphore_mem>>)
      %dma_wait3A_1156 = tpu.memref_slice %arg8[%multiple_of3A_563] : memref<1280000xf32, #tpu.memory_space<hbm>> -> memref<10000xf32, #tpu.memory_space<hbm>>
      %dma_wait3A_1157 = tpu.memref_slice %arg8[%multiple_of3A_563] : memref<1280000xf32, #tpu.memory_space<hbm>> -> memref<10000xf32, #tpu.memory_space<hbm>>
      tpu.wait_dma2 semaphore(%run_scoped3A : memref<!tpu.dma_semaphore, #tpu.memory_space<semaphore_mem>>) src(%arg14 : memref<10000xf32, #tpu.memory_space<vmem>>) dst(%dma_wait3A_1157 : memref<10000xf32, #tpu.memory_space<hbm>>)
      tpu.yield
    }) : () -> ()
    %parallel_loop3A_564 = arith.constant 0 : i32
    %parallel_loop3A_565 = arith.constant 625 : i32
    %parallel_loop3A_566 = arith.constant 1 : i32
    scf.for %parallel_loop3A_1154 = %parallel_loop3A_564 to %parallel_loop3A_565 step %parallel_loop3A_566  : i32 {
      %parallel_loop3A_1155 = arith.constant 16 : i32
      %parallel_loop3A_1156 = arith.muli %parallel_loop3A_1154, %parallel_loop3A_1155 : i32
      %parallel_loop3A_1157 = arith.index_cast %parallel_loop3A_1156 : i32 to index
      %parallel_loop3A_1158 = tpu.vector_load %arg15[%parallel_loop3A_1157] {strides = array<i32>} : memref<10000xf32, #tpu.memory_space<vmem>>, vector<16xf32>,
      %parallel_loop3A_1159 = arith.constant 16 : i32
      %parallel_loop3A_1160 = arith.muli %parallel_loop3A_1154, %parallel_loop3A_1159 : i32
      %parallel_loop3A_1161 = arith.index_cast %parallel_loop3A_1160 : i32 to index
      %parallel_loop3A_1162 = tpu.vector_load %arg16[%parallel_loop3A_1161] {strides = array<i32>} : memref<10240xf32, #tpu.memory_space<vmem>>, vector<16xf32>,
      %parallel_loop3A_1163 = arith.mulf %parallel_loop3A_1158, %parallel_loop3A_1162 : vector<16xf32>
      %parallel_loop3A_1164 = arith.index_cast %parallel_loop3A_1156 : i32 to index
      %parallel_loop3A_1165 = tpu.vector_load %arg15[%parallel_loop3A_1164] {strides = array<i32>} : memref<10000xf32, #tpu.memory_space<vmem>>, vector<16xf32>,
      tpu.vector_store %arg15[%parallel_loop3A_1164], %parallel_loop3A_1163 {strides = array<i32>} : memref<10000xf32, #tpu.memory_space<vmem>>, vector<16xf32>,
    } {sc.loop_unroll_factor = 4 : i64, sc.parallel_access}
    %mul3A_567 = arith.constant 4 : i32
    %mul3A_568 = arith.muli %add3A, %mul3A_567 : i32
    %add3A_569 = arith.constant 3 : i32
    %add3A_570 = arith.addi %mul3A_568, %add3A_569 : i32
    %mul3A_571 = arith.constant 10000 : i32
    %mul3A_572 = arith.muli %add3A_570, %mul3A_571 : i32
    %multiple_of3A_573 = tpu.assume_multiple %mul3A_572, 10000 : i32
    "tpu.region"() ({
      %run_scoped3A = tpu.sem_alloc : memref<!tpu.dma_semaphore, #tpu.memory_space<semaphore_mem>>
      %dma_start3A_1154 = tpu.memref_slice %arg8[%multiple_of3A_573] : memref<1280000xf32, #tpu.memory_space<hbm>> -> memref<10000xf32, #tpu.memory_space<hbm>>
      %dma_start3A_1155 = tpu.memref_slice %arg8[%multiple_of3A_573] : memref<1280000xf32, #tpu.memory_space<hbm>> -> memref<10000xf32, #tpu.memory_space<hbm>>
      tpu.enqueue_dma source(%arg15 : memref<10000xf32, #tpu.memory_space<vmem>>) target(%dma_start3A_1155 : memref<10000xf32, #tpu.memory_space<hbm>>) target_semaphore(%run_scoped3A : memref<!tpu.dma_semaphore, #tpu.memory_space<semaphore_mem>>)
      %dma_wait3A_1156 = tpu.memref_slice %arg8[%multiple_of3A_573] : memref<1280000xf32, #tpu.memory_space<hbm>> -> memref<10000xf32, #tpu.memory_space<hbm>>
      %dma_wait3A_1157 = tpu.memref_slice %arg8[%multiple_of3A_573] : memref<1280000xf32, #tpu.memory_space<hbm>> -> memref<10000xf32, #tpu.memory_space<hbm>>
      tpu.wait_dma2 semaphore(%run_scoped3A : memref<!tpu.dma_semaphore, #tpu.memory_space<semaphore_mem>>) src(%arg15 : memref<10000xf32, #tpu.memory_space<vmem>>) dst(%dma_wait3A_1157 : memref<10000xf32, #tpu.memory_space<hbm>>)
      tpu.yield
    }) : () -> ()
    %mul3A_574 = arith.constant 4 : i32
    %mul3A_575 = arith.muli %add3A, %mul3A_574 : i32
    %add3A_576 = arith.constant 0 : i32
    %add3A_577 = arith.addi %mul3A_575, %add3A_576 : i32
    %mul3A_578 = arith.constant 10000 : i32
    %mul3A_579 = arith.muli %add3A_577, %mul3A_578 : i32
    %multiple_of3A_580 = tpu.assume_multiple %mul3A_579, 10000 : i32
    %dma_start3A_581 = arith.constant 2 : i32
    %dma_start3A_582 = tpu.memref_slice %arg5[%multiple_of3A_580] : memref<1280000xf32, #tpu.memory_space<hbm>> -> memref<10000xf32, #tpu.memory_space<hbm>>
    %dma_start3A_583 = tpu.memref_slice %arg22[%dma_start3A_581] : memref<3x!tpu.dma_semaphore, #tpu.memory_space<semaphore_mem>> -> memref<1x!tpu.dma_semaphore, #tpu.memory_space<semaphore_mem>>
    %dma_start3A_584 = tpu.memref_squeeze %dma_start3A_583 : memref<1x!tpu.dma_semaphore, #tpu.memory_space<semaphore_mem>> -> memref<!tpu.dma_semaphore, #tpu.memory_space<semaphore_mem>>
    %dma_start3A_585 = tpu.memref_slice %arg5[%multiple_of3A_580] : memref<1280000xf32, #tpu.memory_space<hbm>> -> memref<10000xf32, #tpu.memory_space<hbm>>
    tpu.enqueue_dma source(%dma_start3A_585 : memref<10000xf32, #tpu.memory_space<hbm>>) target(%arg12 : memref<10000xf32, #tpu.memory_space<vmem>>) target_semaphore(%dma_start3A_584 : memref<!tpu.dma_semaphore, #tpu.memory_space<semaphore_mem>>)
    %mul3A_586 = arith.constant 4 : i32
    %mul3A_587 = arith.muli %add3A, %mul3A_586 : i32
    %add3A_588 = arith.constant 1 : i32
    %add3A_589 = arith.addi %mul3A_587, %add3A_588 : i32
    %mul3A_590 = arith.constant 10000 : i32
    %mul3A_591 = arith.muli %add3A_589, %mul3A_590 : i32
    %multiple_of3A_592 = tpu.assume_multiple %mul3A_591, 10000 : i32
    %dma_start3A_593 = arith.constant 2 : i32
    %dma_start3A_594 = tpu.memref_slice %arg5[%multiple_of3A_592] : memref<1280000xf32, #tpu.memory_space<hbm>> -> memref<10000xf32, #tpu.memory_space<hbm>>
    %dma_start3A_595 = tpu.memref_slice %arg22[%dma_start3A_593] : memref<3x!tpu.dma_semaphore, #tpu.memory_space<semaphore_mem>> -> memref<1x!tpu.dma_semaphore, #tpu.memory_space<semaphore_mem>>
    %dma_start3A_596 = tpu.memref_squeeze %dma_start3A_595 : memref<1x!tpu.dma_semaphore, #tpu.memory_space<semaphore_mem>> -> memref<!tpu.dma_semaphore, #tpu.memory_space<semaphore_mem>>
    %dma_start3A_597 = tpu.memref_slice %arg5[%multiple_of3A_592] : memref<1280000xf32, #tpu.memory_space<hbm>> -> memref<10000xf32, #tpu.memory_space<hbm>>
    tpu.enqueue_dma source(%dma_start3A_597 : memref<10000xf32, #tpu.memory_space<hbm>>) target(%arg13 : memref<10000xf32, #tpu.memory_space<vmem>>) target_semaphore(%dma_start3A_596 : memref<!tpu.dma_semaphore, #tpu.memory_space<semaphore_mem>>)
    %mul3A_598 = arith.constant 4 : i32
    %mul3A_599 = arith.muli %add3A, %mul3A_598 : i32
    %add3A_600 = arith.constant 2 : i32
    %add3A_601 = arith.addi %mul3A_599, %add3A_600 : i32
    %mul3A_602 = arith.constant 10000 : i32
    %mul3A_603 = arith.muli %add3A_601, %mul3A_602 : i32
    %multiple_of3A_604 = tpu.assume_multiple %mul3A_603, 10000 : i32
    %dma_start3A_605 = arith.constant 2 : i32
    %dma_start3A_606 = tpu.memref_slice %arg5[%multiple_of3A_604] : memref<1280000xf32, #tpu.memory_space<hbm>> -> memref<10000xf32, #tpu.memory_space<hbm>>
    %dma_start3A_607 = tpu.memref_slice %arg22[%dma_start3A_605] : memref<3x!tpu.dma_semaphore, #tpu.memory_space<semaphore_mem>> -> memref<1x!tpu.dma_semaphore, #tpu.memory_space<semaphore_mem>>
    %dma_start3A_608 = tpu.memref_squeeze %dma_start3A_607 : memref<1x!tpu.dma_semaphore, #tpu.memory_space<semaphore_mem>> -> memref<!tpu.dma_semaphore, #tpu.memory_space<semaphore_mem>>
    %dma_start3A_609 = tpu.memref_slice %arg5[%multiple_of3A_604] : memref<1280000xf32, #tpu.memory_space<hbm>> -> memref<10000xf32, #tpu.memory_space<hbm>>
    tpu.enqueue_dma source(%dma_start3A_609 : memref<10000xf32, #tpu.memory_space<hbm>>) target(%arg14 : memref<10000xf32, #tpu.memory_space<vmem>>) target_semaphore(%dma_start3A_608 : memref<!tpu.dma_semaphore, #tpu.memory_space<semaphore_mem>>)
    %mul3A_610 = arith.constant 4 : i32
    %mul3A_611 = arith.muli %add3A, %mul3A_610 : i32
    %add3A_612 = arith.constant 3 : i32
    %add3A_613 = arith.addi %mul3A_611, %add3A_612 : i32
    %mul3A_614 = arith.constant 10000 : i32
    %mul3A_615 = arith.muli %add3A_613, %mul3A_614 : i32
    %multiple_of3A_616 = tpu.assume_multiple %mul3A_615, 10000 : i32
    %dma_start3A_617 = arith.constant 2 : i32
    %dma_start3A_618 = tpu.memref_slice %arg5[%multiple_of3A_616] : memref<1280000xf32, #tpu.memory_space<hbm>> -> memref<10000xf32, #tpu.memory_space<hbm>>
    %dma_start3A_619 = tpu.memref_slice %arg22[%dma_start3A_617] : memref<3x!tpu.dma_semaphore, #tpu.memory_space<semaphore_mem>> -> memref<1x!tpu.dma_semaphore, #tpu.memory_space<semaphore_mem>>
    %dma_start3A_620 = tpu.memref_squeeze %dma_start3A_619 : memref<1x!tpu.dma_semaphore, #tpu.memory_space<semaphore_mem>> -> memref<!tpu.dma_semaphore, #tpu.memory_space<semaphore_mem>>
    %dma_start3A_621 = tpu.memref_slice %arg5[%multiple_of3A_616] : memref<1280000xf32, #tpu.memory_space<hbm>> -> memref<10000xf32, #tpu.memory_space<hbm>>
    tpu.enqueue_dma source(%dma_start3A_621 : memref<10000xf32, #tpu.memory_space<hbm>>) target(%arg15 : memref<10000xf32, #tpu.memory_space<vmem>>) target_semaphore(%dma_start3A_620 : memref<!tpu.dma_semaphore, #tpu.memory_space<semaphore_mem>>)
    %broadcast_in_dim3A_622 = arith.constant 0.000000e+00 : f32
    %broadcast_in_dim3A_623 = vector.broadcast %broadcast_in_dim3A_622 : f32 to vector<16xf32>
    %parallel_loop3A_624 = arith.constant 0 : i32
    %parallel_loop3A_625 = arith.constant 640 : i32
    %parallel_loop3A_626 = arith.constant 1 : i32
    scf.for %parallel_loop3A_1154 = %parallel_loop3A_624 to %parallel_loop3A_625 step %parallel_loop3A_626  : i32 {
      %parallel_loop3A_1155 = arith.constant 16 : i32
      %parallel_loop3A_1156 = arith.muli %parallel_loop3A_1154, %parallel_loop3A_1155 : i32
      %parallel_loop3A_1157 = arith.index_cast %parallel_loop3A_1156 : i32 to index
      %parallel_loop3A_1158 = tpu.vector_load %arg16[%parallel_loop3A_1157] {strides = array<i32>} : memref<10240xf32, #tpu.memory_space<vmem>>, vector<16xf32>,
      tpu.vector_store %arg16[%parallel_loop3A_1157], %broadcast_in_dim3A_623 {strides = array<i32>} : memref<10240xf32, #tpu.memory_space<vmem>>, vector<16xf32>,
    } {sc.loop_unroll_factor = 4 : i64, sc.parallel_access}
    %mul3A_627 = arith.constant 10000 : i32
    %mul3A_628 = arith.muli %arg1, %mul3A_627 : i32
    %multiple_of3A_629 = tpu.assume_multiple %mul3A_628, 2000 : i32
    %add3A_630 = arith.constant 0 : i32
    %add3A_631 = arith.addi %multiple_of3A_629, %add3A_630 : i32
    %multiple_of3A_632 = tpu.assume_multiple %add3A_631, 2000 : i32
    %dma_start3A_633 = arith.constant 0 : i32
    %dma_start3A_634 = arith.constant 0 : i32
    %dma_start3A_635 = tpu.memref_slice %arg17[%dma_start3A_634] : memref<6400xi32, #tpu.memory_space<vmem>> -> memref<2000xi32, #tpu.memory_space<vmem>>
    %dma_start3A_636 = tpu.memref_slice %arg6[%multiple_of3A_632] : memref<160000xi32, #tpu.memory_space<hbm>> -> memref<2000xi32, #tpu.memory_space<hbm>>
    %dma_start3A_637 = tpu.memref_slice %arg22[%dma_start3A_633] : memref<3x!tpu.dma_semaphore, #tpu.memory_space<semaphore_mem>> -> memref<1x!tpu.dma_semaphore, #tpu.memory_space<semaphore_mem>>
    %dma_start3A_638 = tpu.memref_squeeze %dma_start3A_637 : memref<1x!tpu.dma_semaphore, #tpu.memory_space<semaphore_mem>> -> memref<!tpu.dma_semaphore, #tpu.memory_space<semaphore_mem>>
    %dma_start3A_639 = arith.constant 0 : i32
    %dma_start3A_640 = tpu.memref_slice %arg17[%dma_start3A_639] : memref<6400xi32, #tpu.memory_space<vmem>> -> memref<2000xi32, #tpu.memory_space<vmem>>
    %dma_start3A_641 = tpu.memref_slice %arg6[%multiple_of3A_632] : memref<160000xi32, #tpu.memory_space<hbm>> -> memref<2000xi32, #tpu.memory_space<hbm>>
    tpu.enqueue_dma source(%dma_start3A_641 : memref<2000xi32, #tpu.memory_space<hbm>>) target(%dma_start3A_640 : memref<2000xi32, #tpu.memory_space<vmem>>) target_semaphore(%dma_start3A_638 : memref<!tpu.dma_semaphore, #tpu.memory_space<semaphore_mem>>)
    %dma_start3A_642 = arith.constant 0 : i32
    %dma_start3A_643 = arith.constant 0 : i32
    %dma_start3A_644 = tpu.memref_slice %arg18[%dma_start3A_643] : memref<6400xf32, #tpu.memory_space<vmem>> -> memref<2000xf32, #tpu.memory_space<vmem>>
    %dma_start3A_645 = tpu.memref_slice %arg7[%multiple_of3A_632] : memref<160000xf32, #tpu.memory_space<hbm>> -> memref<2000xf32, #tpu.memory_space<hbm>>
    %dma_start3A_646 = tpu.memref_slice %arg22[%dma_start3A_642] : memref<3x!tpu.dma_semaphore, #tpu.memory_space<semaphore_mem>> -> memref<1x!tpu.dma_semaphore, #tpu.memory_space<semaphore_mem>>
    %dma_start3A_647 = tpu.memref_squeeze %dma_start3A_646 : memref<1x!tpu.dma_semaphore, #tpu.memory_space<semaphore_mem>> -> memref<!tpu.dma_semaphore, #tpu.memory_space<semaphore_mem>>
    %dma_start3A_648 = arith.constant 0 : i32
    %dma_start3A_649 = tpu.memref_slice %arg18[%dma_start3A_648] : memref<6400xf32, #tpu.memory_space<vmem>> -> memref<2000xf32, #tpu.memory_space<vmem>>
    %dma_start3A_650 = tpu.memref_slice %arg7[%multiple_of3A_632] : memref<160000xf32, #tpu.memory_space<hbm>> -> memref<2000xf32, #tpu.memory_space<hbm>>
    tpu.enqueue_dma source(%dma_start3A_650 : memref<2000xf32, #tpu.memory_space<hbm>>) target(%dma_start3A_649 : memref<2000xf32, #tpu.memory_space<vmem>>) target_semaphore(%dma_start3A_647 : memref<!tpu.dma_semaphore, #tpu.memory_space<semaphore_mem>>)
    %scan3A_651 = arith.constant 0 : i32
    %scan3A_652 = arith.constant 0 : i32
    %scan3A_653 = arith.constant 3 : i32
    %scan3A_654 = arith.addi %scan3A_652, %scan3A_653 : i32
    %scan3A_655 = arith.constant 1 : i32
    %scan3A_656 = scf.for %scan3A_1154 = %scan3A_652 to %scan3A_654 step %scan3A_655 iter_args(%scan3A_1155 = %scan3A_651) -> (i32)  : i32 {
      %mul3A_1156 = arith.constant 2 : i32
      %mul3A_1157 = arith.muli %scan3A_1154, %mul3A_1156 : i32
      %add3A_1158 = arith.constant 0 : i32
      %add3A_1159 = arith.addi %mul3A_1157, %add3A_1158 : i32
      %lt3A = arith.constant 5 : i32
      %lt3A_1160 = arith.cmpi slt, %add3A_1159, %lt3A : i32
      %convert_element_type3A = arith.extui %lt3A_1160 : i1 to i32
      %cond3A = arith.constant 0 : i32
      %cond3A_1161 = arith.cmpi ne, %convert_element_type3A, %cond3A : i32
      scf.if %cond3A_1161 {
        %add3A_1172 = arith.constant 1 : i32
        %add3A_1173 = arith.addi %add3A_1159, %add3A_1172 : i32
        %lt3A_1174 = arith.constant 5 : i32
        %lt3A_1175 = arith.cmpi slt, %add3A_1173, %lt3A_1174 : i32
        %convert_element_type3A_1176 = arith.extui %lt3A_1175 : i1 to i32
        %cond3A_1177 = arith.constant 0 : i32
        %cond3A_1178 = arith.cmpi ne, %convert_element_type3A_1176, %cond3A_1177 : i32
        scf.if %cond3A_1178 {
          %add3A_1204 = arith.constant 1 : i32
          %add3A_1205 = arith.addi %add3A_1159, %add3A_1204 : i32
          %mul3A_1206 = arith.constant 2000 : i32
          %mul3A_1207 = arith.muli %add3A_1205, %mul3A_1206 : i32
          %add3A_1208 = arith.addi %multiple_of3A_629, %mul3A_1207 : i32
          %multiple_of3A_1209 = tpu.assume_multiple %add3A_1208, 2000 : i32
          %dma_start3A_1210 = arith.constant 1 : i32
          %dma_start3A_1211 = arith.constant 3200 : i32
          %dma_start3A_1212 = tpu.memref_slice %arg17[%dma_start3A_1211] : memref<6400xi32, #tpu.memory_space<vmem>> -> memref<2000xi32, #tpu.memory_space<vmem>>
          %dma_start3A_1213 = tpu.memref_slice %arg6[%multiple_of3A_1209] : memref<160000xi32, #tpu.memory_space<hbm>> -> memref<2000xi32, #tpu.memory_space<hbm>>
          %dma_start3A_1214 = tpu.memref_slice %arg22[%dma_start3A_1210] : memref<3x!tpu.dma_semaphore, #tpu.memory_space<semaphore_mem>> -> memref<1x!tpu.dma_semaphore, #tpu.memory_space<semaphore_mem>>
          %dma_start3A_1215 = tpu.memref_squeeze %dma_start3A_1214 : memref<1x!tpu.dma_semaphore, #tpu.memory_space<semaphore_mem>> -> memref<!tpu.dma_semaphore, #tpu.memory_space<semaphore_mem>>
          %dma_start3A_1216 = arith.constant 3200 : i32
          %dma_start3A_1217 = tpu.memref_slice %arg17[%dma_start3A_1216] : memref<6400xi32, #tpu.memory_space<vmem>> -> memref<2000xi32, #tpu.memory_space<vmem>>
          %dma_start3A_1218 = tpu.memref_slice %arg6[%multiple_of3A_1209] : memref<160000xi32, #tpu.memory_space<hbm>> -> memref<2000xi32, #tpu.memory_space<hbm>>
          tpu.enqueue_dma source(%dma_start3A_1218 : memref<2000xi32, #tpu.memory_space<hbm>>) target(%dma_start3A_1217 : memref<2000xi32, #tpu.memory_space<vmem>>) target_semaphore(%dma_start3A_1215 : memref<!tpu.dma_semaphore, #tpu.memory_space<semaphore_mem>>)
          %dma_start3A_1219 = arith.constant 1 : i32
          %dma_start3A_1220 = arith.constant 3200 : i32
          %dma_start3A_1221 = tpu.memref_slice %arg18[%dma_start3A_1220] : memref<6400xf32, #tpu.memory_space<vmem>> -> memref<2000xf32, #tpu.memory_space<vmem>>
          %dma_start3A_1222 = tpu.memref_slice %arg7[%multiple_of3A_1209] : memref<160000xf32, #tpu.memory_space<hbm>> -> memref<2000xf32, #tpu.memory_space<hbm>>
          %dma_start3A_1223 = tpu.memref_slice %arg22[%dma_start3A_1219] : memref<3x!tpu.dma_semaphore, #tpu.memory_space<semaphore_mem>> -> memref<1x!tpu.dma_semaphore, #tpu.memory_space<semaphore_mem>>
          %dma_start3A_1224 = tpu.memref_squeeze %dma_start3A_1223 : memref<1x!tpu.dma_semaphore, #tpu.memory_space<semaphore_mem>> -> memref<!tpu.dma_semaphore, #tpu.memory_space<semaphore_mem>>
          %dma_start3A_1225 = arith.constant 3200 : i32
          %dma_start3A_1226 = tpu.memref_slice %arg18[%dma_start3A_1225] : memref<6400xf32, #tpu.memory_space<vmem>> -> memref<2000xf32, #tpu.memory_space<vmem>>
          %dma_start3A_1227 = tpu.memref_slice %arg7[%multiple_of3A_1209] : memref<160000xf32, #tpu.memory_space<hbm>> -> memref<2000xf32, #tpu.memory_space<hbm>>
          tpu.enqueue_dma source(%dma_start3A_1227 : memref<2000xf32, #tpu.memory_space<hbm>>) target(%dma_start3A_1226 : memref<2000xf32, #tpu.memory_space<vmem>>) target_semaphore(%dma_start3A_1224 : memref<!tpu.dma_semaphore, #tpu.memory_space<semaphore_mem>>)
        } else {
        }
        %dma_wait3A_1179 = arith.constant 0 : i32
        %dma_wait3A_1180 = arith.constant 0 : i32
        %dma_wait3A_1181 = tpu.memref_slice %arg17[%dma_wait3A_1180] : memref<6400xi32, #tpu.memory_space<vmem>> -> memref<2000xi32, #tpu.memory_space<vmem>>
        %dma_wait3A_1182 = arith.constant 0 : i32
        %dma_wait3A_1183 = tpu.memref_slice %arg6[%dma_wait3A_1182] : memref<160000xi32, #tpu.memory_space<hbm>> -> memref<2000xi32, #tpu.memory_space<hbm>>
        %dma_wait3A_1184 = tpu.memref_slice %arg22[%dma_wait3A_1179] : memref<3x!tpu.dma_semaphore, #tpu.memory_space<semaphore_mem>> -> memref<1x!tpu.dma_semaphore, #tpu.memory_space<semaphore_mem>>
        %dma_wait3A_1185 = tpu.memref_squeeze %dma_wait3A_1184 : memref<1x!tpu.dma_semaphore, #tpu.memory_space<semaphore_mem>> -> memref<!tpu.dma_semaphore, #tpu.memory_space<semaphore_mem>>
        %dma_wait3A_1186 = arith.constant 0 : i32
        %dma_wait3A_1187 = tpu.memref_slice %arg17[%dma_wait3A_1186] : memref<6400xi32, #tpu.memory_space<vmem>> -> memref<2000xi32, #tpu.memory_space<vmem>>
        %dma_wait3A_1188 = arith.constant 0 : i32
        %dma_wait3A_1189 = tpu.memref_slice %arg6[%dma_wait3A_1188] : memref<160000xi32, #tpu.memory_space<hbm>> -> memref<2000xi32, #tpu.memory_space<hbm>>
        tpu.wait_dma2 semaphore(%dma_wait3A_1185 : memref<!tpu.dma_semaphore, #tpu.memory_space<semaphore_mem>>) src(%dma_wait3A_1189 : memref<2000xi32, #tpu.memory_space<hbm>>) dst(%dma_wait3A_1187 : memref<2000xi32, #tpu.memory_space<vmem>>)
        %dma_wait3A_1190 = arith.constant 0 : i32
        %dma_wait3A_1191 = arith.constant 0 : i32
        %dma_wait3A_1192 = tpu.memref_slice %arg18[%dma_wait3A_1191] : memref<6400xf32, #tpu.memory_space<vmem>> -> memref<2000xf32, #tpu.memory_space<vmem>>
        %dma_wait3A_1193 = arith.constant 0 : i32
        %dma_wait3A_1194 = tpu.memref_slice %arg7[%dma_wait3A_1193] : memref<160000xf32, #tpu.memory_space<hbm>> -> memref<2000xf32, #tpu.memory_space<hbm>>
        %dma_wait3A_1195 = tpu.memref_slice %arg22[%dma_wait3A_1190] : memref<3x!tpu.dma_semaphore, #tpu.memory_space<semaphore_mem>> -> memref<1x!tpu.dma_semaphore, #tpu.memory_space<semaphore_mem>>
        %dma_wait3A_1196 = tpu.memref_squeeze %dma_wait3A_1195 : memref<1x!tpu.dma_semaphore, #tpu.memory_space<semaphore_mem>> -> memref<!tpu.dma_semaphore, #tpu.memory_space<semaphore_mem>>
        %dma_wait3A_1197 = arith.constant 0 : i32
        %dma_wait3A_1198 = tpu.memref_slice %arg18[%dma_wait3A_1197] : memref<6400xf32, #tpu.memory_space<vmem>> -> memref<2000xf32, #tpu.memory_space<vmem>>
        %dma_wait3A_1199 = arith.constant 0 : i32
        %dma_wait3A_1200 = tpu.memref_slice %arg7[%dma_wait3A_1199] : memref<160000xf32, #tpu.memory_space<hbm>> -> memref<2000xf32, #tpu.memory_space<hbm>>
        tpu.wait_dma2 semaphore(%dma_wait3A_1196 : memref<!tpu.dma_semaphore, #tpu.memory_space<semaphore_mem>>) src(%dma_wait3A_1200 : memref<2000xf32, #tpu.memory_space<hbm>>) dst(%dma_wait3A_1198 : memref<2000xf32, #tpu.memory_space<vmem>>)
        %parallel_loop3A_1201 = arith.constant 0 : i32
        %parallel_loop3A_1202 = arith.constant 125 : i32
        %parallel_loop3A_1203 = arith.constant 1 : i32
        scf.for %parallel_loop3A_1204 = %parallel_loop3A_1201 to %parallel_loop3A_1202 step %parallel_loop3A_1203  : i32 {
          %parallel_loop3A_1205 = arith.constant 16 : i32
          %parallel_loop3A_1206 = arith.muli %parallel_loop3A_1204, %parallel_loop3A_1205 : i32
          %parallel_loop3A_1207 = arith.constant 0 : i32
          %parallel_loop3A_1208 = arith.addi %parallel_loop3A_1207, %parallel_loop3A_1206 : i32
          %parallel_loop3A_1209 = arith.index_cast %parallel_loop3A_1208 : i32 to index
          %parallel_loop3A_1210 = tpu.vector_load %arg17[%parallel_loop3A_1209] {strides = array<i32>} : memref<6400xi32, #tpu.memory_space<vmem>>, vector<16xi32>,
          %parallel_loop3A_1211 = arith.constant 16383 : i32
          %parallel_loop3A_1212 = vector.broadcast %parallel_loop3A_1211 : i32 to vector<16xi32>
          %parallel_loop3A_1213 = arith.andi %parallel_loop3A_1210, %parallel_loop3A_1212 : vector<16xi32>
          %parallel_loop3A_1214 = arith.constant 16 : i32
          %parallel_loop3A_1215 = arith.muli %parallel_loop3A_1204, %parallel_loop3A_1214 : i32
          %parallel_loop3A_1216 = arith.constant 0 : i32
          %parallel_loop3A_1217 = arith.addi %parallel_loop3A_1216, %parallel_loop3A_1215 : i32
          %parallel_loop3A_1218 = arith.index_cast %parallel_loop3A_1217 : i32 to index
          %parallel_loop3A_1219 = tpu.vector_load %arg18[%parallel_loop3A_1218] {strides = array<i32>} : memref<6400xf32, #tpu.memory_space<vmem>>, vector<16xf32>,
          tpu.vector_store_idx %arg16[%parallel_loop3A_1213], %parallel_loop3A_1219 {add = true} : memref<10240xf32, #tpu.memory_space<vmem>>[vector<16xi32>], vector<16xf32>,
        } {sc.loop_unroll_factor = 4 : i64, sc.parallel_access}
      } else {
      }
      %mul3A_1162 = arith.constant 2 : i32
      %mul3A_1163 = arith.muli %scan3A_1154, %mul3A_1162 : i32
      %add3A_1164 = arith.constant 1 : i32
      %add3A_1165 = arith.addi %mul3A_1163, %add3A_1164 : i32
      %lt3A_1166 = arith.constant 5 : i32
      %lt3A_1167 = arith.cmpi slt, %add3A_1165, %lt3A_1166 : i32
      %convert_element_type3A_1168 = arith.extui %lt3A_1167 : i1 to i32
      %cond3A_1169 = arith.constant 0 : i32
      %cond3A_1170 = arith.cmpi ne, %convert_element_type3A_1168, %cond3A_1169 : i32
      scf.if %cond3A_1170 {
        %add3A_1172 = arith.constant 1 : i32
        %add3A_1173 = arith.addi %add3A_1165, %add3A_1172 : i32
        %lt3A_1174 = arith.constant 5 : i32
        %lt3A_1175 = arith.cmpi slt, %add3A_1173, %lt3A_1174 : i32
        %convert_element_type3A_1176 = arith.extui %lt3A_1175 : i1 to i32
        %cond3A_1177 = arith.constant 0 : i32
        %cond3A_1178 = arith.cmpi ne, %convert_element_type3A_1176, %cond3A_1177 : i32
        scf.if %cond3A_1178 {
          %add3A_1204 = arith.constant 1 : i32
          %add3A_1205 = arith.addi %add3A_1165, %add3A_1204 : i32
          %mul3A_1206 = arith.constant 2000 : i32
          %mul3A_1207 = arith.muli %add3A_1205, %mul3A_1206 : i32
          %add3A_1208 = arith.addi %multiple_of3A_629, %mul3A_1207 : i32
          %multiple_of3A_1209 = tpu.assume_multiple %add3A_1208, 2000 : i32
          %dma_start3A_1210 = arith.constant 0 : i32
          %dma_start3A_1211 = arith.constant 0 : i32
          %dma_start3A_1212 = tpu.memref_slice %arg17[%dma_start3A_1211] : memref<6400xi32, #tpu.memory_space<vmem>> -> memref<2000xi32, #tpu.memory_space<vmem>>
          %dma_start3A_1213 = tpu.memref_slice %arg6[%multiple_of3A_1209] : memref<160000xi32, #tpu.memory_space<hbm>> -> memref<2000xi32, #tpu.memory_space<hbm>>
          %dma_start3A_1214 = tpu.memref_slice %arg22[%dma_start3A_1210] : memref<3x!tpu.dma_semaphore, #tpu.memory_space<semaphore_mem>> -> memref<1x!tpu.dma_semaphore, #tpu.memory_space<semaphore_mem>>
          %dma_start3A_1215 = tpu.memref_squeeze %dma_start3A_1214 : memref<1x!tpu.dma_semaphore, #tpu.memory_space<semaphore_mem>> -> memref<!tpu.dma_semaphore, #tpu.memory_space<semaphore_mem>>
          %dma_start3A_1216 = arith.constant 0 : i32
          %dma_start3A_1217 = tpu.memref_slice %arg17[%dma_start3A_1216] : memref<6400xi32, #tpu.memory_space<vmem>> -> memref<2000xi32, #tpu.memory_space<vmem>>
          %dma_start3A_1218 = tpu.memref_slice %arg6[%multiple_of3A_1209] : memref<160000xi32, #tpu.memory_space<hbm>> -> memref<2000xi32, #tpu.memory_space<hbm>>
          tpu.enqueue_dma source(%dma_start3A_1218 : memref<2000xi32, #tpu.memory_space<hbm>>) target(%dma_start3A_1217 : memref<2000xi32, #tpu.memory_space<vmem>>) target_semaphore(%dma_start3A_1215 : memref<!tpu.dma_semaphore, #tpu.memory_space<semaphore_mem>>)
          %dma_start3A_1219 = arith.constant 0 : i32
          %dma_start3A_1220 = arith.constant 0 : i32
          %dma_start3A_1221 = tpu.memref_slice %arg18[%dma_start3A_1220] : memref<6400xf32, #tpu.memory_space<vmem>> -> memref<2000xf32, #tpu.memory_space<vmem>>
          %dma_start3A_1222 = tpu.memref_slice %arg7[%multiple_of3A_1209] : memref<160000xf32, #tpu.memory_space<hbm>> -> memref<2000xf32, #tpu.memory_space<hbm>>
          %dma_start3A_1223 = tpu.memref_slice %arg22[%dma_start3A_1219] : memref<3x!tpu.dma_semaphore, #tpu.memory_space<semaphore_mem>> -> memref<1x!tpu.dma_semaphore, #tpu.memory_space<semaphore_mem>>
          %dma_start3A_1224 = tpu.memref_squeeze %dma_start3A_1223 : memref<1x!tpu.dma_semaphore, #tpu.memory_space<semaphore_mem>> -> memref<!tpu.dma_semaphore, #tpu.memory_space<semaphore_mem>>
          %dma_start3A_1225 = arith.constant 0 : i32
          %dma_start3A_1226 = tpu.memref_slice %arg18[%dma_start3A_1225] : memref<6400xf32, #tpu.memory_space<vmem>> -> memref<2000xf32, #tpu.memory_space<vmem>>
          %dma_start3A_1227 = tpu.memref_slice %arg7[%multiple_of3A_1209] : memref<160000xf32, #tpu.memory_space<hbm>> -> memref<2000xf32, #tpu.memory_space<hbm>>
          tpu.enqueue_dma source(%dma_start3A_1227 : memref<2000xf32, #tpu.memory_space<hbm>>) target(%dma_start3A_1226 : memref<2000xf32, #tpu.memory_space<vmem>>) target_semaphore(%dma_start3A_1224 : memref<!tpu.dma_semaphore, #tpu.memory_space<semaphore_mem>>)
        } else {
        }
        %dma_wait3A_1179 = arith.constant 1 : i32
        %dma_wait3A_1180 = arith.constant 3200 : i32
        %dma_wait3A_1181 = tpu.memref_slice %arg17[%dma_wait3A_1180] : memref<6400xi32, #tpu.memory_space<vmem>> -> memref<2000xi32, #tpu.memory_space<vmem>>
        %dma_wait3A_1182 = arith.constant 0 : i32
        %dma_wait3A_1183 = tpu.memref_slice %arg6[%dma_wait3A_1182] : memref<160000xi32, #tpu.memory_space<hbm>> -> memref<2000xi32, #tpu.memory_space<hbm>>
        %dma_wait3A_1184 = tpu.memref_slice %arg22[%dma_wait3A_1179] : memref<3x!tpu.dma_semaphore, #tpu.memory_space<semaphore_mem>> -> memref<1x!tpu.dma_semaphore, #tpu.memory_space<semaphore_mem>>
        %dma_wait3A_1185 = tpu.memref_squeeze %dma_wait3A_1184 : memref<1x!tpu.dma_semaphore, #tpu.memory_space<semaphore_mem>> -> memref<!tpu.dma_semaphore, #tpu.memory_space<semaphore_mem>>
        %dma_wait3A_1186 = arith.constant 3200 : i32
        %dma_wait3A_1187 = tpu.memref_slice %arg17[%dma_wait3A_1186] : memref<6400xi32, #tpu.memory_space<vmem>> -> memref<2000xi32, #tpu.memory_space<vmem>>
        %dma_wait3A_1188 = arith.constant 0 : i32
        %dma_wait3A_1189 = tpu.memref_slice %arg6[%dma_wait3A_1188] : memref<160000xi32, #tpu.memory_space<hbm>> -> memref<2000xi32, #tpu.memory_space<hbm>>
        tpu.wait_dma2 semaphore(%dma_wait3A_1185 : memref<!tpu.dma_semaphore, #tpu.memory_space<semaphore_mem>>) src(%dma_wait3A_1189 : memref<2000xi32, #tpu.memory_space<hbm>>) dst(%dma_wait3A_1187 : memref<2000xi32, #tpu.memory_space<vmem>>)
        %dma_wait3A_1190 = arith.constant 1 : i32
        %dma_wait3A_1191 = arith.constant 3200 : i32
        %dma_wait3A_1192 = tpu.memref_slice %arg18[%dma_wait3A_1191] : memref<6400xf32, #tpu.memory_space<vmem>> -> memref<2000xf32, #tpu.memory_space<vmem>>
        %dma_wait3A_1193 = arith.constant 0 : i32
        %dma_wait3A_1194 = tpu.memref_slice %arg7[%dma_wait3A_1193] : memref<160000xf32, #tpu.memory_space<hbm>> -> memref<2000xf32, #tpu.memory_space<hbm>>
        %dma_wait3A_1195 = tpu.memref_slice %arg22[%dma_wait3A_1190] : memref<3x!tpu.dma_semaphore, #tpu.memory_space<semaphore_mem>> -> memref<1x!tpu.dma_semaphore, #tpu.memory_space<semaphore_mem>>
        %dma_wait3A_1196 = tpu.memref_squeeze %dma_wait3A_1195 : memref<1x!tpu.dma_semaphore, #tpu.memory_space<semaphore_mem>> -> memref<!tpu.dma_semaphore, #tpu.memory_space<semaphore_mem>>
        %dma_wait3A_1197 = arith.constant 3200 : i32
        %dma_wait3A_1198 = tpu.memref_slice %arg18[%dma_wait3A_1197] : memref<6400xf32, #tpu.memory_space<vmem>> -> memref<2000xf32, #tpu.memory_space<vmem>>
        %dma_wait3A_1199 = arith.constant 0 : i32
        %dma_wait3A_1200 = tpu.memref_slice %arg7[%dma_wait3A_1199] : memref<160000xf32, #tpu.memory_space<hbm>> -> memref<2000xf32, #tpu.memory_space<hbm>>
        tpu.wait_dma2 semaphore(%dma_wait3A_1196 : memref<!tpu.dma_semaphore, #tpu.memory_space<semaphore_mem>>) src(%dma_wait3A_1200 : memref<2000xf32, #tpu.memory_space<hbm>>) dst(%dma_wait3A_1198 : memref<2000xf32, #tpu.memory_space<vmem>>)
        %parallel_loop3A_1201 = arith.constant 0 : i32
        %parallel_loop3A_1202 = arith.constant 125 : i32
        %parallel_loop3A_1203 = arith.constant 1 : i32
        scf.for %parallel_loop3A_1204 = %parallel_loop3A_1201 to %parallel_loop3A_1202 step %parallel_loop3A_1203  : i32 {
          %parallel_loop3A_1205 = arith.constant 16 : i32
          %parallel_loop3A_1206 = arith.muli %parallel_loop3A_1204, %parallel_loop3A_1205 : i32
          %parallel_loop3A_1207 = arith.constant 3200 : i32
          %parallel_loop3A_1208 = arith.addi %parallel_loop3A_1207, %parallel_loop3A_1206 : i32
          %parallel_loop3A_1209 = arith.index_cast %parallel_loop3A_1208 : i32 to index
          %parallel_loop3A_1210 = tpu.vector_load %arg17[%parallel_loop3A_1209] {strides = array<i32>} : memref<6400xi32, #tpu.memory_space<vmem>>, vector<16xi32>,
          %parallel_loop3A_1211 = arith.constant 16383 : i32
          %parallel_loop3A_1212 = vector.broadcast %parallel_loop3A_1211 : i32 to vector<16xi32>
          %parallel_loop3A_1213 = arith.andi %parallel_loop3A_1210, %parallel_loop3A_1212 : vector<16xi32>
          %parallel_loop3A_1214 = arith.constant 16 : i32
          %parallel_loop3A_1215 = arith.muli %parallel_loop3A_1204, %parallel_loop3A_1214 : i32
          %parallel_loop3A_1216 = arith.constant 3200 : i32
          %parallel_loop3A_1217 = arith.addi %parallel_loop3A_1216, %parallel_loop3A_1215 : i32
          %parallel_loop3A_1218 = arith.index_cast %parallel_loop3A_1217 : i32 to index
          %parallel_loop3A_1219 = tpu.vector_load %arg18[%parallel_loop3A_1218] {strides = array<i32>} : memref<6400xf32, #tpu.memory_space<vmem>>, vector<16xf32>,
          tpu.vector_store_idx %arg16[%parallel_loop3A_1213], %parallel_loop3A_1219 {add = true} : memref<10240xf32, #tpu.memory_space<vmem>>[vector<16xi32>], vector<16xf32>,
        } {sc.loop_unroll_factor = 4 : i64, sc.parallel_access}
      } else {
      }
      %scan3A_1171 = arith.constant 0 : i32
      scf.yield %scan3A_1171 : i32
    }
    %scan3A_657 = arith.constant 3 : i32
    %add3A_658 = arith.constant 0 : i32
    %add3A_659 = arith.addi %add3A_658, %arg1 : i32
    %mul3A_660 = arith.constant 640 : i32
    %mul3A_661 = arith.muli %add3A_659, %mul3A_660 : i32
    %dma_start3A_662 = arith.constant 1 : i32
    %dma_start3A_663 = arith.constant 0 : i32
    %dma_start3A_664 = tpu.memref_slice %arg16[%dma_start3A_663] : memref<10240xf32, #tpu.memory_space<vmem>> -> memref<640xf32, #tpu.memory_space<vmem>>
    %dma_start3A_665 = tpu.memref_slice %arg20[%mul3A_661] : memref<163840xf32, #tpu.memory_space<vmem_shared>> -> memref<640xf32, #tpu.memory_space<vmem_shared>>
    %dma_start3A_666 = tpu.memref_slice %arg22[%dma_start3A_662] : memref<3x!tpu.dma_semaphore, #tpu.memory_space<semaphore_mem>> -> memref<1x!tpu.dma_semaphore, #tpu.memory_space<semaphore_mem>>
    %dma_start3A_667 = tpu.memref_squeeze %dma_start3A_666 : memref<1x!tpu.dma_semaphore, #tpu.memory_space<semaphore_mem>> -> memref<!tpu.dma_semaphore, #tpu.memory_space<semaphore_mem>>
    %dma_start3A_668 = tpu.memref_slice %arg20[%mul3A_661] : memref<163840xf32, #tpu.memory_space<vmem_shared>> -> memref<640xf32, #tpu.memory_space<vmem_shared>>
    %dma_start3A_669 = arith.constant 0 : i32
    %dma_start3A_670 = tpu.memref_slice %arg16[%dma_start3A_669] : memref<10240xf32, #tpu.memory_space<vmem>> -> memref<640xf32, #tpu.memory_space<vmem>>
    tpu.enqueue_dma source(%dma_start3A_670 : memref<640xf32, #tpu.memory_space<vmem>>) target(%dma_start3A_668 : memref<640xf32, #tpu.memory_space<vmem_shared>>) target_semaphore(%dma_start3A_667 : memref<!tpu.dma_semaphore, #tpu.memory_space<semaphore_mem>>)
    %add3A_671 = arith.constant 16 : i32
    %add3A_672 = arith.addi %add3A_671, %arg1 : i32
    %mul3A_673 = arith.constant 640 : i32
    %mul3A_674 = arith.muli %add3A_672, %mul3A_673 : i32
    %dma_start3A_675 = arith.constant 1 : i32
    %dma_start3A_676 = arith.constant 640 : i32
    %dma_start3A_677 = tpu.memref_slice %arg16[%dma_start3A_676] : memref<10240xf32, #tpu.memory_space<vmem>> -> memref<640xf32, #tpu.memory_space<vmem>>
    %dma_start3A_678 = tpu.memref_slice %arg20[%mul3A_674] : memref<163840xf32, #tpu.memory_space<vmem_shared>> -> memref<640xf32, #tpu.memory_space<vmem_shared>>
    %dma_start3A_679 = tpu.memref_slice %arg22[%dma_start3A_675] : memref<3x!tpu.dma_semaphore, #tpu.memory_space<semaphore_mem>> -> memref<1x!tpu.dma_semaphore, #tpu.memory_space<semaphore_mem>>
    %dma_start3A_680 = tpu.memref_squeeze %dma_start3A_679 : memref<1x!tpu.dma_semaphore, #tpu.memory_space<semaphore_mem>> -> memref<!tpu.dma_semaphore, #tpu.memory_space<semaphore_mem>>
    %dma_start3A_681 = tpu.memref_slice %arg20[%mul3A_674] : memref<163840xf32, #tpu.memory_space<vmem_shared>> -> memref<640xf32, #tpu.memory_space<vmem_shared>>
    %dma_start3A_682 = arith.constant 640 : i32
    %dma_start3A_683 = tpu.memref_slice %arg16[%dma_start3A_682] : memref<10240xf32, #tpu.memory_space<vmem>> -> memref<640xf32, #tpu.memory_space<vmem>>
    tpu.enqueue_dma source(%dma_start3A_683 : memref<640xf32, #tpu.memory_space<vmem>>) target(%dma_start3A_681 : memref<640xf32, #tpu.memory_space<vmem_shared>>) target_semaphore(%dma_start3A_680 : memref<!tpu.dma_semaphore, #tpu.memory_space<semaphore_mem>>)
    %add3A_684 = arith.constant 32 : i32
    %add3A_685 = arith.addi %add3A_684, %arg1 : i32
    %mul3A_686 = arith.constant 640 : i32
    %mul3A_687 = arith.muli %add3A_685, %mul3A_686 : i32
    %dma_start3A_688 = arith.constant 1 : i32
    %dma_start3A_689 = arith.constant 1280 : i32
    %dma_start3A_690 = tpu.memref_slice %arg16[%dma_start3A_689] : memref<10240xf32, #tpu.memory_space<vmem>> -> memref<640xf32, #tpu.memory_space<vmem>>
    %dma_start3A_691 = tpu.memref_slice %arg20[%mul3A_687] : memref<163840xf32, #tpu.memory_space<vmem_shared>> -> memref<640xf32, #tpu.memory_space<vmem_shared>>
    %dma_start3A_692 = tpu.memref_slice %arg22[%dma_start3A_688] : memref<3x!tpu.dma_semaphore, #tpu.memory_space<semaphore_mem>> -> memref<1x!tpu.dma_semaphore, #tpu.memory_space<semaphore_mem>>
    %dma_start3A_693 = tpu.memref_squeeze %dma_start3A_692 : memref<1x!tpu.dma_semaphore, #tpu.memory_space<semaphore_mem>> -> memref<!tpu.dma_semaphore, #tpu.memory_space<semaphore_mem>>
    %dma_start3A_694 = tpu.memref_slice %arg20[%mul3A_687] : memref<163840xf32, #tpu.memory_space<vmem_shared>> -> memref<640xf32, #tpu.memory_space<vmem_shared>>
    %dma_start3A_695 = arith.constant 1280 : i32
    %dma_start3A_696 = tpu.memref_slice %arg16[%dma_start3A_695] : memref<10240xf32, #tpu.memory_space<vmem>> -> memref<640xf32, #tpu.memory_space<vmem>>
    tpu.enqueue_dma source(%dma_start3A_696 : memref<640xf32, #tpu.memory_space<vmem>>) target(%dma_start3A_694 : memref<640xf32, #tpu.memory_space<vmem_shared>>) target_semaphore(%dma_start3A_693 : memref<!tpu.dma_semaphore, #tpu.memory_space<semaphore_mem>>)
    %add3A_697 = arith.constant 48 : i32
    %add3A_698 = arith.addi %add3A_697, %arg1 : i32
    %mul3A_699 = arith.constant 640 : i32
    %mul3A_700 = arith.muli %add3A_698, %mul3A_699 : i32
    %dma_start3A_701 = arith.constant 1 : i32
    %dma_start3A_702 = arith.constant 1920 : i32
    %dma_start3A_703 = tpu.memref_slice %arg16[%dma_start3A_702] : memref<10240xf32, #tpu.memory_space<vmem>> -> memref<640xf32, #tpu.memory_space<vmem>>
    %dma_start3A_704 = tpu.memref_slice %arg20[%mul3A_700] : memref<163840xf32, #tpu.memory_space<vmem_shared>> -> memref<640xf32, #tpu.memory_space<vmem_shared>>
    %dma_start3A_705 = tpu.memref_slice %arg22[%dma_start3A_701] : memref<3x!tpu.dma_semaphore, #tpu.memory_space<semaphore_mem>> -> memref<1x!tpu.dma_semaphore, #tpu.memory_space<semaphore_mem>>
    %dma_start3A_706 = tpu.memref_squeeze %dma_start3A_705 : memref<1x!tpu.dma_semaphore, #tpu.memory_space<semaphore_mem>> -> memref<!tpu.dma_semaphore, #tpu.memory_space<semaphore_mem>>
    %dma_start3A_707 = tpu.memref_slice %arg20[%mul3A_700] : memref<163840xf32, #tpu.memory_space<vmem_shared>> -> memref<640xf32, #tpu.memory_space<vmem_shared>>
    %dma_start3A_708 = arith.constant 1920 : i32
    %dma_start3A_709 = tpu.memref_slice %arg16[%dma_start3A_708] : memref<10240xf32, #tpu.memory_space<vmem>> -> memref<640xf32, #tpu.memory_space<vmem>>
    tpu.enqueue_dma source(%dma_start3A_709 : memref<640xf32, #tpu.memory_space<vmem>>) target(%dma_start3A_707 : memref<640xf32, #tpu.memory_space<vmem_shared>>) target_semaphore(%dma_start3A_706 : memref<!tpu.dma_semaphore, #tpu.memory_space<semaphore_mem>>)
    %add3A_710 = arith.constant 64 : i32
    %add3A_711 = arith.addi %add3A_710, %arg1 : i32
    %mul3A_712 = arith.constant 640 : i32
    %mul3A_713 = arith.muli %add3A_711, %mul3A_712 : i32
    %dma_start3A_714 = arith.constant 1 : i32
    %dma_start3A_715 = arith.constant 2560 : i32
    %dma_start3A_716 = tpu.memref_slice %arg16[%dma_start3A_715] : memref<10240xf32, #tpu.memory_space<vmem>> -> memref<640xf32, #tpu.memory_space<vmem>>
    %dma_start3A_717 = tpu.memref_slice %arg20[%mul3A_713] : memref<163840xf32, #tpu.memory_space<vmem_shared>> -> memref<640xf32, #tpu.memory_space<vmem_shared>>
    %dma_start3A_718 = tpu.memref_slice %arg22[%dma_start3A_714] : memref<3x!tpu.dma_semaphore, #tpu.memory_space<semaphore_mem>> -> memref<1x!tpu.dma_semaphore, #tpu.memory_space<semaphore_mem>>
    %dma_start3A_719 = tpu.memref_squeeze %dma_start3A_718 : memref<1x!tpu.dma_semaphore, #tpu.memory_space<semaphore_mem>> -> memref<!tpu.dma_semaphore, #tpu.memory_space<semaphore_mem>>
    %dma_start3A_720 = tpu.memref_slice %arg20[%mul3A_713] : memref<163840xf32, #tpu.memory_space<vmem_shared>> -> memref<640xf32, #tpu.memory_space<vmem_shared>>
    %dma_start3A_721 = arith.constant 2560 : i32
    %dma_start3A_722 = tpu.memref_slice %arg16[%dma_start3A_721] : memref<10240xf32, #tpu.memory_space<vmem>> -> memref<640xf32, #tpu.memory_space<vmem>>
    tpu.enqueue_dma source(%dma_start3A_722 : memref<640xf32, #tpu.memory_space<vmem>>) target(%dma_start3A_720 : memref<640xf32, #tpu.memory_space<vmem_shared>>) target_semaphore(%dma_start3A_719 : memref<!tpu.dma_semaphore, #tpu.memory_space<semaphore_mem>>)
    %add3A_723 = arith.constant 80 : i32
    %add3A_724 = arith.addi %add3A_723, %arg1 : i32
    %mul3A_725 = arith.constant 640 : i32
    %mul3A_726 = arith.muli %add3A_724, %mul3A_725 : i32
    %dma_start3A_727 = arith.constant 1 : i32
    %dma_start3A_728 = arith.constant 3200 : i32
    %dma_start3A_729 = tpu.memref_slice %arg16[%dma_start3A_728] : memref<10240xf32, #tpu.memory_space<vmem>> -> memref<640xf32, #tpu.memory_space<vmem>>
    %dma_start3A_730 = tpu.memref_slice %arg20[%mul3A_726] : memref<163840xf32, #tpu.memory_space<vmem_shared>> -> memref<640xf32, #tpu.memory_space<vmem_shared>>
    %dma_start3A_731 = tpu.memref_slice %arg22[%dma_start3A_727] : memref<3x!tpu.dma_semaphore, #tpu.memory_space<semaphore_mem>> -> memref<1x!tpu.dma_semaphore, #tpu.memory_space<semaphore_mem>>
    %dma_start3A_732 = tpu.memref_squeeze %dma_start3A_731 : memref<1x!tpu.dma_semaphore, #tpu.memory_space<semaphore_mem>> -> memref<!tpu.dma_semaphore, #tpu.memory_space<semaphore_mem>>
    %dma_start3A_733 = tpu.memref_slice %arg20[%mul3A_726] : memref<163840xf32, #tpu.memory_space<vmem_shared>> -> memref<640xf32, #tpu.memory_space<vmem_shared>>
    %dma_start3A_734 = arith.constant 3200 : i32
    %dma_start3A_735 = tpu.memref_slice %arg16[%dma_start3A_734] : memref<10240xf32, #tpu.memory_space<vmem>> -> memref<640xf32, #tpu.memory_space<vmem>>
    tpu.enqueue_dma source(%dma_start3A_735 : memref<640xf32, #tpu.memory_space<vmem>>) target(%dma_start3A_733 : memref<640xf32, #tpu.memory_space<vmem_shared>>) target_semaphore(%dma_start3A_732 : memref<!tpu.dma_semaphore, #tpu.memory_space<semaphore_mem>>)
    %add3A_736 = arith.constant 96 : i32
    %add3A_737 = arith.addi %add3A_736, %arg1 : i32
    %mul3A_738 = arith.constant 640 : i32
    %mul3A_739 = arith.muli %add3A_737, %mul3A_738 : i32
    %dma_start3A_740 = arith.constant 1 : i32
    %dma_start3A_741 = arith.constant 3840 : i32
    %dma_start3A_742 = tpu.memref_slice %arg16[%dma_start3A_741] : memref<10240xf32, #tpu.memory_space<vmem>> -> memref<640xf32, #tpu.memory_space<vmem>>
    %dma_start3A_743 = tpu.memref_slice %arg20[%mul3A_739] : memref<163840xf32, #tpu.memory_space<vmem_shared>> -> memref<640xf32, #tpu.memory_space<vmem_shared>>
    %dma_start3A_744 = tpu.memref_slice %arg22[%dma_start3A_740] : memref<3x!tpu.dma_semaphore, #tpu.memory_space<semaphore_mem>> -> memref<1x!tpu.dma_semaphore, #tpu.memory_space<semaphore_mem>>
    %dma_start3A_745 = tpu.memref_squeeze %dma_start3A_744 : memref<1x!tpu.dma_semaphore, #tpu.memory_space<semaphore_mem>> -> memref<!tpu.dma_semaphore, #tpu.memory_space<semaphore_mem>>
    %dma_start3A_746 = tpu.memref_slice %arg20[%mul3A_739] : memref<163840xf32, #tpu.memory_space<vmem_shared>> -> memref<640xf32, #tpu.memory_space<vmem_shared>>
    %dma_start3A_747 = arith.constant 3840 : i32
    %dma_start3A_748 = tpu.memref_slice %arg16[%dma_start3A_747] : memref<10240xf32, #tpu.memory_space<vmem>> -> memref<640xf32, #tpu.memory_space<vmem>>
    tpu.enqueue_dma source(%dma_start3A_748 : memref<640xf32, #tpu.memory_space<vmem>>) target(%dma_start3A_746 : memref<640xf32, #tpu.memory_space<vmem_shared>>) target_semaphore(%dma_start3A_745 : memref<!tpu.dma_semaphore, #tpu.memory_space<semaphore_mem>>)
    %add3A_749 = arith.constant 112 : i32
    %add3A_750 = arith.addi %add3A_749, %arg1 : i32
    %mul3A_751 = arith.constant 640 : i32
    %mul3A_752 = arith.muli %add3A_750, %mul3A_751 : i32
    %dma_start3A_753 = arith.constant 1 : i32
    %dma_start3A_754 = arith.constant 4480 : i32
    %dma_start3A_755 = tpu.memref_slice %arg16[%dma_start3A_754] : memref<10240xf32, #tpu.memory_space<vmem>> -> memref<640xf32, #tpu.memory_space<vmem>>
    %dma_start3A_756 = tpu.memref_slice %arg20[%mul3A_752] : memref<163840xf32, #tpu.memory_space<vmem_shared>> -> memref<640xf32, #tpu.memory_space<vmem_shared>>
    %dma_start3A_757 = tpu.memref_slice %arg22[%dma_start3A_753] : memref<3x!tpu.dma_semaphore, #tpu.memory_space<semaphore_mem>> -> memref<1x!tpu.dma_semaphore, #tpu.memory_space<semaphore_mem>>
    %dma_start3A_758 = tpu.memref_squeeze %dma_start3A_757 : memref<1x!tpu.dma_semaphore, #tpu.memory_space<semaphore_mem>> -> memref<!tpu.dma_semaphore, #tpu.memory_space<semaphore_mem>>
    %dma_start3A_759 = tpu.memref_slice %arg20[%mul3A_752] : memref<163840xf32, #tpu.memory_space<vmem_shared>> -> memref<640xf32, #tpu.memory_space<vmem_shared>>
    %dma_start3A_760 = arith.constant 4480 : i32
    %dma_start3A_761 = tpu.memref_slice %arg16[%dma_start3A_760] : memref<10240xf32, #tpu.memory_space<vmem>> -> memref<640xf32, #tpu.memory_space<vmem>>
    tpu.enqueue_dma source(%dma_start3A_761 : memref<640xf32, #tpu.memory_space<vmem>>) target(%dma_start3A_759 : memref<640xf32, #tpu.memory_space<vmem_shared>>) target_semaphore(%dma_start3A_758 : memref<!tpu.dma_semaphore, #tpu.memory_space<semaphore_mem>>)
    %add3A_762 = arith.constant 128 : i32
    %add3A_763 = arith.addi %add3A_762, %arg1 : i32
    %mul3A_764 = arith.constant 640 : i32
    %mul3A_765 = arith.muli %add3A_763, %mul3A_764 : i32
    %dma_start3A_766 = arith.constant 1 : i32
    %dma_start3A_767 = arith.constant 5120 : i32
    %dma_start3A_768 = tpu.memref_slice %arg16[%dma_start3A_767] : memref<10240xf32, #tpu.memory_space<vmem>> -> memref<640xf32, #tpu.memory_space<vmem>>
    %dma_start3A_769 = tpu.memref_slice %arg20[%mul3A_765] : memref<163840xf32, #tpu.memory_space<vmem_shared>> -> memref<640xf32, #tpu.memory_space<vmem_shared>>
    %dma_start3A_770 = tpu.memref_slice %arg22[%dma_start3A_766] : memref<3x!tpu.dma_semaphore, #tpu.memory_space<semaphore_mem>> -> memref<1x!tpu.dma_semaphore, #tpu.memory_space<semaphore_mem>>
    %dma_start3A_771 = tpu.memref_squeeze %dma_start3A_770 : memref<1x!tpu.dma_semaphore, #tpu.memory_space<semaphore_mem>> -> memref<!tpu.dma_semaphore, #tpu.memory_space<semaphore_mem>>
    %dma_start3A_772 = tpu.memref_slice %arg20[%mul3A_765] : memref<163840xf32, #tpu.memory_space<vmem_shared>> -> memref<640xf32, #tpu.memory_space<vmem_shared>>
    %dma_start3A_773 = arith.constant 5120 : i32
    %dma_start3A_774 = tpu.memref_slice %arg16[%dma_start3A_773] : memref<10240xf32, #tpu.memory_space<vmem>> -> memref<640xf32, #tpu.memory_space<vmem>>
    tpu.enqueue_dma source(%dma_start3A_774 : memref<640xf32, #tpu.memory_space<vmem>>) target(%dma_start3A_772 : memref<640xf32, #tpu.memory_space<vmem_shared>>) target_semaphore(%dma_start3A_771 : memref<!tpu.dma_semaphore, #tpu.memory_space<semaphore_mem>>)
    %add3A_775 = arith.constant 144 : i32
    %add3A_776 = arith.addi %add3A_775, %arg1 : i32
    %mul3A_777 = arith.constant 640 : i32
    %mul3A_778 = arith.muli %add3A_776, %mul3A_777 : i32
    %dma_start3A_779 = arith.constant 1 : i32
    %dma_start3A_780 = arith.constant 5760 : i32
    %dma_start3A_781 = tpu.memref_slice %arg16[%dma_start3A_780] : memref<10240xf32, #tpu.memory_space<vmem>> -> memref<640xf32, #tpu.memory_space<vmem>>
    %dma_start3A_782 = tpu.memref_slice %arg20[%mul3A_778] : memref<163840xf32, #tpu.memory_space<vmem_shared>> -> memref<640xf32, #tpu.memory_space<vmem_shared>>
    %dma_start3A_783 = tpu.memref_slice %arg22[%dma_start3A_779] : memref<3x!tpu.dma_semaphore, #tpu.memory_space<semaphore_mem>> -> memref<1x!tpu.dma_semaphore, #tpu.memory_space<semaphore_mem>>
    %dma_start3A_784 = tpu.memref_squeeze %dma_start3A_783 : memref<1x!tpu.dma_semaphore, #tpu.memory_space<semaphore_mem>> -> memref<!tpu.dma_semaphore, #tpu.memory_space<semaphore_mem>>
    %dma_start3A_785 = tpu.memref_slice %arg20[%mul3A_778] : memref<163840xf32, #tpu.memory_space<vmem_shared>> -> memref<640xf32, #tpu.memory_space<vmem_shared>>
    %dma_start3A_786 = arith.constant 5760 : i32
    %dma_start3A_787 = tpu.memref_slice %arg16[%dma_start3A_786] : memref<10240xf32, #tpu.memory_space<vmem>> -> memref<640xf32, #tpu.memory_space<vmem>>
    tpu.enqueue_dma source(%dma_start3A_787 : memref<640xf32, #tpu.memory_space<vmem>>) target(%dma_start3A_785 : memref<640xf32, #tpu.memory_space<vmem_shared>>) target_semaphore(%dma_start3A_784 : memref<!tpu.dma_semaphore, #tpu.memory_space<semaphore_mem>>)
    %add3A_788 = arith.constant 160 : i32
    %add3A_789 = arith.addi %add3A_788, %arg1 : i32
    %mul3A_790 = arith.constant 640 : i32
    %mul3A_791 = arith.muli %add3A_789, %mul3A_790 : i32
    %dma_start3A_792 = arith.constant 1 : i32
    %dma_start3A_793 = arith.constant 6400 : i32
    %dma_start3A_794 = tpu.memref_slice %arg16[%dma_start3A_793] : memref<10240xf32, #tpu.memory_space<vmem>> -> memref<640xf32, #tpu.memory_space<vmem>>
    %dma_start3A_795 = tpu.memref_slice %arg20[%mul3A_791] : memref<163840xf32, #tpu.memory_space<vmem_shared>> -> memref<640xf32, #tpu.memory_space<vmem_shared>>
    %dma_start3A_796 = tpu.memref_slice %arg22[%dma_start3A_792] : memref<3x!tpu.dma_semaphore, #tpu.memory_space<semaphore_mem>> -> memref<1x!tpu.dma_semaphore, #tpu.memory_space<semaphore_mem>>
    %dma_start3A_797 = tpu.memref_squeeze %dma_start3A_796 : memref<1x!tpu.dma_semaphore, #tpu.memory_space<semaphore_mem>> -> memref<!tpu.dma_semaphore, #tpu.memory_space<semaphore_mem>>
    %dma_start3A_798 = tpu.memref_slice %arg20[%mul3A_791] : memref<163840xf32, #tpu.memory_space<vmem_shared>> -> memref<640xf32, #tpu.memory_space<vmem_shared>>
    %dma_start3A_799 = arith.constant 6400 : i32
    %dma_start3A_800 = tpu.memref_slice %arg16[%dma_start3A_799] : memref<10240xf32, #tpu.memory_space<vmem>> -> memref<640xf32, #tpu.memory_space<vmem>>
    tpu.enqueue_dma source(%dma_start3A_800 : memref<640xf32, #tpu.memory_space<vmem>>) target(%dma_start3A_798 : memref<640xf32, #tpu.memory_space<vmem_shared>>) target_semaphore(%dma_start3A_797 : memref<!tpu.dma_semaphore, #tpu.memory_space<semaphore_mem>>)
    %add3A_801 = arith.constant 176 : i32
    %add3A_802 = arith.addi %add3A_801, %arg1 : i32
    %mul3A_803 = arith.constant 640 : i32
    %mul3A_804 = arith.muli %add3A_802, %mul3A_803 : i32
    %dma_start3A_805 = arith.constant 1 : i32
    %dma_start3A_806 = arith.constant 7040 : i32
    %dma_start3A_807 = tpu.memref_slice %arg16[%dma_start3A_806] : memref<10240xf32, #tpu.memory_space<vmem>> -> memref<640xf32, #tpu.memory_space<vmem>>
    %dma_start3A_808 = tpu.memref_slice %arg20[%mul3A_804] : memref<163840xf32, #tpu.memory_space<vmem_shared>> -> memref<640xf32, #tpu.memory_space<vmem_shared>>
    %dma_start3A_809 = tpu.memref_slice %arg22[%dma_start3A_805] : memref<3x!tpu.dma_semaphore, #tpu.memory_space<semaphore_mem>> -> memref<1x!tpu.dma_semaphore, #tpu.memory_space<semaphore_mem>>
    %dma_start3A_810 = tpu.memref_squeeze %dma_start3A_809 : memref<1x!tpu.dma_semaphore, #tpu.memory_space<semaphore_mem>> -> memref<!tpu.dma_semaphore, #tpu.memory_space<semaphore_mem>>
    %dma_start3A_811 = tpu.memref_slice %arg20[%mul3A_804] : memref<163840xf32, #tpu.memory_space<vmem_shared>> -> memref<640xf32, #tpu.memory_space<vmem_shared>>
    %dma_start3A_812 = arith.constant 7040 : i32
    %dma_start3A_813 = tpu.memref_slice %arg16[%dma_start3A_812] : memref<10240xf32, #tpu.memory_space<vmem>> -> memref<640xf32, #tpu.memory_space<vmem>>
    tpu.enqueue_dma source(%dma_start3A_813 : memref<640xf32, #tpu.memory_space<vmem>>) target(%dma_start3A_811 : memref<640xf32, #tpu.memory_space<vmem_shared>>) target_semaphore(%dma_start3A_810 : memref<!tpu.dma_semaphore, #tpu.memory_space<semaphore_mem>>)
    %add3A_814 = arith.constant 192 : i32
    %add3A_815 = arith.addi %add3A_814, %arg1 : i32
    %mul3A_816 = arith.constant 640 : i32
    %mul3A_817 = arith.muli %add3A_815, %mul3A_816 : i32
    %dma_start3A_818 = arith.constant 1 : i32
    %dma_start3A_819 = arith.constant 7680 : i32
    %dma_start3A_820 = tpu.memref_slice %arg16[%dma_start3A_819] : memref<10240xf32, #tpu.memory_space<vmem>> -> memref<640xf32, #tpu.memory_space<vmem>>
    %dma_start3A_821 = tpu.memref_slice %arg20[%mul3A_817] : memref<163840xf32, #tpu.memory_space<vmem_shared>> -> memref<640xf32, #tpu.memory_space<vmem_shared>>
    %dma_start3A_822 = tpu.memref_slice %arg22[%dma_start3A_818] : memref<3x!tpu.dma_semaphore, #tpu.memory_space<semaphore_mem>> -> memref<1x!tpu.dma_semaphore, #tpu.memory_space<semaphore_mem>>
    %dma_start3A_823 = tpu.memref_squeeze %dma_start3A_822 : memref<1x!tpu.dma_semaphore, #tpu.memory_space<semaphore_mem>> -> memref<!tpu.dma_semaphore, #tpu.memory_space<semaphore_mem>>
    %dma_start3A_824 = tpu.memref_slice %arg20[%mul3A_817] : memref<163840xf32, #tpu.memory_space<vmem_shared>> -> memref<640xf32, #tpu.memory_space<vmem_shared>>
    %dma_start3A_825 = arith.constant 7680 : i32
    %dma_start3A_826 = tpu.memref_slice %arg16[%dma_start3A_825] : memref<10240xf32, #tpu.memory_space<vmem>> -> memref<640xf32, #tpu.memory_space<vmem>>
    tpu.enqueue_dma source(%dma_start3A_826 : memref<640xf32, #tpu.memory_space<vmem>>) target(%dma_start3A_824 : memref<640xf32, #tpu.memory_space<vmem_shared>>) target_semaphore(%dma_start3A_823 : memref<!tpu.dma_semaphore, #tpu.memory_space<semaphore_mem>>)
    %add3A_827 = arith.constant 208 : i32
    %add3A_828 = arith.addi %add3A_827, %arg1 : i32
    %mul3A_829 = arith.constant 640 : i32
    %mul3A_830 = arith.muli %add3A_828, %mul3A_829 : i32
    %dma_start3A_831 = arith.constant 1 : i32
    %dma_start3A_832 = arith.constant 8320 : i32
    %dma_start3A_833 = tpu.memref_slice %arg16[%dma_start3A_832] : memref<10240xf32, #tpu.memory_space<vmem>> -> memref<640xf32, #tpu.memory_space<vmem>>
    %dma_start3A_834 = tpu.memref_slice %arg20[%mul3A_830] : memref<163840xf32, #tpu.memory_space<vmem_shared>> -> memref<640xf32, #tpu.memory_space<vmem_shared>>
    %dma_start3A_835 = tpu.memref_slice %arg22[%dma_start3A_831] : memref<3x!tpu.dma_semaphore, #tpu.memory_space<semaphore_mem>> -> memref<1x!tpu.dma_semaphore, #tpu.memory_space<semaphore_mem>>
    %dma_start3A_836 = tpu.memref_squeeze %dma_start3A_835 : memref<1x!tpu.dma_semaphore, #tpu.memory_space<semaphore_mem>> -> memref<!tpu.dma_semaphore, #tpu.memory_space<semaphore_mem>>
    %dma_start3A_837 = tpu.memref_slice %arg20[%mul3A_830] : memref<163840xf32, #tpu.memory_space<vmem_shared>> -> memref<640xf32, #tpu.memory_space<vmem_shared>>
    %dma_start3A_838 = arith.constant 8320 : i32
    %dma_start3A_839 = tpu.memref_slice %arg16[%dma_start3A_838] : memref<10240xf32, #tpu.memory_space<vmem>> -> memref<640xf32, #tpu.memory_space<vmem>>
    tpu.enqueue_dma source(%dma_start3A_839 : memref<640xf32, #tpu.memory_space<vmem>>) target(%dma_start3A_837 : memref<640xf32, #tpu.memory_space<vmem_shared>>) target_semaphore(%dma_start3A_836 : memref<!tpu.dma_semaphore, #tpu.memory_space<semaphore_mem>>)
    %add3A_840 = arith.constant 224 : i32
    %add3A_841 = arith.addi %add3A_840, %arg1 : i32
    %mul3A_842 = arith.constant 640 : i32
    %mul3A_843 = arith.muli %add3A_841, %mul3A_842 : i32
    %dma_start3A_844 = arith.constant 1 : i32
    %dma_start3A_845 = arith.constant 8960 : i32
    %dma_start3A_846 = tpu.memref_slice %arg16[%dma_start3A_845] : memref<10240xf32, #tpu.memory_space<vmem>> -> memref<640xf32, #tpu.memory_space<vmem>>
    %dma_start3A_847 = tpu.memref_slice %arg20[%mul3A_843] : memref<163840xf32, #tpu.memory_space<vmem_shared>> -> memref<640xf32, #tpu.memory_space<vmem_shared>>
    %dma_start3A_848 = tpu.memref_slice %arg22[%dma_start3A_844] : memref<3x!tpu.dma_semaphore, #tpu.memory_space<semaphore_mem>> -> memref<1x!tpu.dma_semaphore, #tpu.memory_space<semaphore_mem>>
    %dma_start3A_849 = tpu.memref_squeeze %dma_start3A_848 : memref<1x!tpu.dma_semaphore, #tpu.memory_space<semaphore_mem>> -> memref<!tpu.dma_semaphore, #tpu.memory_space<semaphore_mem>>
    %dma_start3A_850 = tpu.memref_slice %arg20[%mul3A_843] : memref<163840xf32, #tpu.memory_space<vmem_shared>> -> memref<640xf32, #tpu.memory_space<vmem_shared>>
    %dma_start3A_851 = arith.constant 8960 : i32
    %dma_start3A_852 = tpu.memref_slice %arg16[%dma_start3A_851] : memref<10240xf32, #tpu.memory_space<vmem>> -> memref<640xf32, #tpu.memory_space<vmem>>
    tpu.enqueue_dma source(%dma_start3A_852 : memref<640xf32, #tpu.memory_space<vmem>>) target(%dma_start3A_850 : memref<640xf32, #tpu.memory_space<vmem_shared>>) target_semaphore(%dma_start3A_849 : memref<!tpu.dma_semaphore, #tpu.memory_space<semaphore_mem>>)
    %add3A_853 = arith.constant 240 : i32
    %add3A_854 = arith.addi %add3A_853, %arg1 : i32
    %mul3A_855 = arith.constant 640 : i32
    %mul3A_856 = arith.muli %add3A_854, %mul3A_855 : i32
    %dma_start3A_857 = arith.constant 1 : i32
    %dma_start3A_858 = arith.constant 9600 : i32
    %dma_start3A_859 = tpu.memref_slice %arg16[%dma_start3A_858] : memref<10240xf32, #tpu.memory_space<vmem>> -> memref<640xf32, #tpu.memory_space<vmem>>
    %dma_start3A_860 = tpu.memref_slice %arg20[%mul3A_856] : memref<163840xf32, #tpu.memory_space<vmem_shared>> -> memref<640xf32, #tpu.memory_space<vmem_shared>>
    %dma_start3A_861 = tpu.memref_slice %arg22[%dma_start3A_857] : memref<3x!tpu.dma_semaphore, #tpu.memory_space<semaphore_mem>> -> memref<1x!tpu.dma_semaphore, #tpu.memory_space<semaphore_mem>>
    %dma_start3A_862 = tpu.memref_squeeze %dma_start3A_861 : memref<1x!tpu.dma_semaphore, #tpu.memory_space<semaphore_mem>> -> memref<!tpu.dma_semaphore, #tpu.memory_space<semaphore_mem>>
    %dma_start3A_863 = tpu.memref_slice %arg20[%mul3A_856] : memref<163840xf32, #tpu.memory_space<vmem_shared>> -> memref<640xf32, #tpu.memory_space<vmem_shared>>
    %dma_start3A_864 = arith.constant 9600 : i32
    %dma_start3A_865 = tpu.memref_slice %arg16[%dma_start3A_864] : memref<10240xf32, #tpu.memory_space<vmem>> -> memref<640xf32, #tpu.memory_space<vmem>>
    tpu.enqueue_dma source(%dma_start3A_865 : memref<640xf32, #tpu.memory_space<vmem>>) target(%dma_start3A_863 : memref<640xf32, #tpu.memory_space<vmem_shared>>) target_semaphore(%dma_start3A_862 : memref<!tpu.dma_semaphore, #tpu.memory_space<semaphore_mem>>)
    %mul3A_866 = arith.constant 640 : i32
    %mul3A_867 = arith.muli %arg1, %mul3A_866 : i32
    %dma_wait3A_868 = arith.constant 1 : i32
    %dma_wait3A_869 = arith.constant 0 : i32
    %dma_wait3A_870 = tpu.memref_slice %arg16[%dma_wait3A_869] : memref<10240xf32, #tpu.memory_space<vmem>> -> memref<640xf32, #tpu.memory_space<vmem>>
    %dma_wait3A_871 = tpu.memref_slice %arg20[%mul3A_867] : memref<163840xf32, #tpu.memory_space<vmem_shared>> -> memref<640xf32, #tpu.memory_space<vmem_shared>>
    %dma_wait3A_872 = tpu.memref_slice %arg22[%dma_wait3A_868] : memref<3x!tpu.dma_semaphore, #tpu.memory_space<semaphore_mem>> -> memref<1x!tpu.dma_semaphore, #tpu.memory_space<semaphore_mem>>
    %dma_wait3A_873 = tpu.memref_squeeze %dma_wait3A_872 : memref<1x!tpu.dma_semaphore, #tpu.memory_space<semaphore_mem>> -> memref<!tpu.dma_semaphore, #tpu.memory_space<semaphore_mem>>
    %dma_wait3A_874 = tpu.memref_slice %arg20[%mul3A_867] : memref<163840xf32, #tpu.memory_space<vmem_shared>> -> memref<640xf32, #tpu.memory_space<vmem_shared>>
    %dma_wait3A_875 = arith.constant 0 : i32
    %dma_wait3A_876 = tpu.memref_slice %arg16[%dma_wait3A_875] : memref<10240xf32, #tpu.memory_space<vmem>> -> memref<640xf32, #tpu.memory_space<vmem>>
    tpu.wait_dma2 semaphore(%dma_wait3A_873 : memref<!tpu.dma_semaphore, #tpu.memory_space<semaphore_mem>>) src(%dma_wait3A_876 : memref<640xf32, #tpu.memory_space<vmem>>) dst(%dma_wait3A_874 : memref<640xf32, #tpu.memory_space<vmem_shared>>)
    %mul3A_877 = arith.constant 640 : i32
    %mul3A_878 = arith.muli %arg1, %mul3A_877 : i32
    %dma_wait3A_879 = arith.constant 1 : i32
    %dma_wait3A_880 = arith.constant 0 : i32
    %dma_wait3A_881 = tpu.memref_slice %arg16[%dma_wait3A_880] : memref<10240xf32, #tpu.memory_space<vmem>> -> memref<640xf32, #tpu.memory_space<vmem>>
    %dma_wait3A_882 = tpu.memref_slice %arg20[%mul3A_878] : memref<163840xf32, #tpu.memory_space<vmem_shared>> -> memref<640xf32, #tpu.memory_space<vmem_shared>>
    %dma_wait3A_883 = tpu.memref_slice %arg22[%dma_wait3A_879] : memref<3x!tpu.dma_semaphore, #tpu.memory_space<semaphore_mem>> -> memref<1x!tpu.dma_semaphore, #tpu.memory_space<semaphore_mem>>
    %dma_wait3A_884 = tpu.memref_squeeze %dma_wait3A_883 : memref<1x!tpu.dma_semaphore, #tpu.memory_space<semaphore_mem>> -> memref<!tpu.dma_semaphore, #tpu.memory_space<semaphore_mem>>
    %dma_wait3A_885 = tpu.memref_slice %arg20[%mul3A_878] : memref<163840xf32, #tpu.memory_space<vmem_shared>> -> memref<640xf32, #tpu.memory_space<vmem_shared>>
    %dma_wait3A_886 = arith.constant 0 : i32
    %dma_wait3A_887 = tpu.memref_slice %arg16[%dma_wait3A_886] : memref<10240xf32, #tpu.memory_space<vmem>> -> memref<640xf32, #tpu.memory_space<vmem>>
    tpu.wait_dma2 semaphore(%dma_wait3A_884 : memref<!tpu.dma_semaphore, #tpu.memory_space<semaphore_mem>>) src(%dma_wait3A_887 : memref<640xf32, #tpu.memory_space<vmem>>) dst(%dma_wait3A_885 : memref<640xf32, #tpu.memory_space<vmem_shared>>)
    %mul3A_888 = arith.constant 640 : i32
    %mul3A_889 = arith.muli %arg1, %mul3A_888 : i32
    %dma_wait3A_890 = arith.constant 1 : i32
    %dma_wait3A_891 = arith.constant 0 : i32
    %dma_wait3A_892 = tpu.memref_slice %arg16[%dma_wait3A_891] : memref<10240xf32, #tpu.memory_space<vmem>> -> memref<640xf32, #tpu.memory_space<vmem>>
    %dma_wait3A_893 = tpu.memref_slice %arg20[%mul3A_889] : memref<163840xf32, #tpu.memory_space<vmem_shared>> -> memref<640xf32, #tpu.memory_space<vmem_shared>>
    %dma_wait3A_894 = tpu.memref_slice %arg22[%dma_wait3A_890] : memref<3x!tpu.dma_semaphore, #tpu.memory_space<semaphore_mem>> -> memref<1x!tpu.dma_semaphore, #tpu.memory_space<semaphore_mem>>
    %dma_wait3A_895 = tpu.memref_squeeze %dma_wait3A_894 : memref<1x!tpu.dma_semaphore, #tpu.memory_space<semaphore_mem>> -> memref<!tpu.dma_semaphore, #tpu.memory_space<semaphore_mem>>
    %dma_wait3A_896 = tpu.memref_slice %arg20[%mul3A_889] : memref<163840xf32, #tpu.memory_space<vmem_shared>> -> memref<640xf32, #tpu.memory_space<vmem_shared>>
    %dma_wait3A_897 = arith.constant 0 : i32
    %dma_wait3A_898 = tpu.memref_slice %arg16[%dma_wait3A_897] : memref<10240xf32, #tpu.memory_space<vmem>> -> memref<640xf32, #tpu.memory_space<vmem>>
    tpu.wait_dma2 semaphore(%dma_wait3A_895 : memref<!tpu.dma_semaphore, #tpu.memory_space<semaphore_mem>>) src(%dma_wait3A_898 : memref<640xf32, #tpu.memory_space<vmem>>) dst(%dma_wait3A_896 : memref<640xf32, #tpu.memory_space<vmem_shared>>)
    %mul3A_899 = arith.constant 640 : i32
    %mul3A_900 = arith.muli %arg1, %mul3A_899 : i32
    %dma_wait3A_901 = arith.constant 1 : i32
    %dma_wait3A_902 = arith.constant 0 : i32
    %dma_wait3A_903 = tpu.memref_slice %arg16[%dma_wait3A_902] : memref<10240xf32, #tpu.memory_space<vmem>> -> memref<640xf32, #tpu.memory_space<vmem>>
    %dma_wait3A_904 = tpu.memref_slice %arg20[%mul3A_900] : memref<163840xf32, #tpu.memory_space<vmem_shared>> -> memref<640xf32, #tpu.memory_space<vmem_shared>>
    %dma_wait3A_905 = tpu.memref_slice %arg22[%dma_wait3A_901] : memref<3x!tpu.dma_semaphore, #tpu.memory_space<semaphore_mem>> -> memref<1x!tpu.dma_semaphore, #tpu.memory_space<semaphore_mem>>
    %dma_wait3A_906 = tpu.memref_squeeze %dma_wait3A_905 : memref<1x!tpu.dma_semaphore, #tpu.memory_space<semaphore_mem>> -> memref<!tpu.dma_semaphore, #tpu.memory_space<semaphore_mem>>
    %dma_wait3A_907 = tpu.memref_slice %arg20[%mul3A_900] : memref<163840xf32, #tpu.memory_space<vmem_shared>> -> memref<640xf32, #tpu.memory_space<vmem_shared>>
    %dma_wait3A_908 = arith.constant 0 : i32
    %dma_wait3A_909 = tpu.memref_slice %arg16[%dma_wait3A_908] : memref<10240xf32, #tpu.memory_space<vmem>> -> memref<640xf32, #tpu.memory_space<vmem>>
    tpu.wait_dma2 semaphore(%dma_wait3A_906 : memref<!tpu.dma_semaphore, #tpu.memory_space<semaphore_mem>>) src(%dma_wait3A_909 : memref<640xf32, #tpu.memory_space<vmem>>) dst(%dma_wait3A_907 : memref<640xf32, #tpu.memory_space<vmem_shared>>)
    %mul3A_910 = arith.constant 640 : i32
    %mul3A_911 = arith.muli %arg1, %mul3A_910 : i32
    %dma_wait3A_912 = arith.constant 1 : i32
    %dma_wait3A_913 = arith.constant 0 : i32
    %dma_wait3A_914 = tpu.memref_slice %arg16[%dma_wait3A_913] : memref<10240xf32, #tpu.memory_space<vmem>> -> memref<640xf32, #tpu.memory_space<vmem>>
    %dma_wait3A_915 = tpu.memref_slice %arg20[%mul3A_911] : memref<163840xf32, #tpu.memory_space<vmem_shared>> -> memref<640xf32, #tpu.memory_space<vmem_shared>>
    %dma_wait3A_916 = tpu.memref_slice %arg22[%dma_wait3A_912] : memref<3x!tpu.dma_semaphore, #tpu.memory_space<semaphore_mem>> -> memref<1x!tpu.dma_semaphore, #tpu.memory_space<semaphore_mem>>
    %dma_wait3A_917 = tpu.memref_squeeze %dma_wait3A_916 : memref<1x!tpu.dma_semaphore, #tpu.memory_space<semaphore_mem>> -> memref<!tpu.dma_semaphore, #tpu.memory_space<semaphore_mem>>
    %dma_wait3A_918 = tpu.memref_slice %arg20[%mul3A_911] : memref<163840xf32, #tpu.memory_space<vmem_shared>> -> memref<640xf32, #tpu.memory_space<vmem_shared>>
    %dma_wait3A_919 = arith.constant 0 : i32
    %dma_wait3A_920 = tpu.memref_slice %arg16[%dma_wait3A_919] : memref<10240xf32, #tpu.memory_space<vmem>> -> memref<640xf32, #tpu.memory_space<vmem>>
    tpu.wait_dma2 semaphore(%dma_wait3A_917 : memref<!tpu.dma_semaphore, #tpu.memory_space<semaphore_mem>>) src(%dma_wait3A_920 : memref<640xf32, #tpu.memory_space<vmem>>) dst(%dma_wait3A_918 : memref<640xf32, #tpu.memory_space<vmem_shared>>)
    %mul3A_921 = arith.constant 640 : i32
    %mul3A_922 = arith.muli %arg1, %mul3A_921 : i32
    %dma_wait3A_923 = arith.constant 1 : i32
    %dma_wait3A_924 = arith.constant 0 : i32
    %dma_wait3A_925 = tpu.memref_slice %arg16[%dma_wait3A_924] : memref<10240xf32, #tpu.memory_space<vmem>> -> memref<640xf32, #tpu.memory_space<vmem>>
    %dma_wait3A_926 = tpu.memref_slice %arg20[%mul3A_922] : memref<163840xf32, #tpu.memory_space<vmem_shared>> -> memref<640xf32, #tpu.memory_space<vmem_shared>>
    %dma_wait3A_927 = tpu.memref_slice %arg22[%dma_wait3A_923] : memref<3x!tpu.dma_semaphore, #tpu.memory_space<semaphore_mem>> -> memref<1x!tpu.dma_semaphore, #tpu.memory_space<semaphore_mem>>
    %dma_wait3A_928 = tpu.memref_squeeze %dma_wait3A_927 : memref<1x!tpu.dma_semaphore, #tpu.memory_space<semaphore_mem>> -> memref<!tpu.dma_semaphore, #tpu.memory_space<semaphore_mem>>
    %dma_wait3A_929 = tpu.memref_slice %arg20[%mul3A_922] : memref<163840xf32, #tpu.memory_space<vmem_shared>> -> memref<640xf32, #tpu.memory_space<vmem_shared>>
    %dma_wait3A_930 = arith.constant 0 : i32
    %dma_wait3A_931 = tpu.memref_slice %arg16[%dma_wait3A_930] : memref<10240xf32, #tpu.memory_space<vmem>> -> memref<640xf32, #tpu.memory_space<vmem>>
    tpu.wait_dma2 semaphore(%dma_wait3A_928 : memref<!tpu.dma_semaphore, #tpu.memory_space<semaphore_mem>>) src(%dma_wait3A_931 : memref<640xf32, #tpu.memory_space<vmem>>) dst(%dma_wait3A_929 : memref<640xf32, #tpu.memory_space<vmem_shared>>)
    %mul3A_932 = arith.constant 640 : i32
    %mul3A_933 = arith.muli %arg1, %mul3A_932 : i32
    %dma_wait3A_934 = arith.constant 1 : i32
    %dma_wait3A_935 = arith.constant 0 : i32
    %dma_wait3A_936 = tpu.memref_slice %arg16[%dma_wait3A_935] : memref<10240xf32, #tpu.memory_space<vmem>> -> memref<640xf32, #tpu.memory_space<vmem>>
    %dma_wait3A_937 = tpu.memref_slice %arg20[%mul3A_933] : memref<163840xf32, #tpu.memory_space<vmem_shared>> -> memref<640xf32, #tpu.memory_space<vmem_shared>>
    %dma_wait3A_938 = tpu.memref_slice %arg22[%dma_wait3A_934] : memref<3x!tpu.dma_semaphore, #tpu.memory_space<semaphore_mem>> -> memref<1x!tpu.dma_semaphore, #tpu.memory_space<semaphore_mem>>
    %dma_wait3A_939 = tpu.memref_squeeze %dma_wait3A_938 : memref<1x!tpu.dma_semaphore, #tpu.memory_space<semaphore_mem>> -> memref<!tpu.dma_semaphore, #tpu.memory_space<semaphore_mem>>
    %dma_wait3A_940 = tpu.memref_slice %arg20[%mul3A_933] : memref<163840xf32, #tpu.memory_space<vmem_shared>> -> memref<640xf32, #tpu.memory_space<vmem_shared>>
    %dma_wait3A_941 = arith.constant 0 : i32
    %dma_wait3A_942 = tpu.memref_slice %arg16[%dma_wait3A_941] : memref<10240xf32, #tpu.memory_space<vmem>> -> memref<640xf32, #tpu.memory_space<vmem>>
    tpu.wait_dma2 semaphore(%dma_wait3A_939 : memref<!tpu.dma_semaphore, #tpu.memory_space<semaphore_mem>>) src(%dma_wait3A_942 : memref<640xf32, #tpu.memory_space<vmem>>) dst(%dma_wait3A_940 : memref<640xf32, #tpu.memory_space<vmem_shared>>)
    %mul3A_943 = arith.constant 640 : i32
    %mul3A_944 = arith.muli %arg1, %mul3A_943 : i32
    %dma_wait3A_945 = arith.constant 1 : i32
    %dma_wait3A_946 = arith.constant 0 : i32
    %dma_wait3A_947 = tpu.memref_slice %arg16[%dma_wait3A_946] : memref<10240xf32, #tpu.memory_space<vmem>> -> memref<640xf32, #tpu.memory_space<vmem>>
    %dma_wait3A_948 = tpu.memref_slice %arg20[%mul3A_944] : memref<163840xf32, #tpu.memory_space<vmem_shared>> -> memref<640xf32, #tpu.memory_space<vmem_shared>>
    %dma_wait3A_949 = tpu.memref_slice %arg22[%dma_wait3A_945] : memref<3x!tpu.dma_semaphore, #tpu.memory_space<semaphore_mem>> -> memref<1x!tpu.dma_semaphore, #tpu.memory_space<semaphore_mem>>
    %dma_wait3A_950 = tpu.memref_squeeze %dma_wait3A_949 : memref<1x!tpu.dma_semaphore, #tpu.memory_space<semaphore_mem>> -> memref<!tpu.dma_semaphore, #tpu.memory_space<semaphore_mem>>
    %dma_wait3A_951 = tpu.memref_slice %arg20[%mul3A_944] : memref<163840xf32, #tpu.memory_space<vmem_shared>> -> memref<640xf32, #tpu.memory_space<vmem_shared>>
    %dma_wait3A_952 = arith.constant 0 : i32
    %dma_wait3A_953 = tpu.memref_slice %arg16[%dma_wait3A_952] : memref<10240xf32, #tpu.memory_space<vmem>> -> memref<640xf32, #tpu.memory_space<vmem>>
    tpu.wait_dma2 semaphore(%dma_wait3A_950 : memref<!tpu.dma_semaphore, #tpu.memory_space<semaphore_mem>>) src(%dma_wait3A_953 : memref<640xf32, #tpu.memory_space<vmem>>) dst(%dma_wait3A_951 : memref<640xf32, #tpu.memory_space<vmem_shared>>)
    %mul3A_954 = arith.constant 640 : i32
    %mul3A_955 = arith.muli %arg1, %mul3A_954 : i32
    %dma_wait3A_956 = arith.constant 1 : i32
    %dma_wait3A_957 = arith.constant 0 : i32
    %dma_wait3A_958 = tpu.memref_slice %arg16[%dma_wait3A_957] : memref<10240xf32, #tpu.memory_space<vmem>> -> memref<640xf32, #tpu.memory_space<vmem>>
    %dma_wait3A_959 = tpu.memref_slice %arg20[%mul3A_955] : memref<163840xf32, #tpu.memory_space<vmem_shared>> -> memref<640xf32, #tpu.memory_space<vmem_shared>>
    %dma_wait3A_960 = tpu.memref_slice %arg22[%dma_wait3A_956] : memref<3x!tpu.dma_semaphore, #tpu.memory_space<semaphore_mem>> -> memref<1x!tpu.dma_semaphore, #tpu.memory_space<semaphore_mem>>
    %dma_wait3A_961 = tpu.memref_squeeze %dma_wait3A_960 : memref<1x!tpu.dma_semaphore, #tpu.memory_space<semaphore_mem>> -> memref<!tpu.dma_semaphore, #tpu.memory_space<semaphore_mem>>
    %dma_wait3A_962 = tpu.memref_slice %arg20[%mul3A_955] : memref<163840xf32, #tpu.memory_space<vmem_shared>> -> memref<640xf32, #tpu.memory_space<vmem_shared>>
    %dma_wait3A_963 = arith.constant 0 : i32
    %dma_wait3A_964 = tpu.memref_slice %arg16[%dma_wait3A_963] : memref<10240xf32, #tpu.memory_space<vmem>> -> memref<640xf32, #tpu.memory_space<vmem>>
    tpu.wait_dma2 semaphore(%dma_wait3A_961 : memref<!tpu.dma_semaphore, #tpu.memory_space<semaphore_mem>>) src(%dma_wait3A_964 : memref<640xf32, #tpu.memory_space<vmem>>) dst(%dma_wait3A_962 : memref<640xf32, #tpu.memory_space<vmem_shared>>)
    %mul3A_965 = arith.constant 640 : i32
    %mul3A_966 = arith.muli %arg1, %mul3A_965 : i32
    %dma_wait3A_967 = arith.constant 1 : i32
    %dma_wait3A_968 = arith.constant 0 : i32
    %dma_wait3A_969 = tpu.memref_slice %arg16[%dma_wait3A_968] : memref<10240xf32, #tpu.memory_space<vmem>> -> memref<640xf32, #tpu.memory_space<vmem>>
    %dma_wait3A_970 = tpu.memref_slice %arg20[%mul3A_966] : memref<163840xf32, #tpu.memory_space<vmem_shared>> -> memref<640xf32, #tpu.memory_space<vmem_shared>>
    %dma_wait3A_971 = tpu.memref_slice %arg22[%dma_wait3A_967] : memref<3x!tpu.dma_semaphore, #tpu.memory_space<semaphore_mem>> -> memref<1x!tpu.dma_semaphore, #tpu.memory_space<semaphore_mem>>
    %dma_wait3A_972 = tpu.memref_squeeze %dma_wait3A_971 : memref<1x!tpu.dma_semaphore, #tpu.memory_space<semaphore_mem>> -> memref<!tpu.dma_semaphore, #tpu.memory_space<semaphore_mem>>
    %dma_wait3A_973 = tpu.memref_slice %arg20[%mul3A_966] : memref<163840xf32, #tpu.memory_space<vmem_shared>> -> memref<640xf32, #tpu.memory_space<vmem_shared>>
    %dma_wait3A_974 = arith.constant 0 : i32
    %dma_wait3A_975 = tpu.memref_slice %arg16[%dma_wait3A_974] : memref<10240xf32, #tpu.memory_space<vmem>> -> memref<640xf32, #tpu.memory_space<vmem>>
    tpu.wait_dma2 semaphore(%dma_wait3A_972 : memref<!tpu.dma_semaphore, #tpu.memory_space<semaphore_mem>>) src(%dma_wait3A_975 : memref<640xf32, #tpu.memory_space<vmem>>) dst(%dma_wait3A_973 : memref<640xf32, #tpu.memory_space<vmem_shared>>)
    %mul3A_976 = arith.constant 640 : i32
    %mul3A_977 = arith.muli %arg1, %mul3A_976 : i32
    %dma_wait3A_978 = arith.constant 1 : i32
    %dma_wait3A_979 = arith.constant 0 : i32
    %dma_wait3A_980 = tpu.memref_slice %arg16[%dma_wait3A_979] : memref<10240xf32, #tpu.memory_space<vmem>> -> memref<640xf32, #tpu.memory_space<vmem>>
    %dma_wait3A_981 = tpu.memref_slice %arg20[%mul3A_977] : memref<163840xf32, #tpu.memory_space<vmem_shared>> -> memref<640xf32, #tpu.memory_space<vmem_shared>>
    %dma_wait3A_982 = tpu.memref_slice %arg22[%dma_wait3A_978] : memref<3x!tpu.dma_semaphore, #tpu.memory_space<semaphore_mem>> -> memref<1x!tpu.dma_semaphore, #tpu.memory_space<semaphore_mem>>
    %dma_wait3A_983 = tpu.memref_squeeze %dma_wait3A_982 : memref<1x!tpu.dma_semaphore, #tpu.memory_space<semaphore_mem>> -> memref<!tpu.dma_semaphore, #tpu.memory_space<semaphore_mem>>
    %dma_wait3A_984 = tpu.memref_slice %arg20[%mul3A_977] : memref<163840xf32, #tpu.memory_space<vmem_shared>> -> memref<640xf32, #tpu.memory_space<vmem_shared>>
    %dma_wait3A_985 = arith.constant 0 : i32
    %dma_wait3A_986 = tpu.memref_slice %arg16[%dma_wait3A_985] : memref<10240xf32, #tpu.memory_space<vmem>> -> memref<640xf32, #tpu.memory_space<vmem>>
    tpu.wait_dma2 semaphore(%dma_wait3A_983 : memref<!tpu.dma_semaphore, #tpu.memory_space<semaphore_mem>>) src(%dma_wait3A_986 : memref<640xf32, #tpu.memory_space<vmem>>) dst(%dma_wait3A_984 : memref<640xf32, #tpu.memory_space<vmem_shared>>)
    %mul3A_987 = arith.constant 640 : i32
    %mul3A_988 = arith.muli %arg1, %mul3A_987 : i32
    %dma_wait3A_989 = arith.constant 1 : i32
    %dma_wait3A_990 = arith.constant 0 : i32
    %dma_wait3A_991 = tpu.memref_slice %arg16[%dma_wait3A_990] : memref<10240xf32, #tpu.memory_space<vmem>> -> memref<640xf32, #tpu.memory_space<vmem>>
    %dma_wait3A_992 = tpu.memref_slice %arg20[%mul3A_988] : memref<163840xf32, #tpu.memory_space<vmem_shared>> -> memref<640xf32, #tpu.memory_space<vmem_shared>>
    %dma_wait3A_993 = tpu.memref_slice %arg22[%dma_wait3A_989] : memref<3x!tpu.dma_semaphore, #tpu.memory_space<semaphore_mem>> -> memref<1x!tpu.dma_semaphore, #tpu.memory_space<semaphore_mem>>
    %dma_wait3A_994 = tpu.memref_squeeze %dma_wait3A_993 : memref<1x!tpu.dma_semaphore, #tpu.memory_space<semaphore_mem>> -> memref<!tpu.dma_semaphore, #tpu.memory_space<semaphore_mem>>
    %dma_wait3A_995 = tpu.memref_slice %arg20[%mul3A_988] : memref<163840xf32, #tpu.memory_space<vmem_shared>> -> memref<640xf32, #tpu.memory_space<vmem_shared>>
    %dma_wait3A_996 = arith.constant 0 : i32
    %dma_wait3A_997 = tpu.memref_slice %arg16[%dma_wait3A_996] : memref<10240xf32, #tpu.memory_space<vmem>> -> memref<640xf32, #tpu.memory_space<vmem>>
    tpu.wait_dma2 semaphore(%dma_wait3A_994 : memref<!tpu.dma_semaphore, #tpu.memory_space<semaphore_mem>>) src(%dma_wait3A_997 : memref<640xf32, #tpu.memory_space<vmem>>) dst(%dma_wait3A_995 : memref<640xf32, #tpu.memory_space<vmem_shared>>)
    %mul3A_998 = arith.constant 640 : i32
    %mul3A_999 = arith.muli %arg1, %mul3A_998 : i32
    %dma_wait3A_1000 = arith.constant 1 : i32
    %dma_wait3A_1001 = arith.constant 0 : i32
    %dma_wait3A_1002 = tpu.memref_slice %arg16[%dma_wait3A_1001] : memref<10240xf32, #tpu.memory_space<vmem>> -> memref<640xf32, #tpu.memory_space<vmem>>
    %dma_wait3A_1003 = tpu.memref_slice %arg20[%mul3A_999] : memref<163840xf32, #tpu.memory_space<vmem_shared>> -> memref<640xf32, #tpu.memory_space<vmem_shared>>
    %dma_wait3A_1004 = tpu.memref_slice %arg22[%dma_wait3A_1000] : memref<3x!tpu.dma_semaphore, #tpu.memory_space<semaphore_mem>> -> memref<1x!tpu.dma_semaphore, #tpu.memory_space<semaphore_mem>>
    %dma_wait3A_1005 = tpu.memref_squeeze %dma_wait3A_1004 : memref<1x!tpu.dma_semaphore, #tpu.memory_space<semaphore_mem>> -> memref<!tpu.dma_semaphore, #tpu.memory_space<semaphore_mem>>
    %dma_wait3A_1006 = tpu.memref_slice %arg20[%mul3A_999] : memref<163840xf32, #tpu.memory_space<vmem_shared>> -> memref<640xf32, #tpu.memory_space<vmem_shared>>
    %dma_wait3A_1007 = arith.constant 0 : i32
    %dma_wait3A_1008 = tpu.memref_slice %arg16[%dma_wait3A_1007] : memref<10240xf32, #tpu.memory_space<vmem>> -> memref<640xf32, #tpu.memory_space<vmem>>
    tpu.wait_dma2 semaphore(%dma_wait3A_1005 : memref<!tpu.dma_semaphore, #tpu.memory_space<semaphore_mem>>) src(%dma_wait3A_1008 : memref<640xf32, #tpu.memory_space<vmem>>) dst(%dma_wait3A_1006 : memref<640xf32, #tpu.memory_space<vmem_shared>>)
    %mul3A_1009 = arith.constant 640 : i32
    %mul3A_1010 = arith.muli %arg1, %mul3A_1009 : i32
    %dma_wait3A_1011 = arith.constant 1 : i32
    %dma_wait3A_1012 = arith.constant 0 : i32
    %dma_wait3A_1013 = tpu.memref_slice %arg16[%dma_wait3A_1012] : memref<10240xf32, #tpu.memory_space<vmem>> -> memref<640xf32, #tpu.memory_space<vmem>>
    %dma_wait3A_1014 = tpu.memref_slice %arg20[%mul3A_1010] : memref<163840xf32, #tpu.memory_space<vmem_shared>> -> memref<640xf32, #tpu.memory_space<vmem_shared>>
    %dma_wait3A_1015 = tpu.memref_slice %arg22[%dma_wait3A_1011] : memref<3x!tpu.dma_semaphore, #tpu.memory_space<semaphore_mem>> -> memref<1x!tpu.dma_semaphore, #tpu.memory_space<semaphore_mem>>
    %dma_wait3A_1016 = tpu.memref_squeeze %dma_wait3A_1015 : memref<1x!tpu.dma_semaphore, #tpu.memory_space<semaphore_mem>> -> memref<!tpu.dma_semaphore, #tpu.memory_space<semaphore_mem>>
    %dma_wait3A_1017 = tpu.memref_slice %arg20[%mul3A_1010] : memref<163840xf32, #tpu.memory_space<vmem_shared>> -> memref<640xf32, #tpu.memory_space<vmem_shared>>
    %dma_wait3A_1018 = arith.constant 0 : i32
    %dma_wait3A_1019 = tpu.memref_slice %arg16[%dma_wait3A_1018] : memref<10240xf32, #tpu.memory_space<vmem>> -> memref<640xf32, #tpu.memory_space<vmem>>
    tpu.wait_dma2 semaphore(%dma_wait3A_1016 : memref<!tpu.dma_semaphore, #tpu.memory_space<semaphore_mem>>) src(%dma_wait3A_1019 : memref<640xf32, #tpu.memory_space<vmem>>) dst(%dma_wait3A_1017 : memref<640xf32, #tpu.memory_space<vmem_shared>>)
    %mul3A_1020 = arith.constant 640 : i32
    %mul3A_1021 = arith.muli %arg1, %mul3A_1020 : i32
    %dma_wait3A_1022 = arith.constant 1 : i32
    %dma_wait3A_1023 = arith.constant 0 : i32
    %dma_wait3A_1024 = tpu.memref_slice %arg16[%dma_wait3A_1023] : memref<10240xf32, #tpu.memory_space<vmem>> -> memref<640xf32, #tpu.memory_space<vmem>>
    %dma_wait3A_1025 = tpu.memref_slice %arg20[%mul3A_1021] : memref<163840xf32, #tpu.memory_space<vmem_shared>> -> memref<640xf32, #tpu.memory_space<vmem_shared>>
    %dma_wait3A_1026 = tpu.memref_slice %arg22[%dma_wait3A_1022] : memref<3x!tpu.dma_semaphore, #tpu.memory_space<semaphore_mem>> -> memref<1x!tpu.dma_semaphore, #tpu.memory_space<semaphore_mem>>
    %dma_wait3A_1027 = tpu.memref_squeeze %dma_wait3A_1026 : memref<1x!tpu.dma_semaphore, #tpu.memory_space<semaphore_mem>> -> memref<!tpu.dma_semaphore, #tpu.memory_space<semaphore_mem>>
    %dma_wait3A_1028 = tpu.memref_slice %arg20[%mul3A_1021] : memref<163840xf32, #tpu.memory_space<vmem_shared>> -> memref<640xf32, #tpu.memory_space<vmem_shared>>
    %dma_wait3A_1029 = arith.constant 0 : i32
    %dma_wait3A_1030 = tpu.memref_slice %arg16[%dma_wait3A_1029] : memref<10240xf32, #tpu.memory_space<vmem>> -> memref<640xf32, #tpu.memory_space<vmem>>
    tpu.wait_dma2 semaphore(%dma_wait3A_1027 : memref<!tpu.dma_semaphore, #tpu.memory_space<semaphore_mem>>) src(%dma_wait3A_1030 : memref<640xf32, #tpu.memory_space<vmem>>) dst(%dma_wait3A_1028 : memref<640xf32, #tpu.memory_space<vmem_shared>>)
    %mul3A_1031 = arith.constant 640 : i32
    %mul3A_1032 = arith.muli %arg1, %mul3A_1031 : i32
    %dma_wait3A_1033 = arith.constant 1 : i32
    %dma_wait3A_1034 = arith.constant 0 : i32
    %dma_wait3A_1035 = tpu.memref_slice %arg16[%dma_wait3A_1034] : memref<10240xf32, #tpu.memory_space<vmem>> -> memref<640xf32, #tpu.memory_space<vmem>>
    %dma_wait3A_1036 = tpu.memref_slice %arg20[%mul3A_1032] : memref<163840xf32, #tpu.memory_space<vmem_shared>> -> memref<640xf32, #tpu.memory_space<vmem_shared>>
    %dma_wait3A_1037 = tpu.memref_slice %arg22[%dma_wait3A_1033] : memref<3x!tpu.dma_semaphore, #tpu.memory_space<semaphore_mem>> -> memref<1x!tpu.dma_semaphore, #tpu.memory_space<semaphore_mem>>
    %dma_wait3A_1038 = tpu.memref_squeeze %dma_wait3A_1037 : memref<1x!tpu.dma_semaphore, #tpu.memory_space<semaphore_mem>> -> memref<!tpu.dma_semaphore, #tpu.memory_space<semaphore_mem>>
    %dma_wait3A_1039 = tpu.memref_slice %arg20[%mul3A_1032] : memref<163840xf32, #tpu.memory_space<vmem_shared>> -> memref<640xf32, #tpu.memory_space<vmem_shared>>
    %dma_wait3A_1040 = arith.constant 0 : i32
    %dma_wait3A_1041 = tpu.memref_slice %arg16[%dma_wait3A_1040] : memref<10240xf32, #tpu.memory_space<vmem>> -> memref<640xf32, #tpu.memory_space<vmem>>
    tpu.wait_dma2 semaphore(%dma_wait3A_1038 : memref<!tpu.dma_semaphore, #tpu.memory_space<semaphore_mem>>) src(%dma_wait3A_1041 : memref<640xf32, #tpu.memory_space<vmem>>) dst(%dma_wait3A_1039 : memref<640xf32, #tpu.memory_space<vmem_shared>>)
    %barrier3A_1042 = arith.constant 0 : index
    tpu.barrier barrier_id(%barrier3A_1042)
    %mul3A_1043 = arith.constant 10240 : i32
    %mul3A_1044 = arith.muli %arg1, %mul3A_1043 : i32
    %multiple_of3A_1045 = tpu.assume_multiple %mul3A_1044, 10240 : i32
    "tpu.region"() ({
      %run_scoped3A = tpu.sem_alloc : memref<!tpu.dma_semaphore, #tpu.memory_space<semaphore_mem>>
      %dma_start3A_1154 = tpu.memref_slice %arg20[%multiple_of3A_1045] : memref<163840xf32, #tpu.memory_space<vmem_shared>> -> memref<10240xf32, #tpu.memory_space<vmem_shared>>
      %dma_start3A_1155 = tpu.memref_slice %arg20[%multiple_of3A_1045] : memref<163840xf32, #tpu.memory_space<vmem_shared>> -> memref<10240xf32, #tpu.memory_space<vmem_shared>>
      tpu.enqueue_dma source(%dma_start3A_1155 : memref<10240xf32, #tpu.memory_space<vmem_shared>>) target(%arg16 : memref<10240xf32, #tpu.memory_space<vmem>>) target_semaphore(%run_scoped3A : memref<!tpu.dma_semaphore, #tpu.memory_space<semaphore_mem>>)
      %dma_wait3A_1156 = tpu.memref_slice %arg20[%multiple_of3A_1045] : memref<163840xf32, #tpu.memory_space<vmem_shared>> -> memref<10240xf32, #tpu.memory_space<vmem_shared>>
      %dma_wait3A_1157 = tpu.memref_slice %arg20[%multiple_of3A_1045] : memref<163840xf32, #tpu.memory_space<vmem_shared>> -> memref<10240xf32, #tpu.memory_space<vmem_shared>>
      tpu.wait_dma2 semaphore(%run_scoped3A : memref<!tpu.dma_semaphore, #tpu.memory_space<semaphore_mem>>) src(%dma_wait3A_1157 : memref<10240xf32, #tpu.memory_space<vmem_shared>>) dst(%arg16 : memref<10240xf32, #tpu.memory_space<vmem>>)
      tpu.yield
    }) : () -> ()
    %parallel_loop3A_1046 = arith.constant 0 : i32
    %parallel_loop3A_1047 = arith.constant 40 : i32
    %parallel_loop3A_1048 = arith.constant 1 : i32
    scf.for %parallel_loop3A_1154 = %parallel_loop3A_1046 to %parallel_loop3A_1047 step %parallel_loop3A_1048  : i32 {
      %parallel_loop3A_1155 = arith.constant 16 : i32
      %parallel_loop3A_1156 = arith.muli %parallel_loop3A_1154, %parallel_loop3A_1155 : i32
      %parallel_loop3A_1157 = arith.index_cast %parallel_loop3A_1156 : i32 to index
      %parallel_loop3A_1158 = tpu.vector_load %arg16[%parallel_loop3A_1157] {strides = array<i32>} : memref<10240xf32, #tpu.memory_space<vmem>>, vector<16xf32>,
      %parallel_loop3A_1159 = arith.constant 16 : i32
      %parallel_loop3A_1160 = arith.muli %parallel_loop3A_1154, %parallel_loop3A_1159 : i32
      %parallel_loop3A_1161 = arith.constant 640 : i32
      %parallel_loop3A_1162 = arith.addi %parallel_loop3A_1161, %parallel_loop3A_1160 : i32
      %parallel_loop3A_1163 = arith.index_cast %parallel_loop3A_1162 : i32 to index
      %parallel_loop3A_1164 = tpu.vector_load %arg16[%parallel_loop3A_1163] {strides = array<i32>} : memref<10240xf32, #tpu.memory_space<vmem>>, vector<16xf32>,
      %parallel_loop3A_1165 = arith.addf %parallel_loop3A_1158, %parallel_loop3A_1164 : vector<16xf32>
      %parallel_loop3A_1166 = arith.constant 16 : i32
      %parallel_loop3A_1167 = arith.muli %parallel_loop3A_1154, %parallel_loop3A_1166 : i32
      %parallel_loop3A_1168 = arith.constant 1280 : i32
      %parallel_loop3A_1169 = arith.addi %parallel_loop3A_1168, %parallel_loop3A_1167 : i32
      %parallel_loop3A_1170 = arith.index_cast %parallel_loop3A_1169 : i32 to index
      %parallel_loop3A_1171 = tpu.vector_load %arg16[%parallel_loop3A_1170] {strides = array<i32>} : memref<10240xf32, #tpu.memory_space<vmem>>, vector<16xf32>,
      %parallel_loop3A_1172 = arith.addf %parallel_loop3A_1165, %parallel_loop3A_1171 : vector<16xf32>
      %parallel_loop3A_1173 = arith.constant 16 : i32
      %parallel_loop3A_1174 = arith.muli %parallel_loop3A_1154, %parallel_loop3A_1173 : i32
      %parallel_loop3A_1175 = arith.constant 1920 : i32
      %parallel_loop3A_1176 = arith.addi %parallel_loop3A_1175, %parallel_loop3A_1174 : i32
      %parallel_loop3A_1177 = arith.index_cast %parallel_loop3A_1176 : i32 to index
      %parallel_loop3A_1178 = tpu.vector_load %arg16[%parallel_loop3A_1177] {strides = array<i32>} : memref<10240xf32, #tpu.memory_space<vmem>>, vector<16xf32>,
      %parallel_loop3A_1179 = arith.addf %parallel_loop3A_1172, %parallel_loop3A_1178 : vector<16xf32>
      %parallel_loop3A_1180 = arith.constant 16 : i32
      %parallel_loop3A_1181 = arith.muli %parallel_loop3A_1154, %parallel_loop3A_1180 : i32
      %parallel_loop3A_1182 = arith.constant 2560 : i32
      %parallel_loop3A_1183 = arith.addi %parallel_loop3A_1182, %parallel_loop3A_1181 : i32
      %parallel_loop3A_1184 = arith.index_cast %parallel_loop3A_1183 : i32 to index
      %parallel_loop3A_1185 = tpu.vector_load %arg16[%parallel_loop3A_1184] {strides = array<i32>} : memref<10240xf32, #tpu.memory_space<vmem>>, vector<16xf32>,
      %parallel_loop3A_1186 = arith.addf %parallel_loop3A_1179, %parallel_loop3A_1185 : vector<16xf32>
      %parallel_loop3A_1187 = arith.constant 16 : i32
      %parallel_loop3A_1188 = arith.muli %parallel_loop3A_1154, %parallel_loop3A_1187 : i32
      %parallel_loop3A_1189 = arith.constant 3200 : i32
      %parallel_loop3A_1190 = arith.addi %parallel_loop3A_1189, %parallel_loop3A_1188 : i32
      %parallel_loop3A_1191 = arith.index_cast %parallel_loop3A_1190 : i32 to index
      %parallel_loop3A_1192 = tpu.vector_load %arg16[%parallel_loop3A_1191] {strides = array<i32>} : memref<10240xf32, #tpu.memory_space<vmem>>, vector<16xf32>,
      %parallel_loop3A_1193 = arith.addf %parallel_loop3A_1186, %parallel_loop3A_1192 : vector<16xf32>
      %parallel_loop3A_1194 = arith.constant 16 : i32
      %parallel_loop3A_1195 = arith.muli %parallel_loop3A_1154, %parallel_loop3A_1194 : i32
      %parallel_loop3A_1196 = arith.constant 3840 : i32
      %parallel_loop3A_1197 = arith.addi %parallel_loop3A_1196, %parallel_loop3A_1195 : i32
      %parallel_loop3A_1198 = arith.index_cast %parallel_loop3A_1197 : i32 to index
      %parallel_loop3A_1199 = tpu.vector_load %arg16[%parallel_loop3A_1198] {strides = array<i32>} : memref<10240xf32, #tpu.memory_space<vmem>>, vector<16xf32>,
      %parallel_loop3A_1200 = arith.addf %parallel_loop3A_1193, %parallel_loop3A_1199 : vector<16xf32>
      %parallel_loop3A_1201 = arith.constant 16 : i32
      %parallel_loop3A_1202 = arith.muli %parallel_loop3A_1154, %parallel_loop3A_1201 : i32
      %parallel_loop3A_1203 = arith.constant 4480 : i32
      %parallel_loop3A_1204 = arith.addi %parallel_loop3A_1203, %parallel_loop3A_1202 : i32
      %parallel_loop3A_1205 = arith.index_cast %parallel_loop3A_1204 : i32 to index
      %parallel_loop3A_1206 = tpu.vector_load %arg16[%parallel_loop3A_1205] {strides = array<i32>} : memref<10240xf32, #tpu.memory_space<vmem>>, vector<16xf32>,
      %parallel_loop3A_1207 = arith.addf %parallel_loop3A_1200, %parallel_loop3A_1206 : vector<16xf32>
      %parallel_loop3A_1208 = arith.constant 16 : i32
      %parallel_loop3A_1209 = arith.muli %parallel_loop3A_1154, %parallel_loop3A_1208 : i32
      %parallel_loop3A_1210 = arith.constant 5120 : i32
      %parallel_loop3A_1211 = arith.addi %parallel_loop3A_1210, %parallel_loop3A_1209 : i32
      %parallel_loop3A_1212 = arith.index_cast %parallel_loop3A_1211 : i32 to index
      %parallel_loop3A_1213 = tpu.vector_load %arg16[%parallel_loop3A_1212] {strides = array<i32>} : memref<10240xf32, #tpu.memory_space<vmem>>, vector<16xf32>,
      %parallel_loop3A_1214 = arith.addf %parallel_loop3A_1207, %parallel_loop3A_1213 : vector<16xf32>
      %parallel_loop3A_1215 = arith.constant 16 : i32
      %parallel_loop3A_1216 = arith.muli %parallel_loop3A_1154, %parallel_loop3A_1215 : i32
      %parallel_loop3A_1217 = arith.constant 5760 : i32
      %parallel_loop3A_1218 = arith.addi %parallel_loop3A_1217, %parallel_loop3A_1216 : i32
      %parallel_loop3A_1219 = arith.index_cast %parallel_loop3A_1218 : i32 to index
      %parallel_loop3A_1220 = tpu.vector_load %arg16[%parallel_loop3A_1219] {strides = array<i32>} : memref<10240xf32, #tpu.memory_space<vmem>>, vector<16xf32>,
      %parallel_loop3A_1221 = arith.addf %parallel_loop3A_1214, %parallel_loop3A_1220 : vector<16xf32>
      %parallel_loop3A_1222 = arith.constant 16 : i32
      %parallel_loop3A_1223 = arith.muli %parallel_loop3A_1154, %parallel_loop3A_1222 : i32
      %parallel_loop3A_1224 = arith.constant 6400 : i32
      %parallel_loop3A_1225 = arith.addi %parallel_loop3A_1224, %parallel_loop3A_1223 : i32
      %parallel_loop3A_1226 = arith.index_cast %parallel_loop3A_1225 : i32 to index
      %parallel_loop3A_1227 = tpu.vector_load %arg16[%parallel_loop3A_1226] {strides = array<i32>} : memref<10240xf32, #tpu.memory_space<vmem>>, vector<16xf32>,
      %parallel_loop3A_1228 = arith.addf %parallel_loop3A_1221, %parallel_loop3A_1227 : vector<16xf32>
      %parallel_loop3A_1229 = arith.constant 16 : i32
      %parallel_loop3A_1230 = arith.muli %parallel_loop3A_1154, %parallel_loop3A_1229 : i32
      %parallel_loop3A_1231 = arith.constant 7040 : i32
      %parallel_loop3A_1232 = arith.addi %parallel_loop3A_1231, %parallel_loop3A_1230 : i32
      %parallel_loop3A_1233 = arith.index_cast %parallel_loop3A_1232 : i32 to index
      %parallel_loop3A_1234 = tpu.vector_load %arg16[%parallel_loop3A_1233] {strides = array<i32>} : memref<10240xf32, #tpu.memory_space<vmem>>, vector<16xf32>,
      %parallel_loop3A_1235 = arith.addf %parallel_loop3A_1228, %parallel_loop3A_1234 : vector<16xf32>
      %parallel_loop3A_1236 = arith.constant 16 : i32
      %parallel_loop3A_1237 = arith.muli %parallel_loop3A_1154, %parallel_loop3A_1236 : i32
      %parallel_loop3A_1238 = arith.constant 7680 : i32
      %parallel_loop3A_1239 = arith.addi %parallel_loop3A_1238, %parallel_loop3A_1237 : i32
      %parallel_loop3A_1240 = arith.index_cast %parallel_loop3A_1239 : i32 to index
      %parallel_loop3A_1241 = tpu.vector_load %arg16[%parallel_loop3A_1240] {strides = array<i32>} : memref<10240xf32, #tpu.memory_space<vmem>>, vector<16xf32>,
      %parallel_loop3A_1242 = arith.addf %parallel_loop3A_1235, %parallel_loop3A_1241 : vector<16xf32>
      %parallel_loop3A_1243 = arith.constant 16 : i32
      %parallel_loop3A_1244 = arith.muli %parallel_loop3A_1154, %parallel_loop3A_1243 : i32
      %parallel_loop3A_1245 = arith.constant 8320 : i32
      %parallel_loop3A_1246 = arith.addi %parallel_loop3A_1245, %parallel_loop3A_1244 : i32
      %parallel_loop3A_1247 = arith.index_cast %parallel_loop3A_1246 : i32 to index
      %parallel_loop3A_1248 = tpu.vector_load %arg16[%parallel_loop3A_1247] {strides = array<i32>} : memref<10240xf32, #tpu.memory_space<vmem>>, vector<16xf32>,
      %parallel_loop3A_1249 = arith.addf %parallel_loop3A_1242, %parallel_loop3A_1248 : vector<16xf32>
      %parallel_loop3A_1250 = arith.constant 16 : i32
      %parallel_loop3A_1251 = arith.muli %parallel_loop3A_1154, %parallel_loop3A_1250 : i32
      %parallel_loop3A_1252 = arith.constant 8960 : i32
      %parallel_loop3A_1253 = arith.addi %parallel_loop3A_1252, %parallel_loop3A_1251 : i32
      %parallel_loop3A_1254 = arith.index_cast %parallel_loop3A_1253 : i32 to index
      %parallel_loop3A_1255 = tpu.vector_load %arg16[%parallel_loop3A_1254] {strides = array<i32>} : memref<10240xf32, #tpu.memory_space<vmem>>, vector<16xf32>,
      %parallel_loop3A_1256 = arith.addf %parallel_loop3A_1249, %parallel_loop3A_1255 : vector<16xf32>
      %parallel_loop3A_1257 = arith.constant 16 : i32
      %parallel_loop3A_1258 = arith.muli %parallel_loop3A_1154, %parallel_loop3A_1257 : i32
      %parallel_loop3A_1259 = arith.constant 9600 : i32
      %parallel_loop3A_1260 = arith.addi %parallel_loop3A_1259, %parallel_loop3A_1258 : i32
      %parallel_loop3A_1261 = arith.index_cast %parallel_loop3A_1260 : i32 to index
      %parallel_loop3A_1262 = tpu.vector_load %arg16[%parallel_loop3A_1261] {strides = array<i32>} : memref<10240xf32, #tpu.memory_space<vmem>>, vector<16xf32>,
      %parallel_loop3A_1263 = arith.addf %parallel_loop3A_1256, %parallel_loop3A_1262 : vector<16xf32>
      %parallel_loop3A_1264 = arith.constant 1.000000e+00 : f32
      %parallel_loop3A_1265 = vector.broadcast %parallel_loop3A_1264 : f32 to vector<16xf32>
      %parallel_loop3A_1266 = arith.addf %parallel_loop3A_1263, %parallel_loop3A_1265 : vector<16xf32>
      %parallel_loop3A_1267 = vector.bitcast %parallel_loop3A_1266 : vector<16xf32> to vector<16xi32>
      %parallel_loop3A_1268 = arith.constant 1 : i32
      %parallel_loop3A_1269 = vector.broadcast %parallel_loop3A_1268 : i32 to vector<16xi32>
      %parallel_loop3A_1270 = arith.shrui %parallel_loop3A_1267, %parallel_loop3A_1269 : vector<16xi32>
      %parallel_loop3A_1271 = arith.constant 1597463007 : i32
      %parallel_loop3A_1272 = vector.broadcast %parallel_loop3A_1271 : i32 to vector<16xi32>
      %parallel_loop3A_1273 = arith.subi %parallel_loop3A_1272, %parallel_loop3A_1270 : vector<16xi32>
      %parallel_loop3A_1274 = vector.bitcast %parallel_loop3A_1273 : vector<16xi32> to vector<16xf32>
      %parallel_loop3A_1275 = arith.constant 5.000000e-01 : f32
      %parallel_loop3A_1276 = vector.broadcast %parallel_loop3A_1275 : f32 to vector<16xf32>
      %parallel_loop3A_1277 = arith.mulf %parallel_loop3A_1276, %parallel_loop3A_1266 : vector<16xf32>
      %parallel_loop3A_1278 = arith.mulf %parallel_loop3A_1277, %parallel_loop3A_1274 : vector<16xf32>
      %parallel_loop3A_1279 = arith.mulf %parallel_loop3A_1278, %parallel_loop3A_1274 : vector<16xf32>
      %parallel_loop3A_1280 = arith.constant 1.500000e+00 : f32
      %parallel_loop3A_1281 = vector.broadcast %parallel_loop3A_1280 : f32 to vector<16xf32>
      %parallel_loop3A_1282 = arith.subf %parallel_loop3A_1281, %parallel_loop3A_1279 : vector<16xf32>
      %parallel_loop3A_1283 = arith.mulf %parallel_loop3A_1274, %parallel_loop3A_1282 : vector<16xf32>
      %parallel_loop3A_1284 = arith.constant 5.000000e-01 : f32
      %parallel_loop3A_1285 = vector.broadcast %parallel_loop3A_1284 : f32 to vector<16xf32>
      %parallel_loop3A_1286 = arith.mulf %parallel_loop3A_1285, %parallel_loop3A_1266 : vector<16xf32>
      %parallel_loop3A_1287 = arith.mulf %parallel_loop3A_1286, %parallel_loop3A_1283 : vector<16xf32>
      %parallel_loop3A_1288 = arith.mulf %parallel_loop3A_1287, %parallel_loop3A_1283 : vector<16xf32>
      %parallel_loop3A_1289 = arith.constant 1.500000e+00 : f32
      %parallel_loop3A_1290 = vector.broadcast %parallel_loop3A_1289 : f32 to vector<16xf32>
      %parallel_loop3A_1291 = arith.subf %parallel_loop3A_1290, %parallel_loop3A_1288 : vector<16xf32>
      %parallel_loop3A_1292 = arith.mulf %parallel_loop3A_1283, %parallel_loop3A_1291 : vector<16xf32>
      %parallel_loop3A_1293 = arith.constant 5.000000e-01 : f32
      %parallel_loop3A_1294 = vector.broadcast %parallel_loop3A_1293 : f32 to vector<16xf32>
      %parallel_loop3A_1295 = arith.mulf %parallel_loop3A_1294, %parallel_loop3A_1266 : vector<16xf32>
      %parallel_loop3A_1296 = arith.mulf %parallel_loop3A_1295, %parallel_loop3A_1292 : vector<16xf32>
      %parallel_loop3A_1297 = arith.mulf %parallel_loop3A_1296, %parallel_loop3A_1292 : vector<16xf32>
      %parallel_loop3A_1298 = arith.constant 1.500000e+00 : f32
      %parallel_loop3A_1299 = vector.broadcast %parallel_loop3A_1298 : f32 to vector<16xf32>
      %parallel_loop3A_1300 = arith.subf %parallel_loop3A_1299, %parallel_loop3A_1297 : vector<16xf32>
      %parallel_loop3A_1301 = arith.mulf %parallel_loop3A_1292, %parallel_loop3A_1300 : vector<16xf32>
      %parallel_loop3A_1302 = arith.constant 16 : i32
      %parallel_loop3A_1303 = arith.muli %parallel_loop3A_1154, %parallel_loop3A_1302 : i32
      %parallel_loop3A_1304 = arith.index_cast %parallel_loop3A_1303 : i32 to index
      %parallel_loop3A_1305 = tpu.vector_load %arg19[%parallel_loop3A_1304] {strides = array<i32>} : memref<1280xf32, #tpu.memory_space<vmem>>, vector<16xf32>,
      tpu.vector_store %arg19[%parallel_loop3A_1304], %parallel_loop3A_1301 {strides = array<i32>} : memref<1280xf32, #tpu.memory_space<vmem>>, vector<16xf32>,
    } {sc.loop_unroll_factor = 2 : i64, sc.parallel_access}
    %mul3A_1049 = arith.constant 640 : i32
    %mul3A_1050 = arith.muli %arg1, %mul3A_1049 : i32
    %multiple_of3A_1051 = tpu.assume_multiple %mul3A_1050, 640 : i32
    "tpu.region"() ({
      %run_scoped3A = tpu.sem_alloc : memref<!tpu.dma_semaphore, #tpu.memory_space<semaphore_mem>>
      %dma_start3A_1154 = arith.constant 0 : i32
      %dma_start3A_1155 = tpu.memref_slice %arg19[%dma_start3A_1154] : memref<1280xf32, #tpu.memory_space<vmem>> -> memref<640xf32, #tpu.memory_space<vmem>>
      %dma_start3A_1156 = tpu.memref_slice %arg21[%multiple_of3A_1051] : memref<10240xf32, #tpu.memory_space<vmem_shared>> -> memref<640xf32, #tpu.memory_space<vmem_shared>>
      %dma_start3A_1157 = tpu.memref_slice %arg21[%multiple_of3A_1051] : memref<10240xf32, #tpu.memory_space<vmem_shared>> -> memref<640xf32, #tpu.memory_space<vmem_shared>>
      %dma_start3A_1158 = arith.constant 0 : i32
      %dma_start3A_1159 = tpu.memref_slice %arg19[%dma_start3A_1158] : memref<1280xf32, #tpu.memory_space<vmem>> -> memref<640xf32, #tpu.memory_space<vmem>>
      tpu.enqueue_dma source(%dma_start3A_1159 : memref<640xf32, #tpu.memory_space<vmem>>) target(%dma_start3A_1157 : memref<640xf32, #tpu.memory_space<vmem_shared>>) target_semaphore(%run_scoped3A : memref<!tpu.dma_semaphore, #tpu.memory_space<semaphore_mem>>)
      %dma_wait3A_1160 = arith.constant 0 : i32
      %dma_wait3A_1161 = tpu.memref_slice %arg19[%dma_wait3A_1160] : memref<1280xf32, #tpu.memory_space<vmem>> -> memref<640xf32, #tpu.memory_space<vmem>>
      %dma_wait3A_1162 = tpu.memref_slice %arg21[%multiple_of3A_1051] : memref<10240xf32, #tpu.memory_space<vmem_shared>> -> memref<640xf32, #tpu.memory_space<vmem_shared>>
      %dma_wait3A_1163 = tpu.memref_slice %arg21[%multiple_of3A_1051] : memref<10240xf32, #tpu.memory_space<vmem_shared>> -> memref<640xf32, #tpu.memory_space<vmem_shared>>
      %dma_wait3A_1164 = arith.constant 0 : i32
      %dma_wait3A_1165 = tpu.memref_slice %arg19[%dma_wait3A_1164] : memref<1280xf32, #tpu.memory_space<vmem>> -> memref<640xf32, #tpu.memory_space<vmem>>
      tpu.wait_dma2 semaphore(%run_scoped3A : memref<!tpu.dma_semaphore, #tpu.memory_space<semaphore_mem>>) src(%dma_wait3A_1165 : memref<640xf32, #tpu.memory_space<vmem>>) dst(%dma_wait3A_1163 : memref<640xf32, #tpu.memory_space<vmem_shared>>)
      tpu.yield
    }) : () -> ()
    %barrier3A_1052 = arith.constant 0 : index
    tpu.barrier barrier_id(%barrier3A_1052)
    "tpu.region"() ({
      %run_scoped3A = tpu.sem_alloc : memref<!tpu.dma_semaphore, #tpu.memory_space<semaphore_mem>>
      tpu.enqueue_dma source(%arg21 : memref<10240xf32, #tpu.memory_space<vmem_shared>>) target(%arg16 : memref<10240xf32, #tpu.memory_space<vmem>>) target_semaphore(%run_scoped3A : memref<!tpu.dma_semaphore, #tpu.memory_space<semaphore_mem>>)
      tpu.wait_dma2 semaphore(%run_scoped3A : memref<!tpu.dma_semaphore, #tpu.memory_space<semaphore_mem>>) src(%arg21 : memref<10240xf32, #tpu.memory_space<vmem_shared>>) dst(%arg16 : memref<10240xf32, #tpu.memory_space<vmem>>)
      tpu.yield
    }) : () -> ()
    %dma_wait3A_1053 = arith.constant 2 : i32
    %dma_wait3A_1054 = arith.constant 0 : i32
    %dma_wait3A_1055 = tpu.memref_slice %arg5[%dma_wait3A_1054] : memref<1280000xf32, #tpu.memory_space<hbm>> -> memref<10000xf32, #tpu.memory_space<hbm>>
    %dma_wait3A_1056 = tpu.memref_slice %arg22[%dma_wait3A_1053] : memref<3x!tpu.dma_semaphore, #tpu.memory_space<semaphore_mem>> -> memref<1x!tpu.dma_semaphore, #tpu.memory_space<semaphore_mem>>
    %dma_wait3A_1057 = tpu.memref_squeeze %dma_wait3A_1056 : memref<1x!tpu.dma_semaphore, #tpu.memory_space<semaphore_mem>> -> memref<!tpu.dma_semaphore, #tpu.memory_space<semaphore_mem>>
    %dma_wait3A_1058 = arith.constant 0 : i32
    %dma_wait3A_1059 = tpu.memref_slice %arg5[%dma_wait3A_1058] : memref<1280000xf32, #tpu.memory_space<hbm>> -> memref<10000xf32, #tpu.memory_space<hbm>>
    tpu.wait_dma2 semaphore(%dma_wait3A_1057 : memref<!tpu.dma_semaphore, #tpu.memory_space<semaphore_mem>>) src(%dma_wait3A_1059 : memref<10000xf32, #tpu.memory_space<hbm>>) dst(%arg12 : memref<10000xf32, #tpu.memory_space<vmem>>)
    %dma_wait3A_1060 = arith.constant 2 : i32
    %dma_wait3A_1061 = arith.constant 0 : i32
    %dma_wait3A_1062 = tpu.memref_slice %arg5[%dma_wait3A_1061] : memref<1280000xf32, #tpu.memory_space<hbm>> -> memref<10000xf32, #tpu.memory_space<hbm>>
    %dma_wait3A_1063 = tpu.memref_slice %arg22[%dma_wait3A_1060] : memref<3x!tpu.dma_semaphore, #tpu.memory_space<semaphore_mem>> -> memref<1x!tpu.dma_semaphore, #tpu.memory_space<semaphore_mem>>
    %dma_wait3A_1064 = tpu.memref_squeeze %dma_wait3A_1063 : memref<1x!tpu.dma_semaphore, #tpu.memory_space<semaphore_mem>> -> memref<!tpu.dma_semaphore, #tpu.memory_space<semaphore_mem>>
    %dma_wait3A_1065 = arith.constant 0 : i32
    %dma_wait3A_1066 = tpu.memref_slice %arg5[%dma_wait3A_1065] : memref<1280000xf32, #tpu.memory_space<hbm>> -> memref<10000xf32, #tpu.memory_space<hbm>>
    tpu.wait_dma2 semaphore(%dma_wait3A_1064 : memref<!tpu.dma_semaphore, #tpu.memory_space<semaphore_mem>>) src(%dma_wait3A_1066 : memref<10000xf32, #tpu.memory_space<hbm>>) dst(%arg13 : memref<10000xf32, #tpu.memory_space<vmem>>)
    %dma_wait3A_1067 = arith.constant 2 : i32
    %dma_wait3A_1068 = arith.constant 0 : i32
    %dma_wait3A_1069 = tpu.memref_slice %arg5[%dma_wait3A_1068] : memref<1280000xf32, #tpu.memory_space<hbm>> -> memref<10000xf32, #tpu.memory_space<hbm>>
    %dma_wait3A_1070 = tpu.memref_slice %arg22[%dma_wait3A_1067] : memref<3x!tpu.dma_semaphore, #tpu.memory_space<semaphore_mem>> -> memref<1x!tpu.dma_semaphore, #tpu.memory_space<semaphore_mem>>
    %dma_wait3A_1071 = tpu.memref_squeeze %dma_wait3A_1070 : memref<1x!tpu.dma_semaphore, #tpu.memory_space<semaphore_mem>> -> memref<!tpu.dma_semaphore, #tpu.memory_space<semaphore_mem>>
    %dma_wait3A_1072 = arith.constant 0 : i32
    %dma_wait3A_1073 = tpu.memref_slice %arg5[%dma_wait3A_1072] : memref<1280000xf32, #tpu.memory_space<hbm>> -> memref<10000xf32, #tpu.memory_space<hbm>>
    tpu.wait_dma2 semaphore(%dma_wait3A_1071 : memref<!tpu.dma_semaphore, #tpu.memory_space<semaphore_mem>>) src(%dma_wait3A_1073 : memref<10000xf32, #tpu.memory_space<hbm>>) dst(%arg14 : memref<10000xf32, #tpu.memory_space<vmem>>)
    %dma_wait3A_1074 = arith.constant 2 : i32
    %dma_wait3A_1075 = arith.constant 0 : i32
    %dma_wait3A_1076 = tpu.memref_slice %arg5[%dma_wait3A_1075] : memref<1280000xf32, #tpu.memory_space<hbm>> -> memref<10000xf32, #tpu.memory_space<hbm>>
    %dma_wait3A_1077 = tpu.memref_slice %arg22[%dma_wait3A_1074] : memref<3x!tpu.dma_semaphore, #tpu.memory_space<semaphore_mem>> -> memref<1x!tpu.dma_semaphore, #tpu.memory_space<semaphore_mem>>
    %dma_wait3A_1078 = tpu.memref_squeeze %dma_wait3A_1077 : memref<1x!tpu.dma_semaphore, #tpu.memory_space<semaphore_mem>> -> memref<!tpu.dma_semaphore, #tpu.memory_space<semaphore_mem>>
    %dma_wait3A_1079 = arith.constant 0 : i32
    %dma_wait3A_1080 = tpu.memref_slice %arg5[%dma_wait3A_1079] : memref<1280000xf32, #tpu.memory_space<hbm>> -> memref<10000xf32, #tpu.memory_space<hbm>>
    tpu.wait_dma2 semaphore(%dma_wait3A_1078 : memref<!tpu.dma_semaphore, #tpu.memory_space<semaphore_mem>>) src(%dma_wait3A_1080 : memref<10000xf32, #tpu.memory_space<hbm>>) dst(%arg15 : memref<10000xf32, #tpu.memory_space<vmem>>)
    %parallel_loop3A_1081 = arith.constant 0 : i32
    %parallel_loop3A_1082 = arith.constant 625 : i32
    %parallel_loop3A_1083 = arith.constant 1 : i32
    scf.for %parallel_loop3A_1154 = %parallel_loop3A_1081 to %parallel_loop3A_1082 step %parallel_loop3A_1083  : i32 {
      %parallel_loop3A_1155 = arith.constant 16 : i32
      %parallel_loop3A_1156 = arith.muli %parallel_loop3A_1154, %parallel_loop3A_1155 : i32
      %parallel_loop3A_1157 = arith.index_cast %parallel_loop3A_1156 : i32 to index
      %parallel_loop3A_1158 = tpu.vector_load %arg16[%parallel_loop3A_1157] {strides = array<i32>} : memref<10240xf32, #tpu.memory_space<vmem>>, vector<16xf32>,
      %parallel_loop3A_1159 = arith.constant 16 : i32
      %parallel_loop3A_1160 = arith.muli %parallel_loop3A_1154, %parallel_loop3A_1159 : i32
      %parallel_loop3A_1161 = arith.index_cast %parallel_loop3A_1160 : i32 to index
      %parallel_loop3A_1162 = tpu.vector_load %arg12[%parallel_loop3A_1161] {strides = array<i32>} : memref<10000xf32, #tpu.memory_space<vmem>>, vector<16xf32>,
      %parallel_loop3A_1163 = arith.mulf %parallel_loop3A_1162, %parallel_loop3A_1158 : vector<16xf32>
      %parallel_loop3A_1164 = arith.constant 16 : i32
      %parallel_loop3A_1165 = arith.muli %parallel_loop3A_1154, %parallel_loop3A_1164 : i32
      %parallel_loop3A_1166 = arith.index_cast %parallel_loop3A_1165 : i32 to index
      %parallel_loop3A_1167 = tpu.vector_load %arg13[%parallel_loop3A_1166] {strides = array<i32>} : memref<10000xf32, #tpu.memory_space<vmem>>, vector<16xf32>,
      %parallel_loop3A_1168 = arith.mulf %parallel_loop3A_1167, %parallel_loop3A_1158 : vector<16xf32>
      %parallel_loop3A_1169 = arith.constant 16 : i32
      %parallel_loop3A_1170 = arith.muli %parallel_loop3A_1154, %parallel_loop3A_1169 : i32
      %parallel_loop3A_1171 = arith.index_cast %parallel_loop3A_1170 : i32 to index
      %parallel_loop3A_1172 = tpu.vector_load %arg12[%parallel_loop3A_1171] {strides = array<i32>} : memref<10000xf32, #tpu.memory_space<vmem>>, vector<16xf32>,
      tpu.vector_store %arg12[%parallel_loop3A_1171], %parallel_loop3A_1163 {strides = array<i32>} : memref<10000xf32, #tpu.memory_space<vmem>>, vector<16xf32>,
      %parallel_loop3A_1173 = arith.constant 16 : i32
      %parallel_loop3A_1174 = arith.muli %parallel_loop3A_1154, %parallel_loop3A_1173 : i32
      %parallel_loop3A_1175 = arith.index_cast %parallel_loop3A_1174 : i32 to index
      %parallel_loop3A_1176 = tpu.vector_load %arg13[%parallel_loop3A_1175] {strides = array<i32>} : memref<10000xf32, #tpu.memory_space<vmem>>, vector<16xf32>,
      tpu.vector_store %arg13[%parallel_loop3A_1175], %parallel_loop3A_1168 {strides = array<i32>} : memref<10000xf32, #tpu.memory_space<vmem>>, vector<16xf32>,
      %parallel_loop3A_1177 = tpu.pack_subelements %parallel_loop3A_1163, %parallel_loop3A_1168 {pack_format = #tpu.pack_format<interleaved>, positions = array<i32: 0, 1>} : vector<16xf32>, vector<16xf32> -> vector<32xbf16>
      %parallel_loop3A_1178 = vector.bitcast %parallel_loop3A_1177 : vector<32xbf16> to vector<16xi32>
      %parallel_loop3A_1179 = arith.constant 16 : i32
      %parallel_loop3A_1180 = arith.muli %parallel_loop3A_1154, %parallel_loop3A_1179 : i32
      %parallel_loop3A_1181 = arith.index_cast %parallel_loop3A_1180 : i32 to index
      %parallel_loop3A_1182 = tpu.vector_load %arg10[%parallel_loop3A_1181] {strides = array<i32>} : memref<10000xi32, #tpu.memory_space<vmem>>, vector<16xi32>,
      tpu.vector_store %arg10[%parallel_loop3A_1181], %parallel_loop3A_1178 {strides = array<i32>} : memref<10000xi32, #tpu.memory_space<vmem>>, vector<16xi32>,
    } {sc.loop_unroll_factor = 4 : i64, sc.parallel_access}
    %parallel_loop3A_1084 = arith.constant 0 : i32
    %parallel_loop3A_1085 = arith.constant 625 : i32
    %parallel_loop3A_1086 = arith.constant 1 : i32
    scf.for %parallel_loop3A_1154 = %parallel_loop3A_1084 to %parallel_loop3A_1085 step %parallel_loop3A_1086  : i32 {
      %parallel_loop3A_1155 = arith.constant 16 : i32
      %parallel_loop3A_1156 = arith.muli %parallel_loop3A_1154, %parallel_loop3A_1155 : i32
      %parallel_loop3A_1157 = arith.index_cast %parallel_loop3A_1156 : i32 to index
      %parallel_loop3A_1158 = tpu.vector_load %arg16[%parallel_loop3A_1157] {strides = array<i32>} : memref<10240xf32, #tpu.memory_space<vmem>>, vector<16xf32>,
      %parallel_loop3A_1159 = arith.constant 16 : i32
      %parallel_loop3A_1160 = arith.muli %parallel_loop3A_1154, %parallel_loop3A_1159 : i32
      %parallel_loop3A_1161 = arith.index_cast %parallel_loop3A_1160 : i32 to index
      %parallel_loop3A_1162 = tpu.vector_load %arg14[%parallel_loop3A_1161] {strides = array<i32>} : memref<10000xf32, #tpu.memory_space<vmem>>, vector<16xf32>,
      %parallel_loop3A_1163 = arith.mulf %parallel_loop3A_1162, %parallel_loop3A_1158 : vector<16xf32>
      %parallel_loop3A_1164 = arith.constant 16 : i32
      %parallel_loop3A_1165 = arith.muli %parallel_loop3A_1154, %parallel_loop3A_1164 : i32
      %parallel_loop3A_1166 = arith.index_cast %parallel_loop3A_1165 : i32 to index
      %parallel_loop3A_1167 = tpu.vector_load %arg15[%parallel_loop3A_1166] {strides = array<i32>} : memref<10000xf32, #tpu.memory_space<vmem>>, vector<16xf32>,
      %parallel_loop3A_1168 = arith.mulf %parallel_loop3A_1167, %parallel_loop3A_1158 : vector<16xf32>
      %parallel_loop3A_1169 = arith.constant 16 : i32
      %parallel_loop3A_1170 = arith.muli %parallel_loop3A_1154, %parallel_loop3A_1169 : i32
      %parallel_loop3A_1171 = arith.index_cast %parallel_loop3A_1170 : i32 to index
      %parallel_loop3A_1172 = tpu.vector_load %arg14[%parallel_loop3A_1171] {strides = array<i32>} : memref<10000xf32, #tpu.memory_space<vmem>>, vector<16xf32>,
      tpu.vector_store %arg14[%parallel_loop3A_1171], %parallel_loop3A_1163 {strides = array<i32>} : memref<10000xf32, #tpu.memory_space<vmem>>, vector<16xf32>,
      %parallel_loop3A_1173 = arith.constant 16 : i32
      %parallel_loop3A_1174 = arith.muli %parallel_loop3A_1154, %parallel_loop3A_1173 : i32
      %parallel_loop3A_1175 = arith.index_cast %parallel_loop3A_1174 : i32 to index
      %parallel_loop3A_1176 = tpu.vector_load %arg15[%parallel_loop3A_1175] {strides = array<i32>} : memref<10000xf32, #tpu.memory_space<vmem>>, vector<16xf32>,
      tpu.vector_store %arg15[%parallel_loop3A_1175], %parallel_loop3A_1168 {strides = array<i32>} : memref<10000xf32, #tpu.memory_space<vmem>>, vector<16xf32>,
      %parallel_loop3A_1177 = tpu.pack_subelements %parallel_loop3A_1163, %parallel_loop3A_1168 {pack_format = #tpu.pack_format<interleaved>, positions = array<i32: 0, 1>} : vector<16xf32>, vector<16xf32> -> vector<32xbf16>
      %parallel_loop3A_1178 = vector.bitcast %parallel_loop3A_1177 : vector<32xbf16> to vector<16xi32>
      %parallel_loop3A_1179 = arith.constant 16 : i32
      %parallel_loop3A_1180 = arith.muli %parallel_loop3A_1154, %parallel_loop3A_1179 : i32
      %parallel_loop3A_1181 = arith.index_cast %parallel_loop3A_1180 : i32 to index
      %parallel_loop3A_1182 = tpu.vector_load %arg11[%parallel_loop3A_1181] {strides = array<i32>} : memref<10000xi32, #tpu.memory_space<vmem>>, vector<16xi32>,
      tpu.vector_store %arg11[%parallel_loop3A_1181], %parallel_loop3A_1178 {strides = array<i32>} : memref<10000xi32, #tpu.memory_space<vmem>>, vector<16xi32>,
    } {sc.loop_unroll_factor = 4 : i64, sc.parallel_access}
    %multiple_of3A_1087 = arith.constant 0 : i32
    %multiple_of3A_1088 = tpu.assume_multiple %multiple_of3A_1087, 3200 : i32
    %dma_start3A_1089 = arith.constant 0 : i32
    %dma_start3A_1090 = arith.constant 0 : i32
    %dma_start3A_1091 = tpu.memref_slice %arg17[%dma_start3A_1090] : memref<6400xi32, #tpu.memory_space<vmem>> -> memref<3200xi32, #tpu.memory_space<vmem>>
    %dma_start3A_1092 = tpu.memref_slice %arg6[%multiple_of3A_1088] : memref<160000xi32, #tpu.memory_space<hbm>> -> memref<3200xi32, #tpu.memory_space<hbm>>
    %dma_start3A_1093 = tpu.memref_slice %arg22[%dma_start3A_1089] : memref<3x!tpu.dma_semaphore, #tpu.memory_space<semaphore_mem>> -> memref<1x!tpu.dma_semaphore, #tpu.memory_space<semaphore_mem>>
    %dma_start3A_1094 = tpu.memref_squeeze %dma_start3A_1093 : memref<1x!tpu.dma_semaphore, #tpu.memory_space<semaphore_mem>> -> memref<!tpu.dma_semaphore, #tpu.memory_space<semaphore_mem>>
    %dma_start3A_1095 = arith.constant 0 : i32
    %dma_start3A_1096 = tpu.memref_slice %arg17[%dma_start3A_1095] : memref<6400xi32, #tpu.memory_space<vmem>> -> memref<3200xi32, #tpu.memory_space<vmem>>
    %dma_start3A_1097 = tpu.memref_slice %arg6[%multiple_of3A_1088] : memref<160000xi32, #tpu.memory_space<hbm>> -> memref<3200xi32, #tpu.memory_space<hbm>>
    tpu.enqueue_dma source(%dma_start3A_1097 : memref<3200xi32, #tpu.memory_space<hbm>>) target(%dma_start3A_1096 : memref<3200xi32, #tpu.memory_space<vmem>>) target_semaphore(%dma_start3A_1094 : memref<!tpu.dma_semaphore, #tpu.memory_space<semaphore_mem>>)
    %dma_start3A_1098 = arith.constant 0 : i32
    %dma_start3A_1099 = arith.constant 0 : i32
    %dma_start3A_1100 = tpu.memref_slice %arg18[%dma_start3A_1099] : memref<6400xf32, #tpu.memory_space<vmem>> -> memref<3200xf32, #tpu.memory_space<vmem>>
    %dma_start3A_1101 = tpu.memref_slice %arg7[%multiple_of3A_1088] : memref<160000xf32, #tpu.memory_space<hbm>> -> memref<3200xf32, #tpu.memory_space<hbm>>
    %dma_start3A_1102 = tpu.memref_slice %arg22[%dma_start3A_1098] : memref<3x!tpu.dma_semaphore, #tpu.memory_space<semaphore_mem>> -> memref<1x!tpu.dma_semaphore, #tpu.memory_space<semaphore_mem>>
    %dma_start3A_1103 = tpu.memref_squeeze %dma_start3A_1102 : memref<1x!tpu.dma_semaphore, #tpu.memory_space<semaphore_mem>> -> memref<!tpu.dma_semaphore, #tpu.memory_space<semaphore_mem>>
    %dma_start3A_1104 = arith.constant 0 : i32
    %dma_start3A_1105 = tpu.memref_slice %arg18[%dma_start3A_1104] : memref<6400xf32, #tpu.memory_space<vmem>> -> memref<3200xf32, #tpu.memory_space<vmem>>
    %dma_start3A_1106 = tpu.memref_slice %arg7[%multiple_of3A_1088] : memref<160000xf32, #tpu.memory_space<hbm>> -> memref<3200xf32, #tpu.memory_space<hbm>>
    tpu.enqueue_dma source(%dma_start3A_1106 : memref<3200xf32, #tpu.memory_space<hbm>>) target(%dma_start3A_1105 : memref<3200xf32, #tpu.memory_space<vmem>>) target_semaphore(%dma_start3A_1103 : memref<!tpu.dma_semaphore, #tpu.memory_space<semaphore_mem>>)
    %scan3A_1107 = arith.constant 0 : i32
    %scan3A_1108 = arith.constant 0 : i32
    %scan3A_1109 = arith.constant 25 : i32
    %scan3A_1110 = arith.addi %scan3A_1108, %scan3A_1109 : i32
    %scan3A_1111 = arith.constant 1 : i32
    %scan3A_1112 = scf.for %scan3A_1154 = %scan3A_1108 to %scan3A_1110 step %scan3A_1111 iter_args(%scan3A_1155 = %scan3A_1107) -> (i32)  : i32 {
      %mul3A_1156 = arith.constant 2 : i32
      %mul3A_1157 = arith.muli %scan3A_1154, %mul3A_1156 : i32
      %add3A_1158 = arith.constant 0 : i32
      %add3A_1159 = arith.addi %mul3A_1157, %add3A_1158 : i32
      %add3A_1160 = arith.constant 1 : i32
      %add3A_1161 = arith.addi %add3A_1159, %add3A_1160 : i32
      %lt3A = arith.constant 50 : i32
      %lt3A_1162 = arith.cmpi slt, %add3A_1161, %lt3A : i32
      %convert_element_type3A = arith.extui %lt3A_1162 : i1 to i32
      %cond3A = arith.constant 0 : i32
      %cond3A_1163 = arith.cmpi ne, %convert_element_type3A, %cond3A : i32
      scf.if %cond3A_1163 {
        %add3A_1226 = arith.constant 1 : i32
        %add3A_1227 = arith.addi %add3A_1159, %add3A_1226 : i32
        %mul3A_1228 = arith.constant 3200 : i32
        %mul3A_1229 = arith.muli %add3A_1227, %mul3A_1228 : i32
        %multiple_of3A_1230 = tpu.assume_multiple %mul3A_1229, 3200 : i32
        %dma_start3A_1231 = arith.constant 1 : i32
        %dma_start3A_1232 = arith.constant 3200 : i32
        %dma_start3A_1233 = tpu.memref_slice %arg17[%dma_start3A_1232] : memref<6400xi32, #tpu.memory_space<vmem>> -> memref<3200xi32, #tpu.memory_space<vmem>>
        %dma_start3A_1234 = tpu.memref_slice %arg6[%multiple_of3A_1230] : memref<160000xi32, #tpu.memory_space<hbm>> -> memref<3200xi32, #tpu.memory_space<hbm>>
        %dma_start3A_1235 = tpu.memref_slice %arg22[%dma_start3A_1231] : memref<3x!tpu.dma_semaphore, #tpu.memory_space<semaphore_mem>> -> memref<1x!tpu.dma_semaphore, #tpu.memory_space<semaphore_mem>>
        %dma_start3A_1236 = tpu.memref_squeeze %dma_start3A_1235 : memref<1x!tpu.dma_semaphore, #tpu.memory_space<semaphore_mem>> -> memref<!tpu.dma_semaphore, #tpu.memory_space<semaphore_mem>>
        %dma_start3A_1237 = arith.constant 3200 : i32
        %dma_start3A_1238 = tpu.memref_slice %arg17[%dma_start3A_1237] : memref<6400xi32, #tpu.memory_space<vmem>> -> memref<3200xi32, #tpu.memory_space<vmem>>
        %dma_start3A_1239 = tpu.memref_slice %arg6[%multiple_of3A_1230] : memref<160000xi32, #tpu.memory_space<hbm>> -> memref<3200xi32, #tpu.memory_space<hbm>>
        tpu.enqueue_dma source(%dma_start3A_1239 : memref<3200xi32, #tpu.memory_space<hbm>>) target(%dma_start3A_1238 : memref<3200xi32, #tpu.memory_space<vmem>>) target_semaphore(%dma_start3A_1236 : memref<!tpu.dma_semaphore, #tpu.memory_space<semaphore_mem>>)
        %dma_start3A_1240 = arith.constant 1 : i32
        %dma_start3A_1241 = arith.constant 3200 : i32
        %dma_start3A_1242 = tpu.memref_slice %arg18[%dma_start3A_1241] : memref<6400xf32, #tpu.memory_space<vmem>> -> memref<3200xf32, #tpu.memory_space<vmem>>
        %dma_start3A_1243 = tpu.memref_slice %arg7[%multiple_of3A_1230] : memref<160000xf32, #tpu.memory_space<hbm>> -> memref<3200xf32, #tpu.memory_space<hbm>>
        %dma_start3A_1244 = tpu.memref_slice %arg22[%dma_start3A_1240] : memref<3x!tpu.dma_semaphore, #tpu.memory_space<semaphore_mem>> -> memref<1x!tpu.dma_semaphore, #tpu.memory_space<semaphore_mem>>
        %dma_start3A_1245 = tpu.memref_squeeze %dma_start3A_1244 : memref<1x!tpu.dma_semaphore, #tpu.memory_space<semaphore_mem>> -> memref<!tpu.dma_semaphore, #tpu.memory_space<semaphore_mem>>
        %dma_start3A_1246 = arith.constant 3200 : i32
        %dma_start3A_1247 = tpu.memref_slice %arg18[%dma_start3A_1246] : memref<6400xf32, #tpu.memory_space<vmem>> -> memref<3200xf32, #tpu.memory_space<vmem>>
        %dma_start3A_1248 = tpu.memref_slice %arg7[%multiple_of3A_1230] : memref<160000xf32, #tpu.memory_space<hbm>> -> memref<3200xf32, #tpu.memory_space<hbm>>
        tpu.enqueue_dma source(%dma_start3A_1248 : memref<3200xf32, #tpu.memory_space<hbm>>) target(%dma_start3A_1247 : memref<3200xf32, #tpu.memory_space<vmem>>) target_semaphore(%dma_start3A_1245 : memref<!tpu.dma_semaphore, #tpu.memory_space<semaphore_mem>>)
      } else {
      }
      %dma_wait3A_1164 = arith.constant 0 : i32
      %dma_wait3A_1165 = arith.constant 0 : i32
      %dma_wait3A_1166 = tpu.memref_slice %arg17[%dma_wait3A_1165] : memref<6400xi32, #tpu.memory_space<vmem>> -> memref<3200xi32, #tpu.memory_space<vmem>>
      %dma_wait3A_1167 = arith.constant 0 : i32
      %dma_wait3A_1168 = tpu.memref_slice %arg6[%dma_wait3A_1167] : memref<160000xi32, #tpu.memory_space<hbm>> -> memref<3200xi32, #tpu.memory_space<hbm>>
      %dma_wait3A_1169 = tpu.memref_slice %arg22[%dma_wait3A_1164] : memref<3x!tpu.dma_semaphore, #tpu.memory_space<semaphore_mem>> -> memref<1x!tpu.dma_semaphore, #tpu.memory_space<semaphore_mem>>
      %dma_wait3A_1170 = tpu.memref_squeeze %dma_wait3A_1169 : memref<1x!tpu.dma_semaphore, #tpu.memory_space<semaphore_mem>> -> memref<!tpu.dma_semaphore, #tpu.memory_space<semaphore_mem>>
      %dma_wait3A_1171 = arith.constant 0 : i32
      %dma_wait3A_1172 = tpu.memref_slice %arg17[%dma_wait3A_1171] : memref<6400xi32, #tpu.memory_space<vmem>> -> memref<3200xi32, #tpu.memory_space<vmem>>
      %dma_wait3A_1173 = arith.constant 0 : i32
      %dma_wait3A_1174 = tpu.memref_slice %arg6[%dma_wait3A_1173] : memref<160000xi32, #tpu.memory_space<hbm>> -> memref<3200xi32, #tpu.memory_space<hbm>>
      tpu.wait_dma2 semaphore(%dma_wait3A_1170 : memref<!tpu.dma_semaphore, #tpu.memory_space<semaphore_mem>>) src(%dma_wait3A_1174 : memref<3200xi32, #tpu.memory_space<hbm>>) dst(%dma_wait3A_1172 : memref<3200xi32, #tpu.memory_space<vmem>>)
      %dma_wait3A_1175 = arith.constant 0 : i32
      %dma_wait3A_1176 = arith.constant 0 : i32
      %dma_wait3A_1177 = tpu.memref_slice %arg18[%dma_wait3A_1176] : memref<6400xf32, #tpu.memory_space<vmem>> -> memref<3200xf32, #tpu.memory_space<vmem>>
      %dma_wait3A_1178 = arith.constant 0 : i32
      %dma_wait3A_1179 = tpu.memref_slice %arg7[%dma_wait3A_1178] : memref<160000xf32, #tpu.memory_space<hbm>> -> memref<3200xf32, #tpu.memory_space<hbm>>
      %dma_wait3A_1180 = tpu.memref_slice %arg22[%dma_wait3A_1175] : memref<3x!tpu.dma_semaphore, #tpu.memory_space<semaphore_mem>> -> memref<1x!tpu.dma_semaphore, #tpu.memory_space<semaphore_mem>>
      %dma_wait3A_1181 = tpu.memref_squeeze %dma_wait3A_1180 : memref<1x!tpu.dma_semaphore, #tpu.memory_space<semaphore_mem>> -> memref<!tpu.dma_semaphore, #tpu.memory_space<semaphore_mem>>
      %dma_wait3A_1182 = arith.constant 0 : i32
      %dma_wait3A_1183 = tpu.memref_slice %arg18[%dma_wait3A_1182] : memref<6400xf32, #tpu.memory_space<vmem>> -> memref<3200xf32, #tpu.memory_space<vmem>>
      %dma_wait3A_1184 = arith.constant 0 : i32
      %dma_wait3A_1185 = tpu.memref_slice %arg7[%dma_wait3A_1184] : memref<160000xf32, #tpu.memory_space<hbm>> -> memref<3200xf32, #tpu.memory_space<hbm>>
      tpu.wait_dma2 semaphore(%dma_wait3A_1181 : memref<!tpu.dma_semaphore, #tpu.memory_space<semaphore_mem>>) src(%dma_wait3A_1185 : memref<3200xf32, #tpu.memory_space<hbm>>) dst(%dma_wait3A_1183 : memref<3200xf32, #tpu.memory_space<vmem>>)
      %parallel_loop3A_1186 = arith.constant 0 : i32
      %parallel_loop3A_1187 = arith.constant 200 : i32
      %parallel_loop3A_1188 = arith.constant 1 : i32
      scf.for %parallel_loop3A_1226 = %parallel_loop3A_1186 to %parallel_loop3A_1187 step %parallel_loop3A_1188  : i32 {
        %parallel_loop3A_1227 = arith.constant 16 : i32
        %parallel_loop3A_1228 = arith.muli %parallel_loop3A_1226, %parallel_loop3A_1227 : i32
        %parallel_loop3A_1229 = arith.constant 0 : i32
        %parallel_loop3A_1230 = arith.addi %parallel_loop3A_1229, %parallel_loop3A_1228 : i32
        %parallel_loop3A_1231 = arith.index_cast %parallel_loop3A_1230 : i32 to index
        %parallel_loop3A_1232 = tpu.vector_load %arg17[%parallel_loop3A_1231] {strides = array<i32>} : memref<6400xi32, #tpu.memory_space<vmem>>, vector<16xi32>,
        %parallel_loop3A_1233 = arith.constant 14 : i32
        %parallel_loop3A_1234 = vector.broadcast %parallel_loop3A_1233 : i32 to vector<16xi32>
        %parallel_loop3A_1235 = arith.shrui %parallel_loop3A_1232, %parallel_loop3A_1234 : vector<16xi32>
        %parallel_loop3A_1236 = arith.constant 16383 : i32
        %parallel_loop3A_1237 = vector.broadcast %parallel_loop3A_1236 : i32 to vector<16xi32>
        %parallel_loop3A_1238 = arith.andi %parallel_loop3A_1232, %parallel_loop3A_1237 : vector<16xi32>
        %parallel_loop3A_1239 = arith.constant 16 : i32
        %parallel_loop3A_1240 = arith.muli %parallel_loop3A_1226, %parallel_loop3A_1239 : i32
        %parallel_loop3A_1241 = arith.constant 0 : i32
        %parallel_loop3A_1242 = arith.addi %parallel_loop3A_1241, %parallel_loop3A_1240 : i32
        %parallel_loop3A_1243 = arith.index_cast %parallel_loop3A_1242 : i32 to index
        %parallel_loop3A_1244 = tpu.vector_load %arg18[%parallel_loop3A_1243] {strides = array<i32>} : memref<6400xf32, #tpu.memory_space<vmem>>, vector<16xf32>,
        %parallel_loop3A_1245 = tpu.vector_load_idx %arg10[%parallel_loop3A_1235] : memref<10000xi32, #tpu.memory_space<vmem>>[vector<16xi32>], vector<16xi32>,
        %parallel_loop3A_1246 = vector.bitcast %parallel_loop3A_1245 : vector<16xi32> to vector<32xbf16>
        %parallel_loop3A_1247 = tpu.unpack_subelements %parallel_loop3A_1246, 0 {pack_format = #tpu.pack_format<interleaved>} : vector<32xbf16> -> vector<16xf32>
        %parallel_loop3A_1248 = tpu.unpack_subelements %parallel_loop3A_1246, 1 {pack_format = #tpu.pack_format<interleaved>} : vector<32xbf16> -> vector<16xf32>
        %parallel_loop3A_1249 = arith.mulf %parallel_loop3A_1247, %parallel_loop3A_1244 : vector<16xf32>
        tpu.vector_store_idx %arg12[%parallel_loop3A_1238], %parallel_loop3A_1249 {add = true} : memref<10000xf32, #tpu.memory_space<vmem>>[vector<16xi32>], vector<16xf32>,
        %parallel_loop3A_1250 = arith.mulf %parallel_loop3A_1248, %parallel_loop3A_1244 : vector<16xf32>
        tpu.vector_store_idx %arg13[%parallel_loop3A_1238], %parallel_loop3A_1250 {add = true} : memref<10000xf32, #tpu.memory_space<vmem>>[vector<16xi32>], vector<16xf32>,
        %parallel_loop3A_1251 = tpu.vector_load_idx %arg11[%parallel_loop3A_1235] : memref<10000xi32, #tpu.memory_space<vmem>>[vector<16xi32>], vector<16xi32>,
        %parallel_loop3A_1252 = vector.bitcast %parallel_loop3A_1251 : vector<16xi32> to vector<32xbf16>
        %parallel_loop3A_1253 = tpu.unpack_subelements %parallel_loop3A_1252, 0 {pack_format = #tpu.pack_format<interleaved>} : vector<32xbf16> -> vector<16xf32>
        %parallel_loop3A_1254 = tpu.unpack_subelements %parallel_loop3A_1252, 1 {pack_format = #tpu.pack_format<interleaved>} : vector<32xbf16> -> vector<16xf32>
        %parallel_loop3A_1255 = arith.mulf %parallel_loop3A_1253, %parallel_loop3A_1244 : vector<16xf32>
        tpu.vector_store_idx %arg14[%parallel_loop3A_1238], %parallel_loop3A_1255 {add = true} : memref<10000xf32, #tpu.memory_space<vmem>>[vector<16xi32>], vector<16xf32>,
        %parallel_loop3A_1256 = arith.mulf %parallel_loop3A_1254, %parallel_loop3A_1244 : vector<16xf32>
        tpu.vector_store_idx %arg15[%parallel_loop3A_1238], %parallel_loop3A_1256 {add = true} : memref<10000xf32, #tpu.memory_space<vmem>>[vector<16xi32>], vector<16xf32>,
      } {sc.loop_unroll_factor = 4 : i64, sc.parallel_access}
      %mul3A_1189 = arith.constant 2 : i32
      %mul3A_1190 = arith.muli %scan3A_1154, %mul3A_1189 : i32
      %add3A_1191 = arith.constant 1 : i32
      %add3A_1192 = arith.addi %mul3A_1190, %add3A_1191 : i32
      %add3A_1193 = arith.constant 1 : i32
      %add3A_1194 = arith.addi %add3A_1192, %add3A_1193 : i32
      %lt3A_1195 = arith.constant 50 : i32
      %lt3A_1196 = arith.cmpi slt, %add3A_1194, %lt3A_1195 : i32
      %convert_element_type3A_1197 = arith.extui %lt3A_1196 : i1 to i32
      %cond3A_1198 = arith.constant 0 : i32
      %cond3A_1199 = arith.cmpi ne, %convert_element_type3A_1197, %cond3A_1198 : i32
      scf.if %cond3A_1199 {
        %add3A_1226 = arith.constant 1 : i32
        %add3A_1227 = arith.addi %add3A_1192, %add3A_1226 : i32
        %mul3A_1228 = arith.constant 3200 : i32
        %mul3A_1229 = arith.muli %add3A_1227, %mul3A_1228 : i32
        %multiple_of3A_1230 = tpu.assume_multiple %mul3A_1229, 3200 : i32
        %dma_start3A_1231 = arith.constant 0 : i32
        %dma_start3A_1232 = arith.constant 0 : i32
        %dma_start3A_1233 = tpu.memref_slice %arg17[%dma_start3A_1232] : memref<6400xi32, #tpu.memory_space<vmem>> -> memref<3200xi32, #tpu.memory_space<vmem>>
        %dma_start3A_1234 = tpu.memref_slice %arg6[%multiple_of3A_1230] : memref<160000xi32, #tpu.memory_space<hbm>> -> memref<3200xi32, #tpu.memory_space<hbm>>
        %dma_start3A_1235 = tpu.memref_slice %arg22[%dma_start3A_1231] : memref<3x!tpu.dma_semaphore, #tpu.memory_space<semaphore_mem>> -> memref<1x!tpu.dma_semaphore, #tpu.memory_space<semaphore_mem>>
        %dma_start3A_1236 = tpu.memref_squeeze %dma_start3A_1235 : memref<1x!tpu.dma_semaphore, #tpu.memory_space<semaphore_mem>> -> memref<!tpu.dma_semaphore, #tpu.memory_space<semaphore_mem>>
        %dma_start3A_1237 = arith.constant 0 : i32
        %dma_start3A_1238 = tpu.memref_slice %arg17[%dma_start3A_1237] : memref<6400xi32, #tpu.memory_space<vmem>> -> memref<3200xi32, #tpu.memory_space<vmem>>
        %dma_start3A_1239 = tpu.memref_slice %arg6[%multiple_of3A_1230] : memref<160000xi32, #tpu.memory_space<hbm>> -> memref<3200xi32, #tpu.memory_space<hbm>>
        tpu.enqueue_dma source(%dma_start3A_1239 : memref<3200xi32, #tpu.memory_space<hbm>>) target(%dma_start3A_1238 : memref<3200xi32, #tpu.memory_space<vmem>>) target_semaphore(%dma_start3A_1236 : memref<!tpu.dma_semaphore, #tpu.memory_space<semaphore_mem>>)
        %dma_start3A_1240 = arith.constant 0 : i32
        %dma_start3A_1241 = arith.constant 0 : i32
        %dma_start3A_1242 = tpu.memref_slice %arg18[%dma_start3A_1241] : memref<6400xf32, #tpu.memory_space<vmem>> -> memref<3200xf32, #tpu.memory_space<vmem>>
        %dma_start3A_1243 = tpu.memref_slice %arg7[%multiple_of3A_1230] : memref<160000xf32, #tpu.memory_space<hbm>> -> memref<3200xf32, #tpu.memory_space<hbm>>
        %dma_start3A_1244 = tpu.memref_slice %arg22[%dma_start3A_1240] : memref<3x!tpu.dma_semaphore, #tpu.memory_space<semaphore_mem>> -> memref<1x!tpu.dma_semaphore, #tpu.memory_space<semaphore_mem>>
        %dma_start3A_1245 = tpu.memref_squeeze %dma_start3A_1244 : memref<1x!tpu.dma_semaphore, #tpu.memory_space<semaphore_mem>> -> memref<!tpu.dma_semaphore, #tpu.memory_space<semaphore_mem>>
        %dma_start3A_1246 = arith.constant 0 : i32
        %dma_start3A_1247 = tpu.memref_slice %arg18[%dma_start3A_1246] : memref<6400xf32, #tpu.memory_space<vmem>> -> memref<3200xf32, #tpu.memory_space<vmem>>
        %dma_start3A_1248 = tpu.memref_slice %arg7[%multiple_of3A_1230] : memref<160000xf32, #tpu.memory_space<hbm>> -> memref<3200xf32, #tpu.memory_space<hbm>>
        tpu.enqueue_dma source(%dma_start3A_1248 : memref<3200xf32, #tpu.memory_space<hbm>>) target(%dma_start3A_1247 : memref<3200xf32, #tpu.memory_space<vmem>>) target_semaphore(%dma_start3A_1245 : memref<!tpu.dma_semaphore, #tpu.memory_space<semaphore_mem>>)
      } else {
      }
      %dma_wait3A_1200 = arith.constant 1 : i32
      %dma_wait3A_1201 = arith.constant 3200 : i32
      %dma_wait3A_1202 = tpu.memref_slice %arg17[%dma_wait3A_1201] : memref<6400xi32, #tpu.memory_space<vmem>> -> memref<3200xi32, #tpu.memory_space<vmem>>
      %dma_wait3A_1203 = arith.constant 0 : i32
      %dma_wait3A_1204 = tpu.memref_slice %arg6[%dma_wait3A_1203] : memref<160000xi32, #tpu.memory_space<hbm>> -> memref<3200xi32, #tpu.memory_space<hbm>>
      %dma_wait3A_1205 = tpu.memref_slice %arg22[%dma_wait3A_1200] : memref<3x!tpu.dma_semaphore, #tpu.memory_space<semaphore_mem>> -> memref<1x!tpu.dma_semaphore, #tpu.memory_space<semaphore_mem>>
      %dma_wait3A_1206 = tpu.memref_squeeze %dma_wait3A_1205 : memref<1x!tpu.dma_semaphore, #tpu.memory_space<semaphore_mem>> -> memref<!tpu.dma_semaphore, #tpu.memory_space<semaphore_mem>>
      %dma_wait3A_1207 = arith.constant 3200 : i32
      %dma_wait3A_1208 = tpu.memref_slice %arg17[%dma_wait3A_1207] : memref<6400xi32, #tpu.memory_space<vmem>> -> memref<3200xi32, #tpu.memory_space<vmem>>
      %dma_wait3A_1209 = arith.constant 0 : i32
      %dma_wait3A_1210 = tpu.memref_slice %arg6[%dma_wait3A_1209] : memref<160000xi32, #tpu.memory_space<hbm>> -> memref<3200xi32, #tpu.memory_space<hbm>>
      tpu.wait_dma2 semaphore(%dma_wait3A_1206 : memref<!tpu.dma_semaphore, #tpu.memory_space<semaphore_mem>>) src(%dma_wait3A_1210 : memref<3200xi32, #tpu.memory_space<hbm>>) dst(%dma_wait3A_1208 : memref<3200xi32, #tpu.memory_space<vmem>>)
      %dma_wait3A_1211 = arith.constant 1 : i32
      %dma_wait3A_1212 = arith.constant 3200 : i32
      %dma_wait3A_1213 = tpu.memref_slice %arg18[%dma_wait3A_1212] : memref<6400xf32, #tpu.memory_space<vmem>> -> memref<3200xf32, #tpu.memory_space<vmem>>
      %dma_wait3A_1214 = arith.constant 0 : i32
      %dma_wait3A_1215 = tpu.memref_slice %arg7[%dma_wait3A_1214] : memref<160000xf32, #tpu.memory_space<hbm>> -> memref<3200xf32, #tpu.memory_space<hbm>>
      %dma_wait3A_1216 = tpu.memref_slice %arg22[%dma_wait3A_1211] : memref<3x!tpu.dma_semaphore, #tpu.memory_space<semaphore_mem>> -> memref<1x!tpu.dma_semaphore, #tpu.memory_space<semaphore_mem>>
      %dma_wait3A_1217 = tpu.memref_squeeze %dma_wait3A_1216 : memref<1x!tpu.dma_semaphore, #tpu.memory_space<semaphore_mem>> -> memref<!tpu.dma_semaphore, #tpu.memory_space<semaphore_mem>>
      %dma_wait3A_1218 = arith.constant 3200 : i32
      %dma_wait3A_1219 = tpu.memref_slice %arg18[%dma_wait3A_1218] : memref<6400xf32, #tpu.memory_space<vmem>> -> memref<3200xf32, #tpu.memory_space<vmem>>
      %dma_wait3A_1220 = arith.constant 0 : i32
      %dma_wait3A_1221 = tpu.memref_slice %arg7[%dma_wait3A_1220] : memref<160000xf32, #tpu.memory_space<hbm>> -> memref<3200xf32, #tpu.memory_space<hbm>>
      tpu.wait_dma2 semaphore(%dma_wait3A_1217 : memref<!tpu.dma_semaphore, #tpu.memory_space<semaphore_mem>>) src(%dma_wait3A_1221 : memref<3200xf32, #tpu.memory_space<hbm>>) dst(%dma_wait3A_1219 : memref<3200xf32, #tpu.memory_space<vmem>>)
      %parallel_loop3A_1222 = arith.constant 0 : i32
      %parallel_loop3A_1223 = arith.constant 200 : i32
      %parallel_loop3A_1224 = arith.constant 1 : i32
      scf.for %parallel_loop3A_1226 = %parallel_loop3A_1222 to %parallel_loop3A_1223 step %parallel_loop3A_1224  : i32 {
        %parallel_loop3A_1227 = arith.constant 16 : i32
        %parallel_loop3A_1228 = arith.muli %parallel_loop3A_1226, %parallel_loop3A_1227 : i32
        %parallel_loop3A_1229 = arith.constant 3200 : i32
        %parallel_loop3A_1230 = arith.addi %parallel_loop3A_1229, %parallel_loop3A_1228 : i32
        %parallel_loop3A_1231 = arith.index_cast %parallel_loop3A_1230 : i32 to index
        %parallel_loop3A_1232 = tpu.vector_load %arg17[%parallel_loop3A_1231] {strides = array<i32>} : memref<6400xi32, #tpu.memory_space<vmem>>, vector<16xi32>,
        %parallel_loop3A_1233 = arith.constant 14 : i32
        %parallel_loop3A_1234 = vector.broadcast %parallel_loop3A_1233 : i32 to vector<16xi32>
        %parallel_loop3A_1235 = arith.shrui %parallel_loop3A_1232, %parallel_loop3A_1234 : vector<16xi32>
        %parallel_loop3A_1236 = arith.constant 16383 : i32
        %parallel_loop3A_1237 = vector.broadcast %parallel_loop3A_1236 : i32 to vector<16xi32>
        %parallel_loop3A_1238 = arith.andi %parallel_loop3A_1232, %parallel_loop3A_1237 : vector<16xi32>
        %parallel_loop3A_1239 = arith.constant 16 : i32
        %parallel_loop3A_1240 = arith.muli %parallel_loop3A_1226, %parallel_loop3A_1239 : i32
        %parallel_loop3A_1241 = arith.constant 3200 : i32
        %parallel_loop3A_1242 = arith.addi %parallel_loop3A_1241, %parallel_loop3A_1240 : i32
        %parallel_loop3A_1243 = arith.index_cast %parallel_loop3A_1242 : i32 to index
        %parallel_loop3A_1244 = tpu.vector_load %arg18[%parallel_loop3A_1243] {strides = array<i32>} : memref<6400xf32, #tpu.memory_space<vmem>>, vector<16xf32>,
        %parallel_loop3A_1245 = tpu.vector_load_idx %arg10[%parallel_loop3A_1235] : memref<10000xi32, #tpu.memory_space<vmem>>[vector<16xi32>], vector<16xi32>,
        %parallel_loop3A_1246 = vector.bitcast %parallel_loop3A_1245 : vector<16xi32> to vector<32xbf16>
        %parallel_loop3A_1247 = tpu.unpack_subelements %parallel_loop3A_1246, 0 {pack_format = #tpu.pack_format<interleaved>} : vector<32xbf16> -> vector<16xf32>
        %parallel_loop3A_1248 = tpu.unpack_subelements %parallel_loop3A_1246, 1 {pack_format = #tpu.pack_format<interleaved>} : vector<32xbf16> -> vector<16xf32>
        %parallel_loop3A_1249 = arith.mulf %parallel_loop3A_1247, %parallel_loop3A_1244 : vector<16xf32>
        tpu.vector_store_idx %arg12[%parallel_loop3A_1238], %parallel_loop3A_1249 {add = true} : memref<10000xf32, #tpu.memory_space<vmem>>[vector<16xi32>], vector<16xf32>,
        %parallel_loop3A_1250 = arith.mulf %parallel_loop3A_1248, %parallel_loop3A_1244 : vector<16xf32>
        tpu.vector_store_idx %arg13[%parallel_loop3A_1238], %parallel_loop3A_1250 {add = true} : memref<10000xf32, #tpu.memory_space<vmem>>[vector<16xi32>], vector<16xf32>,
        %parallel_loop3A_1251 = tpu.vector_load_idx %arg11[%parallel_loop3A_1235] : memref<10000xi32, #tpu.memory_space<vmem>>[vector<16xi32>], vector<16xi32>,
        %parallel_loop3A_1252 = vector.bitcast %parallel_loop3A_1251 : vector<16xi32> to vector<32xbf16>
        %parallel_loop3A_1253 = tpu.unpack_subelements %parallel_loop3A_1252, 0 {pack_format = #tpu.pack_format<interleaved>} : vector<32xbf16> -> vector<16xf32>
        %parallel_loop3A_1254 = tpu.unpack_subelements %parallel_loop3A_1252, 1 {pack_format = #tpu.pack_format<interleaved>} : vector<32xbf16> -> vector<16xf32>
        %parallel_loop3A_1255 = arith.mulf %parallel_loop3A_1253, %parallel_loop3A_1244 : vector<16xf32>
        tpu.vector_store_idx %arg14[%parallel_loop3A_1238], %parallel_loop3A_1255 {add = true} : memref<10000xf32, #tpu.memory_space<vmem>>[vector<16xi32>], vector<16xf32>,
        %parallel_loop3A_1256 = arith.mulf %parallel_loop3A_1254, %parallel_loop3A_1244 : vector<16xf32>
        tpu.vector_store_idx %arg15[%parallel_loop3A_1238], %parallel_loop3A_1256 {add = true} : memref<10000xf32, #tpu.memory_space<vmem>>[vector<16xi32>], vector<16xf32>,
      } {sc.loop_unroll_factor = 4 : i64, sc.parallel_access}
      %scan3A_1225 = arith.constant 0 : i32
      scf.yield %scan3A_1225 : i32
    }
    %scan3A_1113 = arith.constant 25 : i32
    %parallel_loop3A_1114 = arith.constant 0 : i32
    %parallel_loop3A_1115 = arith.constant 625 : i32
    %parallel_loop3A_1116 = arith.constant 1 : i32
    scf.for %parallel_loop3A_1154 = %parallel_loop3A_1114 to %parallel_loop3A_1115 step %parallel_loop3A_1116  : i32 {
      %parallel_loop3A_1155 = arith.constant 16 : i32
      %parallel_loop3A_1156 = arith.muli %parallel_loop3A_1154, %parallel_loop3A_1155 : i32
      %parallel_loop3A_1157 = arith.index_cast %parallel_loop3A_1156 : i32 to index
      %parallel_loop3A_1158 = tpu.vector_load %arg12[%parallel_loop3A_1157] {strides = array<i32>} : memref<10000xf32, #tpu.memory_space<vmem>>, vector<16xf32>,
      %parallel_loop3A_1159 = arith.constant 16 : i32
      %parallel_loop3A_1160 = arith.muli %parallel_loop3A_1154, %parallel_loop3A_1159 : i32
      %parallel_loop3A_1161 = arith.index_cast %parallel_loop3A_1160 : i32 to index
      %parallel_loop3A_1162 = tpu.vector_load %arg16[%parallel_loop3A_1161] {strides = array<i32>} : memref<10240xf32, #tpu.memory_space<vmem>>, vector<16xf32>,
      %parallel_loop3A_1163 = arith.mulf %parallel_loop3A_1158, %parallel_loop3A_1162 : vector<16xf32>
      %parallel_loop3A_1164 = arith.index_cast %parallel_loop3A_1156 : i32 to index
      %parallel_loop3A_1165 = tpu.vector_load %arg12[%parallel_loop3A_1164] {strides = array<i32>} : memref<10000xf32, #tpu.memory_space<vmem>>, vector<16xf32>,
      tpu.vector_store %arg12[%parallel_loop3A_1164], %parallel_loop3A_1163 {strides = array<i32>} : memref<10000xf32, #tpu.memory_space<vmem>>, vector<16xf32>,
    } {sc.loop_unroll_factor = 4 : i64, sc.parallel_access}
    %mul3A_1117 = arith.constant 4 : i32
    %mul3A_1118 = arith.muli %add3A, %mul3A_1117 : i32
    %add3A_1119 = arith.constant 0 : i32
    %add3A_1120 = arith.addi %mul3A_1118, %add3A_1119 : i32
    %mul3A_1121 = arith.constant 10000 : i32
    %mul3A_1122 = arith.muli %add3A_1120, %mul3A_1121 : i32
    %multiple_of3A_1123 = tpu.assume_multiple %mul3A_1122, 10000 : i32
    "tpu.region"() ({
      %run_scoped3A = tpu.sem_alloc : memref<!tpu.dma_semaphore, #tpu.memory_space<semaphore_mem>>
      %dma_start3A_1154 = tpu.memref_slice %arg9[%multiple_of3A_1123] : memref<1280000xf32, #tpu.memory_space<hbm>> -> memref<10000xf32, #tpu.memory_space<hbm>>
      %dma_start3A_1155 = tpu.memref_slice %arg9[%multiple_of3A_1123] : memref<1280000xf32, #tpu.memory_space<hbm>> -> memref<10000xf32, #tpu.memory_space<hbm>>
      tpu.enqueue_dma source(%arg12 : memref<10000xf32, #tpu.memory_space<vmem>>) target(%dma_start3A_1155 : memref<10000xf32, #tpu.memory_space<hbm>>) target_semaphore(%run_scoped3A : memref<!tpu.dma_semaphore, #tpu.memory_space<semaphore_mem>>)
      %dma_wait3A_1156 = tpu.memref_slice %arg9[%multiple_of3A_1123] : memref<1280000xf32, #tpu.memory_space<hbm>> -> memref<10000xf32, #tpu.memory_space<hbm>>
      %dma_wait3A_1157 = tpu.memref_slice %arg9[%multiple_of3A_1123] : memref<1280000xf32, #tpu.memory_space<hbm>> -> memref<10000xf32, #tpu.memory_space<hbm>>
      tpu.wait_dma2 semaphore(%run_scoped3A : memref<!tpu.dma_semaphore, #tpu.memory_space<semaphore_mem>>) src(%arg12 : memref<10000xf32, #tpu.memory_space<vmem>>) dst(%dma_wait3A_1157 : memref<10000xf32, #tpu.memory_space<hbm>>)
      tpu.yield
    }) : () -> ()
    %parallel_loop3A_1124 = arith.constant 0 : i32
    %parallel_loop3A_1125 = arith.constant 625 : i32
    %parallel_loop3A_1126 = arith.constant 1 : i32
    scf.for %parallel_loop3A_1154 = %parallel_loop3A_1124 to %parallel_loop3A_1125 step %parallel_loop3A_1126  : i32 {
      %parallel_loop3A_1155 = arith.constant 16 : i32
      %parallel_loop3A_1156 = arith.muli %parallel_loop3A_1154, %parallel_loop3A_1155 : i32
      %parallel_loop3A_1157 = arith.index_cast %parallel_loop3A_1156 : i32 to index
      %parallel_loop3A_1158 = tpu.vector_load %arg13[%parallel_loop3A_1157] {strides = array<i32>} : memref<10000xf32, #tpu.memory_space<vmem>>, vector<16xf32>,
      %parallel_loop3A_1159 = arith.constant 16 : i32
      %parallel_loop3A_1160 = arith.muli %parallel_loop3A_1154, %parallel_loop3A_1159 : i32
      %parallel_loop3A_1161 = arith.index_cast %parallel_loop3A_1160 : i32 to index
      %parallel_loop3A_1162 = tpu.vector_load %arg16[%parallel_loop3A_1161] {strides = array<i32>} : memref<10240xf32, #tpu.memory_space<vmem>>, vector<16xf32>,
      %parallel_loop3A_1163 = arith.mulf %parallel_loop3A_1158, %parallel_loop3A_1162 : vector<16xf32>
      %parallel_loop3A_1164 = arith.index_cast %parallel_loop3A_1156 : i32 to index
      %parallel_loop3A_1165 = tpu.vector_load %arg13[%parallel_loop3A_1164] {strides = array<i32>} : memref<10000xf32, #tpu.memory_space<vmem>>, vector<16xf32>,
      tpu.vector_store %arg13[%parallel_loop3A_1164], %parallel_loop3A_1163 {strides = array<i32>} : memref<10000xf32, #tpu.memory_space<vmem>>, vector<16xf32>,
    } {sc.loop_unroll_factor = 4 : i64, sc.parallel_access}
    %mul3A_1127 = arith.constant 4 : i32
    %mul3A_1128 = arith.muli %add3A, %mul3A_1127 : i32
    %add3A_1129 = arith.constant 1 : i32
    %add3A_1130 = arith.addi %mul3A_1128, %add3A_1129 : i32
    %mul3A_1131 = arith.constant 10000 : i32
    %mul3A_1132 = arith.muli %add3A_1130, %mul3A_1131 : i32
    %multiple_of3A_1133 = tpu.assume_multiple %mul3A_1132, 10000 : i32
    "tpu.region"() ({
      %run_scoped3A = tpu.sem_alloc : memref<!tpu.dma_semaphore, #tpu.memory_space<semaphore_mem>>
      %dma_start3A_1154 = tpu.memref_slice %arg9[%multiple_of3A_1133] : memref<1280000xf32, #tpu.memory_space<hbm>> -> memref<10000xf32, #tpu.memory_space<hbm>>
      %dma_start3A_1155 = tpu.memref_slice %arg9[%multiple_of3A_1133] : memref<1280000xf32, #tpu.memory_space<hbm>> -> memref<10000xf32, #tpu.memory_space<hbm>>
      tpu.enqueue_dma source(%arg13 : memref<10000xf32, #tpu.memory_space<vmem>>) target(%dma_start3A_1155 : memref<10000xf32, #tpu.memory_space<hbm>>) target_semaphore(%run_scoped3A : memref<!tpu.dma_semaphore, #tpu.memory_space<semaphore_mem>>)
      %dma_wait3A_1156 = tpu.memref_slice %arg9[%multiple_of3A_1133] : memref<1280000xf32, #tpu.memory_space<hbm>> -> memref<10000xf32, #tpu.memory_space<hbm>>
      %dma_wait3A_1157 = tpu.memref_slice %arg9[%multiple_of3A_1133] : memref<1280000xf32, #tpu.memory_space<hbm>> -> memref<10000xf32, #tpu.memory_space<hbm>>
      tpu.wait_dma2 semaphore(%run_scoped3A : memref<!tpu.dma_semaphore, #tpu.memory_space<semaphore_mem>>) src(%arg13 : memref<10000xf32, #tpu.memory_space<vmem>>) dst(%dma_wait3A_1157 : memref<10000xf32, #tpu.memory_space<hbm>>)
      tpu.yield
    }) : () -> ()
    %parallel_loop3A_1134 = arith.constant 0 : i32
    %parallel_loop3A_1135 = arith.constant 625 : i32
    %parallel_loop3A_1136 = arith.constant 1 : i32
    scf.for %parallel_loop3A_1154 = %parallel_loop3A_1134 to %parallel_loop3A_1135 step %parallel_loop3A_1136  : i32 {
      %parallel_loop3A_1155 = arith.constant 16 : i32
      %parallel_loop3A_1156 = arith.muli %parallel_loop3A_1154, %parallel_loop3A_1155 : i32
      %parallel_loop3A_1157 = arith.index_cast %parallel_loop3A_1156 : i32 to index
      %parallel_loop3A_1158 = tpu.vector_load %arg14[%parallel_loop3A_1157] {strides = array<i32>} : memref<10000xf32, #tpu.memory_space<vmem>>, vector<16xf32>,
      %parallel_loop3A_1159 = arith.constant 16 : i32
      %parallel_loop3A_1160 = arith.muli %parallel_loop3A_1154, %parallel_loop3A_1159 : i32
      %parallel_loop3A_1161 = arith.index_cast %parallel_loop3A_1160 : i32 to index
      %parallel_loop3A_1162 = tpu.vector_load %arg16[%parallel_loop3A_1161] {strides = array<i32>} : memref<10240xf32, #tpu.memory_space<vmem>>, vector<16xf32>,
      %parallel_loop3A_1163 = arith.mulf %parallel_loop3A_1158, %parallel_loop3A_1162 : vector<16xf32>
      %parallel_loop3A_1164 = arith.index_cast %parallel_loop3A_1156 : i32 to index
      %parallel_loop3A_1165 = tpu.vector_load %arg14[%parallel_loop3A_1164] {strides = array<i32>} : memref<10000xf32, #tpu.memory_space<vmem>>, vector<16xf32>,
      tpu.vector_store %arg14[%parallel_loop3A_1164], %parallel_loop3A_1163 {strides = array<i32>} : memref<10000xf32, #tpu.memory_space<vmem>>, vector<16xf32>,
    } {sc.loop_unroll_factor = 4 : i64, sc.parallel_access}
    %mul3A_1137 = arith.constant 4 : i32
    %mul3A_1138 = arith.muli %add3A, %mul3A_1137 : i32
    %add3A_1139 = arith.constant 2 : i32
    %add3A_1140 = arith.addi %mul3A_1138, %add3A_1139 : i32
    %mul3A_1141 = arith.constant 10000 : i32
    %mul3A_1142 = arith.muli %add3A_1140, %mul3A_1141 : i32
    %multiple_of3A_1143 = tpu.assume_multiple %mul3A_1142, 10000 : i32
    "tpu.region"() ({
      %run_scoped3A = tpu.sem_alloc : memref<!tpu.dma_semaphore, #tpu.memory_space<semaphore_mem>>
      %dma_start3A_1154 = tpu.memref_slice %arg9[%multiple_of3A_1143] : memref<1280000xf32, #tpu.memory_space<hbm>> -> memref<10000xf32, #tpu.memory_space<hbm>>
      %dma_start3A_1155 = tpu.memref_slice %arg9[%multiple_of3A_1143] : memref<1280000xf32, #tpu.memory_space<hbm>> -> memref<10000xf32, #tpu.memory_space<hbm>>
      tpu.enqueue_dma source(%arg14 : memref<10000xf32, #tpu.memory_space<vmem>>) target(%dma_start3A_1155 : memref<10000xf32, #tpu.memory_space<hbm>>) target_semaphore(%run_scoped3A : memref<!tpu.dma_semaphore, #tpu.memory_space<semaphore_mem>>)
      %dma_wait3A_1156 = tpu.memref_slice %arg9[%multiple_of3A_1143] : memref<1280000xf32, #tpu.memory_space<hbm>> -> memref<10000xf32, #tpu.memory_space<hbm>>
      %dma_wait3A_1157 = tpu.memref_slice %arg9[%multiple_of3A_1143] : memref<1280000xf32, #tpu.memory_space<hbm>> -> memref<10000xf32, #tpu.memory_space<hbm>>
      tpu.wait_dma2 semaphore(%run_scoped3A : memref<!tpu.dma_semaphore, #tpu.memory_space<semaphore_mem>>) src(%arg14 : memref<10000xf32, #tpu.memory_space<vmem>>) dst(%dma_wait3A_1157 : memref<10000xf32, #tpu.memory_space<hbm>>)
      tpu.yield
    }) : () -> ()
    %parallel_loop3A_1144 = arith.constant 0 : i32
    %parallel_loop3A_1145 = arith.constant 625 : i32
    %parallel_loop3A_1146 = arith.constant 1 : i32
    scf.for %parallel_loop3A_1154 = %parallel_loop3A_1144 to %parallel_loop3A_1145 step %parallel_loop3A_1146  : i32 {
      %parallel_loop3A_1155 = arith.constant 16 : i32
      %parallel_loop3A_1156 = arith.muli %parallel_loop3A_1154, %parallel_loop3A_1155 : i32
      %parallel_loop3A_1157 = arith.index_cast %parallel_loop3A_1156 : i32 to index
      %parallel_loop3A_1158 = tpu.vector_load %arg15[%parallel_loop3A_1157] {strides = array<i32>} : memref<10000xf32, #tpu.memory_space<vmem>>, vector<16xf32>,
      %parallel_loop3A_1159 = arith.constant 16 : i32
      %parallel_loop3A_1160 = arith.muli %parallel_loop3A_1154, %parallel_loop3A_1159 : i32
      %parallel_loop3A_1161 = arith.index_cast %parallel_loop3A_1160 : i32 to index
      %parallel_loop3A_1162 = tpu.vector_load %arg16[%parallel_loop3A_1161] {strides = array<i32>} : memref<10240xf32, #tpu.memory_space<vmem>>, vector<16xf32>,
      %parallel_loop3A_1163 = arith.mulf %parallel_loop3A_1158, %parallel_loop3A_1162 : vector<16xf32>
      %parallel_loop3A_1164 = arith.index_cast %parallel_loop3A_1156 : i32 to index
      %parallel_loop3A_1165 = tpu.vector_load %arg15[%parallel_loop3A_1164] {strides = array<i32>} : memref<10000xf32, #tpu.memory_space<vmem>>, vector<16xf32>,
      tpu.vector_store %arg15[%parallel_loop3A_1164], %parallel_loop3A_1163 {strides = array<i32>} : memref<10000xf32, #tpu.memory_space<vmem>>, vector<16xf32>,
    } {sc.loop_unroll_factor = 4 : i64, sc.parallel_access}
    %mul3A_1147 = arith.constant 4 : i32
    %mul3A_1148 = arith.muli %add3A, %mul3A_1147 : i32
    %add3A_1149 = arith.constant 3 : i32
    %add3A_1150 = arith.addi %mul3A_1148, %add3A_1149 : i32
    %mul3A_1151 = arith.constant 10000 : i32
    %mul3A_1152 = arith.muli %add3A_1150, %mul3A_1151 : i32
    %multiple_of3A_1153 = tpu.assume_multiple %mul3A_1152, 10000 : i32
    "tpu.region"() ({
      %run_scoped3A = tpu.sem_alloc : memref<!tpu.dma_semaphore, #tpu.memory_space<semaphore_mem>>
      %dma_start3A_1154 = tpu.memref_slice %arg9[%multiple_of3A_1153] : memref<1280000xf32, #tpu.memory_space<hbm>> -> memref<10000xf32, #tpu.memory_space<hbm>>
      %dma_start3A_1155 = tpu.memref_slice %arg9[%multiple_of3A_1153] : memref<1280000xf32, #tpu.memory_space<hbm>> -> memref<10000xf32, #tpu.memory_space<hbm>>
      tpu.enqueue_dma source(%arg15 : memref<10000xf32, #tpu.memory_space<vmem>>) target(%dma_start3A_1155 : memref<10000xf32, #tpu.memory_space<hbm>>) target_semaphore(%run_scoped3A : memref<!tpu.dma_semaphore, #tpu.memory_space<semaphore_mem>>)
      %dma_wait3A_1156 = tpu.memref_slice %arg9[%multiple_of3A_1153] : memref<1280000xf32, #tpu.memory_space<hbm>> -> memref<10000xf32, #tpu.memory_space<hbm>>
      %dma_wait3A_1157 = tpu.memref_slice %arg9[%multiple_of3A_1153] : memref<1280000xf32, #tpu.memory_space<hbm>> -> memref<10000xf32, #tpu.memory_space<hbm>>
      tpu.wait_dma2 semaphore(%run_scoped3A : memref<!tpu.dma_semaphore, #tpu.memory_space<semaphore_mem>>) src(%arg15 : memref<10000xf32, #tpu.memory_space<vmem>>) dst(%dma_wait3A_1157 : memref<10000xf32, #tpu.memory_space<hbm>>)
      tpu.yield
    }) : () -> ()
    return
  }
}

module attributes {stable_mosaic.version = 14 : i64} {
  func.func @_tc_body(%arg0: memref<128x10000xf32, #tpu.memory_space<vmem>>, %arg1: memref<128x10000xf32, #tpu.memory_space<vmem>>, %arg2: memref<128x128xf32, #tpu.memory_space<vmem>>, %arg3: memref<1x128xf32, #tpu.memory_space<vmem>>, %arg4: memref<256x128xf32, #tpu.memory_space<vmem>>, %arg5: memref<1x128xf32, #tpu.memory_space<vmem>>, %arg6: memref<128x128xf32, #tpu.memory_space<vmem>>, %arg7: memref<1x128xf32, #tpu.memory_space<vmem>>, %arg8: memref<256x128xf32, #tpu.memory_space<vmem>>, %arg9: memref<1x128xf32, #tpu.memory_space<vmem>>, %arg10: memref<128x128xf32, #tpu.memory_space<vmem>>, %arg11: memref<1x128xf32, #tpu.memory_space<vmem>>, %arg12: memref<256x128xf32, #tpu.memory_space<vmem>>, %arg13: memref<1x128xf32, #tpu.memory_space<vmem>>, %arg14: memref<128x128xf32, #tpu.memory_space<vmem>>, %arg15: memref<1x128xf32, #tpu.memory_space<vmem>>, %arg16: memref<256x128xf32, #tpu.memory_space<vmem>>, %arg17: memref<1x128xf32, #tpu.memory_space<vmem>>, %arg18: memref<10000x128xf32, #tpu.memory_space<vmem>>, %arg19: memref<10000x128xf32, #tpu.memory_space<vmem>>) attributes {dimension_semantics = [], scalar_prefetch = 0 : i64, scratch_operands = 0 : i64, tpu.core_type = #tpu.core_type<tc>} {
    %get3A = arith.constant 0 : index
    %get3A_0 = arith.constant 0 : index
    %get3A_1 = vector.load %arg0[%get3A, %get3A_0] : memref<128x10000xf32, #tpu.memory_space<vmem>>, vector<128x10000xf32>
    %get3A_2 = arith.constant 0 : index
    %get3A_3 = arith.constant 0 : index
    %get3A_4 = vector.load %arg4[%get3A_2, %get3A_3] : memref<256x128xf32, #tpu.memory_space<vmem>>, vector<256x128xf32>
    %slice3A = vector.extract_strided_slice %get3A_4 {offsets = [0, 0], sizes = [128, 128], strides = [1, 1]} : vector<256x128xf32> to vector<128x128xf32>
    %get3A_5 = arith.constant 0 : index
    %get3A_6 = arith.constant 0 : index
    %get3A_7 = vector.load %arg2[%get3A_5, %get3A_6] : memref<128x128xf32, #tpu.memory_space<vmem>>, vector<128x128xf32>
    %dot_general3A = arith.constant dense<0.000000e+00> : vector<128x128xf32>
    %dot_general3A_8 = tpu.matmul %get3A_7, %slice3A, %dot_general3A {dimension_numbers = #tpu.dot_dimension_numbers<[1], [0], [0], [1], [0, 0, 1, 1], [], []>, transpose_lhs_hint = false} : vector<128x128xf32>, vector<128x128xf32>, vector<128x128xf32> -> vector<128x128xf32>
    %get3A_9 = arith.constant 0 : index
    %get3A_10 = arith.constant 0 : index
    %get3A_11 = vector.load %arg3[%get3A_9, %get3A_10] : memref<1x128xf32, #tpu.memory_space<vmem>>, vector<1x128xf32>
    %dot_general3A_12 = arith.constant dense<0.000000e+00> : vector<1x128xf32>
    %dot_general3A_13 = tpu.matmul %get3A_11, %slice3A, %dot_general3A_12 {dimension_numbers = #tpu.dot_dimension_numbers<[1], [0], [0], [1], [0, 0, 1, 1], [], []>, transpose_lhs_hint = false} : vector<1x128xf32>, vector<128x128xf32>, vector<1x128xf32> -> vector<1x128xf32>
    %get3A_14 = arith.constant 0 : index
    %get3A_15 = arith.constant 0 : index
    %get3A_16 = vector.load %arg5[%get3A_14, %get3A_15] : memref<1x128xf32, #tpu.memory_space<vmem>>, vector<1x128xf32>
    %add3A = arith.addf %dot_general3A_13, %get3A_16 : vector<1x128xf32>
    %get3A_17 = arith.constant 0 : index
    %get3A_18 = arith.constant 0 : index
    %get3A_19 = vector.load %arg8[%get3A_17, %get3A_18] : memref<256x128xf32, #tpu.memory_space<vmem>>, vector<256x128xf32>
    %slice3A_20 = vector.extract_strided_slice %get3A_19 {offsets = [0, 0], sizes = [128, 128], strides = [1, 1]} : vector<256x128xf32> to vector<128x128xf32>
    %get3A_21 = arith.constant 0 : index
    %get3A_22 = arith.constant 0 : index
    %get3A_23 = vector.load %arg6[%get3A_21, %get3A_22] : memref<128x128xf32, #tpu.memory_space<vmem>>, vector<128x128xf32>
    %dot_general3A_24 = arith.constant dense<0.000000e+00> : vector<128x128xf32>
    %dot_general3A_25 = tpu.matmul %get3A_23, %slice3A_20, %dot_general3A_24 {dimension_numbers = #tpu.dot_dimension_numbers<[1], [0], [0], [1], [0, 0, 1, 1], [], []>, transpose_lhs_hint = false} : vector<128x128xf32>, vector<128x128xf32>, vector<128x128xf32> -> vector<128x128xf32>
    %get3A_26 = arith.constant 0 : index
    %get3A_27 = arith.constant 0 : index
    %get3A_28 = vector.load %arg7[%get3A_26, %get3A_27] : memref<1x128xf32, #tpu.memory_space<vmem>>, vector<1x128xf32>
    %dot_general3A_29 = arith.constant dense<0.000000e+00> : vector<1x128xf32>
    %dot_general3A_30 = tpu.matmul %get3A_28, %slice3A_20, %dot_general3A_29 {dimension_numbers = #tpu.dot_dimension_numbers<[1], [0], [0], [1], [0, 0, 1, 1], [], []>, transpose_lhs_hint = false} : vector<1x128xf32>, vector<128x128xf32>, vector<1x128xf32> -> vector<1x128xf32>
    %get3A_31 = arith.constant 0 : index
    %get3A_32 = arith.constant 0 : index
    %get3A_33 = vector.load %arg9[%get3A_31, %get3A_32] : memref<1x128xf32, #tpu.memory_space<vmem>>, vector<1x128xf32>
    %add3A_34 = arith.addf %dot_general3A_30, %get3A_33 : vector<1x128xf32>
    %dot_general3A_35 = arith.constant dense<0.000000e+00> : vector<10000x128xf32>
    %dot_general3A_36 = tpu.matmul %get3A_1, %dot_general3A_8, %dot_general3A_35 {dimension_numbers = #tpu.dot_dimension_numbers<[0], [0], [1], [1], [0, 1, 1, 1], [], []>, transpose_lhs_hint = false} : vector<128x10000xf32>, vector<128x128xf32>, vector<10000x128xf32> -> vector<10000x128xf32>
    %dot_general3A_37 = arith.constant dense<0.000000e+00> : vector<10000x128xf32>
    %dot_general3A_38 = tpu.matmul %get3A_1, %dot_general3A_25, %dot_general3A_37 {dimension_numbers = #tpu.dot_dimension_numbers<[0], [0], [1], [1], [0, 1, 1, 1], [], []>, transpose_lhs_hint = false} : vector<128x10000xf32>, vector<128x128xf32>, vector<10000x128xf32> -> vector<10000x128xf32>
    %add3A_39 = vector.broadcast %add3A : vector<1x128xf32> to vector<10000x128xf32>
    %add3A_40 = arith.addf %dot_general3A_36, %add3A_39 : vector<10000x128xf32>
    %logistic3A = arith.negf %add3A_40 : vector<10000x128xf32>
    %logistic3A_41 = math.exp %logistic3A : vector<10000x128xf32>
    %logistic3A_42 = arith.constant 1.000000e+00 : f32
    %logistic3A_43 = vector.broadcast %logistic3A_42 : f32 to vector<10000x128xf32>
    %logistic3A_44 = arith.addf %logistic3A_43, %logistic3A_41 : vector<10000x128xf32>
    %logistic3A_45 = arith.divf %logistic3A_43, %logistic3A_44 : vector<10000x128xf32>
    %sub3A = arith.constant 1.000000e+00 : f32
    %sub3A_46 = vector.broadcast %sub3A : f32 to vector<10000x128xf32>
    %sub3A_47 = arith.subf %sub3A_46, %logistic3A_45 : vector<10000x128xf32>
    %add3A_48 = vector.broadcast %add3A_34 : vector<1x128xf32> to vector<10000x128xf32>
    %add3A_49 = arith.addf %dot_general3A_38, %add3A_48 : vector<10000x128xf32>
    %tanh3A = math.tanh %add3A_49 : vector<10000x128xf32>
    %mul3A = arith.mulf %sub3A_47, %tanh3A : vector<10000x128xf32>
    %swap3A = arith.constant 0 : index
    %swap3A_50 = arith.constant 0 : index
    %swap3A_51 = vector.load %arg18[%swap3A, %swap3A_50] : memref<10000x128xf32, #tpu.memory_space<vmem>>, vector<10000x128xf32>
    tpu.vector_store %arg18[%swap3A, %swap3A_50], %mul3A {strides = array<i32>} : memref<10000x128xf32, #tpu.memory_space<vmem>>, vector<10000x128xf32>,
    %get3A_52 = arith.constant 0 : index
    %get3A_53 = arith.constant 0 : index
    %get3A_54 = vector.load %arg1[%get3A_52, %get3A_53] : memref<128x10000xf32, #tpu.memory_space<vmem>>, vector<128x10000xf32>
    %get3A_55 = arith.constant 0 : index
    %get3A_56 = arith.constant 0 : index
    %get3A_57 = vector.load %arg12[%get3A_55, %get3A_56] : memref<256x128xf32, #tpu.memory_space<vmem>>, vector<256x128xf32>
    %slice3A_58 = vector.extract_strided_slice %get3A_57 {offsets = [0, 0], sizes = [128, 128], strides = [1, 1]} : vector<256x128xf32> to vector<128x128xf32>
    %get3A_59 = arith.constant 0 : index
    %get3A_60 = arith.constant 0 : index
    %get3A_61 = vector.load %arg10[%get3A_59, %get3A_60] : memref<128x128xf32, #tpu.memory_space<vmem>>, vector<128x128xf32>
    %dot_general3A_62 = arith.constant dense<0.000000e+00> : vector<128x128xf32>
    %dot_general3A_63 = tpu.matmul %get3A_61, %slice3A_58, %dot_general3A_62 {dimension_numbers = #tpu.dot_dimension_numbers<[1], [0], [0], [1], [0, 0, 1, 1], [], []>, transpose_lhs_hint = false} : vector<128x128xf32>, vector<128x128xf32>, vector<128x128xf32> -> vector<128x128xf32>
    %get3A_64 = arith.constant 0 : index
    %get3A_65 = arith.constant 0 : index
    %get3A_66 = vector.load %arg11[%get3A_64, %get3A_65] : memref<1x128xf32, #tpu.memory_space<vmem>>, vector<1x128xf32>
    %dot_general3A_67 = arith.constant dense<0.000000e+00> : vector<1x128xf32>
    %dot_general3A_68 = tpu.matmul %get3A_66, %slice3A_58, %dot_general3A_67 {dimension_numbers = #tpu.dot_dimension_numbers<[1], [0], [0], [1], [0, 0, 1, 1], [], []>, transpose_lhs_hint = false} : vector<1x128xf32>, vector<128x128xf32>, vector<1x128xf32> -> vector<1x128xf32>
    %get3A_69 = arith.constant 0 : index
    %get3A_70 = arith.constant 0 : index
    %get3A_71 = vector.load %arg13[%get3A_69, %get3A_70] : memref<1x128xf32, #tpu.memory_space<vmem>>, vector<1x128xf32>
    %add3A_72 = arith.addf %dot_general3A_68, %get3A_71 : vector<1x128xf32>
    %get3A_73 = arith.constant 0 : index
    %get3A_74 = arith.constant 0 : index
    %get3A_75 = vector.load %arg16[%get3A_73, %get3A_74] : memref<256x128xf32, #tpu.memory_space<vmem>>, vector<256x128xf32>
    %slice3A_76 = vector.extract_strided_slice %get3A_75 {offsets = [0, 0], sizes = [128, 128], strides = [1, 1]} : vector<256x128xf32> to vector<128x128xf32>
    %get3A_77 = arith.constant 0 : index
    %get3A_78 = arith.constant 0 : index
    %get3A_79 = vector.load %arg14[%get3A_77, %get3A_78] : memref<128x128xf32, #tpu.memory_space<vmem>>, vector<128x128xf32>
    %dot_general3A_80 = arith.constant dense<0.000000e+00> : vector<128x128xf32>
    %dot_general3A_81 = tpu.matmul %get3A_79, %slice3A_76, %dot_general3A_80 {dimension_numbers = #tpu.dot_dimension_numbers<[1], [0], [0], [1], [0, 0, 1, 1], [], []>, transpose_lhs_hint = false} : vector<128x128xf32>, vector<128x128xf32>, vector<128x128xf32> -> vector<128x128xf32>
    %get3A_82 = arith.constant 0 : index
    %get3A_83 = arith.constant 0 : index
    %get3A_84 = vector.load %arg15[%get3A_82, %get3A_83] : memref<1x128xf32, #tpu.memory_space<vmem>>, vector<1x128xf32>
    %dot_general3A_85 = arith.constant dense<0.000000e+00> : vector<1x128xf32>
    %dot_general3A_86 = tpu.matmul %get3A_84, %slice3A_76, %dot_general3A_85 {dimension_numbers = #tpu.dot_dimension_numbers<[1], [0], [0], [1], [0, 0, 1, 1], [], []>, transpose_lhs_hint = false} : vector<1x128xf32>, vector<128x128xf32>, vector<1x128xf32> -> vector<1x128xf32>
    %get3A_87 = arith.constant 0 : index
    %get3A_88 = arith.constant 0 : index
    %get3A_89 = vector.load %arg17[%get3A_87, %get3A_88] : memref<1x128xf32, #tpu.memory_space<vmem>>, vector<1x128xf32>
    %add3A_90 = arith.addf %dot_general3A_86, %get3A_89 : vector<1x128xf32>
    %dot_general3A_91 = arith.constant dense<0.000000e+00> : vector<10000x128xf32>
    %dot_general3A_92 = tpu.matmul %get3A_54, %dot_general3A_63, %dot_general3A_91 {dimension_numbers = #tpu.dot_dimension_numbers<[0], [0], [1], [1], [0, 1, 1, 1], [], []>, transpose_lhs_hint = false} : vector<128x10000xf32>, vector<128x128xf32>, vector<10000x128xf32> -> vector<10000x128xf32>
    %dot_general3A_93 = arith.constant dense<0.000000e+00> : vector<10000x128xf32>
    %dot_general3A_94 = tpu.matmul %get3A_54, %dot_general3A_81, %dot_general3A_93 {dimension_numbers = #tpu.dot_dimension_numbers<[0], [0], [1], [1], [0, 1, 1, 1], [], []>, transpose_lhs_hint = false} : vector<128x10000xf32>, vector<128x128xf32>, vector<10000x128xf32> -> vector<10000x128xf32>
    %add3A_95 = vector.broadcast %add3A_72 : vector<1x128xf32> to vector<10000x128xf32>
    %add3A_96 = arith.addf %dot_general3A_92, %add3A_95 : vector<10000x128xf32>
    %logistic3A_97 = arith.negf %add3A_96 : vector<10000x128xf32>
    %logistic3A_98 = math.exp %logistic3A_97 : vector<10000x128xf32>
    %logistic3A_99 = arith.constant 1.000000e+00 : f32
    %logistic3A_100 = vector.broadcast %logistic3A_99 : f32 to vector<10000x128xf32>
    %logistic3A_101 = arith.addf %logistic3A_100, %logistic3A_98 : vector<10000x128xf32>
    %logistic3A_102 = arith.divf %logistic3A_100, %logistic3A_101 : vector<10000x128xf32>
    %sub3A_103 = arith.constant 1.000000e+00 : f32
    %sub3A_104 = vector.broadcast %sub3A_103 : f32 to vector<10000x128xf32>
    %sub3A_105 = arith.subf %sub3A_104, %logistic3A_102 : vector<10000x128xf32>
    %add3A_106 = vector.broadcast %add3A_90 : vector<1x128xf32> to vector<10000x128xf32>
    %add3A_107 = arith.addf %dot_general3A_94, %add3A_106 : vector<10000x128xf32>
    %tanh3A_108 = math.tanh %add3A_107 : vector<10000x128xf32>
    %mul3A_109 = arith.mulf %sub3A_105, %tanh3A_108 : vector<10000x128xf32>
    %swap3A_110 = arith.constant 0 : index
    %swap3A_111 = arith.constant 0 : index
    %swap3A_112 = vector.load %arg19[%swap3A_110, %swap3A_111] : memref<10000x128xf32, #tpu.memory_space<vmem>>, vector<10000x128xf32>
    tpu.vector_store %arg19[%swap3A_110, %swap3A_111], %mul3A_109 {strides = array<i32>} : memref<10000x128xf32, #tpu.memory_space<vmem>>, vector<10000x128xf32>,
    return
  }
}

</mosaic_0001>

<sc_bundles>
// kernel: kernel.4.cloned.1.call-start
scs
__scs_entry_jumppad:
0x0: {  	(pc) =	sbr.rel $0x88, $3  }
0x1: {  	(tag) =	ssettag $0x0;
	lr =	simm.s32 $0x1  }
0x2: {  	[smem:$0x3F8B] =	sst lr;
	_ =	strace $0xD0000000  }
0x3: {  	_ = 	snop  }
0x4: {  	_ = 	snop  }
0x5: {  	_ = 	snop  }
0x6: {  	_ = 	snop  }
0x7: {  	_ = 	snop  }
__scs_overlays_trampoline_lowered:
0x8: {  	[smem:$0x3F9A] =	sst s0  }
0x9: {  	[smem:$0x3F9B] =	sst s1  }
0xa: {  	[smem:$0x3F9C] =	sst s2  }
0xb: {  	[smem:$0x3F9D] =	sst s3  }
0xc: {  	[smem:$0x3F9E] =	sst s4  }
0xd: {  	[smem:$0x3F9F] =	sst s5  }
0xe: {  	[smem:$0x3FA0] =	sst s6  }
0xf: {  	[smem:$0x3FA1] =	sst s7  }
0x10: {  	[smem:$0x3FA2] =	sst s8  }
0x11: {  	[smem:$0x3FA3] =	sst s9;
	s0 =	simm.s32 @!p0 $0x0  }
0x12: {  	s1 =	sld [smem:$0x3F89];
	s0 =	simm.s32 @p0 $0x1  }
0x13: {  	[smem:$0x3FA4] =	sst s0;
	s0 =	simm.s32 @!p1 $0x0  }
0x14: {  	s2 =	sld [smem:$0x3F88];
	s0 =	simm.s32 @p1 $0x1  }
0x15: {  	[smem:$0x3FA5] =	sst s0;
	s0 =	simm.s32 @!p2 $0x0  }
0x16: {  	s3 =	sld [smem:$0x3FDB];
	s0 =	simm.s32 @p2 $0x1  }
0x17: {  	s4 =	simm.s32 $0x1BF5;
	[smem:$0x3FA7] =	sst s0  }
0x18: {  	s0 =	sld [smem:$0x3F8A];
	_ =	swait.ge [sflag:s4], $0x0  }
0x19: {  	s7 =	sld [smem:$0x3F8B]  }
0x1a: {  	s8 =	sadd.s32 $0xFFFFE003, lr  }
0x1b: {  	s9 =	sadd.s32 $0xFFFFFEF7, lr;
	s5 =	simm.s32 $0xFFFFFFFF;
	p2 =	slt.u32 s8, $0xFFFFF086  }
0x1c: {  	p1 =	slt.u32 s9, $0xF7A;
	s5 =	simm.s32 @!p2 $0x0  }
0x1d: {  	s5 =	simm.s32 @p1 $0x1;
	p0 =	seq.s32 s7, s2  }
0x1e: {  	s7 =	smul.u32 @!p0 $0xF7A, s2;
	p2 =	seq.s32 @!p0 s5, $0x0  }
0x1f: {  	s9 =	smul.u32 $0xF7A, s1;
	s8 =	simm.s32 @!p0 $0x1BF5;
	p2 =	por !p2, p0  }
0x20: {  	[sflag:s8] =	ssyncset.s32 @!p0 $0xFFFFF086;
	s6 =	sadd.s32 @!p0 s3, s7;
	s7 =	simm.s32 @!p0 $0x108  }
0x21: {  	s3 =	sadd.s32 s3, s9;
	s6 =	sadd.s32 @!p0 $0x88, s6;
	s7 =	simm.s32 @p2 $0x1082  }
0x22: {  	[simem:s7], [sflag:s8] =	dma.local @!p0 [hbm:s6], $0xF7A  }
0x23: {  	s9 =	sor.u32 $0xD0000000, s2;
	s6 =	simm.s32 $0x108;
	_ =	swait.ge @!p0 [sflag:s8], $0x0  }
0x24: {  	s3 =	sadd.s32 $0x88, s3;
	s6 =	simm.s32 @!p1 $0x1082;
	[sflag:s4] =	ssyncset.s32 $0xFFFFF086  }
0x25: {  	[simem:s6], [sflag:s4] =	dma.local [hbm:s3], $0xF7A  }
0x26: {  	[smem:$0x3F8B] =	sst s1;
	(tag) =	ssettag s2;
	_ =	strace s9  }
0x27: {  	s1 =	sld [smem:$0x3F9B]  }
0x28: {  	s2 =	sld [smem:$0x3F9C]  }
0x29: {  	s4 =	sld [smem:$0x3F9E]  }
0x2a: {  	p0 =	seq.s32 s5, $0x0;
	s5 =	sld [smem:$0x3F9F]  }
0x2b: {  	s6 =	sld [smem:$0x3FA0]  }
0x2c: {  	s7 =	sld [smem:$0x3FA1]  }
0x2d: {  	s3 =	simm.s32 $0x108;
	s8 =	sld [smem:$0x3FA2]  }
0x2e: {  	s3 =	simm.s32 @!p0 $0x1082;
	s9 =	sld [smem:$0x3FA3]  }
0x2f: {  	lr =	sadd.s32 s0, s3;
	s0 =	sld [smem:$0x3F9A]  }
0x30: {  	s3 =	sld [smem:$0x3F9D]  }
0x31: {  	[smem:$0x3FA6] =	sst s10  }
0x32: {  	s10 =	sld [smem:$0x3FA4];
	_ =	sdelay $0x3  }
0x33: {  	p0 =	seq.s32 s10, $0x1;
	s10 =	sld [smem:$0x3FA6];
	_ =	sdelay $0x3  }
0x34: {  	[smem:$0x3FA6] =	sst s10  }
0x35: {  	s10 =	sld [smem:$0x3FA5];
	_ =	sdelay $0x3  }
0x36: {  	p1 =	seq.s32 s10, $0x1;
	s10 =	sld [smem:$0x3FA6];
	_ =	sdelay $0x3  }
0x37: {  	[smem:$0x3FA6] =	sst s10  }
0x38: {  	s10 =	sld [smem:$0x3FA7]  }
0x39: {  	_ = 	snop;
	(pc) =	sbr.ind lr, $3  }
0x3a: {  	_ = 	snop  }
0x3b: {  	_ = 	snop  }
0x3c: {  	p2 =	seq.s32 s10, $0x1;
	s10 =	sld [smem:$0x3FA6]  }
0x3d: {  	_ =	shalt  }
0x3e: {  	_ =	shalt  }
0x3f: {  	_ =	shalt  }
0x40: {  	_ =	shalt  }
0x41: {  	_ =	shalt  }
0x42: {  	_ =	shalt  }
0x43: {  	_ =	shalt  }
0x44: {  	_ =	shalt  }
0x45: {  	_ =	shalt  }
0x46: {  	_ =	shalt  }
0x47: {  	_ =	shalt  }
0x48: {  	_ =	shalt  }
0x49: {  	_ =	shalt  }
0x4a: {  	_ =	shalt  }
0x4b: {  	_ =	shalt  }
0x4c: {  	_ =	shalt  }
0x4d: {  	_ =	shalt  }
0x4e: {  	_ =	shalt  }
0x4f: {  	_ =	shalt  }
0x50: {  	_ =	shalt  }
0x51: {  	_ =	shalt  }
0x52: {  	_ =	shalt  }
0x53: {  	_ =	shalt  }
0x54: {  	_ =	shalt  }
0x55: {  	_ =	shalt  }
0x56: {  	_ =	shalt  }
0x57: {  	_ =	shalt  }
0x58: {  	_ =	shalt  }
0x59: {  	_ =	shalt  }
0x5a: {  	_ =	shalt  }
0x5b: {  	_ =	shalt  }
0x5c: {  	_ =	shalt  }
0x5d: {  	_ =	shalt  }
0x5e: {  	_ =	shalt  }
0x5f: {  	_ =	shalt  }
0x60: {  	_ =	shalt  }
0x61: {  	_ =	shalt  }
0x62: {  	_ =	shalt  }
0x63: {  	_ =	shalt  }
0x64: {  	_ =	shalt  }
0x65: {  	_ =	shalt  }
0x66: {  	_ =	shalt  }
0x67: {  	_ =	shalt  }
0x68: {  	_ =	shalt  }
0x69: {  	_ =	shalt  }
0x6a: {  	_ =	shalt  }
0x6b: {  	_ =	shalt  }
0x6c: {  	_ =	shalt  }
0x6d: {  	_ =	shalt  }
0x6e: {  	_ =	shalt  }
0x6f: {  	_ =	shalt  }
0x70: {  	_ =	shalt  }
0x71: {  	_ =	shalt  }
0x72: {  	_ =	shalt  }
0x73: {  	_ =	shalt  }
0x74: {  	_ =	shalt  }
0x75: {  	_ =	shalt  }
0x76: {  	_ =	shalt  }
0x77: {  	_ =	shalt  }
0x78: {  	_ =	shalt  }
0x79: {  	_ =	shalt  }
0x7a: {  	_ =	shalt  }
0x7b: {  	_ =	shalt  }
0x7c: {  	_ =	shalt  }
0x7d: {  	_ =	shalt  }
0x7e: {  	_ =	shalt  }
0x7f: {  	_ =	shalt  }
0x80: {  	_ =	shalt  }
0x81: {  	_ =	shalt  }
0x82: {  	_ =	shalt  }
0x83: {  	_ =	shalt  }
0x84: {  	_ =	shalt  }
0x85: {  	_ =	shalt  }
0x86: {  	_ =	shalt  }
0x87: {  	_ =	shalt  }
.Lfunc_end0:
.L_simem_size_0:
called_computation_lowered:
.L_overlay_start_0:
0x88: {  	s2 =	sld [smem:$0x3FD9]  }
0x89: {  	s3 =	sld [smem:$0x3FFE];
	_ =	sdelay $0x1  }
0x8a: {  	s1 =	srdreg.scid  }
0x8b: {  	s0 =	sand.u32 $0x1, s1  }
0x8c: {  	s14 =	sshll.u32 s0, $0xA;
	s2 =	sadd.s32 s3, s2  }
0x8d: {  	s2 =	sadd.s32 s2, s14  }
0x8e: {  	[smem:$0x3FB2] =	sst s2  }
0x8f: {  	_ = 	snop  }
0x90: {  	s2 =	sld [smem:$0x3FD0];
	_ =	sdelay $0x1  }
0x91: {  	s15 =	sld [smem:$0x3FC5]  }
0x92: {  	s5 =	simm.s32 $0xA;
	s6 =	simm.s32 $0x10;
	s4 =	sld [smem:$0x3FC4]  }
0x93: {  	[smem:s6], [sflag:s5] =	dma.local [hbm:s2], $0x1  }
0x94: {  	_ =	swait.eq [sflag:s5], $0x1  }
0x95: {  	[sflag:s5] =	ssyncset.done $0x0  }
0x96: {  	s16 =	sld [smem:$0x10];
	[sflag:s5] =	ssyncadd.s32 $0xFFFFFFFF  }
0x97: {  	s17 =	sld [smem:$0x11];
	(tm) =	ssettm $0x1  }
0x98: {  	s18 =	sld [smem:$0x3FFB];
	_ =	sdelay $0x3  }
0x99: {  	_ =	strace s18  }
0x9a: {  	s6 =	sld [smem:$0x3FFC];
	_ =	sdelay $0x3  }
0x9b: {  	_ =	strace s6  }
0x9c: {  	s6 =	sld [smem:$0x3FFD];
	_ =	sdelay $0x3  }
0x9d: {  	_ =	strace s6  }
0x9e: {  	_ =	strace $0x8FFFFFFF  }
0x9f: {  	s19 =	sld [smem:$0x3FDB];
	_ =	sdelay $0x1  }
0xa0: {  	s7 =	simm.s32 $_scs_section_size  }
0xa1: {  	s8 =	simm.s32 $_size__tile_overlayer_lowered;
	s9 =	simm.s32 $_tile_overlayer_lowered  }
0xa2: {  	s22 =	simm.s32 $0x1BFF;
	s21 =	sshll.u32 s9, $0x1;
	s6 =	sadd.s32 s7, s19  }
0xa3: {  	s10 =	simm.s32 $0x0;
	s20 =	sshll.u32 s8, $0x1;
	s8 =	sadd.s32 s21, s6  }
0xa4: {  	[timem:s10], [sflag:s22] =	dma.local [hbm:s8], s20  }
0xa5: {  	_ =	swait.ge [sflag:s22], s20  }
0xa6: {  	s7 =	ssub.s32 $0x0, s20;
	[sflag:s22] =	ssyncset.done $0x0  }
0xa7: {  	[sflag:s22] =	ssyncadd.s32 s7;
	_ =	sdelay $0x1  }
0xa8: {  	s23 =	simm.s32 $0x1B8B  }
0xa9: {  	_ =	swait.ge [sflag:s23], $0x1  }
0xaa: {  	[sflag:s23] =	ssyncset.done $0x0  }
0xab: {  	s25 =	simm.s32 $0x1B8E;
	s24 =	sld [smem:$0x3FFE];
	[sflag:s23] =	ssyncadd.s32 $0xFFFFFFFF  }
0xac: {  	s26 =	simm.s32 $execute0_lowered;
	[smem:$0x3FD2] =	sst s25  }
0xad: {  	s8 =	sshll.u32 s26, $0x1;
	_ =	strace $0x80000046;
	[dreg:$0x1] =	wrdreg $0xFFFFFFFF  }
0xae: {  	s28 =	simm.s32 $_size_execute0_lowered;
	s6 =	sadd.s32 s6, s8;
	[dreg:$0x0] =	wrdreg $0x0  }
0xaf: {  	s8 =	sshll.u32 s28, $0x1;
	[dreg:$0x2] =	wrdreg s6  }
0xb0: {  	[dreg:$0x3] =	wrdreg s8  }
0xb1: {  	[dreg:$0x4] =	wrdreg $0xC0  }
0xb2: {  	_ =	task [dreg:s10], $0x5FFFF  }
0xb3: {  	[dreg:$0x1] =	wrdreg $0xFFFFFFFF  }
0xb4: {  	[dreg:$0x0] =	wrdreg $0x60  }
0xb5: {  	[dreg:$0x2] =	wrdreg s17  }
0xb6: {  	[dreg:$0x3] =	wrdreg s24  }
0xb7: {  	[dreg:$0x4] =	wrdreg s15  }
0xb8: {  	[dreg:$0x5] =	wrdreg s16  }
0xb9: {  	[dreg:$0x6] =	wrdreg s4  }
0xba: {  	[dreg:$0x7] =	wrdreg $0x14C000  }
0xbb: {  	[dreg:$0x8] =	wrdreg $0x174000  }
0xbc: {  	[dreg:$0x9] =	wrdreg $0x9  }
0xbd: {  	_ =	task.clear_ibuf [dreg:s10], $0xAFFFF;
	_ =	strace $0x90000046  }
0xbe: {  	s29 =	simm.s32 $0x9;
	_ =	strace $0x80000048  }
0xbf: {  	_ =	swait.ge [sflag:s29], $0x1  }
0xc0: {  	[sflag:s29] =	ssyncadd.s32 $0xFFFFFFFF  }
0xc1: {  	_ =	strace $0x90000048  }
0xc2: {  	_ =	sfence  }
0xc3: {  	s30 =	sld [smem:$0x0];
	_ =	sdelay $0x2  }
0xc4: {  	s31 =	sshll.u32 s1, $0xD;
	s1 =	sshrl.u32 s1, $0x2  }
0xc5: {  	s3 =	sand.u32 $0x4000, s31;
	s1 =	sadd.s32 s1, s30  }
0xc6: {  	s0 =	sor.u32 s3, s0;
	s1 =	sshll.u32 s1, $0x11  }
0xc7: {  	s0 =	sor.u32 s1, s0  }
0xc8: {  	s0 =	sadd.s32 $0x8F2B, s0  }
0xc9: {  	[sflag:s0] =	ssyncadd.remote.s32 $0x1  }
0xca: {  	_ =	sfence.sel $0xFFFF  }
0xcb: {  	[dreg:$0x0] =	wrdreg $0xFFFFFFFF;
	(pc) =	sbr.abs _section_cstart, $3  }
0xcc: {  	[dreg:$0x1] =	wrdreg $0xFFFFFFFF  }
0xcd: {  	_ =	task.clear_ibuf [dreg:s10], $0x2FFFF;
	_ =	strace $0x9FFFFFFF  }
0xce: {  	(tm) =	ssettm $0x7FFFFFFF  }
0xcf: {  	_ =	shalt  }
tec
execute0_lowered:
.L_overlay_start_1:
0x0: {  	(tag) =	ssettag $0x1  }
0x1: {  	s1 =	rddreg [dreg:$0x0]  }
0x2: {  	s3 =	rddreg [dreg:$0x1]  }
0x3: {  	s0 =	rddreg [dreg:$0x2]  }
0x4: {  	s5 =	srdreg.scid;
	s14 =	stileid.u32  }
0x5: {  	s4 =	rddreg [dreg:$0x3];
	s7 =	sand.u32 $0x1, s5;
	s8 =	sshll.u32 s14, $0x1  }
0x6: {  	s2 =	rddreg [dreg:$0x4];
	s8 =	sor.u32 s7, s8  }
0x7: {  	s6 =	rddreg [dreg:$0x5];
	s9 =	smul.u32 $0x9C40, s8  }
0x8: {  	s15 =	rddreg [dreg:$0x6];
	s5 =	simm.s32 $0x0;
	s8 =	smul.u32 $0x1388, s8  }
0x9: {  	s10 =	sadd.s32 $0x11800, s3;
	s11 =	sadd.s32 $0x38A00, s3;
	s7 =	ssub.s32 $0x2, s7  }
0xa: {  	[smem:$0x7FF] =	sst s5;
	s12 =	sshrl.u32 s7, $0x1;
	s16 =	sadd.s32 s1, s8  }
0xb: {  	s7 =	ssub.s32 s7, s12;
	s18 =	sadd.s32 s10, s8;
	[dreg:$0x8] =	wrdreg s16  }
0xc: {  	s9 =	sshrl.u32 s9, $0x3;
	s22 =	sadd.s32 s4, s8;
	[dreg:$0xc] =	wrdreg s18  }
0xd: {  	s26 =	sadd.s32 s11, s8;
	s12 =	sadd.s32 $0x4E2, s9;
	[dreg:$0x10] =	wrdreg s22  }
0xe: {  	s17 =	sadd.s32 $0x9C4, s9;
	[dreg:$0x14] =	wrdreg s26;
	s13 =	sadd.s32 s1, s12  }
0xf: {  	s9 =	sadd.s32 $0xEA6, s9;
	s16 =	sadd.s32 s1, s17;
	[dreg:$0x9] =	wrdreg s13  }
0x10: {  	s1 =	sadd.s32 s1, s9;
	[dreg:$0xa] =	wrdreg s16  }
0x11: {  	s19 =	sadd.s32 s10, s12;
	[dreg:$0xb] =	wrdreg s1  }
0x12: {  	s20 =	sadd.s32 s10, s17;
	[dreg:$0xd] =	wrdreg s19  }
0x13: {  	s21 =	sadd.s32 s10, s9;
	[dreg:$0xe] =	wrdreg s20  }
0x14: {  	s23 =	sadd.s32 s4, s12;
	[dreg:$0xf] =	wrdreg s21  }
0x15: {  	s24 =	sadd.s32 s4, s17;
	[dreg:$0x11] =	wrdreg s23  }
0x16: {  	s25 =	sadd.s32 s4, s9;
	[dreg:$0x12] =	wrdreg s24  }
0x17: {  	s4 =	sadd.s32 s11, s12;
	[dreg:$0x13] =	wrdreg s25  }
0x18: {  	s8 =	sadd.s32 s11, s17;
	[dreg:$0x15] =	wrdreg s4  }
0x19: {  	s9 =	sadd.s32 s11, s9;
	s10 =	smul.u32 $0x4E20, s14;
	[dreg:$0x16] =	wrdreg s8  }
0x1a: {  	s22 =	sadd.s32 $0x7A00, s3;
	s11 =	smul.u32 $0xA00, s14;
	[dreg:$0x17] =	wrdreg s9  }
0x1b: {  	s23 =	sadd.s32 $0x2A00, s3;
	s13 =	smul.u32 $0xA000, s14;
	s12 =	sshrl.u32 s10, $0x3  }
0x1c: {  	s8 =	smul.u32 $0x280, s14;
	_ =	strace $0x80000047;
	s16 =	sadd.s32 s22, s12  }
0x1d: {  	s17 =	sshrl.u32 s11, $0x2;
	s3 =	sadd.s32 s0, s12;
	[dreg:$0x18] =	wrdreg s16  }
0x1e: {  	s18 =	sshrl.u32 s13, $0x2;
	s20 =	sadd.s32 s8, s6;
	[dreg:$0x19] =	wrdreg s3  }
0x1f: {  	s1 =	sadd.s32 s17, s6;
	s19 =	sadd.s32 s18, s6;
	[dreg:$0x1b] =	wrdreg s20  }
0x20: {  	s21 =	sadd.s32 $0x2800, s1;
	[dreg:$0x1a] =	wrdreg s19  }
0x21: {  	s24 =	sadd.s32 $0x5000, s1;
	[dreg:$0x1c] =	wrdreg s21  }
0x22: {  	s25 =	sadd.s32 $0x7800, s1;
	[dreg:$0x1d] =	wrdreg s24  }
0x23: {  	s4 =	sadd.s32 $0xA000, s1;
	[dreg:$0x1e] =	wrdreg s25  }
0x24: {  	s6 =	sadd.s32 $0xC800, s1;
	[dreg:$0x1f] =	wrdreg s4  }
0x25: {  	s26 =	sadd.s32 $0x7D0, s10;
	s9 =	sadd.s32 $0xF000, s1;
	[smem:$0x7EF] =	sst s6  }
0x26: {  	s28 =	sadd.s32 $0xFA0, s10;
	s10 =	sadd.s32 $0x11800, s1;
	[smem:$0x7F0] =	sst s9  }
0x27: {  	s11 =	sadd.s32 $0x14000, s1;
	[smem:$0x7F1] =	sst s10  }
0x28: {  	s12 =	sadd.s32 $0x16800, s1;
	[smem:$0x7F2] =	sst s11  }
0x29: {  	s29 =	simm.s32 $0x11500;
	s13 =	sadd.s32 $0x19000, s1;
	[smem:$0x7F3] =	sst s12  }
0x2a: {  	s30 =	simm.s32 $0x12E00;
	s16 =	sadd.s32 $0x1B800, s1;
	[smem:$0x7F4] =	sst s13  }
0x2b: {  	s31 =	simm.s32 $0x12180;
	s17 =	sadd.s32 $0x1E000, s1;
	[smem:$0x7F5] =	sst s16  }
0x2c: {  	s18 =	sadd.s32 $0x20800, s1;
	s3 =	simm.s32 $0x13A80;
	[smem:$0x7F6] =	sst s17  }
0x2d: {  	s12 =	smul.u32 $0x2710, s14;
	[smem:$0x7F7] =	sst s18;
	s19 =	sadd.s32 $0x23000, s1  }
0x2e: {  	s1 =	sadd.s32 $0x25800, s1;
	s21 =	sadd.s32 s8, s15;
	s25 =	smax.u32 s7, $0x1  }
0x2f: {  	s4 =	simm.s32 $0xED00;
	s6 =	simm.s32 $0x2;
	[smem:$0x7F8] =	sst s19  }
0x30: {  	s7 =	simm.s32 $0x4;
	s8 =	simm.s32 $0x3;
	[smem:$0x7F9] =	sst s1  }
0x31: {  	s9 =	simm.s32 $0x2780;
	s11 =	simm.s32 $0x0;
	[smem:$0x7FA] =	sst s21  }
0x32: {  	[smem:$0x7FD] =	sst s25;
	s25 =	simm.s32 $0x4F00;
	s20 =	sshrl.u32 s12, $0x3  }
0x33: {  	s19 =	simm.s32 $0x7680;
	s21 =	simm.s32 $0xC580;
	s24 =	sadd.s32 s23, s20  }
0x34: {  	s1 =	sadd.s32 s2, s20;
	s20 =	simm.s32 $0x9E00;
	[smem:$0x7FB] =	sst s24  }
0x35: {  	v0 =	vimm.f32 $0.0e+00;
	[smem:$0x7FC] =	sst s1;
	s24 =	sadd.s32 $0xFA0, s12;
	s1 =	simm.s32 $0x1  }
.LBB2_1:
0x36: {  	[smem:$0x7EE] =	sst s11  }
0x37: {  	s10 =	rddreg [dreg:$0x8]  }
0x38: {  	[tilespmem:s25], [sflag:$0x3] =	stream.linear.gather [hbm4b:s10+s5], $0x2710, $0x38;
	[tilespmem:$0x17680] =	vst v63  }
0x39: {  	s16 =	rddreg [dreg:$0x9]  }
0x3a: {  	[tilespmem:s19], [sflag:$0x3] =	stream.linear.gather [hbm4b:s16+s5], $0x2710, $0x38;
	[tilespmem:$0x17680] =	vst v63  }
0x3b: {  	s17 =	rddreg [dreg:$0xa]  }
0x3c: {  	[tilespmem:s20], [sflag:$0x3] =	stream.linear.gather [hbm4b:s17+s5], $0x2710, $0x38;
	[tilespmem:$0x17680] =	vst v63  }
0x3d: {  	s18 =	rddreg [dreg:$0xb];
	s10 =	simm.s32 $0xED20  }
0x3e: {  	[tilespmem:s21], [sflag:$0x3] =	stream.linear.gather [hbm4b:s18+s5], $0x2710, $0x38;
	[tilespmem:$0x17680] =	vst v63  }
0x3f: {  	[tilespmem:s10+$0xFFFFFFE0] =	vst v0  }
0x40: {  	[tilespmem:s10+$0x10] =	vst v0  }
0x41: {  	s11 =	simm.s32 $0x0;
	[tilespmem:s10+$0x0] =	vst v0  }
.LBB2_2:
0x42: {  	s11 =	sadd.s32 $0x4, s11  }
0x43: {  	[tilespmem:s10+$0xFFFFFFF0] =	vst v0;
	s10 =	sadd.s32 $0x40, s10;
	p0 =	slt.u32 s11, $0x27C  }
.Ltmp0:
0x44: {  	[tilespmem:s10+$0xFFFFFFE0] =	vst v0;
	(pc) =	sbr.rel @p0 .LBB2_2-.Ltmp0, $3  }
0x45: {  	_ =	sdelay $0x1  }
0x46: {  	[tilespmem:s10+$0x10] =	vst v0  }
0x47: {  	[tilespmem:s10+$0x0] =	vst v0  }
0x48: {  	[tilespmem:s10+$0xFFFFFFF0] =	vst v0  }
0x49: {  	s11 =	simm.s32 $0x0;
	s10 =	rddreg [dreg:$0x18]  }
0x4a: {  	[tilespmem:s29], [sflag:$0x1] =	stream.linear.gather [hbm4b:s10+s11], $0x7D0, $0x38;
	[tilespmem:$0x17680] =	vst v63  }
0x4b: {  	s18 =	rddreg [dreg:$0x19]  }
0x4c: {  	[tilespmem:s30], [sflag:$0x1] =	stream.linear.gather [hbm4b:s18+s11], $0x7D0, $0x38;
	[tilespmem:$0x17680] =	vst v63  }
.LBB2_4:
0x4d: {  	s13 =	smul.u32 $0xFA0, s11;
	_ =	sdelay $0x1  }
0x4e: {  	s10 =	sadd.s32 s13, s26  }
0x4f: {  	s10 =	sshrl.u32 s10, $0x3  }
0x50: {  	s14 =	sadd.s32 s22, s10  }
0x51: {  	[tilespmem:s31], [sflag:$0x2] =	stream.linear.gather [hbm4b:s14+s5], $0x7D0, $0x38;
	[tilespmem:$0x17680] =	vst v63  }
0x52: {  	s10 =	sadd.s32 s0, s10  }
0x53: {  	[tilespmem:s3], [sflag:$0x2] =	stream.linear.gather [hbm4b:s10+s5], $0x7D0, $0x38;
	[tilespmem:$0x17680] =	vst v63  }
0x54: {  	_ =	swait.ge [sflag:s1], $0x7D0  }
0x55: {  	[sflag:s1] =	ssyncset.done $0x0  }
0x56: {  	[sflag:s1] =	ssyncadd.s32 $0xFFFFF830  }
0x57: {  	_ =	swait.ge [sflag:s1], $0x7D0  }
0x58: {  	[sflag:s1] =	ssyncset.done $0x0  }
0x59: {  	s18 =	simm.s32 $0x11520;
	[sflag:s1] =	ssyncadd.s32 $0xFFFFF830  }
0x5a: {  	v1 =	vld [tilespmem:s18+$0x10];
	_ =	sdelay $0x1  }
0x5b: {  	v2 =	vld [tilespmem:s18+$0xFFFFFFF0]  }
0x5c: {  	v4 =	vld [tilespmem:s18+$0x0]  }
0x5d: {  	s10 =	simm.s32 $0x12E20;
	v7 =	vld [tilespmem:s18+$0xFFFFFFE0]  }
0x5e: {  	v8 =	vld [tilespmem:s10+$0x10];
	v9 =	vand.u32 $0x3FFF, v1  }
0x5f: {  	v5 =	vld [tilespmem:s10+$0xFFFFFFF0]  }
0x60: {  	v6 =	vld [tilespmem:s10+$0x0];
	_ =	sdelay $0x1  }
0x61: {  	v3 =	vld [tilespmem:s10+$0xFFFFFFE0]  }
0x62: {  	s15 =	simm.s32 $0x11560;
	s14 =	simm.s32 $0x0;
	v1 =	vand.u32 $0x3FFF, v2;
	v2 =	vand.u32 $0x3FFF, v4;
	v4 =	vand.u32 $0x3FFF, v7;
	[tilespmem:v9+s4+$0x0] =	vst.idx.add.f32.msk $0xffff, v8  }
.LBB2_5:
0x63: {  	v7 =	vld [tilespmem:s15+$0x10];
	s14 =	sadd.s32 $0x4, s14;
	v8 =	vmov v5  }
0x64: {  	v5 =	vld [tilespmem:s15+$0xFFFFFFF0];
	p0 =	slt.u32 s14, $0x78;
	v9 =	vmov v6  }
0x65: {  	v6 =	vld [tilespmem:s15+$0x0]  }
0x66: {  	v10 =	vld [tilespmem:s15+$0xFFFFFFE0]  }
0x67: {  	s10 =	sadd.s32 $0x40, s10;
	[tilespmem:v4+s4+$0x0] =	vst.idx.add.f32.msk $0xffff, v3  }
0x68: {  	v11 =	vld [tilespmem:s10+$0x10];
	v7 =	vand.u32 $0x3FFF, v7  }
0x69: {  	v3 =	vld [tilespmem:s10+$0xFFFFFFE0];
	v12 =	vand.u32 $0x3FFF, v5  }
.Ltmp1:
0x6a: {  	v5 =	vld [tilespmem:s10+$0xFFFFFFF0];
	v13 =	vand.u32 $0x3FFF, v6;
	(pc) =	sbr.rel @p0 .LBB2_5-.Ltmp1, $4  }
0x6b: {  	v4 =	vand.u32 $0x3FFF, v10;
	v6 =	vld [tilespmem:s10+$0x0]  }
0x6c: {  	[tilespmem:v1+s4+$0x0] =	vst.idx.add.f32.msk $0xffff, v8;
	v1 =	vmov v12  }
0x6d: {  	[tilespmem:v7+s4+$0x0] =	vst.idx.add.f32.msk $0xffff, v11  }
0x6e: {  	s15 =	sadd.s32 $0x40, s15;
	[tilespmem:v2+s4+$0x0] =	vst.idx.add.f32.msk $0xffff, v9;
	v2 =	vmov v13  }
0x6f: {  	_ =	sdelay $0x3  }
0x70: {  	[tilespmem:v4+s4+$0x0] =	vst.idx.add.f32.msk $0xffff, v3  }
0x71: {  	[tilespmem:v1+s4+$0x0] =	vst.idx.add.f32.msk $0xffff, v5  }
0x72: {  	[tilespmem:v2+s4+$0x0] =	vst.idx.add.f32.msk $0xffff, v6  }
0x73: {  	v1 =	vld [tilespmem:$0x11CC0];
	_ =	sdelay $0x4  }
0x74: {  	v2 =	vld [tilespmem:$0x135C0];
	v1 =	vand.u32 $0x3FFF, v1;
	_ =	sdelay $0x1  }
0x75: {  	p0 =	seq.s32 s11, $0x4  }
0x76: {  	s10 =	sadd.s32 @!p0 s13, s28  }
0x77: {  	s10 =	sshrl.u32 @!p0 s10, $0x3  }
0x78: {  	s14 =	simm.s32 @!p0 $0x0;
	s15 =	simm.s32 @!p0 $0x11500;
	s13 =	sadd.s32 @!p0 s22, s10;
	[tilespmem:v1+s4+$0x0] =	vst.idx.add.f32.msk $0xffff, v2  }
0x79: {  	[tilespmem:s15], [sflag:$0x1] =	stream.linear.gather @!p0 [hbm4b:s13+s14], $0x7D0, $0x38;
	[tilespmem:$0x17680] =	vst v63  }
0x7a: {  	s10 =	sadd.s32 @!p0 s0, s10;
	s13 =	simm.s32 @!p0 $0x12E00  }
0x7b: {  	[tilespmem:s13], [sflag:$0x1] =	stream.linear.gather @!p0 [hbm4b:s10+s14], $0x7D0, $0x38;
	[tilespmem:$0x17680] =	vst v63  }
0x7c: {  	_ =	swait.ge [sflag:s6], $0x7D0  }
0x7d: {  	[sflag:s6] =	ssyncset.done $0x0  }
0x7e: {  	[sflag:s6] =	ssyncadd.s32 $0xFFFFF830  }
0x7f: {  	_ =	swait.ge [sflag:s6], $0x7D0  }
0x80: {  	[sflag:s6] =	ssyncset.done $0x0  }
0x81: {  	s16 =	simm.s32 $0x121B0;
	s17 =	simm.s32 $0x0;
	[sflag:s6] =	ssyncadd.s32 $0xFFFFF830  }
0x82: {  	s18 =	sand.u32 $0x7C0, s17;
	v1 =	vld [tilespmem:s16+$0x0]  }
0x83: {  	v2 =	vld [tilespmem:s18+$0x12180];
	_ =	sdelay $0x1  }
0x84: {  	v3 =	vld [tilespmem:s16+$0xFFFFFFE0]  }
0x85: {  	s10 =	simm.s32 $0x13AB0;
	v5 =	vld [tilespmem:s16+$0xFFFFFFF0]  }
0x86: {  	v6 =	vld [tilespmem:s10+$0x0];
	v1 =	vand.u32 $0x3FFF, v1  }
0x87: {  	v7 =	vld [tilespmem:s18+$0x13A80];
	v8 =	vand.u32 $0x3FFF, v2;
	_ =	sdelay $0x1  }
0x88: {  	v4 =	vld [tilespmem:s10+$0xFFFFFFF0]  }
0x89: {  	v2 =	vld [tilespmem:s10+$0xFFFFFFE0]  }
0x8a: {  	[tilespmem:v1+s4+$0x0] =	vst.idx.add.f32.msk $0xffff, v6  }
0x8b: {  	s15 =	simm.s32 $0x40;
	s13 =	simm.s32 $0x0;
	s14 =	simm.s32 $0x121F0;
	v3 =	vand.u32 $0x3FFF, v3;
	v1 =	vand.u32 $0x3FFF, v5;
	[tilespmem:v8+s4+$0x0] =	vst.idx.add.f32.msk $0xffff, v7  }
.LBB2_7:
0x8c: {  	s16 =	sand.u32 $0x7C0, s15;
	v5 =	vld [tilespmem:s14+$0x0];
	s13 =	sadd.s32 $0x4, s13  }
0x8d: {  	v6 =	vld [tilespmem:s16+$0x12180];
	p0 =	slt.u32 s13, $0x78;
	v7 =	vmov v4  }
0x8e: {  	v4 =	vld [tilespmem:s14+$0xFFFFFFE0]  }
0x8f: {  	v8 =	vld [tilespmem:s14+$0xFFFFFFF0]  }
0x90: {  	s10 =	sadd.s32 $0x40, s10;
	[tilespmem:v3+s4+$0x0] =	vst.idx.add.f32.msk $0xffff, v2  }
0x91: {  	v9 =	vld [tilespmem:s10+$0x0];
	v5 =	vand.u32 $0x3FFF, v5  }
0x92: {  	v10 =	vld [tilespmem:s16+$0x13A80];
	v6 =	vand.u32 $0x3FFF, v6  }
.Ltmp2:
0x93: {  	v2 =	vld [tilespmem:s10+$0xFFFFFFE0];
	v3 =	vand.u32 $0x3FFF, v4;
	(pc) =	sbr.rel @p0 .LBB2_7-.Ltmp2, $4  }
0x94: {  	v4 =	vld [tilespmem:s10+$0xFFFFFFF0];
	v8 =	vand.u32 $0x3FFF, v8  }
0x95: {  	[tilespmem:v1+s4+$0x0] =	vst.idx.add.f32.msk $0xffff, v7;
	v1 =	vmov v8  }
0x96: {  	[tilespmem:v5+s4+$0x0] =	vst.idx.add.f32.msk $0xffff, v9  }
0x97: {  	s15 =	sadd.s32 $0x40, s15;
	s14 =	sadd.s32 $0x40, s14;
	[tilespmem:v6+s4+$0x0] =	vst.idx.add.f32.msk $0xffff, v10  }
0x98: {  	_ =	sdelay $0x3  }
0x99: {  	[tilespmem:v3+s4+$0x0] =	vst.idx.add.f32.msk $0xffff, v2  }
0x9a: {  	[tilespmem:v1+s4+$0x0] =	vst.idx.add.f32.msk $0xffff, v4  }
0x9b: {  	v1 =	vld [tilespmem:$0x12940];
	_ =	sdelay $0x3  }
0x9c: {  	s11 =	sadd.s32 $0x1, s11  }
0x9d: {  	p0 =	sne.s32 s11, $0x5;
	v2 =	vld [tilespmem:$0x14240];
	v1 =	vand.u32 $0x3FFF, v1  }
.Ltmp3:
0x9e: {  	_ = 	snop;
	(pc) =	sbr.rel @p0 .LBB2_4-.Ltmp3, $2  }
0x9f: {  	_ =	sdelay $0x2  }
0xa0: {  	[tilespmem:v1+s4+$0x0] =	vst.idx.add.f32.msk $0xffff, v2  }
0xa1: {  	s10 =	rddreg [dreg:$0x1b]  }
0xa2: {  	s16 =	rddreg [dreg:$0x1c]  }
0xa3: {  	[spmem:s10] =	stream.linear.scatter [tilespmem:s4], [sflag:$0x2], $0x280, $0x38;
	[tilespmem:$0x17680] =	vst v63  }
0xa4: {  	s11 =	simm.s32 $0xEF80;
	s17 =	rddreg [dreg:$0x1d]  }
0xa5: {  	[spmem:s16] =	stream.linear.scatter [tilespmem:s11], [sflag:$0x2], $0x280, $0x38;
	[tilespmem:$0x17680] =	vst v63  }
0xa6: {  	s18 =	simm.s32 $0xF200;
	s13 =	rddreg [dreg:$0x1e]  }
0xa7: {  	[spmem:s17] =	stream.linear.scatter [tilespmem:s18], [sflag:$0x2], $0x280, $0x38;
	[tilespmem:$0x17680] =	vst v63  }
0xa8: {  	s14 =	simm.s32 $0xF480;
	s15 =	rddreg [dreg:$0x1f]  }
0xa9: {  	[spmem:s13] =	stream.linear.scatter [tilespmem:s14], [sflag:$0x2], $0x280, $0x38;
	[tilespmem:$0x17680] =	vst v63  }
0xaa: {  	s16 =	simm.s32 $0xF700;
	s17 =	sld [smem:$0x7EF]  }
0xab: {  	[spmem:s15] =	stream.linear.scatter [tilespmem:s16], [sflag:$0x2], $0x280, $0x38;
	[tilespmem:$0x17680] =	vst v63  }
0xac: {  	s18 =	simm.s32 $0xF980;
	s13 =	sld [smem:$0x7F0]  }
0xad: {  	[spmem:s17] =	stream.linear.scatter [tilespmem:s18], [sflag:$0x2], $0x280, $0x38;
	[tilespmem:$0x17680] =	vst v63  }
0xae: {  	s14 =	simm.s32 $0xFC00;
	s15 =	sld [smem:$0x7F1]  }
0xaf: {  	[spmem:s13] =	stream.linear.scatter [tilespmem:s14], [sflag:$0x2], $0x280, $0x38;
	[tilespmem:$0x17680] =	vst v63  }
0xb0: {  	s16 =	simm.s32 $0xFE80;
	s17 =	sld [smem:$0x7F2]  }
0xb1: {  	[spmem:s15] =	stream.linear.scatter [tilespmem:s16], [sflag:$0x2], $0x280, $0x38;
	[tilespmem:$0x17680] =	vst v63  }
0xb2: {  	s18 =	simm.s32 $0x10100;
	s13 =	sld [smem:$0x7F3]  }
0xb3: {  	[spmem:s17] =	stream.linear.scatter [tilespmem:s18], [sflag:$0x2], $0x280, $0x38;
	[tilespmem:$0x17680] =	vst v63  }
0xb4: {  	s14 =	simm.s32 $0x10380;
	s15 =	sld [smem:$0x7F4]  }
0xb5: {  	[spmem:s13] =	stream.linear.scatter [tilespmem:s14], [sflag:$0x2], $0x280, $0x38;
	[tilespmem:$0x17680] =	vst v63  }
0xb6: {  	s16 =	simm.s32 $0x10600;
	s17 =	sld [smem:$0x7F5]  }
0xb7: {  	[spmem:s15] =	stream.linear.scatter [tilespmem:s16], [sflag:$0x2], $0x280, $0x38;
	[tilespmem:$0x17680] =	vst v63  }
0xb8: {  	s18 =	simm.s32 $0x10880;
	s13 =	sld [smem:$0x7F6]  }
0xb9: {  	[spmem:s17] =	stream.linear.scatter [tilespmem:s18], [sflag:$0x2], $0x280, $0x38;
	[tilespmem:$0x17680] =	vst v63  }
0xba: {  	s14 =	simm.s32 $0x10B00;
	s15 =	sld [smem:$0x7F7]  }
0xbb: {  	[spmem:s13] =	stream.linear.scatter [tilespmem:s14], [sflag:$0x2], $0x280, $0x38;
	[tilespmem:$0x17680] =	vst v63  }
0xbc: {  	s16 =	simm.s32 $0x10D80;
	s17 =	sld [smem:$0x7F8]  }
0xbd: {  	[spmem:s15] =	stream.linear.scatter [tilespmem:s16], [sflag:$0x2], $0x280, $0x38;
	[tilespmem:$0x17680] =	vst v63  }
0xbe: {  	s11 =	sld [smem:$0x7F9];
	s18 =	simm.s32 $0x11000  }
0xbf: {  	[spmem:s17] =	stream.linear.scatter [tilespmem:s18], [sflag:$0x2], $0x280, $0x38;
	[tilespmem:$0x17680] =	vst v63  }
0xc0: {  	s13 =	simm.s32 $0x11280  }
0xc1: {  	[spmem:s11] =	stream.linear.scatter [tilespmem:s13], [sflag:$0x2], $0x280, $0x38;
	[tilespmem:$0x17680] =	vst v63  }
0xc2: {  	_ =	swait.ge [sflag:s6], $0x280  }
0xc3: {  	[sflag:s6] =	ssyncset.done $0x0  }
0xc4: {  	[sflag:s6] =	ssyncadd.s32 $0xFFFFFD80  }
0xc5: {  	_ =	swait.ge [sflag:s6], $0x280  }
0xc6: {  	[sflag:s6] =	ssyncset.done $0x0  }
0xc7: {  	[sflag:s6] =	ssyncadd.s32 $0xFFFFFD80  }
0xc8: {  	_ =	swait.ge [sflag:s6], $0x280  }
0xc9: {  	[sflag:s6] =	ssyncset.done $0x0  }
0xca: {  	[sflag:s6] =	ssyncadd.s32 $0xFFFFFD80  }
0xcb: {  	_ =	swait.ge [sflag:s6], $0x280  }
0xcc: {  	[sflag:s6] =	ssyncset.done $0x0  }
0xcd: {  	[sflag:s6] =	ssyncadd.s32 $0xFFFFFD80  }
0xce: {  	_ =	swait.ge [sflag:s6], $0x280  }
0xcf: {  	[sflag:s6] =	ssyncset.done $0x0  }
0xd0: {  	[sflag:s6] =	ssyncadd.s32 $0xFFFFFD80  }
0xd1: {  	_ =	swait.ge [sflag:s6], $0x280  }
0xd2: {  	[sflag:s6] =	ssyncset.done $0x0  }
0xd3: {  	[sflag:s6] =	ssyncadd.s32 $0xFFFFFD80  }
0xd4: {  	_ =	swait.ge [sflag:s6], $0x280  }
0xd5: {  	[sflag:s6] =	ssyncset.done $0x0  }
0xd6: {  	[sflag:s6] =	ssyncadd.s32 $0xFFFFFD80  }
0xd7: {  	_ =	swait.ge [sflag:s6], $0x280  }
0xd8: {  	[sflag:s6] =	ssyncset.done $0x0  }
0xd9: {  	[sflag:s6] =	ssyncadd.s32 $0xFFFFFD80  }
0xda: {  	_ =	swait.ge [sflag:s6], $0x280  }
0xdb: {  	[sflag:s6] =	ssyncset.done $0x0  }
0xdc: {  	[sflag:s6] =	ssyncadd.s32 $0xFFFFFD80  }
0xdd: {  	_ =	swait.ge [sflag:s6], $0x280  }
0xde: {  	[sflag:s6] =	ssyncset.done $0x0  }
0xdf: {  	[sflag:s6] =	ssyncadd.s32 $0xFFFFFD80  }
0xe0: {  	_ =	swait.ge [sflag:s6], $0x280  }
0xe1: {  	[sflag:s6] =	ssyncset.done $0x0  }
0xe2: {  	[sflag:s6] =	ssyncadd.s32 $0xFFFFFD80  }
0xe3: {  	_ =	swait.ge [sflag:s6], $0x280  }
0xe4: {  	[sflag:s6] =	ssyncset.done $0x0  }
0xe5: {  	[sflag:s6] =	ssyncadd.s32 $0xFFFFFD80  }
0xe6: {  	_ =	swait.ge [sflag:s6], $0x280  }
0xe7: {  	[sflag:s6] =	ssyncset.done $0x0  }
0xe8: {  	[sflag:s6] =	ssyncadd.s32 $0xFFFFFD80  }
0xe9: {  	_ =	swait.ge [sflag:s6], $0x280  }
0xea: {  	[sflag:s6] =	ssyncset.done $0x0  }
0xeb: {  	[sflag:s6] =	ssyncadd.s32 $0xFFFFFD80  }
0xec: {  	_ =	swait.ge [sflag:s6], $0x280  }
0xed: {  	[sflag:s6] =	ssyncset.done $0x0  }
0xee: {  	[sflag:s6] =	ssyncadd.s32 $0xFFFFFD80  }
0xef: {  	_ =	swait.ge [sflag:s6], $0x280  }
0xf0: {  	[sflag:s6] =	ssyncset.done $0x0  }
0xf1: {  	[sflag:s6] =	ssyncadd.s32 $0xFFFFFD80  }
0xf2: {  	[bflag:$0x0] =	sbarrier.arrive $0xFFFF  }
0xf3: {  	s14 =	rddreg [dreg:$0x1a]  }
0xf4: {  	[tilespmem:s4], [sflag:$0x4] =	stream.linear.gather [spmem:s14], $0x2800, $0x38;
	[tilespmem:$0x17680] =	vst v63  }
0xf5: {  	_ =	swait.ge [sflag:s7], $0x2800  }
0xf6: {  	[sflag:s7] =	ssyncset.done $0x0  }
0xf7: {  	s15 =	simm.s32 $0x10110;
	s16 =	simm.s32 $0x0;
	[sflag:s7] =	ssyncadd.s32 $0xFFFFD800  }
0xf8: {  	s11 =	sand.u32 $0x3E0, s16;
	v1 =	vld [tilespmem:s15+$0xFFFFEBF0]  }
0xf9: {  	v2 =	vld [tilespmem:s11+$0xEF80]  }
0xfa: {  	v3 =	vld [tilespmem:s15+$0xFFFFEC00]  }
0xfb: {  	v4 =	vld [tilespmem:s11+$0xF200]  }
0xfc: {  	v5 =	vld [tilespmem:s15+$0xFFFFEE80]  }
0xfd: {  	v6 =	vld [tilespmem:s11+$0xF480]  }
0xfe: {  	v1 =	vadd.f32 v2, v1;
	v2 =	vld [tilespmem:s15+$0xFFFFF100]  }
0xff: {  	v7 =	vld [tilespmem:s11+$0xF700]  }
0x100: {  	v1 =	vadd.f32 v4, v1;
	v4 =	vld [tilespmem:s15+$0xFFFFF380]  }
0x101: {  	v8 =	vld [tilespmem:s11+$0xF980];
	v3 =	vadd.f32 v5, v3  }
0x102: {  	v5 =	vld [tilespmem:s15+$0xFFFFF600];
	v1 =	vadd.f32 v6, v1  }
0x103: {  	v6 =	vld [tilespmem:s11+$0xFC00];
	v2 =	vadd.f32 v2, v3  }
0x104: {  	v3 =	vld [tilespmem:s15+$0xFFFFF880];
	v1 =	vadd.f32 v7, v1  }
0x105: {  	v7 =	vld [tilespmem:s11+$0xFE80];
	v2 =	vadd.f32 v4, v2  }
0x106: {  	v4 =	vld [tilespmem:s15+$0xFFFFFB00];
	v1 =	vadd.f32 v8, v1  }
0x107: {  	v8 =	vld [tilespmem:s11+$0x10100];
	v2 =	vadd.f32 v5, v2  }
0x108: {  	v5 =	vld [tilespmem:s15+$0xFFFFFD80];
	v1 =	vadd.f32 v6, v1  }
0x109: {  	v6 =	vld [tilespmem:s11+$0x10380];
	v2 =	vadd.f32 v3, v2  }
0x10a: {  	v3 =	vld [tilespmem:s15+$0x0];
	v1 =	vadd.f32 v7, v1  }
0x10b: {  	v7 =	vld [tilespmem:s11+$0x10600];
	v2 =	vadd.f32 v4, v2  }
0x10c: {  	v4 =	vld [tilespmem:s15+$0x280];
	v1 =	vadd.f32 v8, v1  }
0x10d: {  	v8 =	vld [tilespmem:s11+$0x10880];
	v2 =	vadd.f32 v5, v2  }
0x10e: {  	v5 =	vld [tilespmem:s15+$0x500];
	v1 =	vadd.f32 v6, v1  }
0x10f: {  	v6 =	vld [tilespmem:s11+$0x10B00];
	v2 =	vadd.f32 v3, v2  }
0x110: {  	v3 =	vld [tilespmem:s15+$0x780];
	v1 =	vadd.f32 v7, v1  }
0x111: {  	v7 =	vld [tilespmem:s11+$0x10D80];
	v2 =	vadd.f32 v4, v2  }
0x112: {  	v4 =	vld [tilespmem:s15+$0xA00];
	v1 =	vadd.f32 v8, v1  }
0x113: {  	v8 =	vld [tilespmem:s11+$0x11000];
	v2 =	vadd.f32 v5, v2  }
0x114: {  	v5 =	vld [tilespmem:s15+$0xC80];
	v1 =	vadd.f32 v6, v1  }
0x115: {  	v6 =	vld [tilespmem:s11+$0x11280];
	v2 =	vadd.f32 v3, v2  }
0x116: {  	s14 =	simm.s32 $0x10130;
	v3 =	vld [tilespmem:s15+$0xF00];
	v1 =	vadd.f32 v7, v1  }
0x117: {  	s17 =	simm.s32 $0x20;
	v7 =	vld [tilespmem:s14+$0xFFFFEBF0];
	v2 =	vadd.f32 v4, v2  }
0x118: {  	s18 =	sand.u32 $0x3E0, s17;
	v4 =	vld [tilespmem:s15+$0x1180];
	v1 =	vadd.f32 v8, v1  }
0x119: {  	v8 =	vld [tilespmem:s18+$0xEF80];
	v2 =	vadd.f32 v5, v2  }
0x11a: {  	v5 =	vld [tilespmem:s14+$0xFFFFEC00];
	v1 =	vadd.f32 v6, v1  }
0x11b: {  	v6 =	vld [tilespmem:s18+$0xF200];
	v2 =	vadd.f32 v3, v2  }
0x11c: {  	v3 =	vld [tilespmem:s14+$0xFFFFEE80];
	v1 =	vadd.f32 $1.000000000e+00, v1  }
0x11d: {  	v9 =	vld [tilespmem:s18+$0xF480];
	v2 =	vadd.f32 v4, v2  }
0x11e: {  	v4 =	vadd.f32 v8, v7;
	v7 =	vld [tilespmem:s14+$0xFFFFF100];
	v8 =	vshrl.u32 v1, $0x1;
	v1 =	vmul.f32 $5.000000000e-01, v1  }
0x11f: {  	v10 =	vld [tilespmem:s18+$0xF700];
	v8 =	vsub.s32 $0x5F3759DF, v8;
	v2 =	vadd.f32 $1.000000000e+00, v2  }
0x120: {  	v4 =	vadd.f32 v6, v4;
	v6 =	vld [tilespmem:s14+$0xFFFFF380];
	v11 =	vmul.f32 v8, v1  }
0x121: {  	v12 =	vld [tilespmem:s18+$0xF980];
	v3 =	vadd.f32 v3, v5;
	v5 =	vshrl.u32 v2, $0x1;
	v2 =	vmul.f32 $5.000000000e-01, v2  }
0x122: {  	v4 =	vadd.f32 v9, v4;
	v9 =	vld [tilespmem:s14+$0xFFFFF600];
	v5 =	vsub.s32 $0x5F3759DF, v5;
	v11 =	vmul.f32 v8, v11  }
0x123: {  	v13 =	vld [tilespmem:s18+$0xFC00];
	v3 =	vadd.f32 v7, v3;
	v7 =	vmul.f32 v5, v2  }
0x124: {  	v4 =	vadd.f32 v10, v4;
	v10 =	vld [tilespmem:s14+$0xFFFFF880];
	v11 =	vsub.f32 $1.500000000e+00, v11  }
0x125: {  	v14 =	vld [tilespmem:s18+$0xFE80];
	v3 =	vadd.f32 v6, v3;
	v6 =	vmul.f32 v5, v7  }
0x126: {  	v4 =	vadd.f32 v12, v4;
	v7 =	vld [tilespmem:s14+$0xFFFFFB00];
	v8 =	vmul.f32 v8, v11  }
0x127: {  	v11 =	vld [tilespmem:s18+$0x10100];
	v3 =	vadd.f32 v9, v3;
	v6 =	vsub.f32 $1.500000000e+00, v6  }
0x128: {  	v9 =	vld [tilespmem:s14+$0xFFFFFD80];
	v4 =	vadd.f32 v13, v4;
	v57 =	vmul.f32 v8, v1  }
0x129: {  	v58 =	vld [tilespmem:s18+$0x10380];
	v3 =	vadd.f32 v10, v3;
	v5 =	vmul.f32 v5, v6  }
0x12a: {  	v4 =	vadd.f32 v14, v4;
	v6 =	vld [tilespmem:s14+$0x0];
	v10 =	vmul.f32 v57, v8  }
0x12b: {  	v59 =	vld [tilespmem:s18+$0x10600];
	v3 =	vadd.f32 v7, v3;
	v7 =	vmul.f32 v5, v2  }
0x12c: {  	v4 =	vadd.f32 v11, v4;
	v11 =	vld [tilespmem:s14+$0x280];
	v10 =	vsub.f32 $1.500000000e+00, v10  }
0x12d: {  	v60 =	vld [tilespmem:s18+$0x10880];
	v3 =	vadd.f32 v9, v3;
	v7 =	vmul.f32 v7, v5  }
0x12e: {  	v9 =	vld [tilespmem:s14+$0x500];
	v4 =	vadd.f32 v58, v4;
	v10 =	vmul.f32 v10, v8  }
0x12f: {  	v8 =	vld [tilespmem:s18+$0x10B00];
	v3 =	vadd.f32 v6, v3;
	v6 =	vsub.f32 $1.500000000e+00, v7  }
0x130: {  	v4 =	vadd.f32 v59, v4;
	v7 =	vld [tilespmem:s14+$0x780];
	v61 =	vmul.f32 v10, v1  }
0x131: {  	v62 =	vld [tilespmem:s18+$0x10D80];
	v3 =	vadd.f32 v11, v3;
	v1 =	vmul.f32 v6, v5  }
0x132: {  	v11 =	vld [tilespmem:s14+$0xA00];
	v5 =	vadd.f32 v60, v4;
	v12 =	vmul.f32 v61, v10  }
0x133: {  	v4 =	vld [tilespmem:s18+$0x11000];
	v3 =	vadd.f32 v9, v3;
	v2 =	vmul.f32 v1, v2  }
0x134: {  	v6 =	vld [tilespmem:s14+$0xC80];
	v8 =	vadd.f32 v8, v5;
	v12 =	vsub.f32 $1.500000000e+00, v12  }
0x135: {  	v5 =	vld [tilespmem:s18+$0x11280];
	v3 =	vadd.f32 v7, v3;
	v63 =	vmul.f32 v2, v1  }
0x136: {  	s13 =	simm.s32 $0x2;
	v9 =	vadd.f32 v62, v8;
	v8 =	vld [tilespmem:s14+$0xF00];
	v2 =	vmul.f32 v12, v10  }
0x137: {  	s11 =	simm.s32 $0x14710;
	s15 =	simm.s32 $0x40;
	v7 =	vld [tilespmem:s14+$0x1180];
	s14 =	simm.s32 $0x10150;
	v10 =	vadd.f32 v11, v3;
	v3 =	vsub.f32 $1.500000000e+00, v63  }
.LBB2_10:
0x138: {  	v11 =	vld [tilespmem:s14+$0xFFFFEBF0];
	s16 =	sand.u32 $0x3E0, s15;
	s13 =	sadd.s32 $0x2, s13;
	v4 =	vadd.f32 v4, v9;
	[tilespmem:s11+$0xFFFFFFF0] =	vst v2  }
0x139: {  	v2 =	vld [tilespmem:s16+$0xEF80];
	p0 =	slt.u32 s13, $0x26;
	v6 =	vadd.f32 v6, v10;
	v1 =	vmul.f32 v3, v1  }
0x13a: {  	v3 =	vld [tilespmem:s14+$0xFFFFEC00];
	v4 =	vadd.f32 v5, v4  }
0x13b: {  	v5 =	vld [tilespmem:s16+$0xF200];
	v6 =	vadd.f32 v8, v6;
	[tilespmem:s11+$0x0] =	vst v1  }
0x13c: {  	v1 =	vld [tilespmem:s14+$0xFFFFEE80];
	v4 =	vadd.f32 $1.000000000e+00, v4  }
0x13d: {  	v8 =	vld [tilespmem:s16+$0xF480];
	v6 =	vadd.f32 v7, v6  }
0x13e: {  	v2 =	vadd.f32 v2, v11;
	v7 =	vld [tilespmem:s14+$0xFFFFF100];
	v9 =	vshrl.u32 v4, $0x1;
	v4 =	vmul.f32 $5.000000000e-01, v4  }
0x13f: {  	v10 =	vld [tilespmem:s16+$0xF700];
	v9 =	vsub.s32 $0x5F3759DF, v9;
	v6 =	vadd.f32 $1.000000000e+00, v6  }
0x140: {  	v2 =	vadd.f32 v5, v2;
	v5 =	vld [tilespmem:s14+$0xFFFFF380];
	v11 =	vmul.f32 v9, v4  }
0x141: {  	v12 =	vld [tilespmem:s16+$0xF980];
	v1 =	vadd.f32 v1, v3;
	v3 =	vshrl.u32 v6, $0x1;
	v6 =	vmul.f32 $5.000000000e-01, v6  }
0x142: {  	v2 =	vadd.f32 v8, v2;
	v8 =	vld [tilespmem:s14+$0xFFFFF600];
	v11 =	vmul.f32 v9, v11;
	v3 =	vsub.s32 $0x5F3759DF, v3  }
0x143: {  	v13 =	vld [tilespmem:s16+$0xFC00];
	v1 =	vadd.f32 v7, v1;
	v7 =	vmul.f32 v3, v6  }
0x144: {  	v2 =	vadd.f32 v10, v2;
	v10 =	vld [tilespmem:s14+$0xFFFFF880];
	v11 =	vsub.f32 $1.500000000e+00, v11  }
0x145: {  	v14 =	vld [tilespmem:s16+$0xFE80];
	v1 =	vadd.f32 v5, v1;
	v5 =	vmul.f32 v3, v7  }
0x146: {  	v2 =	vadd.f32 v12, v2;
	v7 =	vld [tilespmem:s14+$0xFFFFFB00];
	v9 =	vmul.f32 v9, v11  }
0x147: {  	v11 =	vld [tilespmem:s16+$0x10100];
	v1 =	vadd.f32 v8, v1;
	v5 =	vsub.f32 $1.500000000e+00, v5  }
0x148: {  	v2 =	vadd.f32 v13, v2;
	v8 =	vld [tilespmem:s14+$0xFFFFFD80];
	v12 =	vmul.f32 v9, v4  }
0x149: {  	v13 =	vld [tilespmem:s16+$0x10380];
	v1 =	vadd.f32 v10, v1;
	v3 =	vmul.f32 v3, v5  }
0x14a: {  	v2 =	vadd.f32 v14, v2;
	v5 =	vld [tilespmem:s14+$0x0];
	v10 =	vmul.f32 v12, v9  }
0x14b: {  	v12 =	vld [tilespmem:s16+$0x10600];
	v1 =	vadd.f32 v7, v1;
	v7 =	vmul.f32 v3, v6  }
0x14c: {  	v2 =	vadd.f32 v11, v2;
	v11 =	vld [tilespmem:s14+$0x280];
	v10 =	vsub.f32 $1.500000000e+00, v10  }
0x14d: {  	v14 =	vld [tilespmem:s16+$0x10880];
	v1 =	vadd.f32 v8, v1;
	v7 =	vmul.f32 v7, v3  }
0x14e: {  	v2 =	vadd.f32 v13, v2;
	v8 =	vld [tilespmem:s14+$0x500];
	v10 =	vmul.f32 v10, v9  }
0x14f: {  	v9 =	vld [tilespmem:s16+$0x10B00];
	v1 =	vadd.f32 v5, v1;
	v5 =	vsub.f32 $1.500000000e+00, v7  }
0x150: {  	v2 =	vadd.f32 v12, v2;
	v7 =	vld [tilespmem:s14+$0x780];
	v4 =	vmul.f32 v10, v4  }
0x151: {  	v12 =	vld [tilespmem:s16+$0x10D80];
	v11 =	vadd.f32 v11, v1;
	v1 =	vmul.f32 v5, v3  }
0x152: {  	v2 =	vadd.f32 v14, v2;
	v3 =	vld [tilespmem:s14+$0xA00];
	v5 =	vmul.f32 v4, v10  }
.Ltmp4:
0x153: {  	v4 =	vld [tilespmem:s16+$0x11000];
	v8 =	vadd.f32 v8, v11;
	v11 =	vmul.f32 v1, v6;
	(pc) =	sbr.rel @p0 .LBB2_10-.Ltmp4, $4  }
0x154: {  	v2 =	vadd.f32 v9, v2;
	v6 =	vld [tilespmem:s14+$0xC80];
	v13 =	vsub.f32 $1.500000000e+00, v5  }
0x155: {  	v5 =	vld [tilespmem:s16+$0x11280];
	v7 =	vadd.f32 v7, v8;
	v11 =	vmul.f32 v11, v1  }
0x156: {  	v9 =	vadd.f32 v12, v2;
	v8 =	vld [tilespmem:s14+$0xF00];
	v2 =	vmul.f32 v13, v10  }
0x157: {  	s15 =	sadd.s32 $0x20, s15;
	s11 =	sadd.s32 $0x20, s11;
	v10 =	vadd.f32 v3, v7;
	v7 =	vld [tilespmem:s14+$0x1180];
	s14 =	sadd.s32 $0x20, s14;
	v3 =	vsub.f32 $1.500000000e+00, v11  }
0x158: {  	_ = 	snop  }
0x159: {  	v6 =	vadd.f32 v6, v10  }
0x15a: {  	v4 =	vadd.f32 v4, v9  }
0x15b: {  	v6 =	vadd.f32 v8, v6  }
0x15c: {  	v4 =	vadd.f32 v5, v4  }
0x15d: {  	v5 =	vadd.f32 v7, v6  }
0x15e: {  	v4 =	vadd.f32 $1.000000000e+00, v4  }
0x15f: {  	v5 =	vadd.f32 $1.000000000e+00, v5  }
0x160: {  	v6 =	vshrl.u32 v4, $0x1;
	v4 =	vmul.f32 $5.000000000e-01, v4  }
0x161: {  	v6 =	vsub.s32 $0x5F3759DF, v6;
	v7 =	vshrl.u32 v5, $0x1;
	v5 =	vmul.f32 $5.000000000e-01, v5  }
0x162: {  	v8 =	vmul.f32 v6, v4;
	v7 =	vsub.s32 $0x5F3759DF, v7  }
0x163: {  	v9 =	vmul.f32 v7, v5  }
0x164: {  	v8 =	vmul.f32 v6, v8  }
0x165: {  	v9 =	vmul.f32 v7, v9  }
0x166: {  	v8 =	vsub.f32 $1.500000000e+00, v8  }
0x167: {  	v9 =	vsub.f32 $1.500000000e+00, v9  }
0x168: {  	v6 =	vmul.f32 v6, v8  }
0x169: {  	v7 =	vmul.f32 v7, v9  }
0x16a: {  	v8 =	vmul.f32 v6, v4  }
0x16b: {  	v9 =	vmul.f32 v7, v5  }
0x16c: {  	v8 =	vmul.f32 v8, v6  }
0x16d: {  	v9 =	vmul.f32 v9, v7  }
0x16e: {  	v8 =	vsub.f32 $1.500000000e+00, v8  }
0x16f: {  	v9 =	vsub.f32 $1.500000000e+00, v9  }
0x170: {  	v6 =	vmul.f32 v8, v6  }
0x171: {  	v7 =	vmul.f32 v9, v7  }
0x172: {  	v4 =	vmul.f32 v6, v4  }
0x173: {  	v5 =	vmul.f32 v7, v5  }
0x174: {  	v4 =	vmul.f32 v4, v6  }
0x175: {  	v5 =	vmul.f32 v5, v7  }
0x176: {  	v4 =	vsub.f32 $1.500000000e+00, v4  }
0x177: {  	v1 =	vmul.f32 v3, v1;
	v3 =	vsub.f32 $1.500000000e+00, v5  }
0x178: {  	[tilespmem:s11+$0xFFFFFFF0] =	vst v2;
	v2 =	vmul.f32 v4, v6  }
0x179: {  	s10 =	sadd.s32 $0x20, s11;
	[tilespmem:s11+$0x0] =	vst v1;
	v1 =	vmul.f32 v3, v7  }
0x17a: {  	[tilespmem:s10+$0xFFFFFFF0] =	vst v2  }
0x17b: {  	[tilespmem:s10+$0x0] =	vst v1  }
0x17c: {  	s10 =	sld [smem:$0x7FA];
	_ =	sdelay $0x1  }
0x17d: {  	s18 =	simm.s32 $0x14700  }
0x17e: {  	[spmem:s10] =	stream.linear.scatter [tilespmem:s18], [sflag:$0x4], $0x280, $0x38;
	[tilespmem:$0x17680] =	vst v63  }
0x17f: {  	_ =	swait.ge [sflag:s7], $0x280  }
0x180: {  	[sflag:s7] =	ssyncset.done $0x0  }
0x181: {  	[sflag:s7] =	ssyncadd.s32 $0xFFFFFD80  }
0x182: {  	[bflag:$0x0] =	sbarrier.arrive $0xFFFF  }
0x183: {  	s13 =	rddreg [dreg:$0x6]  }
0x184: {  	[tilespmem:s4], [sflag:$0x4] =	stream.linear.gather [spmem:s13], $0x2800, $0x38;
	[tilespmem:$0x17680] =	vst v63  }
0x185: {  	_ =	swait.ge [sflag:s7], $0x2800  }
0x186: {  	[sflag:s7] =	ssyncset.done $0x0  }
0x187: {  	[sflag:s7] =	ssyncadd.s32 $0xFFFFD800  }
0x188: {  	_ =	swait.ge [sflag:s8], $0x2710  }
0x189: {  	[sflag:s8] =	ssyncset.done $0x0  }
0x18a: {  	[sflag:s8] =	ssyncadd.s32 $0xFFFFD8F0  }
0x18b: {  	_ =	swait.ge [sflag:s8], $0x2710  }
0x18c: {  	[sflag:s8] =	ssyncset.done $0x0  }
0x18d: {  	[sflag:s8] =	ssyncadd.s32 $0xFFFFD8F0  }
0x18e: {  	_ =	swait.ge [sflag:s8], $0x2710  }
0x18f: {  	[sflag:s8] =	ssyncset.done $0x0  }
0x190: {  	[sflag:s8] =	ssyncadd.s32 $0xFFFFD8F0  }
0x191: {  	_ =	swait.ge [sflag:s8], $0x2710  }
0x192: {  	[sflag:s8] =	ssyncset.done $0x0  }
0x193: {  	s14 =	simm.s32 $0xED20;
	[sflag:s8] =	ssyncadd.s32 $0xFFFFD8F0  }
0x194: {  	s15 =	simm.s32 $0x4F20;
	v1 =	vld [tilespmem:s14+$0x10]  }
0x195: {  	s16 =	simm.s32 $0x76A0;
	v2 =	vld [tilespmem:s15+$0x10]  }
0x196: {  	v3 =	vld [tilespmem:s16+$0x10]  }
0x197: {  	v4 =	vld [tilespmem:s15+$0xFFFFFFE0]  }
0x198: {  	v6 =	vld [tilespmem:s14+$0xFFFFFFF0]  }
0x199: {  	v7 =	vld [tilespmem:s15+$0xFFFFFFF0]  }
0x19a: {  	v8 =	vld [tilespmem:s16+$0xFFFFFFF0]  }
0x19b: {  	v9 =	vld [tilespmem:s14+$0x0]  }
0x19c: {  	v10 =	vld [tilespmem:s16+$0x0];
	v2 =	vmul.f32 v2, v1  }
0x19d: {  	v1 =	vmul.f32 v3, v1;
	v3 =	vld [tilespmem:s15+$0x0]  }
0x19e: {  	v11 =	vld [tilespmem:s14+$0xFFFFFFE0];
	[tilespmem:s15+$0x10] =	vst v2  }
0x19f: {  	s17 =	simm.s32 $0xED60;
	s11 =	simm.s32 $0x20;
	v5 =	vld [tilespmem:s16+$0xFFFFFFE0];
	[tilespmem:s16+$0x10] =	vst v1;
	v1 =	vpack.i.f32.bf16 v1, v2;
	v2 =	vmul.f32 v7, v6  }
0x1a0: {  	s13 =	simm.s32 $0x4F60;
	v7 =	vld [tilespmem:s17+$0x10];
	[tilespmem:s11+$0x10] =	vst v1;
	v1 =	vmul.f32 v8, v6  }
0x1a1: {  	s14 =	simm.s32 $0x76E0;
	v6 =	vld [tilespmem:s13+$0x10];
	[tilespmem:s15+$0xFFFFFFF0] =	vst v2  }
0x1a2: {  	v8 =	vld [tilespmem:s14+$0x10];
	v12 =	vmul.f32 v3, v9;
	[tilespmem:s16+$0xFFFFFFF0] =	vst v1;
	v1 =	vpack.i.f32.bf16 v1, v2  }
0x1a3: {  	v13 =	vld [tilespmem:s13+$0xFFFFFFF0];
	v9 =	vmul.f32 v10, v9;
	v10 =	vmul.f32 v4, v11;
	[tilespmem:s11+$0xFFFFFFF0] =	vst v1  }
0x1a4: {  	v4 =	vld [tilespmem:s17+$0xFFFFFFF0];
	[tilespmem:s15+$0x0] =	vst v12  }
0x1a5: {  	v11 =	vmul.f32 v5, v11;
	v3 =	vld [tilespmem:s17+$0x0];
	[tilespmem:s15+$0xFFFFFFE0] =	vst v10  }
0x1a6: {  	v2 =	vld [tilespmem:s13+$0xFFFFFFE0];
	[tilespmem:s16+$0x0] =	vst v9;
	v5 =	vmul.f32 v6, v7  }
0x1a7: {  	[tilespmem:s16+$0xFFFFFFE0] =	vst v11;
	v6 =	vld [tilespmem:s14+$0xFFFFFFF0];
	v7 =	vmul.f32 v8, v7  }
0x1a8: {  	v1 =	vld [tilespmem:s14+$0xFFFFFFE0];
	[tilespmem:s13+$0x10] =	vst v5  }
0x1a9: {  	v11 =	vpack.i.f32.bf16 v11, v10;
	[tilespmem:s14+$0x10] =	vst v7;
	v7 =	vpack.i.f32.bf16 v7, v5;
	v5 =	vld [tilespmem:s13+$0x0]  }
0x1aa: {  	s18 =	simm.s32 $0x4;
	s15 =	simm.s32 $0x60;
	v8 =	vld [tilespmem:s14+$0x0];
	[tilespmem:s11+$0xFFFFFFE0] =	vst v11  }
0x1ab: {  	s10 =	simm.s32 $0xEDA0;
	v9 =	vpack.i.f32.bf16 v9, v12;
	s16 =	simm.s32 $0x76E0;
	v10 =	vmul.f32 v13, v4;
	[tilespmem:s15+$0x10] =	vst v7;
	v7 =	vld [tilespmem:s17+$0xFFFFFFE0];
	s17 =	simm.s32 $0x4F60  }
.LBB2_12:
0x1ac: {  	v11 =	vld [tilespmem:s10+$0x10];
	v4 =	vmul.f32 v6, v4;
	s13 =	sadd.s32 $0x40, s13;
	[tilespmem:s11+$0x0] =	vst v9;
	s11 =	smov.u32 s15  }
0x1ad: {  	s14 =	sadd.s32 $0x40, s14;
	v6 =	vld [tilespmem:s13+$0x10];
	[tilespmem:s17+$0xFFFFFFF0] =	vst v10  }
0x1ae: {  	s18 =	sadd.s32 $0x4, s18;
	v12 =	vld [tilespmem:s14+$0x10];
	[tilespmem:s16+$0xFFFFFFF0] =	vst v4;
	v4 =	vpack.i.f32.bf16 v4, v10;
	v5 =	vmul.f32 v5, v3  }
0x1af: {  	p0 =	slt.u32 s18, $0x26C;
	v10 =	vld [tilespmem:s13+$0xFFFFFFE0];
	[tilespmem:s15+$0xFFFFFFF0] =	vst v4;
	v3 =	vmul.f32 v8, v3  }
0x1b0: {  	v2 =	vmul.f32 v2, v7;
	v7 =	vmul.f32 v1, v7;
	v1 =	vld [tilespmem:s14+$0xFFFFFFE0];
	[tilespmem:s17+$0x0] =	vst v5  }
0x1b1: {  	v4 =	vld [tilespmem:s10+$0xFFFFFFF0];
	[tilespmem:s16+$0x0] =	vst v3;
	v9 =	vpack.i.f32.bf16 v3, v5  }
0x1b2: {  	v13 =	vld [tilespmem:s13+$0xFFFFFFF0];
	v8 =	vmul.f32 v6, v11;
	[tilespmem:s17+$0xFFFFFFE0] =	vst v2;
	v14 =	vpack.i.f32.bf16 v7, v2;
	s17 =	smov.u32 s13  }
.Ltmp5:
0x1b3: {  	v6 =	vld [tilespmem:s14+$0xFFFFFFF0];
	v11 =	vmul.f32 v12, v11;
	[tilespmem:s16+$0xFFFFFFE0] =	vst v7;
	s16 =	smov.u32 s14;
	(pc) =	sbr.rel @p0 .LBB2_12-.Ltmp5, $4  }
0x1b4: {  	v3 =	vld [tilespmem:s10+$0x0];
	[tilespmem:s13+$0x10] =	vst v8;
	v2 =	vmov v10  }
0x1b5: {  	s15 =	sadd.s32 $0x40, s15;
	v5 =	vld [tilespmem:s13+$0x0];
	[tilespmem:s14+$0x10] =	vst v11;
	v7 =	vpack.i.f32.bf16 v11, v8  }
0x1b6: {  	v8 =	vld [tilespmem:s14+$0x0];
	[tilespmem:s15+$0x10] =	vst v7  }
0x1b7: {  	v7 =	vld [tilespmem:s10+$0xFFFFFFE0];
	v10 =	vmul.f32 v13, v4;
	s10 =	sadd.s32 $0x40, s10;
	[tilespmem:s11+$0xFFFFFFE0] =	vst v14  }
0x1b8: {  	v4 =	vmul.f32 v6, v4;
	[tilespmem:s11+$0x0] =	vst v9  }
0x1b9: {  	[tilespmem:s17+$0xFFFFFFF0] =	vst v10  }
0x1ba: {  	[tilespmem:s16+$0xFFFFFFF0] =	vst v4;
	v4 =	vpack.i.f32.bf16 v4, v10;
	v5 =	vmul.f32 v5, v3  }
0x1bb: {  	[tilespmem:s15+$0xFFFFFFF0] =	vst v4;
	v3 =	vmul.f32 v8, v3  }
0x1bc: {  	v2 =	vmul.f32 v2, v7;
	[tilespmem:s17+$0x0] =	vst v5  }
0x1bd: {  	v1 =	vmul.f32 v1, v7;
	[tilespmem:s16+$0x0] =	vst v3  }
0x1be: {  	[tilespmem:s17+$0xFFFFFFE0] =	vst v2  }
0x1bf: {  	v2 =	vpack.i.f32.bf16 v1, v2;
	[tilespmem:s16+$0xFFFFFFE0] =	vst v1  }
0x1c0: {  	v1 =	vpack.i.f32.bf16 v3, v5;
	[tilespmem:s15+$0xFFFFFFE0] =	vst v2  }
0x1c1: {  	[tilespmem:s15+$0x0] =	vst v1  }
0x1c2: {  	v1 =	vld [tilespmem:$0x11400]  }
0x1c3: {  	v2 =	vld [tilespmem:$0x7600]  }
0x1c4: {  	v3 =	vld [tilespmem:$0x9D80];
	_ =	sdelay $0x3  }
0x1c5: {  	v2 =	vmul.f32 v2, v1  }
0x1c6: {  	v1 =	vmul.f32 v3, v1  }
0x1c7: {  	[tilespmem:$0x7600] =	vst v2  }
0x1c8: {  	[tilespmem:$0x9D80] =	vst v1;
	v1 =	vpack.i.f32.bf16 v1, v2  }
0x1c9: {  	s10 =	simm.s32 $0xED20;
	[tilespmem:$0x2700] =	vst v1  }
0x1ca: {  	s16 =	simm.s32 $0x9E20;
	v1 =	vld [tilespmem:s10+$0x10]  }
0x1cb: {  	s18 =	simm.s32 $0xC5A0;
	v2 =	vld [tilespmem:s16+$0x10]  }
0x1cc: {  	v3 =	vld [tilespmem:s18+$0x10]  }
0x1cd: {  	v4 =	vld [tilespmem:s16+$0xFFFFFFE0]  }
0x1ce: {  	v6 =	vld [tilespmem:s10+$0xFFFFFFF0]  }
0x1cf: {  	v7 =	vld [tilespmem:s16+$0xFFFFFFF0]  }
0x1d0: {  	v8 =	vld [tilespmem:s18+$0xFFFFFFF0]  }
0x1d1: {  	v9 =	vld [tilespmem:s10+$0x0]  }
0x1d2: {  	v10 =	vld [tilespmem:s18+$0x0];
	v2 =	vmul.f32 v2, v1  }
0x1d3: {  	v1 =	vmul.f32 v3, v1;
	v3 =	vld [tilespmem:s16+$0x0]  }
0x1d4: {  	v11 =	vld [tilespmem:s10+$0xFFFFFFE0];
	[tilespmem:s16+$0x10] =	vst v2  }
0x1d5: {  	s11 =	simm.s32 $0x27A0;
	s17 =	simm.s32 $0xED60;
	v5 =	vld [tilespmem:s18+$0xFFFFFFE0];
	[tilespmem:s18+$0x10] =	vst v1;
	v1 =	vpack.i.f32.bf16 v1, v2;
	v2 =	vmul.f32 v7, v6  }
0x1d6: {  	s13 =	simm.s32 $0x9E60;
	v7 =	vld [tilespmem:s17+$0x10];
	[tilespmem:s11+$0x10] =	vst v1;
	v1 =	vmul.f32 v8, v6  }
0x1d7: {  	s14 =	simm.s32 $0xC5E0;
	v6 =	vld [tilespmem:s13+$0x10];
	[tilespmem:s16+$0xFFFFFFF0] =	vst v2  }
0x1d8: {  	v8 =	vld [tilespmem:s14+$0x10];
	v12 =	vmul.f32 v3, v9;
	[tilespmem:s18+$0xFFFFFFF0] =	vst v1;
	v1 =	vpack.i.f32.bf16 v1, v2  }
0x1d9: {  	v13 =	vld [tilespmem:s13+$0xFFFFFFF0];
	v9 =	vmul.f32 v10, v9;
	v10 =	vmul.f32 v4, v11;
	[tilespmem:s11+$0xFFFFFFF0] =	vst v1  }
0x1da: {  	v4 =	vld [tilespmem:s17+$0xFFFFFFF0];
	[tilespmem:s16+$0x0] =	vst v12  }
0x1db: {  	v11 =	vmul.f32 v5, v11;
	v3 =	vld [tilespmem:s17+$0x0];
	[tilespmem:s16+$0xFFFFFFE0] =	vst v10  }
0x1dc: {  	v2 =	vld [tilespmem:s13+$0xFFFFFFE0];
	[tilespmem:s18+$0x0] =	vst v9;
	v5 =	vmul.f32 v6, v7  }
0x1dd: {  	[tilespmem:s18+$0xFFFFFFE0] =	vst v11;
	v6 =	vld [tilespmem:s14+$0xFFFFFFF0];
	v7 =	vmul.f32 v8, v7  }
0x1de: {  	v1 =	vld [tilespmem:s14+$0xFFFFFFE0];
	[tilespmem:s13+$0x10] =	vst v5  }
0x1df: {  	v11 =	vpack.i.f32.bf16 v11, v10;
	[tilespmem:s14+$0x10] =	vst v7;
	v7 =	vpack.i.f32.bf16 v7, v5;
	v5 =	vld [tilespmem:s13+$0x0]  }
0x1e0: {  	s15 =	simm.s32 $0x27E0;
	s10 =	simm.s32 $0xEDA0;
	v8 =	vld [tilespmem:s14+$0x0];
	[tilespmem:s11+$0xFFFFFFE0] =	vst v11  }
0x1e1: {  	s16 =	simm.s32 $0xC5E0;
	s18 =	simm.s32 $0x4;
	v9 =	vpack.i.f32.bf16 v9, v12;
	v10 =	vmul.f32 v13, v4;
	[tilespmem:s15+$0x10] =	vst v7;
	v7 =	vld [tilespmem:s17+$0xFFFFFFE0];
	s17 =	simm.s32 $0x9E60  }
.LBB2_14:
0x1e2: {  	v11 =	vld [tilespmem:s10+$0x10];
	v4 =	vmul.f32 v6, v4;
	s13 =	sadd.s32 $0x40, s13;
	[tilespmem:s11+$0x0] =	vst v9;
	s11 =	smov.u32 s15  }
0x1e3: {  	s14 =	sadd.s32 $0x40, s14;
	v6 =	vld [tilespmem:s13+$0x10];
	[tilespmem:s17+$0xFFFFFFF0] =	vst v10  }
0x1e4: {  	s18 =	sadd.s32 $0x4, s18;
	v12 =	vld [tilespmem:s14+$0x10];
	[tilespmem:s16+$0xFFFFFFF0] =	vst v4;
	v4 =	vpack.i.f32.bf16 v4, v10;
	v5 =	vmul.f32 v5, v3  }
0x1e5: {  	p0 =	slt.u32 s18, $0x26C;
	v10 =	vld [tilespmem:s13+$0xFFFFFFE0];
	[tilespmem:s15+$0xFFFFFFF0] =	vst v4;
	v3 =	vmul.f32 v8, v3  }
0x1e6: {  	v2 =	vmul.f32 v2, v7;
	v7 =	vmul.f32 v1, v7;
	v1 =	vld [tilespmem:s14+$0xFFFFFFE0];
	[tilespmem:s17+$0x0] =	vst v5  }
0x1e7: {  	v4 =	vld [tilespmem:s10+$0xFFFFFFF0];
	[tilespmem:s16+$0x0] =	vst v3;
	v9 =	vpack.i.f32.bf16 v3, v5  }
0x1e8: {  	v13 =	vld [tilespmem:s13+$0xFFFFFFF0];
	v8 =	vmul.f32 v6, v11;
	[tilespmem:s17+$0xFFFFFFE0] =	vst v2;
	v14 =	vpack.i.f32.bf16 v7, v2;
	s17 =	smov.u32 s13  }
.Ltmp6:
0x1e9: {  	v6 =	vld [tilespmem:s14+$0xFFFFFFF0];
	v11 =	vmul.f32 v12, v11;
	[tilespmem:s16+$0xFFFFFFE0] =	vst v7;
	s16 =	smov.u32 s14;
	(pc) =	sbr.rel @p0 .LBB2_14-.Ltmp6, $4  }
0x1ea: {  	v3 =	vld [tilespmem:s10+$0x0];
	[tilespmem:s13+$0x10] =	vst v8;
	v2 =	vmov v10  }
0x1eb: {  	s15 =	sadd.s32 $0x40, s15;
	v5 =	vld [tilespmem:s13+$0x0];
	[tilespmem:s14+$0x10] =	vst v11;
	v7 =	vpack.i.f32.bf16 v11, v8  }
0x1ec: {  	v8 =	vld [tilespmem:s14+$0x0];
	[tilespmem:s15+$0x10] =	vst v7  }
0x1ed: {  	v7 =	vld [tilespmem:s10+$0xFFFFFFE0];
	v10 =	vmul.f32 v13, v4;
	s10 =	sadd.s32 $0x40, s10;
	[tilespmem:s11+$0xFFFFFFE0] =	vst v14  }
0x1ee: {  	v4 =	vmul.f32 v6, v4;
	[tilespmem:s11+$0x0] =	vst v9  }
0x1ef: {  	[tilespmem:s17+$0xFFFFFFF0] =	vst v10  }
0x1f0: {  	[tilespmem:s16+$0xFFFFFFF0] =	vst v4;
	v4 =	vpack.i.f32.bf16 v4, v10;
	v5 =	vmul.f32 v5, v3  }
0x1f1: {  	[tilespmem:s15+$0xFFFFFFF0] =	vst v4;
	v3 =	vmul.f32 v8, v3  }
0x1f2: {  	v2 =	vmul.f32 v2, v7;
	[tilespmem:s17+$0x0] =	vst v5  }
0x1f3: {  	v1 =	vmul.f32 v1, v7;
	[tilespmem:s16+$0x0] =	vst v3  }
0x1f4: {  	[tilespmem:s17+$0xFFFFFFE0] =	vst v2  }
0x1f5: {  	v2 =	vpack.i.f32.bf16 v1, v2;
	[tilespmem:s16+$0xFFFFFFE0] =	vst v1  }
0x1f6: {  	v1 =	vpack.i.f32.bf16 v3, v5;
	[tilespmem:s15+$0xFFFFFFE0] =	vst v2  }
0x1f7: {  	[tilespmem:s15+$0x0] =	vst v1  }
0x1f8: {  	v1 =	vld [tilespmem:$0x11400]  }
0x1f9: {  	v2 =	vld [tilespmem:$0xC500]  }
0x1fa: {  	v3 =	vld [tilespmem:$0xEC80];
	_ =	sdelay $0x3  }
0x1fb: {  	v2 =	vmul.f32 v2, v1  }
0x1fc: {  	v1 =	vmul.f32 v3, v1  }
0x1fd: {  	[tilespmem:$0xC500] =	vst v2  }
0x1fe: {  	[tilespmem:$0xEC80] =	vst v1;
	v1 =	vpack.i.f32.bf16 v1, v2  }
0x1ff: {  	s11 =	simm.s32 $0x0;
	[tilespmem:$0x4E80] =	vst v1  }
0x200: {  	[tilespmem:s29], [sflag:$0x1] =	stream.linear.gather [hbm4b:s22+s11], $0xC80, $0x38;
	[tilespmem:$0x17680] =	vst v63  }
0x201: {  	_ = 	snop  }
0x202: {  	[tilespmem:s30], [sflag:$0x1] =	stream.linear.gather [hbm4b:s0+s11], $0xC80, $0x38;
	[tilespmem:$0x17680] =	vst v63  }
.LBB2_16:
0x203: {  	s13 =	smul.u32 $0x1900, s11;
	_ =	sdelay $0x1  }
0x204: {  	s10 =	sshrl.u32 s13, $0x3  }
0x205: {  	s10 =	sadd.s32 $0x190, s10  }
0x206: {  	s14 =	sadd.s32 s22, s10  }
0x207: {  	[tilespmem:s31], [sflag:$0x2] =	stream.linear.gather [hbm4b:s14+s5], $0xC80, $0x38;
	[tilespmem:$0x17680] =	vst v63  }
0x208: {  	s10 =	sadd.s32 s0, s10  }
0x209: {  	[tilespmem:s3], [sflag:$0x2] =	stream.linear.gather [hbm4b:s10+s5], $0xC80, $0x38;
	[tilespmem:$0x17680] =	vst v63  }
0x20a: {  	_ =	swait.ge [sflag:s1], $0xC80  }
0x20b: {  	[sflag:s1] =	ssyncset.done $0x0  }
0x20c: {  	[sflag:s1] =	ssyncadd.s32 $0xFFFFF380  }
0x20d: {  	_ =	swait.ge [sflag:s1], $0xC80  }
0x20e: {  	[sflag:s1] =	ssyncset.done $0x0  }
0x20f: {  	s16 =	simm.s32 $0x11520;
	[sflag:s1] =	ssyncadd.s32 $0xFFFFF380  }
0x210: {  	v1 =	vld [tilespmem:s16+$0x10]  }
0x211: {  	v3 =	vld [tilespmem:s16+$0xFFFFFFE0];
	_ =	sdelay $0x3  }
0x212: {  	v2 =	vld [tilespmem:s16+$0xFFFFFFF0];
	v5 =	vshrl.u32 v1, $0xE  }
0x213: {  	v7 =	vshrl.u32 v3, $0xE  }
0x214: {  	s17 =	simm.s32 $0x12E20;
	v4 =	vld [tilespmem:s16+$0x0]  }
0x215: {  	v10 =	vld [tilespmem:s17+$0x10]  }
0x216: {  	v14 =	vld [tilespmem:s17+$0xFFFFFFE0]  }
0x217: {  	v6 =	vshrl.u32 v2, $0xE;
	v9 =	vld.idx.msk [tilespmem:v5+s5+$0x0], $0xffff  }
0x218: {  	v12 =	vld.idx.msk [tilespmem:v7+s5+$0x0], $0xffff  }
0x219: {  	v16 =	vld [tilespmem:s17+$0xFFFFFFF0];
	v8 =	vshrl.u32 v4, $0xE  }
0x21a: {  	s18 =	simm.s32 $0x11560;
	v17 =	vld [tilespmem:s17+$0x0];
	v13 =	vand.u32 $0x3FFF, v1  }
0x21b: {  	v55 =	vld [tilespmem:s18+$0x0];
	v3 =	vand.u32 $0x3FFF, v3  }
0x21c: {  	s14 =	simm.s32 $0x12E60;
	v11 =	vld.idx.msk [tilespmem:v6+s5+$0x0], $0xffff;
	v1 =	vunpack.i.l.bf16.f32 v9  }
0x21d: {  	v60 =	vld [tilespmem:s14+$0x10];
	v18 =	vunpack.i.l.bf16.f32 v12;
	v1 =	vmul.f32 v1, v10  }
0x21e: {  	v15 =	vld.idx.msk [tilespmem:v8+s5+$0x0], $0xffff;
	v9 =	vunpack.i.u.bf16.f32 v9;
	v18 =	vmul.f32 v18, v14  }
0x21f: {  	v2 =	vand.u32 $0x3FFF, v2;
	v9 =	vmul.f32 v9, v10;
	[tilespmem:v13+s25+$0x0] =	vst.idx.add.f32.msk $0xffff, v1  }
0x220: {  	v12 =	vunpack.i.u.bf16.f32 v12;
	[tilespmem:v3+s25+$0x0] =	vst.idx.add.f32.msk $0xffff, v18  }
0x221: {  	v1 =	vand.u32 $0x3FFF, v4;
	v4 =	vunpack.i.l.bf16.f32 v11;
	[tilespmem:v13+s19+$0x0] =	vst.idx.add.f32.msk $0xffff, v9;
	v9 =	vmul.f32 v12, v14  }
0x222: {  	v11 =	vunpack.i.u.bf16.f32 v11;
	v4 =	vmul.f32 v4, v16;
	v5 =	vld.idx.msk [tilespmem:v5+s9+$0x0], $0xffff  }
0x223: {  	v54 =	vunpack.i.l.bf16.f32 v15;
	v11 =	vmul.f32 v11, v16;
	[tilespmem:v3+s19+$0x0] =	vst.idx.add.f32.msk $0xffff, v9  }
0x224: {  	v12 =	vmul.f32 v54, v17;
	v9 =	vunpack.i.u.bf16.f32 v15;
	[tilespmem:v2+s25+$0x0] =	vst.idx.add.f32.msk $0xffff, v4  }
0x225: {  	v4 =	vmul.f32 v9, v17;
	[tilespmem:v2+s19+$0x0] =	vst.idx.add.f32.msk $0xffff, v11  }
0x226: {  	[tilespmem:v1+s25+$0x0] =	vst.idx.add.f32.msk $0xffff, v12  }
0x227: {  	[tilespmem:v1+s19+$0x0] =	vst.idx.add.f32.msk $0xffff, v4;
	v4 =	vunpack.i.l.bf16.f32 v5  }
0x228: {  	v6 =	vld.idx.msk [tilespmem:v6+s9+$0x0], $0xffff;
	v4 =	vmul.f32 v4, v10  }
0x229: {  	v11 =	vld [tilespmem:s18+$0xFFFFFFE0]  }
0x22a: {  	v5 =	vunpack.i.u.bf16.f32 v5;
	[tilespmem:v13+s20+$0x0] =	vst.idx.add.f32.msk $0xffff, v4  }
0x22b: {  	v4 =	vmul.f32 v5, v10;
	v5 =	vld [tilespmem:s18+$0x10]  }
0x22c: {  	v7 =	vld.idx.msk [tilespmem:v7+s9+$0x0], $0xffff  }
0x22d: {  	v8 =	vld.idx.msk [tilespmem:v8+s9+$0x0], $0xffff;
	v9 =	vunpack.i.l.bf16.f32 v6  }
0x22e: {  	v58 =	vshrl.u32 v11, $0xE;
	v10 =	vld [tilespmem:s18+$0xFFFFFFF0];
	v9 =	vmul.f32 v9, v16  }
0x22f: {  	v6 =	vunpack.i.u.bf16.f32 v6;
	[tilespmem:v13+s21+$0x0] =	vst.idx.add.f32.msk $0xffff, v4  }
0x230: {  	v6 =	vmul.f32 v6, v16;
	[tilespmem:v2+s20+$0x0] =	vst.idx.add.f32.msk $0xffff, v9;
	v56 =	vshrl.u32 v5, $0xE  }
0x231: {  	v4 =	vunpack.i.l.bf16.f32 v7;
	v9 =	vld [tilespmem:s14+$0xFFFFFFE0]  }
0x232: {  	v4 =	vmul.f32 v4, v14;
	[tilespmem:v2+s21+$0x0] =	vst.idx.add.f32.msk $0xffff, v6  }
0x233: {  	v7 =	vunpack.i.u.bf16.f32 v7;
	v19 =	vld.idx.msk [tilespmem:v58+s5+$0x0], $0xffff;
	v57 =	vshrl.u32 v10, $0xE  }
0x234: {  	v7 =	vmul.f32 v7, v14;
	[tilespmem:v3+s20+$0x0] =	vst.idx.add.f32.msk $0xffff, v4  }
0x235: {  	v2 =	vld.idx.msk [tilespmem:v56+s5+$0x0], $0xffff  }
0x236: {  	v4 =	vshrl.u32 v55, $0xE;
	[tilespmem:v3+s21+$0x0] =	vst.idx.add.f32.msk $0xffff, v7;
	v3 =	vunpack.i.l.bf16.f32 v8  }
0x237: {  	v21 =	vand.u32 $0x3FFF, v5;
	v5 =	vand.u32 $0x3FFF, v11;
	v7 =	vld [tilespmem:s14+$0xFFFFFFF0];
	v3 =	vmul.f32 v3, v17  }
0x238: {  	v59 =	vld.idx.msk [tilespmem:v57+s5+$0x0], $0xffff  }
0x239: {  	[tilespmem:v1+s20+$0x0] =	vst.idx.add.f32.msk $0xffff, v3;
	v3 =	vand.u32 $0x3FFF, v10;
	v10 =	vunpack.i.l.bf16.f32 v19  }
0x23a: {  	v6 =	vld [tilespmem:s14+$0x0];
	v10 =	vmul.f32 v10, v9;
	v22 =	vunpack.i.l.bf16.f32 v2  }
0x23b: {  	v20 =	vld.idx.msk [tilespmem:v4+s5+$0x0], $0xffff;
	v2 =	vunpack.i.u.bf16.f32 v2;
	v11 =	vmul.f32 v22, v60  }
0x23c: {  	[tilespmem:v5+s25+$0x0] =	vst.idx.add.f32.msk $0xffff, v10;
	v2 =	vmul.f32 v2, v60  }
0x23d: {  	v61 =	vunpack.i.l.bf16.f32 v59;
	[tilespmem:v21+s25+$0x0] =	vst.idx.add.f32.msk $0xffff, v11  }
0x23e: {  	v12 =	vmul.f32 v61, v7;
	v11 =	vunpack.i.u.bf16.f32 v19;
	[tilespmem:v21+s19+$0x0] =	vst.idx.add.f32.msk $0xffff, v2;
	v2 =	vand.u32 $0x3FFF, v55  }
0x23f: {  	v16 =	vunpack.i.u.bf16.f32 v59;
	v11 =	vmul.f32 v11, v9;
	v13 =	vld.idx.msk [tilespmem:v56+s9+$0x0], $0xffff  }
0x240: {  	v10 =	vunpack.i.l.bf16.f32 v20;
	v16 =	vmul.f32 v16, v7;
	[tilespmem:v3+s25+$0x0] =	vst.idx.add.f32.msk $0xffff, v12  }
0x241: {  	v10 =	vmul.f32 v10, v6;
	[tilespmem:v5+s19+$0x0] =	vst.idx.add.f32.msk $0xffff, v11;
	v11 =	vunpack.i.u.bf16.f32 v20  }
0x242: {  	[tilespmem:v3+s19+$0x0] =	vst.idx.add.f32.msk $0xffff, v16;
	v11 =	vmul.f32 v11, v6  }
0x243: {  	[tilespmem:v2+s25+$0x0] =	vst.idx.add.f32.msk $0xffff, v10  }
0x244: {  	[tilespmem:v2+s19+$0x0] =	vst.idx.add.f32.msk $0xffff, v11;
	v10 =	vunpack.i.l.bf16.f32 v13  }
0x245: {  	v11 =	vld.idx.msk [tilespmem:v58+s9+$0x0], $0xffff;
	v62 =	vunpack.i.u.bf16.f32 v13;
	v63 =	vmul.f32 v10, v60  }
0x246: {  	v10 =	vld.idx.msk [tilespmem:v57+s9+$0x0], $0xffff;
	v12 =	vmul.f32 v62, v60  }
0x247: {  	v8 =	vunpack.i.u.bf16.f32 v8;
	[tilespmem:v21+s20+$0x0] =	vst.idx.add.f32.msk $0xffff, v63  }
0x248: {  	s15 =	simm.s32 $0x4;
	s16 =	simm.s32 $0x115A0;
	v8 =	vmul.f32 v8, v17;
	[tilespmem:v21+s21+$0x0] =	vst.idx.add.f32.msk $0xffff, v12  }
.LBB2_17:
0x249: {  	v12 =	vld [tilespmem:s16+$0x10]  }
0x24a: {  	v13 =	vld [tilespmem:s16+$0xFFFFFFF0]  }
0x24b: {  	s15 =	sadd.s32 $0x4, s15;
	v15 =	vunpack.i.u.bf16.f32 v11;
	v11 =	vunpack.i.l.bf16.f32 v11;
	v14 =	vld [tilespmem:s16+$0x0]  }
0x24c: {  	p0 =	slt.u32 s15, $0xC4;
	v11 =	vmul.f32 v11, v9;
	v17 =	vunpack.i.u.bf16.f32 v10;
	v10 =	vunpack.i.l.bf16.f32 v10;
	v16 =	vld [tilespmem:s16+$0xFFFFFFE0]  }
0x24d: {  	v9 =	vmul.f32 v15, v9;
	v10 =	vmul.f32 v10, v7;
	v15 =	vld.idx.msk [tilespmem:v4+s9+$0x0], $0xffff  }
0x24e: {  	v7 =	vmul.f32 v17, v7;
	v18 =	vshrl.u32 v12, $0xE;
	[tilespmem:v5+s20+$0x0] =	vst.idx.add.f32.msk $0xffff, v11  }
0x24f: {  	v17 =	vshrl.u32 v13, $0xE;
	v11 =	vand.u32 $0x3FFF, v13;
	[tilespmem:v5+s21+$0x0] =	vst.idx.add.f32.msk $0xffff, v9  }
0x250: {  	v4 =	vshrl.u32 v14, $0xE;
	v9 =	vand.u32 $0x3FFF, v14;
	[tilespmem:v3+s20+$0x0] =	vst.idx.add.f32.msk $0xffff, v10  }
0x251: {  	v10 =	vshrl.u32 v16, $0xE;
	v5 =	vand.u32 $0x3FFF, v16;
	[tilespmem:v3+s21+$0x0] =	vst.idx.add.f32.msk $0xffff, v7;
	v3 =	vmov v11  }
0x252: {  	[tilespmem:v1+s21+$0x0] =	vst.idx.add.f32.msk $0xffff, v8;
	v1 =	vmov v2;
	v2 =	vmov v9  }
0x253: {  	v7 =	vunpack.i.u.bf16.f32 v15;
	v8 =	vunpack.i.l.bf16.f32 v15;
	v11 =	vld.idx.msk [tilespmem:v18+s5+$0x0], $0xffff  }
0x254: {  	s14 =	sadd.s32 $0x40, s14;
	v14 =	vmul.f32 v8, v6;
	v8 =	vmul.f32 v7, v6;
	v13 =	vld.idx.msk [tilespmem:v17+s5+$0x0], $0xffff  }
0x255: {  	v15 =	vld [tilespmem:s14+$0x10]  }
0x256: {  	v16 =	vld.idx.msk [tilespmem:v10+s5+$0x0], $0xffff  }
0x257: {  	v12 =	vand.u32 $0x3FFF, v12;
	v19 =	vld.idx.msk [tilespmem:v4+s5+$0x0], $0xffff  }
0x258: {  	v9 =	vld [tilespmem:s14+$0xFFFFFFE0]  }
0x259: {  	v20 =	vunpack.i.l.bf16.f32 v11;
	v7 =	vld [tilespmem:s14+$0xFFFFFFF0]  }
0x25a: {  	v11 =	vunpack.i.u.bf16.f32 v11;
	v21 =	vunpack.i.u.bf16.f32 v13;
	v6 =	vld [tilespmem:s14+$0x0];
	v20 =	vmul.f32 v20, v15  }
0x25b: {  	v13 =	vunpack.i.l.bf16.f32 v13;
	v11 =	vmul.f32 v11, v15;
	[tilespmem:v1+s20+$0x0] =	vst.idx.add.f32.msk $0xffff, v14  }
0x25c: {  	v14 =	vunpack.i.u.bf16.f32 v16;
	v16 =	vunpack.i.l.bf16.f32 v16;
	[tilespmem:v12+s25+$0x0] =	vst.idx.add.f32.msk $0xffff, v20  }
0x25d: {  	v20 =	vunpack.i.u.bf16.f32 v19;
	v19 =	vunpack.i.l.bf16.f32 v19;
	v16 =	vmul.f32 v16, v9;
	[tilespmem:v12+s19+$0x0] =	vst.idx.add.f32.msk $0xffff, v11  }
0x25e: {  	v11 =	vmul.f32 v14, v9;
	v13 =	vmul.f32 v13, v7;
	v14 =	vld.idx.msk [tilespmem:v18+s9+$0x0], $0xffff  }
0x25f: {  	[tilespmem:v5+s25+$0x0] =	vst.idx.add.f32.msk $0xffff, v16;
	v16 =	vmul.f32 v21, v7;
	v18 =	vmul.f32 v19, v6  }
0x260: {  	[tilespmem:v5+s19+$0x0] =	vst.idx.add.f32.msk $0xffff, v11;
	v11 =	vmul.f32 v20, v6  }
0x261: {  	[tilespmem:v3+s25+$0x0] =	vst.idx.add.f32.msk $0xffff, v13  }
0x262: {  	[tilespmem:v3+s19+$0x0] =	vst.idx.add.f32.msk $0xffff, v16  }
0x263: {  	[tilespmem:v2+s25+$0x0] =	vst.idx.add.f32.msk $0xffff, v18  }
.Ltmp7:
0x264: {  	v13 =	vunpack.i.l.bf16.f32 v14;
	[tilespmem:v2+s19+$0x0] =	vst.idx.add.f32.msk $0xffff, v11;
	(pc) =	sbr.rel @p0 .LBB2_17-.Ltmp7, $4  }
0x265: {  	v14 =	vunpack.i.u.bf16.f32 v14;
	v13 =	vmul.f32 v13, v15;
	v11 =	vld.idx.msk [tilespmem:v10+s9+$0x0], $0xffff  }
0x266: {  	v14 =	vmul.f32 v14, v15;
	v10 =	vld.idx.msk [tilespmem:v17+s9+$0x0], $0xffff  }
0x267: {  	[tilespmem:v12+s20+$0x0] =	vst.idx.add.f32.msk $0xffff, v13  }
0x268: {  	s16 =	sadd.s32 $0x40, s16;
	[tilespmem:v12+s21+$0x0] =	vst.idx.add.f32.msk $0xffff, v14  }
0x269: {  	_ =	sdelay $0x3  }
0x26a: {  	v4 =	vld.idx.msk [tilespmem:v4+s9+$0x0], $0xffff;
	v12 =	vunpack.i.l.bf16.f32 v11  }
0x26b: {  	v11 =	vunpack.i.u.bf16.f32 v11;
	v12 =	vmul.f32 v12, v9  }
0x26c: {  	v13 =	vunpack.i.l.bf16.f32 v10;
	v9 =	vmul.f32 v11, v9  }
0x26d: {  	v10 =	vunpack.i.u.bf16.f32 v10;
	v11 =	vmul.f32 v13, v7;
	[tilespmem:v5+s20+$0x0] =	vst.idx.add.f32.msk $0xffff, v12  }
0x26e: {  	v7 =	vmul.f32 v10, v7;
	[tilespmem:v5+s21+$0x0] =	vst.idx.add.f32.msk $0xffff, v9  }
0x26f: {  	[tilespmem:v3+s20+$0x0] =	vst.idx.add.f32.msk $0xffff, v11;
	v5 =	vunpack.i.l.bf16.f32 v4  }
0x270: {  	p0 =	seq.s32 s11, $0x31;
	[tilespmem:v3+s21+$0x0] =	vst.idx.add.f32.msk $0xffff, v7;
	v3 =	vunpack.i.u.bf16.f32 v4;
	v4 =	vmul.f32 v5, v6  }
0x271: {  	[tilespmem:v1+s21+$0x0] =	vst.idx.add.f32.msk $0xffff, v8;
	s10 =	sshrl.u32 @!p0 s13, $0x3;
	v1 =	vmul.f32 v3, v6  }
0x272: {  	s10 =	sadd.s32 @!p0 $0x320, s10;
	[tilespmem:v2+s20+$0x0] =	vst.idx.add.f32.msk $0xffff, v4  }
0x273: {  	s14 =	simm.s32 @!p0 $0x0;
	s15 =	simm.s32 @!p0 $0x11500;
	s13 =	sadd.s32 @!p0 s22, s10;
	[tilespmem:v2+s21+$0x0] =	vst.idx.add.f32.msk $0xffff, v1  }
0x274: {  	[tilespmem:s15], [sflag:$0x1] =	stream.linear.gather @!p0 [hbm4b:s13+s14], $0xC80, $0x38;
	[tilespmem:$0x17680] =	vst v63  }
0x275: {  	s10 =	sadd.s32 @!p0 s0, s10;
	s13 =	simm.s32 @!p0 $0x12E00  }
0x276: {  	[tilespmem:s13], [sflag:$0x1] =	stream.linear.gather @!p0 [hbm4b:s10+s14], $0xC80, $0x38;
	[tilespmem:$0x17680] =	vst v63  }
0x277: {  	_ =	swait.ge [sflag:s6], $0xC80  }
0x278: {  	[sflag:s6] =	ssyncset.done $0x0  }
0x279: {  	[sflag:s6] =	ssyncadd.s32 $0xFFFFF380  }
0x27a: {  	_ =	swait.ge [sflag:s6], $0xC80  }
0x27b: {  	[sflag:s6] =	ssyncset.done $0x0  }
0x27c: {  	s14 =	simm.s32 $0x121B0;
	[sflag:s6] =	ssyncadd.s32 $0xFFFFF380  }
0x27d: {  	v1 =	vld [tilespmem:s14+$0x0]  }
0x27e: {  	s15 =	simm.s32 $0x0  }
0x27f: {  	s13 =	sand.u32 $0xFC0, s15  }
0x280: {  	v2 =	vld [tilespmem:s13+$0x12180];
	_ =	sdelay $0x1  }
0x281: {  	v5 =	vshrl.u32 v1, $0xE  }
0x282: {  	v3 =	vld [tilespmem:s14+$0xFFFFFFE0]  }
0x283: {  	v4 =	vld [tilespmem:s14+$0xFFFFFFF0]  }
0x284: {  	v6 =	vshrl.u32 v2, $0xE;
	_ =	sdelay $0x1  }
0x285: {  	s16 =	simm.s32 $0x13AB0;
	v9 =	vld.idx.msk [tilespmem:v5+s5+$0x0], $0xffff  }
0x286: {  	v10 =	vld [tilespmem:s16+$0x0];
	v7 =	vshrl.u32 v3, $0xE  }
0x287: {  	v14 =	vld [tilespmem:s13+$0x13A80];
	v8 =	vshrl.u32 v4, $0xE  }
0x288: {  	v13 =	vand.u32 $0x3FFF, v1;
	v11 =	vld.idx.msk [tilespmem:v6+s5+$0x0], $0xffff  }
0x289: {  	v16 =	vld [tilespmem:s16+$0xFFFFFFE0]  }
0x28a: {  	v17 =	vld [tilespmem:s16+$0xFFFFFFF0];
	v1 =	vunpack.i.l.bf16.f32 v9  }
0x28b: {  	v2 =	vand.u32 $0x3FFF, v2;
	v12 =	vld.idx.msk [tilespmem:v7+s5+$0x0], $0xffff;
	v9 =	vunpack.i.u.bf16.f32 v9;
	v1 =	vmul.f32 v1, v10  }
0x28c: {  	v15 =	vld.idx.msk [tilespmem:v8+s5+$0x0], $0xffff;
	v9 =	vmul.f32 v9, v10  }
0x28d: {  	v18 =	vunpack.i.l.bf16.f32 v11;
	[tilespmem:v13+s25+$0x0] =	vst.idx.add.f32.msk $0xffff, v1  }
0x28e: {  	v3 =	vand.u32 $0x3FFF, v3;
	v1 =	vunpack.i.u.bf16.f32 v11;
	v11 =	vmul.f32 v18, v14;
	[tilespmem:v13+s19+$0x0] =	vst.idx.add.f32.msk $0xffff, v9  }
0x28f: {  	v9 =	vmul.f32 v1, v14;
	v5 =	vld.idx.msk [tilespmem:v5+s9+$0x0], $0xffff  }
0x290: {  	v1 =	vand.u32 $0x3FFF, v4;
	v4 =	vunpack.i.l.bf16.f32 v12;
	[tilespmem:v2+s25+$0x0] =	vst.idx.add.f32.msk $0xffff, v11  }
0x291: {  	v4 =	vmul.f32 v4, v16;
	[tilespmem:v2+s19+$0x0] =	vst.idx.add.f32.msk $0xffff, v9  }
0x292: {  	s13 =	simm.s32 $0x40;
	v11 =	vunpack.i.u.bf16.f32 v12;
	v6 =	vld.idx.msk [tilespmem:v6+s9+$0x0], $0xffff  }
0x293: {  	s18 =	sand.u32 $0xFC0, s13;
	v12 =	vunpack.i.u.bf16.f32 v15;
	v9 =	vunpack.i.l.bf16.f32 v15;
	v11 =	vmul.f32 v11, v16;
	[tilespmem:v3+s25+$0x0] =	vst.idx.add.f32.msk $0xffff, v4  }
0x294: {  	v9 =	vmul.f32 v9, v17;
	v4 =	vmul.f32 v12, v17;
	v12 =	vld [tilespmem:s18+$0x13A80]  }
0x295: {  	[tilespmem:v3+s19+$0x0] =	vst.idx.add.f32.msk $0xffff, v11  }
0x296: {  	[tilespmem:v1+s25+$0x0] =	vst.idx.add.f32.msk $0xffff, v9  }
0x297: {  	[tilespmem:v1+s19+$0x0] =	vst.idx.add.f32.msk $0xffff, v4;
	v4 =	vunpack.i.l.bf16.f32 v5  }
0x298: {  	s17 =	simm.s32 $0x121F0;
	v7 =	vld.idx.msk [tilespmem:v7+s9+$0x0], $0xffff;
	v5 =	vunpack.i.u.bf16.f32 v5;
	v4 =	vmul.f32 v4, v10  }
0x299: {  	v9 =	vld [tilespmem:s17+$0x0];
	v5 =	vmul.f32 v5, v10  }
0x29a: {  	[tilespmem:v13+s20+$0x0] =	vst.idx.add.f32.msk $0xffff, v4  }
0x29b: {  	v4 =	vunpack.i.l.bf16.f32 v6;
	[tilespmem:v13+s21+$0x0] =	vst.idx.add.f32.msk $0xffff, v5  }
0x29c: {  	v6 =	vunpack.i.u.bf16.f32 v6;
	v4 =	vmul.f32 v4, v14;
	v5 =	vld [tilespmem:s18+$0x12180]  }
0x29d: {  	v13 =	vld [tilespmem:s17+$0xFFFFFFE0];
	v6 =	vmul.f32 v6, v14  }
0x29e: {  	v15 =	vshrl.u32 v9, $0xE;
	[tilespmem:v2+s20+$0x0] =	vst.idx.add.f32.msk $0xffff, v4;
	v4 =	vunpack.i.l.bf16.f32 v7  }
0x29f: {  	[tilespmem:v2+s21+$0x0] =	vst.idx.add.f32.msk $0xffff, v6;
	v2 =	vunpack.i.u.bf16.f32 v7;
	v4 =	vmul.f32 v4, v16  }
0x2a0: {  	v14 =	vld [tilespmem:s17+$0xFFFFFFF0];
	v2 =	vmul.f32 v2, v16  }
0x2a1: {  	v7 =	vshrl.u32 v5, $0xE;
	[tilespmem:v3+s20+$0x0] =	vst.idx.add.f32.msk $0xffff, v4  }
0x2a2: {  	[tilespmem:v3+s21+$0x0] =	vst.idx.add.f32.msk $0xffff, v2  }
0x2a3: {  	s14 =	simm.s32 $0x13AF0;
	v16 =	vshrl.u32 v13, $0xE;
	v2 =	vld.idx.msk [tilespmem:v15+s5+$0x0], $0xffff  }
0x2a4: {  	v11 =	vld [tilespmem:s14+$0x0]  }
0x2a5: {  	v6 =	vld.idx.msk [tilespmem:v8+s9+$0x0], $0xffff;
	v3 =	vshrl.u32 v14, $0xE  }
0x2a6: {  	v9 =	vand.u32 $0x3FFF, v9;
	v18 =	vld.idx.msk [tilespmem:v7+s5+$0x0], $0xffff  }
0x2a7: {  	v8 =	vld [tilespmem:s14+$0xFFFFFFE0]  }
0x2a8: {  	v19 =	vld.idx.msk [tilespmem:v16+s5+$0x0], $0xffff;
	v4 =	vunpack.i.l.bf16.f32 v2  }
0x2a9: {  	v10 =	vand.u32 $0x3FFF, v5;
	v5 =	vld [tilespmem:s14+$0xFFFFFFF0];
	v2 =	vunpack.i.u.bf16.f32 v2;
	v4 =	vmul.f32 v4, v11  }
0x2aa: {  	v20 =	vld.idx.msk [tilespmem:v3+s5+$0x0], $0xffff;
	v2 =	vmul.f32 v2, v11  }
0x2ab: {  	[tilespmem:v9+s25+$0x0] =	vst.idx.add.f32.msk $0xffff, v4;
	v4 =	vand.u32 $0x3FFF, v13;
	v21 =	vunpack.i.l.bf16.f32 v18  }
0x2ac: {  	v13 =	vunpack.i.u.bf16.f32 v18;
	[tilespmem:v9+s19+$0x0] =	vst.idx.add.f32.msk $0xffff, v2;
	v18 =	vmul.f32 v21, v12  }
0x2ad: {  	v2 =	vand.u32 $0x3FFF, v14;
	v14 =	vunpack.i.l.bf16.f32 v19;
	v13 =	vmul.f32 v13, v12;
	v15 =	vld.idx.msk [tilespmem:v15+s9+$0x0], $0xffff  }
0x2ae: {  	v14 =	vmul.f32 v14, v8;
	[tilespmem:v10+s25+$0x0] =	vst.idx.add.f32.msk $0xffff, v18  }
0x2af: {  	v18 =	vunpack.i.u.bf16.f32 v19;
	[tilespmem:v10+s19+$0x0] =	vst.idx.add.f32.msk $0xffff, v13  }
0x2b0: {  	v19 =	vunpack.i.l.bf16.f32 v20;
	v18 =	vmul.f32 v18, v8;
	[tilespmem:v4+s25+$0x0] =	vst.idx.add.f32.msk $0xffff, v14  }
0x2b1: {  	v19 =	vmul.f32 v19, v5;
	v13 =	vld.idx.msk [tilespmem:v7+s9+$0x0], $0xffff;
	v7 =	vunpack.i.u.bf16.f32 v20  }
0x2b2: {  	v14 =	vmul.f32 v7, v5;
	[tilespmem:v4+s19+$0x0] =	vst.idx.add.f32.msk $0xffff, v18  }
0x2b3: {  	v7 =	vunpack.i.l.bf16.f32 v6;
	[tilespmem:v2+s25+$0x0] =	vst.idx.add.f32.msk $0xffff, v19  }
0x2b4: {  	v6 =	vunpack.i.u.bf16.f32 v6;
	v18 =	vunpack.i.l.bf16.f32 v15;
	v7 =	vmul.f32 v7, v17;
	[tilespmem:v2+s19+$0x0] =	vst.idx.add.f32.msk $0xffff, v14  }
0x2b5: {  	s15 =	simm.s32 $0x4;
	s16 =	simm.s32 $0x12230;
	v6 =	vmul.f32 v6, v17;
	v14 =	vld.idx.msk [tilespmem:v16+s9+$0x0], $0xffff;
	v16 =	vunpack.i.u.bf16.f32 v15;
	v15 =	vmul.f32 v18, v11  }
.LBB2_19:
0x2b6: {  	v17 =	vld [tilespmem:s16+$0x0];
	v18 =	vunpack.i.l.bf16.f32 v13;
	v11 =	vmul.f32 v16, v11  }
0x2b7: {  	v13 =	vunpack.i.u.bf16.f32 v13;
	v16 =	vmul.f32 v18, v12;
	[tilespmem:v9+s20+$0x0] =	vst.idx.add.f32.msk $0xffff, v15  }
0x2b8: {  	v12 =	vmul.f32 v13, v12;
	[tilespmem:v9+s21+$0x0] =	vst.idx.add.f32.msk $0xffff, v11  }
0x2b9: {  	s13 =	sadd.s32 $0x40, s13;
	[tilespmem:v10+s20+$0x0] =	vst.idx.add.f32.msk $0xffff, v16  }
0x2ba: {  	s10 =	sand.u32 $0xFC0, s13;
	[tilespmem:v10+s21+$0x0] =	vst.idx.add.f32.msk $0xffff, v12  }
0x2bb: {  	v9 =	vunpack.i.u.bf16.f32 v14;
	v11 =	vunpack.i.l.bf16.f32 v14;
	v10 =	vld [tilespmem:s10+$0x12180]  }
0x2bc: {  	s15 =	sadd.s32 $0x4, s15;
	v11 =	vmul.f32 v11, v8;
	v8 =	vmul.f32 v9, v8;
	v12 =	vld [tilespmem:s16+$0xFFFFFFE0]  }
0x2bd: {  	p0 =	slt.u32 s15, $0xC4;
	v13 =	vshrl.u32 v17, $0xE;
	v9 =	vld [tilespmem:s16+$0xFFFFFFF0]  }
0x2be: {  	v14 =	vld.idx.msk [tilespmem:v3+s9+$0x0], $0xffff  }
0x2bf: {  	[tilespmem:v4+s20+$0x0] =	vst.idx.add.f32.msk $0xffff, v11  }
0x2c0: {  	v15 =	vshrl.u32 v10, $0xE;
	[tilespmem:v4+s21+$0x0] =	vst.idx.add.f32.msk $0xffff, v8  }
0x2c1: {  	v16 =	vshrl.u32 v12, $0xE;
	v4 =	vand.u32 $0x3FFF, v12;
	[tilespmem:v1+s20+$0x0] =	vst.idx.add.f32.msk $0xffff, v7  }
0x2c2: {  	v3 =	vshrl.u32 v9, $0xE;
	v7 =	vand.u32 $0x3FFF, v9;
	v18 =	vld.idx.msk [tilespmem:v13+s5+$0x0], $0xffff  }
0x2c3: {  	s14 =	sadd.s32 $0x40, s14;
	[tilespmem:v1+s21+$0x0] =	vst.idx.add.f32.msk $0xffff, v6;
	v1 =	vmov v2;
	v2 =	vmov v7  }
0x2c4: {  	v6 =	vunpack.i.u.bf16.f32 v14;
	v7 =	vunpack.i.l.bf16.f32 v14;
	v11 =	vld [tilespmem:s14+$0x0]  }
0x2c5: {  	v7 =	vmul.f32 v7, v5;
	v6 =	vmul.f32 v6, v5;
	v14 =	vld.idx.msk [tilespmem:v15+s5+$0x0], $0xffff  }
0x2c6: {  	v9 =	vand.u32 $0x3FFF, v17;
	v19 =	vld.idx.msk [tilespmem:v16+s5+$0x0], $0xffff  }
0x2c7: {  	v12 =	vld [tilespmem:s10+$0x13A80]  }
0x2c8: {  	v5 =	vunpack.i.l.bf16.f32 v18;
	v17 =	vld.idx.msk [tilespmem:v3+s5+$0x0], $0xffff  }
0x2c9: {  	v10 =	vand.u32 $0x3FFF, v10;
	v18 =	vunpack.i.u.bf16.f32 v18;
	v8 =	vld [tilespmem:s14+$0xFFFFFFE0];
	v20 =	vmul.f32 v5, v11  }
0x2ca: {  	v18 =	vmul.f32 v18, v11;
	v5 =	vld [tilespmem:s14+$0xFFFFFFF0]  }
0x2cb: {  	v21 =	vunpack.i.l.bf16.f32 v14;
	[tilespmem:v9+s25+$0x0] =	vst.idx.add.f32.msk $0xffff, v20  }
0x2cc: {  	v14 =	vunpack.i.u.bf16.f32 v14;
	v20 =	vmul.f32 v21, v12;
	v21 =	vunpack.i.u.bf16.f32 v19;
	[tilespmem:v9+s19+$0x0] =	vst.idx.add.f32.msk $0xffff, v18  }
0x2cd: {  	v14 =	vmul.f32 v14, v12;
	v18 =	vunpack.i.l.bf16.f32 v19;
	v19 =	vld.idx.msk [tilespmem:v13+s9+$0x0], $0xffff  }
0x2ce: {  	v13 =	vunpack.i.l.bf16.f32 v17;
	[tilespmem:v10+s25+$0x0] =	vst.idx.add.f32.msk $0xffff, v20;
	v18 =	vmul.f32 v18, v8;
	v20 =	vunpack.i.u.bf16.f32 v17  }
0x2cf: {  	[tilespmem:v10+s19+$0x0] =	vst.idx.add.f32.msk $0xffff, v14;
	v14 =	vmul.f32 v21, v8;
	v17 =	vmul.f32 v13, v5  }
0x2d0: {  	v13 =	vld.idx.msk [tilespmem:v15+s9+$0x0], $0xffff;
	v15 =	vmul.f32 v20, v5  }
.Ltmp8:
0x2d1: {  	[tilespmem:v4+s25+$0x0] =	vst.idx.add.f32.msk $0xffff, v18;
	(pc) =	sbr.rel @p0 .LBB2_19-.Ltmp8, $4  }
0x2d2: {  	[tilespmem:v4+s19+$0x0] =	vst.idx.add.f32.msk $0xffff, v14  }
0x2d3: {  	[tilespmem:v2+s25+$0x0] =	vst.idx.add.f32.msk $0xffff, v17  }
0x2d4: {  	[tilespmem:v2+s19+$0x0] =	vst.idx.add.f32.msk $0xffff, v15;
	v15 =	vunpack.i.l.bf16.f32 v19  }
0x2d5: {  	s16 =	sadd.s32 $0x40, s16;
	v14 =	vld.idx.msk [tilespmem:v16+s9+$0x0], $0xffff;
	v16 =	vunpack.i.u.bf16.f32 v19;
	v15 =	vmul.f32 v15, v11  }
0x2d6: {  	_ =	sdelay $0x3  }
0x2d7: {  	v3 =	vld.idx.msk [tilespmem:v3+s9+$0x0], $0xffff  }
0x2d8: {  	[tilespmem:v1+s20+$0x0] =	vst.idx.add.f32.msk $0xffff, v7  }
0x2d9: {  	v17 =	vunpack.i.l.bf16.f32 v13;
	v11 =	vmul.f32 v16, v11;
	[tilespmem:v9+s20+$0x0] =	vst.idx.add.f32.msk $0xffff, v15  }
0x2da: {  	v58 =	vmul.f32 v17, v12;
	[tilespmem:v1+s21+$0x0] =	vst.idx.add.f32.msk $0xffff, v6;
	v60 =	vunpack.i.l.bf16.f32 v14  }
0x2db: {  	s11 =	sadd.s32 $0x1, s11;
	[tilespmem:v9+s21+$0x0] =	vst.idx.add.f32.msk $0xffff, v11;
	v61 =	vunpack.i.u.bf16.f32 v14;
	v9 =	vmul.f32 v60, v8  }
0x2dc: {  	v57 =	vunpack.i.u.bf16.f32 v13;
	p0 =	sne.s32 s11, $0x32;
	[tilespmem:v10+s20+$0x0] =	vst.idx.add.f32.msk $0xffff, v58;
	v62 =	vmul.f32 v61, v8  }
.Ltmp9:
0x2dd: {  	v59 =	vmul.f32 v57, v12;
	v63 =	vunpack.i.l.bf16.f32 v3;
	[tilespmem:v4+s20+$0x0] =	vst.idx.add.f32.msk $0xffff, v9;
	(pc) =	sbr.rel @p0 .LBB2_16-.Ltmp9, $4  }
0x2de: {  	v3 =	vunpack.i.u.bf16.f32 v3;
	[tilespmem:v4+s21+$0x0] =	vst.idx.add.f32.msk $0xffff, v62;
	v4 =	vmul.f32 v63, v5  }
0x2df: {  	[tilespmem:v10+s21+$0x0] =	vst.idx.add.f32.msk $0xffff, v59;
	v1 =	vmul.f32 v3, v5  }
0x2e0: {  	[tilespmem:v2+s20+$0x0] =	vst.idx.add.f32.msk $0xffff, v4  }
0x2e1: {  	[tilespmem:v2+s21+$0x0] =	vst.idx.add.f32.msk $0xffff, v1  }
0x2e2: {  	s10 =	simm.s32 $0x4F20  }
0x2e3: {  	s11 =	simm.s32 $0xED20;
	v6 =	vld [tilespmem:s10+$0x10]  }
0x2e4: {  	v7 =	vld [tilespmem:s11+$0x10]  }
0x2e5: {  	v3 =	vld [tilespmem:s11+$0xFFFFFFE0]  }
0x2e6: {  	v1 =	vld [tilespmem:s10+$0xFFFFFFF0]  }
0x2e7: {  	v5 =	vld [tilespmem:s11+$0xFFFFFFF0]  }
0x2e8: {  	v2 =	vld [tilespmem:s10+$0x0]  }
0x2e9: {  	v4 =	vld [tilespmem:s11+$0x0];
	v7 =	vmul.f32 v7, v6  }
0x2ea: {  	s13 =	simm.s32 $0x0;
	s14 =	simm.s32 $0x4F60;
	v6 =	vld [tilespmem:s10+$0xFFFFFFE0]  }
.LBB2_22:
0x2eb: {  	v8 =	vld [tilespmem:s14+$0x10];
	[tilespmem:s10+$0x10] =	vst v7;
	s11 =	sadd.s32 $0x40, s11  }
0x2ec: {  	s13 =	sadd.s32 $0x4, s13;
	v7 =	vld [tilespmem:s11+$0x10];
	v5 =	vmul.f32 v5, v1  }
0x2ed: {  	p0 =	slt.u32 s13, $0x26C;
	v9 =	vld [tilespmem:s11+$0xFFFFFFE0]  }
.Ltmp10:
0x2ee: {  	v1 =	vld [tilespmem:s14+$0xFFFFFFF0];
	[tilespmem:s10+$0xFFFFFFF0] =	vst v5;
	v4 =	vmul.f32 v4, v2;
	(pc) =	sbr.rel @p0 .LBB2_22-.Ltmp10, $4  }
0x2ef: {  	v5 =	vld [tilespmem:s11+$0xFFFFFFF0];
	v10 =	vmul.f32 v3, v6  }
0x2f0: {  	v2 =	vld [tilespmem:s14+$0x0];
	[tilespmem:s10+$0x0] =	vst v4  }
0x2f1: {  	v4 =	vld [tilespmem:s11+$0x0];
	v7 =	vmul.f32 v7, v8;
	[tilespmem:s10+$0xFFFFFFE0] =	vst v10;
	s10 =	smov.u32 s14  }
0x2f2: {  	s14 =	sadd.s32 $0x40, s14;
	v6 =	vld [tilespmem:s10+$0xFFFFFFE0];
	v3 =	vmov v9  }
0x2f3: {  	_ =	sdelay $0x1  }
0x2f4: {  	v1 =	vmul.f32 v5, v1  }
0x2f5: {  	[tilespmem:s10+$0x10] =	vst v7;
	v2 =	vmul.f32 v4, v2  }
0x2f6: {  	[tilespmem:s10+$0xFFFFFFF0] =	vst v1;
	v1 =	vmul.f32 v3, v6  }
0x2f7: {  	[tilespmem:s10+$0x0] =	vst v2  }
0x2f8: {  	[tilespmem:s10+$0xFFFFFFE0] =	vst v1  }
0x2f9: {  	v1 =	vld [tilespmem:$0x7600]  }
0x2fa: {  	v2 =	vld [tilespmem:$0x11400];
	_ =	sdelay $0x4  }
0x2fb: {  	v1 =	vmul.f32 v2, v1;
	_ =	sdelay $0x1  }
0x2fc: {  	s10 =	rddreg [dreg:$0xc];
	[tilespmem:$0x7600] =	vst v1  }
0x2fd: {  	[hbm4b:s10+s5] =	stream.linear.scatter [tilespmem:s25], [sflag:$0x4], $0x2710, $0x38;
	[tilespmem:$0x17680] =	vst v63  }
0x2fe: {  	_ =	swait.ge [sflag:s7], $0x2710  }
0x2ff: {  	[sflag:s7] =	ssyncset.done $0x0  }
0x300: {  	s10 =	simm.s32 $0x76A0;
	[sflag:s7] =	ssyncadd.s32 $0xFFFFD8F0  }
0x301: {  	s11 =	simm.s32 $0xED20;
	v6 =	vld [tilespmem:s10+$0x10]  }
0x302: {  	v7 =	vld [tilespmem:s11+$0x10]  }
0x303: {  	v3 =	vld [tilespmem:s11+$0xFFFFFFE0]  }
0x304: {  	v1 =	vld [tilespmem:s10+$0xFFFFFFF0]  }
0x305: {  	v5 =	vld [tilespmem:s11+$0xFFFFFFF0]  }
0x306: {  	v2 =	vld [tilespmem:s10+$0x0]  }
0x307: {  	v4 =	vld [tilespmem:s11+$0x0];
	v7 =	vmul.f32 v7, v6  }
0x308: {  	s13 =	simm.s32 $0x0;
	s14 =	simm.s32 $0x76E0;
	v6 =	vld [tilespmem:s10+$0xFFFFFFE0]  }
.LBB2_24:
0x309: {  	v8 =	vld [tilespmem:s14+$0x10];
	[tilespmem:s10+$0x10] =	vst v7;
	s11 =	sadd.s32 $0x40, s11  }
0x30a: {  	s13 =	sadd.s32 $0x4, s13;
	v7 =	vld [tilespmem:s11+$0x10];
	v5 =	vmul.f32 v5, v1  }
0x30b: {  	p0 =	slt.u32 s13, $0x26C;
	v9 =	vld [tilespmem:s11+$0xFFFFFFE0]  }
.Ltmp11:
0x30c: {  	v1 =	vld [tilespmem:s14+$0xFFFFFFF0];
	[tilespmem:s10+$0xFFFFFFF0] =	vst v5;
	v4 =	vmul.f32 v4, v2;
	(pc) =	sbr.rel @p0 .LBB2_24-.Ltmp11, $4  }
0x30d: {  	v5 =	vld [tilespmem:s11+$0xFFFFFFF0];
	v10 =	vmul.f32 v3, v6  }
0x30e: {  	v2 =	vld [tilespmem:s14+$0x0];
	[tilespmem:s10+$0x0] =	vst v4  }
0x30f: {  	v4 =	vld [tilespmem:s11+$0x0];
	v7 =	vmul.f32 v7, v8;
	[tilespmem:s10+$0xFFFFFFE0] =	vst v10;
	s10 =	smov.u32 s14  }
0x310: {  	s14 =	sadd.s32 $0x40, s14;
	v6 =	vld [tilespmem:s10+$0xFFFFFFE0];
	v3 =	vmov v9  }
0x311: {  	_ =	sdelay $0x1  }
0x312: {  	v1 =	vmul.f32 v5, v1  }
0x313: {  	[tilespmem:s10+$0x10] =	vst v7;
	v2 =	vmul.f32 v4, v2  }
0x314: {  	[tilespmem:s10+$0xFFFFFFF0] =	vst v1;
	v1 =	vmul.f32 v3, v6  }
0x315: {  	[tilespmem:s10+$0x0] =	vst v2  }
0x316: {  	[tilespmem:s10+$0xFFFFFFE0] =	vst v1  }
0x317: {  	v1 =	vld [tilespmem:$0x9D80]  }
0x318: {  	v2 =	vld [tilespmem:$0x11400];
	_ =	sdelay $0x4  }
0x319: {  	v1 =	vmul.f32 v2, v1;
	_ =	sdelay $0x1  }
0x31a: {  	s10 =	rddreg [dreg:$0xd];
	[tilespmem:$0x9D80] =	vst v1  }
0x31b: {  	[hbm4b:s10+s5] =	stream.linear.scatter [tilespmem:s19], [sflag:$0x4], $0x2710, $0x38;
	[tilespmem:$0x17680] =	vst v63  }
0x31c: {  	_ =	swait.ge [sflag:s7], $0x2710  }
0x31d: {  	[sflag:s7] =	ssyncset.done $0x0  }
0x31e: {  	s10 =	simm.s32 $0x9E20;
	[sflag:s7] =	ssyncadd.s32 $0xFFFFD8F0  }
0x31f: {  	s11 =	simm.s32 $0xED20;
	v6 =	vld [tilespmem:s10+$0x10]  }
0x320: {  	v7 =	vld [tilespmem:s11+$0x10]  }
0x321: {  	v3 =	vld [tilespmem:s11+$0xFFFFFFE0]  }
0x322: {  	v1 =	vld [tilespmem:s10+$0xFFFFFFF0]  }
0x323: {  	v5 =	vld [tilespmem:s11+$0xFFFFFFF0]  }
0x324: {  	v2 =	vld [tilespmem:s10+$0x0]  }
0x325: {  	v4 =	vld [tilespmem:s11+$0x0];
	v7 =	vmul.f32 v7, v6  }
0x326: {  	s13 =	simm.s32 $0x0;
	s14 =	simm.s32 $0x9E60;
	v6 =	vld [tilespmem:s10+$0xFFFFFFE0]  }
.LBB2_26:
0x327: {  	v8 =	vld [tilespmem:s14+$0x10];
	[tilespmem:s10+$0x10] =	vst v7;
	s11 =	sadd.s32 $0x40, s11  }
0x328: {  	s13 =	sadd.s32 $0x4, s13;
	v7 =	vld [tilespmem:s11+$0x10];
	v5 =	vmul.f32 v5, v1  }
0x329: {  	p0 =	slt.u32 s13, $0x26C;
	v9 =	vld [tilespmem:s11+$0xFFFFFFE0]  }
.Ltmp12:
0x32a: {  	v1 =	vld [tilespmem:s14+$0xFFFFFFF0];
	[tilespmem:s10+$0xFFFFFFF0] =	vst v5;
	v4 =	vmul.f32 v4, v2;
	(pc) =	sbr.rel @p0 .LBB2_26-.Ltmp12, $4  }
0x32b: {  	v5 =	vld [tilespmem:s11+$0xFFFFFFF0];
	v10 =	vmul.f32 v3, v6  }
0x32c: {  	v2 =	vld [tilespmem:s14+$0x0];
	[tilespmem:s10+$0x0] =	vst v4  }
0x32d: {  	v4 =	vld [tilespmem:s11+$0x0];
	v7 =	vmul.f32 v7, v8;
	[tilespmem:s10+$0xFFFFFFE0] =	vst v10;
	s10 =	smov.u32 s14  }
0x32e: {  	s14 =	sadd.s32 $0x40, s14;
	v6 =	vld [tilespmem:s10+$0xFFFFFFE0];
	v3 =	vmov v9  }
0x32f: {  	_ =	sdelay $0x1  }
0x330: {  	v1 =	vmul.f32 v5, v1  }
0x331: {  	[tilespmem:s10+$0x10] =	vst v7;
	v2 =	vmul.f32 v4, v2  }
0x332: {  	[tilespmem:s10+$0xFFFFFFF0] =	vst v1;
	v1 =	vmul.f32 v3, v6  }
0x333: {  	[tilespmem:s10+$0x0] =	vst v2  }
0x334: {  	[tilespmem:s10+$0xFFFFFFE0] =	vst v1  }
0x335: {  	v1 =	vld [tilespmem:$0xC500]  }
0x336: {  	v2 =	vld [tilespmem:$0x11400];
	_ =	sdelay $0x4  }
0x337: {  	v1 =	vmul.f32 v2, v1;
	_ =	sdelay $0x1  }
0x338: {  	s10 =	rddreg [dreg:$0xe];
	[tilespmem:$0xC500] =	vst v1  }
0x339: {  	[hbm4b:s10+s5] =	stream.linear.scatter [tilespmem:s20], [sflag:$0x4], $0x2710, $0x38;
	[tilespmem:$0x17680] =	vst v63  }
0x33a: {  	_ =	swait.ge [sflag:s7], $0x2710  }
0x33b: {  	[sflag:s7] =	ssyncset.done $0x0  }
0x33c: {  	s10 =	simm.s32 $0xC5A0;
	[sflag:s7] =	ssyncadd.s32 $0xFFFFD8F0  }
0x33d: {  	s11 =	simm.s32 $0xED20;
	v6 =	vld [tilespmem:s10+$0x10]  }
0x33e: {  	v7 =	vld [tilespmem:s11+$0x10]  }
0x33f: {  	v3 =	vld [tilespmem:s11+$0xFFFFFFE0]  }
0x340: {  	v1 =	vld [tilespmem:s10+$0xFFFFFFF0]  }
0x341: {  	v5 =	vld [tilespmem:s11+$0xFFFFFFF0]  }
0x342: {  	v2 =	vld [tilespmem:s10+$0x0]  }
0x343: {  	v4 =	vld [tilespmem:s11+$0x0];
	v7 =	vmul.f32 v7, v6  }
0x344: {  	s13 =	simm.s32 $0x0;
	s14 =	simm.s32 $0xC5E0;
	v6 =	vld [tilespmem:s10+$0xFFFFFFE0]  }
.LBB2_28:
0x345: {  	v8 =	vld [tilespmem:s14+$0x10];
	[tilespmem:s10+$0x10] =	vst v7;
	s11 =	sadd.s32 $0x40, s11  }
0x346: {  	s13 =	sadd.s32 $0x4, s13;
	v7 =	vld [tilespmem:s11+$0x10];
	v5 =	vmul.f32 v5, v1  }
0x347: {  	p0 =	slt.u32 s13, $0x26C;
	v9 =	vld [tilespmem:s11+$0xFFFFFFE0]  }
.Ltmp13:
0x348: {  	v1 =	vld [tilespmem:s14+$0xFFFFFFF0];
	[tilespmem:s10+$0xFFFFFFF0] =	vst v5;
	v4 =	vmul.f32 v4, v2;
	(pc) =	sbr.rel @p0 .LBB2_28-.Ltmp13, $4  }
0x349: {  	v5 =	vld [tilespmem:s11+$0xFFFFFFF0];
	v10 =	vmul.f32 v3, v6  }
0x34a: {  	v2 =	vld [tilespmem:s14+$0x0];
	[tilespmem:s10+$0x0] =	vst v4  }
0x34b: {  	v4 =	vld [tilespmem:s11+$0x0];
	v7 =	vmul.f32 v7, v8;
	[tilespmem:s10+$0xFFFFFFE0] =	vst v10;
	s10 =	smov.u32 s14  }
0x34c: {  	s14 =	sadd.s32 $0x40, s14;
	v6 =	vld [tilespmem:s10+$0xFFFFFFE0];
	v3 =	vmov v9  }
0x34d: {  	_ =	sdelay $0x1  }
0x34e: {  	v1 =	vmul.f32 v5, v1  }
0x34f: {  	[tilespmem:s10+$0x10] =	vst v7;
	v2 =	vmul.f32 v4, v2  }
0x350: {  	[tilespmem:s10+$0xFFFFFFF0] =	vst v1;
	v1 =	vmul.f32 v3, v6  }
0x351: {  	[tilespmem:s10+$0x0] =	vst v2  }
0x352: {  	[tilespmem:s10+$0xFFFFFFE0] =	vst v1  }
0x353: {  	v1 =	vld [tilespmem:$0xEC80]  }
0x354: {  	v2 =	vld [tilespmem:$0x11400];
	_ =	sdelay $0x4  }
0x355: {  	v1 =	vmul.f32 v2, v1;
	_ =	sdelay $0x1  }
0x356: {  	s10 =	rddreg [dreg:$0xf];
	[tilespmem:$0xEC80] =	vst v1  }
0x357: {  	[hbm4b:s10+s5] =	stream.linear.scatter [tilespmem:s21], [sflag:$0x4], $0x2710, $0x38;
	[tilespmem:$0x17680] =	vst v63  }
0x358: {  	_ =	swait.ge [sflag:s7], $0x2710  }
0x359: {  	[sflag:s7] =	ssyncset.done $0x0  }
0x35a: {  	s15 =	rddreg [dreg:$0x10];
	[sflag:s7] =	ssyncadd.s32 $0xFFFFD8F0  }
0x35b: {  	[tilespmem:s25], [sflag:$0x3] =	stream.linear.gather [hbm4b:s15+s5], $0x2710, $0x38;
	[tilespmem:$0x17680] =	vst v63  }
0x35c: {  	s16 =	rddreg [dreg:$0x11]  }
0x35d: {  	[tilespmem:s19], [sflag:$0x3] =	stream.linear.gather [hbm4b:s16+s5], $0x2710, $0x38;
	[tilespmem:$0x17680] =	vst v63  }
0x35e: {  	s17 =	rddreg [dreg:$0x12]  }
0x35f: {  	[tilespmem:s20], [sflag:$0x3] =	stream.linear.gather [hbm4b:s17+s5], $0x2710, $0x38;
	[tilespmem:$0x17680] =	vst v63  }
0x360: {  	s10 =	simm.s32 $0xED20;
	s18 =	rddreg [dreg:$0x13]  }
0x361: {  	[tilespmem:s21], [sflag:$0x3] =	stream.linear.gather [hbm4b:s18+s5], $0x2710, $0x38;
	[tilespmem:$0x17680] =	vst v63  }
0x362: {  	[tilespmem:s10+$0xFFFFFFE0] =	vst v0  }
0x363: {  	[tilespmem:s10+$0x10] =	vst v0  }
0x364: {  	s11 =	simm.s32 $0x0;
	[tilespmem:s10+$0x0] =	vst v0  }
.LBB2_30:
0x365: {  	s11 =	sadd.s32 $0x4, s11  }
0x366: {  	[tilespmem:s10+$0xFFFFFFF0] =	vst v0;
	s10 =	sadd.s32 $0x40, s10;
	p0 =	slt.u32 s11, $0x27C  }
.Ltmp14:
0x367: {  	[tilespmem:s10+$0xFFFFFFE0] =	vst v0;
	(pc) =	sbr.rel @p0 .LBB2_30-.Ltmp14, $3  }
0x368: {  	_ =	sdelay $0x1  }
0x369: {  	[tilespmem:s10+$0x10] =	vst v0  }
0x36a: {  	[tilespmem:s10+$0x0] =	vst v0  }
0x36b: {  	[tilespmem:s10+$0xFFFFFFF0] =	vst v0  }
0x36c: {  	s10 =	sld [smem:$0x7FB]  }
.Ltmp15:
0x36d: {  	_ = 	snop;
	(pc) =	sbr.rel .LBB2_32-.Ltmp15, $4  }
0x36e: {  	s11 =	simm.s32 $0x0;
	s18 =	sld [smem:$0x7FC]  }
0x36f: {  	[tilespmem:s29], [sflag:$0x1] =	stream.linear.gather [hbm4b:s10+s11], $0x7D0, $0x38;
	[tilespmem:$0x17680] =	vst v63  }
0x370: {  	_ = 	snop  }
0x371: {  	[tilespmem:s30], [sflag:$0x1] =	stream.linear.gather [hbm4b:s18+s11], $0x7D0, $0x38;
	[tilespmem:$0x17680] =	vst v63  }
.LBB2_38:
0x372: {  	s11 =	sadd.s32 $0x1, s11  }
0x373: {  	p0 =	sne.s32 s11, $0x3  }
.Ltmp16:
0x374: {  	_ = 	snop;
	(pc) =	sbr.rel @!p0 .LBB2_39-.Ltmp16, $1  }
0x375: {  	_ =	sdelay $0x3  }
.LBB2_32:
0x376: {  	s10 =	sshllo.u32 s11, $0x1  }
0x377: {  	p0 =	sgt.u32 s10, $0x4  }
0x378: {  	s10 =	smul.u32 @!p0 $0x7D0, s10;
	_ =	sdelay $0x1  }
0x379: {  	s10 =	sadd.s32 @!p0 s12, s10  }
0x37a: {  	s10 =	sshrl.u32 @!p0 s10, $0x3  }
0x37b: {  	s14 =	simm.s32 @!p0 $0x0;
	s15 =	simm.s32 @!p0 $0x12180;
	s13 =	sadd.s32 @!p0 s23, s10  }
0x37c: {  	[tilespmem:s15], [sflag:$0x2] =	stream.linear.gather @!p0 [hbm4b:s13+s14], $0x7D0, $0x38;
	[tilespmem:$0x17680] =	vst v63  }
0x37d: {  	s10 =	sadd.s32 @!p0 s2, s10;
	s13 =	simm.s32 @!p0 $0x13A80  }
0x37e: {  	[tilespmem:s13], [sflag:$0x2] =	stream.linear.gather @!p0 [hbm4b:s10+s14], $0x7D0, $0x38;
	[tilespmem:$0x17680] =	vst v63  }
0x37f: {  	_ =	swait.ge [sflag:s1], $0x7D0  }
0x380: {  	[sflag:s1] =	ssyncset.done $0x0  }
0x381: {  	[sflag:s1] =	ssyncadd.s32 $0xFFFFF830  }
0x382: {  	_ =	swait.ge [sflag:s1], $0x7D0  }
0x383: {  	[sflag:s1] =	ssyncset.done $0x0  }
0x384: {  	s18 =	simm.s32 $0x11520;
	[sflag:s1] =	ssyncadd.s32 $0xFFFFF830  }
0x385: {  	v1 =	vld [tilespmem:s18+$0x10];
	_ =	sdelay $0x1  }
0x386: {  	v2 =	vld [tilespmem:s18+$0xFFFFFFF0]  }
0x387: {  	v4 =	vld [tilespmem:s18+$0x0]  }
0x388: {  	s10 =	simm.s32 $0x12E20;
	v7 =	vld [tilespmem:s18+$0xFFFFFFE0]  }
0x389: {  	v8 =	vld [tilespmem:s10+$0x10];
	v9 =	vand.u32 $0x3FFF, v1  }
0x38a: {  	v5 =	vld [tilespmem:s10+$0xFFFFFFF0]  }
0x38b: {  	v6 =	vld [tilespmem:s10+$0x0];
	_ =	sdelay $0x1  }
0x38c: {  	v3 =	vld [tilespmem:s10+$0xFFFFFFE0]  }
0x38d: {  	s13 =	simm.s32 $0x0;
	s14 =	simm.s32 $0x11560;
	v1 =	vand.u32 $0x3FFF, v2;
	v2 =	vand.u32 $0x3FFF, v4;
	v4 =	vand.u32 $0x3FFF, v7;
	[tilespmem:v9+s4+$0x0] =	vst.idx.add.f32.msk $0xffff, v8  }
.LBB2_33:
0x38e: {  	v7 =	vld [tilespmem:s14+$0x10];
	s13 =	sadd.s32 $0x4, s13;
	v8 =	vmov v5  }
0x38f: {  	v5 =	vld [tilespmem:s14+$0xFFFFFFF0];
	p1 =	slt.u32 s13, $0x78;
	v9 =	vmov v6  }
0x390: {  	v6 =	vld [tilespmem:s14+$0x0]  }
0x391: {  	v10 =	vld [tilespmem:s14+$0xFFFFFFE0]  }
0x392: {  	s10 =	sadd.s32 $0x40, s10;
	[tilespmem:v4+s4+$0x0] =	vst.idx.add.f32.msk $0xffff, v3  }
0x393: {  	v11 =	vld [tilespmem:s10+$0x10];
	v7 =	vand.u32 $0x3FFF, v7  }
0x394: {  	v3 =	vld [tilespmem:s10+$0xFFFFFFE0];
	v12 =	vand.u32 $0x3FFF, v5  }
.Ltmp17:
0x395: {  	v5 =	vld [tilespmem:s10+$0xFFFFFFF0];
	v13 =	vand.u32 $0x3FFF, v6;
	(pc) =	sbr.rel @p1 .LBB2_33-.Ltmp17, $4  }
0x396: {  	v4 =	vand.u32 $0x3FFF, v10;
	v6 =	vld [tilespmem:s10+$0x0]  }
0x397: {  	[tilespmem:v1+s4+$0x0] =	vst.idx.add.f32.msk $0xffff, v8;
	v1 =	vmov v12  }
0x398: {  	[tilespmem:v7+s4+$0x0] =	vst.idx.add.f32.msk $0xffff, v11  }
0x399: {  	s14 =	sadd.s32 $0x40, s14;
	[tilespmem:v2+s4+$0x0] =	vst.idx.add.f32.msk $0xffff, v9;
	v2 =	vmov v13  }
0x39a: {  	_ =	sdelay $0x3  }
0x39b: {  	[tilespmem:v4+s4+$0x0] =	vst.idx.add.f32.msk $0xffff, v3  }
0x39c: {  	[tilespmem:v1+s4+$0x0] =	vst.idx.add.f32.msk $0xffff, v5  }
0x39d: {  	[tilespmem:v2+s4+$0x0] =	vst.idx.add.f32.msk $0xffff, v6  }
0x39e: {  	v1 =	vld [tilespmem:$0x11CC0];
	_ =	sdelay $0x4  }
0x39f: {  	v2 =	vld [tilespmem:$0x135C0];
	v1 =	vand.u32 $0x3FFF, v1  }
.Ltmp18:
0x3a0: {  	_ = 	snop;
	(pc) =	sbr.rel @p0 .LBB2_38-.Ltmp18, $2  }
0x3a1: {  	_ =	sdelay $0x2  }
0x3a2: {  	[tilespmem:v1+s4+$0x0] =	vst.idx.add.f32.msk $0xffff, v2  }
0x3a3: {  	s10 =	smul.u32 $0xFA0, s11;
	_ =	sdelay $0x1  }
0x3a4: {  	s10 =	sadd.s32 s10, s24  }
0x3a5: {  	s10 =	sshrl.u32 s10, $0x3  }
0x3a6: {  	s14 =	simm.s32 $0x0;
	s13 =	sadd.s32 s23, s10  }
0x3a7: {  	[tilespmem:s29], [sflag:$0x1] =	stream.linear.gather [hbm4b:s13+s14], $0x7D0, $0x38;
	[tilespmem:$0x17680] =	vst v63  }
0x3a8: {  	s10 =	sadd.s32 s2, s10  }
0x3a9: {  	[tilespmem:s30], [sflag:$0x1] =	stream.linear.gather [hbm4b:s10+s14], $0x7D0, $0x38;
	[tilespmem:$0x17680] =	vst v63  }
0x3aa: {  	_ =	swait.ge [sflag:s6], $0x7D0  }
0x3ab: {  	[sflag:s6] =	ssyncset.done $0x0  }
0x3ac: {  	[sflag:s6] =	ssyncadd.s32 $0xFFFFF830  }
0x3ad: {  	_ =	swait.ge [sflag:s6], $0x7D0  }
0x3ae: {  	[sflag:s6] =	ssyncset.done $0x0  }
0x3af: {  	s18 =	simm.s32 $0x121B0;
	[sflag:s6] =	ssyncadd.s32 $0xFFFFF830  }
0x3b0: {  	s14 =	sand.u32 $0x7C0, s14;
	v1 =	vld [tilespmem:s18+$0x0]  }
0x3b1: {  	v2 =	vld [tilespmem:s14+$0x12180];
	_ =	sdelay $0x1  }
0x3b2: {  	v3 =	vld [tilespmem:s18+$0xFFFFFFE0]  }
0x3b3: {  	s10 =	simm.s32 $0x13AB0;
	v5 =	vld [tilespmem:s18+$0xFFFFFFF0]  }
0x3b4: {  	v6 =	vld [tilespmem:s10+$0x0];
	v1 =	vand.u32 $0x3FFF, v1  }
0x3b5: {  	v7 =	vld [tilespmem:s14+$0x13A80];
	v8 =	vand.u32 $0x3FFF, v2;
	_ =	sdelay $0x1  }
0x3b6: {  	v4 =	vld [tilespmem:s10+$0xFFFFFFF0]  }
0x3b7: {  	v2 =	vld [tilespmem:s10+$0xFFFFFFE0]  }
0x3b8: {  	[tilespmem:v1+s4+$0x0] =	vst.idx.add.f32.msk $0xffff, v6  }
0x3b9: {  	s15 =	simm.s32 $0x40;
	s13 =	simm.s32 $0x0;
	s14 =	simm.s32 $0x121F0;
	v3 =	vand.u32 $0x3FFF, v3;
	v1 =	vand.u32 $0x3FFF, v5;
	[tilespmem:v8+s4+$0x0] =	vst.idx.add.f32.msk $0xffff, v7  }
.LBB2_36:
0x3ba: {  	s16 =	sand.u32 $0x7C0, s15;
	v5 =	vld [tilespmem:s14+$0x0];
	s13 =	sadd.s32 $0x4, s13  }
0x3bb: {  	v6 =	vld [tilespmem:s16+$0x12180];
	p0 =	slt.u32 s13, $0x78;
	v7 =	vmov v4  }
0x3bc: {  	v4 =	vld [tilespmem:s14+$0xFFFFFFE0]  }
0x3bd: {  	v8 =	vld [tilespmem:s14+$0xFFFFFFF0]  }
0x3be: {  	s10 =	sadd.s32 $0x40, s10;
	[tilespmem:v3+s4+$0x0] =	vst.idx.add.f32.msk $0xffff, v2  }
0x3bf: {  	v9 =	vld [tilespmem:s10+$0x0];
	v5 =	vand.u32 $0x3FFF, v5  }
0x3c0: {  	v10 =	vld [tilespmem:s16+$0x13A80];
	v6 =	vand.u32 $0x3FFF, v6  }
.Ltmp19:
0x3c1: {  	v2 =	vld [tilespmem:s10+$0xFFFFFFE0];
	v3 =	vand.u32 $0x3FFF, v4;
	(pc) =	sbr.rel @p0 .LBB2_36-.Ltmp19, $4  }
0x3c2: {  	v4 =	vld [tilespmem:s10+$0xFFFFFFF0];
	v8 =	vand.u32 $0x3FFF, v8  }
0x3c3: {  	[tilespmem:v1+s4+$0x0] =	vst.idx.add.f32.msk $0xffff, v7;
	v1 =	vmov v8  }
0x3c4: {  	[tilespmem:v5+s4+$0x0] =	vst.idx.add.f32.msk $0xffff, v9  }
0x3c5: {  	s15 =	sadd.s32 $0x40, s15;
	s14 =	sadd.s32 $0x40, s14;
	[tilespmem:v6+s4+$0x0] =	vst.idx.add.f32.msk $0xffff, v10  }
0x3c6: {  	_ =	sdelay $0x3  }
0x3c7: {  	[tilespmem:v3+s4+$0x0] =	vst.idx.add.f32.msk $0xffff, v2  }
0x3c8: {  	[tilespmem:v1+s4+$0x0] =	vst.idx.add.f32.msk $0xffff, v4  }
0x3c9: {  	v1 =	vld [tilespmem:$0x12940];
	_ =	sdelay $0x4  }
0x3ca: {  	v2 =	vld [tilespmem:$0x14240];
	v1 =	vand.u32 $0x3FFF, v1  }
.Ltmp20:
0x3cb: {  	_ = 	snop;
	(pc) =	sbr.rel .LBB2_38-.Ltmp20, $2  }
0x3cc: {  	_ =	sdelay $0x2  }
0x3cd: {  	[tilespmem:v1+s4+$0x0] =	vst.idx.add.f32.msk $0xffff, v2  }
.LBB2_39:
0x3ce: {  	s10 =	rddreg [dreg:$0x1b]  }
0x3cf: {  	s16 =	rddreg [dreg:$0x1c]  }
0x3d0: {  	[spmem:s10] =	stream.linear.scatter [tilespmem:s4], [sflag:$0x2], $0x280, $0x38;
	[tilespmem:$0x17680] =	vst v63  }
0x3d1: {  	s11 =	simm.s32 $0xEF80;
	s17 =	rddreg [dreg:$0x1d]  }
0x3d2: {  	[spmem:s16] =	stream.linear.scatter [tilespmem:s11], [sflag:$0x2], $0x280, $0x38;
	[tilespmem:$0x17680] =	vst v63  }
0x3d3: {  	s18 =	simm.s32 $0xF200;
	s13 =	rddreg [dreg:$0x1e]  }
0x3d4: {  	[spmem:s17] =	stream.linear.scatter [tilespmem:s18], [sflag:$0x2], $0x280, $0x38;
	[tilespmem:$0x17680] =	vst v63  }
0x3d5: {  	s14 =	simm.s32 $0xF480;
	s15 =	rddreg [dreg:$0x1f]  }
0x3d6: {  	[spmem:s13] =	stream.linear.scatter [tilespmem:s14], [sflag:$0x2], $0x280, $0x38;
	[tilespmem:$0x17680] =	vst v63  }
0x3d7: {  	s16 =	simm.s32 $0xF700;
	s17 =	sld [smem:$0x7EF]  }
0x3d8: {  	[spmem:s15] =	stream.linear.scatter [tilespmem:s16], [sflag:$0x2], $0x280, $0x38;
	[tilespmem:$0x17680] =	vst v63  }
0x3d9: {  	s18 =	simm.s32 $0xF980;
	s13 =	sld [smem:$0x7F0]  }
0x3da: {  	[spmem:s17] =	stream.linear.scatter [tilespmem:s18], [sflag:$0x2], $0x280, $0x38;
	[tilespmem:$0x17680] =	vst v63  }
0x3db: {  	s14 =	simm.s32 $0xFC00;
	s15 =	sld [smem:$0x7F1]  }
0x3dc: {  	[spmem:s13] =	stream.linear.scatter [tilespmem:s14], [sflag:$0x2], $0x280, $0x38;
	[tilespmem:$0x17680] =	vst v63  }
0x3dd: {  	s16 =	simm.s32 $0xFE80;
	s17 =	sld [smem:$0x7F2]  }
0x3de: {  	[spmem:s15] =	stream.linear.scatter [tilespmem:s16], [sflag:$0x2], $0x280, $0x38;
	[tilespmem:$0x17680] =	vst v63  }
0x3df: {  	s18 =	simm.s32 $0x10100;
	s13 =	sld [smem:$0x7F3]  }
0x3e0: {  	[spmem:s17] =	stream.linear.scatter [tilespmem:s18], [sflag:$0x2], $0x280, $0x38;
	[tilespmem:$0x17680] =	vst v63  }
0x3e1: {  	s14 =	simm.s32 $0x10380;
	s15 =	sld [smem:$0x7F4]  }
0x3e2: {  	[spmem:s13] =	stream.linear.scatter [tilespmem:s14], [sflag:$0x2], $0x280, $0x38;
	[tilespmem:$0x17680] =	vst v63  }
0x3e3: {  	s16 =	simm.s32 $0x10600;
	s17 =	sld [smem:$0x7F5]  }
0x3e4: {  	[spmem:s15] =	stream.linear.scatter [tilespmem:s16], [sflag:$0x2], $0x280, $0x38;
	[tilespmem:$0x17680] =	vst v63  }
0x3e5: {  	s18 =	simm.s32 $0x10880;
	s13 =	sld [smem:$0x7F6]  }
0x3e6: {  	[spmem:s17] =	stream.linear.scatter [tilespmem:s18], [sflag:$0x2], $0x280, $0x38;
	[tilespmem:$0x17680] =	vst v63  }
0x3e7: {  	s14 =	simm.s32 $0x10B00;
	s15 =	sld [smem:$0x7F7]  }
0x3e8: {  	[spmem:s13] =	stream.linear.scatter [tilespmem:s14], [sflag:$0x2], $0x280, $0x38;
	[tilespmem:$0x17680] =	vst v63  }
0x3e9: {  	s16 =	simm.s32 $0x10D80;
	s17 =	sld [smem:$0x7F8]  }
0x3ea: {  	[spmem:s15] =	stream.linear.scatter [tilespmem:s16], [sflag:$0x2], $0x280, $0x38;
	[tilespmem:$0x17680] =	vst v63  }
0x3eb: {  	s11 =	sld [smem:$0x7F9];
	s18 =	simm.s32 $0x11000  }
0x3ec: {  	[spmem:s17] =	stream.linear.scatter [tilespmem:s18], [sflag:$0x2], $0x280, $0x38;
	[tilespmem:$0x17680] =	vst v63  }
0x3ed: {  	s13 =	simm.s32 $0x11280  }
0x3ee: {  	[spmem:s11] =	stream.linear.scatter [tilespmem:s13], [sflag:$0x2], $0x280, $0x38;
	[tilespmem:$0x17680] =	vst v63  }
0x3ef: {  	_ =	swait.ge [sflag:s6], $0x280  }
0x3f0: {  	[sflag:s6] =	ssyncset.done $0x0  }
0x3f1: {  	[sflag:s6] =	ssyncadd.s32 $0xFFFFFD80  }
0x3f2: {  	_ =	swait.ge [sflag:s6], $0x280  }
0x3f3: {  	[sflag:s6] =	ssyncset.done $0x0  }
0x3f4: {  	[sflag:s6] =	ssyncadd.s32 $0xFFFFFD80  }
0x3f5: {  	_ =	swait.ge [sflag:s6], $0x280  }
0x3f6: {  	[sflag:s6] =	ssyncset.done $0x0  }
0x3f7: {  	[sflag:s6] =	ssyncadd.s32 $0xFFFFFD80  }
0x3f8: {  	_ =	swait.ge [sflag:s6], $0x280  }
0x3f9: {  	[sflag:s6] =	ssyncset.done $0x0  }
0x3fa: {  	[sflag:s6] =	ssyncadd.s32 $0xFFFFFD80  }
0x3fb: {  	_ =	swait.ge [sflag:s6], $0x280  }
0x3fc: {  	[sflag:s6] =	ssyncset.done $0x0  }
0x3fd: {  	[sflag:s6] =	ssyncadd.s32 $0xFFFFFD80  }
0x3fe: {  	_ =	swait.ge [sflag:s6], $0x280  }
0x3ff: {  	[sflag:s6] =	ssyncset.done $0x0  }
0x400: {  	[sflag:s6] =	ssyncadd.s32 $0xFFFFFD80  }
0x401: {  	_ =	swait.ge [sflag:s6], $0x280  }
0x402: {  	[sflag:s6] =	ssyncset.done $0x0  }
0x403: {  	[sflag:s6] =	ssyncadd.s32 $0xFFFFFD80  }
0x404: {  	_ =	swait.ge [sflag:s6], $0x280  }
0x405: {  	[sflag:s6] =	ssyncset.done $0x0  }
0x406: {  	[sflag:s6] =	ssyncadd.s32 $0xFFFFFD80  }
0x407: {  	_ =	swait.ge [sflag:s6], $0x280  }
0x408: {  	[sflag:s6] =	ssyncset.done $0x0  }
0x409: {  	[sflag:s6] =	ssyncadd.s32 $0xFFFFFD80  }
0x40a: {  	_ =	swait.ge [sflag:s6], $0x280  }
0x40b: {  	[sflag:s6] =	ssyncset.done $0x0  }
0x40c: {  	[sflag:s6] =	ssyncadd.s32 $0xFFFFFD80  }
0x40d: {  	_ =	swait.ge [sflag:s6], $0x280  }
0x40e: {  	[sflag:s6] =	ssyncset.done $0x0  }
0x40f: {  	[sflag:s6] =	ssyncadd.s32 $0xFFFFFD80  }
0x410: {  	_ =	swait.ge [sflag:s6], $0x280  }
0x411: {  	[sflag:s6] =	ssyncset.done $0x0  }
0x412: {  	[sflag:s6] =	ssyncadd.s32 $0xFFFFFD80  }
0x413: {  	_ =	swait.ge [sflag:s6], $0x280  }
0x414: {  	[sflag:s6] =	ssyncset.done $0x0  }
0x415: {  	[sflag:s6] =	ssyncadd.s32 $0xFFFFFD80  }
0x416: {  	_ =	swait.ge [sflag:s6], $0x280  }
0x417: {  	[sflag:s6] =	ssyncset.done $0x0  }
0x418: {  	[sflag:s6] =	ssyncadd.s32 $0xFFFFFD80  }
0x419: {  	_ =	swait.ge [sflag:s6], $0x280  }
0x41a: {  	[sflag:s6] =	ssyncset.done $0x0  }
0x41b: {  	[sflag:s6] =	ssyncadd.s32 $0xFFFFFD80  }
0x41c: {  	_ =	swait.ge [sflag:s6], $0x280  }
0x41d: {  	[sflag:s6] =	ssyncset.done $0x0  }
0x41e: {  	[sflag:s6] =	ssyncadd.s32 $0xFFFFFD80  }
0x41f: {  	[bflag:$0x0] =	sbarrier.arrive $0xFFFF  }
0x420: {  	s14 =	rddreg [dreg:$0x1a]  }
0x421: {  	[tilespmem:s4], [sflag:$0x4] =	stream.linear.gather [spmem:s14], $0x2800, $0x38;
	[tilespmem:$0x17680] =	vst v63  }
0x422: {  	_ =	swait.ge [sflag:s7], $0x2800  }
0x423: {  	[sflag:s7] =	ssyncset.done $0x0  }
0x424: {  	s15 =	simm.s32 $0x10110;
	s16 =	simm.s32 $0x0;
	[sflag:s7] =	ssyncadd.s32 $0xFFFFD800  }
0x425: {  	s11 =	sand.u32 $0x3E0, s16;
	v1 =	vld [tilespmem:s15+$0xFFFFEBF0]  }
0x426: {  	v2 =	vld [tilespmem:s11+$0xEF80]  }
0x427: {  	v3 =	vld [tilespmem:s15+$0xFFFFEC00]  }
0x428: {  	v4 =	vld [tilespmem:s11+$0xF200]  }
0x429: {  	v5 =	vld [tilespmem:s15+$0xFFFFEE80]  }
0x42a: {  	v6 =	vld [tilespmem:s11+$0xF480]  }
0x42b: {  	v1 =	vadd.f32 v2, v1;
	v2 =	vld [tilespmem:s15+$0xFFFFF100]  }
0x42c: {  	v7 =	vld [tilespmem:s11+$0xF700]  }
0x42d: {  	v1 =	vadd.f32 v4, v1;
	v4 =	vld [tilespmem:s15+$0xFFFFF380]  }
0x42e: {  	v8 =	vld [tilespmem:s11+$0xF980];
	v3 =	vadd.f32 v5, v3  }
0x42f: {  	v5 =	vld [tilespmem:s15+$0xFFFFF600];
	v1 =	vadd.f32 v6, v1  }
0x430: {  	v6 =	vld [tilespmem:s11+$0xFC00];
	v2 =	vadd.f32 v2, v3  }
0x431: {  	v3 =	vld [tilespmem:s15+$0xFFFFF880];
	v1 =	vadd.f32 v7, v1  }
0x432: {  	v7 =	vld [tilespmem:s11+$0xFE80];
	v2 =	vadd.f32 v4, v2  }
0x433: {  	v4 =	vld [tilespmem:s15+$0xFFFFFB00];
	v1 =	vadd.f32 v8, v1  }
0x434: {  	v8 =	vld [tilespmem:s11+$0x10100];
	v2 =	vadd.f32 v5, v2  }
0x435: {  	v5 =	vld [tilespmem:s15+$0xFFFFFD80];
	v1 =	vadd.f32 v6, v1  }
0x436: {  	v6 =	vld [tilespmem:s11+$0x10380];
	v2 =	vadd.f32 v3, v2  }
0x437: {  	v3 =	vld [tilespmem:s15+$0x0];
	v1 =	vadd.f32 v7, v1  }
0x438: {  	v7 =	vld [tilespmem:s11+$0x10600];
	v2 =	vadd.f32 v4, v2  }
0x439: {  	v4 =	vld [tilespmem:s15+$0x280];
	v1 =	vadd.f32 v8, v1  }
0x43a: {  	v8 =	vld [tilespmem:s11+$0x10880];
	v2 =	vadd.f32 v5, v2  }
0x43b: {  	v5 =	vld [tilespmem:s15+$0x500];
	v1 =	vadd.f32 v6, v1  }
0x43c: {  	v6 =	vld [tilespmem:s11+$0x10B00];
	v2 =	vadd.f32 v3, v2  }
0x43d: {  	v3 =	vld [tilespmem:s15+$0x780];
	v1 =	vadd.f32 v7, v1  }
0x43e: {  	v7 =	vld [tilespmem:s11+$0x10D80];
	v2 =	vadd.f32 v4, v2  }
0x43f: {  	v4 =	vld [tilespmem:s15+$0xA00];
	v1 =	vadd.f32 v8, v1  }
0x440: {  	v8 =	vld [tilespmem:s11+$0x11000];
	v2 =	vadd.f32 v5, v2  }
0x441: {  	v5 =	vld [tilespmem:s15+$0xC80];
	v1 =	vadd.f32 v6, v1  }
0x442: {  	v6 =	vld [tilespmem:s11+$0x11280];
	v2 =	vadd.f32 v3, v2  }
0x443: {  	s14 =	simm.s32 $0x10130;
	v3 =	vld [tilespmem:s15+$0xF00];
	v1 =	vadd.f32 v7, v1  }
0x444: {  	s17 =	simm.s32 $0x20;
	v7 =	vld [tilespmem:s14+$0xFFFFEBF0];
	v2 =	vadd.f32 v4, v2  }
0x445: {  	s18 =	sand.u32 $0x3E0, s17;
	v4 =	vld [tilespmem:s15+$0x1180];
	v1 =	vadd.f32 v8, v1  }
0x446: {  	v8 =	vld [tilespmem:s18+$0xEF80];
	v2 =	vadd.f32 v5, v2  }
0x447: {  	v5 =	vld [tilespmem:s14+$0xFFFFEC00];
	v1 =	vadd.f32 v6, v1  }
0x448: {  	v6 =	vld [tilespmem:s18+$0xF200];
	v2 =	vadd.f32 v3, v2  }
0x449: {  	v3 =	vld [tilespmem:s14+$0xFFFFEE80];
	v1 =	vadd.f32 $1.000000000e+00, v1  }
0x44a: {  	v9 =	vld [tilespmem:s18+$0xF480];
	v2 =	vadd.f32 v4, v2  }
0x44b: {  	v4 =	vadd.f32 v8, v7;
	v7 =	vld [tilespmem:s14+$0xFFFFF100];
	v8 =	vshrl.u32 v1, $0x1;
	v1 =	vmul.f32 $5.000000000e-01, v1  }
0x44c: {  	v10 =	vld [tilespmem:s18+$0xF700];
	v8 =	vsub.s32 $0x5F3759DF, v8;
	v2 =	vadd.f32 $1.000000000e+00, v2  }
0x44d: {  	v4 =	vadd.f32 v6, v4;
	v6 =	vld [tilespmem:s14+$0xFFFFF380];
	v11 =	vmul.f32 v8, v1  }
0x44e: {  	v12 =	vld [tilespmem:s18+$0xF980];
	v3 =	vadd.f32 v3, v5;
	v5 =	vshrl.u32 v2, $0x1;
	v2 =	vmul.f32 $5.000000000e-01, v2  }
0x44f: {  	v4 =	vadd.f32 v9, v4;
	v9 =	vld [tilespmem:s14+$0xFFFFF600];
	v5 =	vsub.s32 $0x5F3759DF, v5;
	v11 =	vmul.f32 v8, v11  }
0x450: {  	v13 =	vld [tilespmem:s18+$0xFC00];
	v3 =	vadd.f32 v7, v3;
	v7 =	vmul.f32 v5, v2  }
0x451: {  	v4 =	vadd.f32 v10, v4;
	v10 =	vld [tilespmem:s14+$0xFFFFF880];
	v11 =	vsub.f32 $1.500000000e+00, v11  }
0x452: {  	v14 =	vld [tilespmem:s18+$0xFE80];
	v3 =	vadd.f32 v6, v3;
	v6 =	vmul.f32 v5, v7  }
0x453: {  	v4 =	vadd.f32 v12, v4;
	v7 =	vld [tilespmem:s14+$0xFFFFFB00];
	v8 =	vmul.f32 v8, v11  }
0x454: {  	v11 =	vld [tilespmem:s18+$0x10100];
	v3 =	vadd.f32 v9, v3;
	v6 =	vsub.f32 $1.500000000e+00, v6  }
0x455: {  	v9 =	vld [tilespmem:s14+$0xFFFFFD80];
	v4 =	vadd.f32 v13, v4;
	v57 =	vmul.f32 v8, v1  }
0x456: {  	v58 =	vld [tilespmem:s18+$0x10380];
	v3 =	vadd.f32 v10, v3;
	v5 =	vmul.f32 v5, v6  }
0x457: {  	v4 =	vadd.f32 v14, v4;
	v6 =	vld [tilespmem:s14+$0x0];
	v10 =	vmul.f32 v57, v8  }
0x458: {  	v59 =	vld [tilespmem:s18+$0x10600];
	v3 =	vadd.f32 v7, v3;
	v7 =	vmul.f32 v5, v2  }
0x459: {  	v4 =	vadd.f32 v11, v4;
	v11 =	vld [tilespmem:s14+$0x280];
	v10 =	vsub.f32 $1.500000000e+00, v10  }
0x45a: {  	v60 =	vld [tilespmem:s18+$0x10880];
	v3 =	vadd.f32 v9, v3;
	v7 =	vmul.f32 v7, v5  }
0x45b: {  	v9 =	vld [tilespmem:s14+$0x500];
	v4 =	vadd.f32 v58, v4;
	v10 =	vmul.f32 v10, v8  }
0x45c: {  	v8 =	vld [tilespmem:s18+$0x10B00];
	v3 =	vadd.f32 v6, v3;
	v6 =	vsub.f32 $1.500000000e+00, v7  }
0x45d: {  	v4 =	vadd.f32 v59, v4;
	v7 =	vld [tilespmem:s14+$0x780];
	v61 =	vmul.f32 v10, v1  }
0x45e: {  	v62 =	vld [tilespmem:s18+$0x10D80];
	v3 =	vadd.f32 v11, v3;
	v1 =	vmul.f32 v6, v5  }
0x45f: {  	v11 =	vld [tilespmem:s14+$0xA00];
	v5 =	vadd.f32 v60, v4;
	v12 =	vmul.f32 v61, v10  }
0x460: {  	v4 =	vld [tilespmem:s18+$0x11000];
	v3 =	vadd.f32 v9, v3;
	v2 =	vmul.f32 v1, v2  }
0x461: {  	v6 =	vld [tilespmem:s14+$0xC80];
	v8 =	vadd.f32 v8, v5;
	v12 =	vsub.f32 $1.500000000e+00, v12  }
0x462: {  	v5 =	vld [tilespmem:s18+$0x11280];
	v3 =	vadd.f32 v7, v3;
	v63 =	vmul.f32 v2, v1  }
0x463: {  	s13 =	simm.s32 $0x2;
	v9 =	vadd.f32 v62, v8;
	v8 =	vld [tilespmem:s14+$0xF00];
	v2 =	vmul.f32 v12, v10  }
0x464: {  	s11 =	simm.s32 $0x14710;
	s15 =	simm.s32 $0x40;
	v7 =	vld [tilespmem:s14+$0x1180];
	s14 =	simm.s32 $0x10150;
	v10 =	vadd.f32 v11, v3;
	v3 =	vsub.f32 $1.500000000e+00, v63  }
.LBB2_40:
0x465: {  	v11 =	vld [tilespmem:s14+$0xFFFFEBF0];
	s16 =	sand.u32 $0x3E0, s15;
	s13 =	sadd.s32 $0x2, s13;
	v4 =	vadd.f32 v4, v9;
	[tilespmem:s11+$0xFFFFFFF0] =	vst v2  }
0x466: {  	v2 =	vld [tilespmem:s16+$0xEF80];
	p0 =	slt.u32 s13, $0x26;
	v6 =	vadd.f32 v6, v10;
	v1 =	vmul.f32 v3, v1  }
0x467: {  	v3 =	vld [tilespmem:s14+$0xFFFFEC00];
	v4 =	vadd.f32 v5, v4  }
0x468: {  	v5 =	vld [tilespmem:s16+$0xF200];
	v6 =	vadd.f32 v8, v6;
	[tilespmem:s11+$0x0] =	vst v1  }
0x469: {  	v1 =	vld [tilespmem:s14+$0xFFFFEE80];
	v4 =	vadd.f32 $1.000000000e+00, v4  }
0x46a: {  	v8 =	vld [tilespmem:s16+$0xF480];
	v6 =	vadd.f32 v7, v6  }
0x46b: {  	v2 =	vadd.f32 v2, v11;
	v7 =	vld [tilespmem:s14+$0xFFFFF100];
	v9 =	vshrl.u32 v4, $0x1;
	v4 =	vmul.f32 $5.000000000e-01, v4  }
0x46c: {  	v10 =	vld [tilespmem:s16+$0xF700];
	v9 =	vsub.s32 $0x5F3759DF, v9;
	v6 =	vadd.f32 $1.000000000e+00, v6  }
0x46d: {  	v2 =	vadd.f32 v5, v2;
	v5 =	vld [tilespmem:s14+$0xFFFFF380];
	v11 =	vmul.f32 v9, v4  }
0x46e: {  	v12 =	vld [tilespmem:s16+$0xF980];
	v1 =	vadd.f32 v1, v3;
	v3 =	vshrl.u32 v6, $0x1;
	v6 =	vmul.f32 $5.000000000e-01, v6  }
0x46f: {  	v2 =	vadd.f32 v8, v2;
	v8 =	vld [tilespmem:s14+$0xFFFFF600];
	v11 =	vmul.f32 v9, v11;
	v3 =	vsub.s32 $0x5F3759DF, v3  }
0x470: {  	v13 =	vld [tilespmem:s16+$0xFC00];
	v1 =	vadd.f32 v7, v1;
	v7 =	vmul.f32 v3, v6  }
0x471: {  	v2 =	vadd.f32 v10, v2;
	v10 =	vld [tilespmem:s14+$0xFFFFF880];
	v11 =	vsub.f32 $1.500000000e+00, v11  }
0x472: {  	v14 =	vld [tilespmem:s16+$0xFE80];
	v1 =	vadd.f32 v5, v1;
	v5 =	vmul.f32 v3, v7  }
0x473: {  	v2 =	vadd.f32 v12, v2;
	v7 =	vld [tilespmem:s14+$0xFFFFFB00];
	v9 =	vmul.f32 v9, v11  }
0x474: {  	v11 =	vld [tilespmem:s16+$0x10100];
	v1 =	vadd.f32 v8, v1;
	v5 =	vsub.f32 $1.500000000e+00, v5  }
0x475: {  	v2 =	vadd.f32 v13, v2;
	v8 =	vld [tilespmem:s14+$0xFFFFFD80];
	v12 =	vmul.f32 v9, v4  }
0x476: {  	v13 =	vld [tilespmem:s16+$0x10380];
	v1 =	vadd.f32 v10, v1;
	v3 =	vmul.f32 v3, v5  }
0x477: {  	v2 =	vadd.f32 v14, v2;
	v5 =	vld [tilespmem:s14+$0x0];
	v10 =	vmul.f32 v12, v9  }
0x478: {  	v12 =	vld [tilespmem:s16+$0x10600];
	v1 =	vadd.f32 v7, v1;
	v7 =	vmul.f32 v3, v6  }
0x479: {  	v2 =	vadd.f32 v11, v2;
	v11 =	vld [tilespmem:s14+$0x280];
	v10 =	vsub.f32 $1.500000000e+00, v10  }
0x47a: {  	v14 =	vld [tilespmem:s16+$0x10880];
	v1 =	vadd.f32 v8, v1;
	v7 =	vmul.f32 v7, v3  }
0x47b: {  	v2 =	vadd.f32 v13, v2;
	v8 =	vld [tilespmem:s14+$0x500];
	v10 =	vmul.f32 v10, v9  }
0x47c: {  	v9 =	vld [tilespmem:s16+$0x10B00];
	v1 =	vadd.f32 v5, v1;
	v5 =	vsub.f32 $1.500000000e+00, v7  }
0x47d: {  	v2 =	vadd.f32 v12, v2;
	v7 =	vld [tilespmem:s14+$0x780];
	v4 =	vmul.f32 v10, v4  }
0x47e: {  	v12 =	vld [tilespmem:s16+$0x10D80];
	v11 =	vadd.f32 v11, v1;
	v1 =	vmul.f32 v5, v3  }
0x47f: {  	v2 =	vadd.f32 v14, v2;
	v3 =	vld [tilespmem:s14+$0xA00];
	v5 =	vmul.f32 v4, v10  }
.Ltmp21:
0x480: {  	v4 =	vld [tilespmem:s16+$0x11000];
	v8 =	vadd.f32 v8, v11;
	v11 =	vmul.f32 v1, v6;
	(pc) =	sbr.rel @p0 .LBB2_40-.Ltmp21, $4  }
0x481: {  	v2 =	vadd.f32 v9, v2;
	v6 =	vld [tilespmem:s14+$0xC80];
	v13 =	vsub.f32 $1.500000000e+00, v5  }
0x482: {  	v5 =	vld [tilespmem:s16+$0x11280];
	v7 =	vadd.f32 v7, v8;
	v11 =	vmul.f32 v11, v1  }
0x483: {  	v9 =	vadd.f32 v12, v2;
	v8 =	vld [tilespmem:s14+$0xF00];
	v2 =	vmul.f32 v13, v10  }
0x484: {  	s15 =	sadd.s32 $0x20, s15;
	s11 =	sadd.s32 $0x20, s11;
	v10 =	vadd.f32 v3, v7;
	v7 =	vld [tilespmem:s14+$0x1180];
	s14 =	sadd.s32 $0x20, s14;
	v3 =	vsub.f32 $1.500000000e+00, v11  }
0x485: {  	_ = 	snop  }
0x486: {  	v6 =	vadd.f32 v6, v10  }
0x487: {  	v4 =	vadd.f32 v4, v9  }
0x488: {  	v6 =	vadd.f32 v8, v6  }
0x489: {  	v4 =	vadd.f32 v5, v4  }
0x48a: {  	v5 =	vadd.f32 v7, v6  }
0x48b: {  	v4 =	vadd.f32 $1.000000000e+00, v4  }
0x48c: {  	v5 =	vadd.f32 $1.000000000e+00, v5  }
0x48d: {  	v6 =	vshrl.u32 v4, $0x1;
	v4 =	vmul.f32 $5.000000000e-01, v4  }
0x48e: {  	v6 =	vsub.s32 $0x5F3759DF, v6;
	v7 =	vshrl.u32 v5, $0x1;
	v5 =	vmul.f32 $5.000000000e-01, v5  }
0x48f: {  	v8 =	vmul.f32 v6, v4;
	v7 =	vsub.s32 $0x5F3759DF, v7  }
0x490: {  	v9 =	vmul.f32 v7, v5  }
0x491: {  	v8 =	vmul.f32 v6, v8  }
0x492: {  	v9 =	vmul.f32 v7, v9  }
0x493: {  	v8 =	vsub.f32 $1.500000000e+00, v8  }
0x494: {  	v9 =	vsub.f32 $1.500000000e+00, v9  }
0x495: {  	v6 =	vmul.f32 v6, v8  }
0x496: {  	v7 =	vmul.f32 v7, v9  }
0x497: {  	v8 =	vmul.f32 v6, v4  }
0x498: {  	v9 =	vmul.f32 v7, v5  }
0x499: {  	v8 =	vmul.f32 v8, v6  }
0x49a: {  	v9 =	vmul.f32 v9, v7  }
0x49b: {  	v8 =	vsub.f32 $1.500000000e+00, v8  }
0x49c: {  	v9 =	vsub.f32 $1.500000000e+00, v9  }
0x49d: {  	v6 =	vmul.f32 v8, v6  }
0x49e: {  	v7 =	vmul.f32 v9, v7  }
0x49f: {  	v4 =	vmul.f32 v6, v4  }
0x4a0: {  	v5 =	vmul.f32 v7, v5  }
0x4a1: {  	v4 =	vmul.f32 v4, v6  }
0x4a2: {  	v5 =	vmul.f32 v5, v7  }
0x4a3: {  	v4 =	vsub.f32 $1.500000000e+00, v4  }
0x4a4: {  	v1 =	vmul.f32 v3, v1;
	v3 =	vsub.f32 $1.500000000e+00, v5  }
0x4a5: {  	[tilespmem:s11+$0xFFFFFFF0] =	vst v2;
	v2 =	vmul.f32 v4, v6  }
0x4a6: {  	s10 =	sadd.s32 $0x20, s11;
	[tilespmem:s11+$0x0] =	vst v1;
	v1 =	vmul.f32 v3, v7  }
0x4a7: {  	[tilespmem:s10+$0xFFFFFFF0] =	vst v2  }
0x4a8: {  	[tilespmem:s10+$0x0] =	vst v1  }
0x4a9: {  	s10 =	sld [smem:$0x7FA];
	_ =	sdelay $0x1  }
0x4aa: {  	s18 =	simm.s32 $0x14700  }
0x4ab: {  	[spmem:s10] =	stream.linear.scatter [tilespmem:s18], [sflag:$0x4], $0x280, $0x38;
	[tilespmem:$0x17680] =	vst v63  }
0x4ac: {  	_ =	swait.ge [sflag:s7], $0x280  }
0x4ad: {  	[sflag:s7] =	ssyncset.done $0x0  }
0x4ae: {  	[sflag:s7] =	ssyncadd.s32 $0xFFFFFD80  }
0x4af: {  	[bflag:$0x0] =	sbarrier.arrive $0xFFFF  }
0x4b0: {  	s13 =	rddreg [dreg:$0x6]  }
0x4b1: {  	[tilespmem:s4], [sflag:$0x4] =	stream.linear.gather [spmem:s13], $0x2800, $0x38;
	[tilespmem:$0x17680] =	vst v63  }
0x4b2: {  	_ =	swait.ge [sflag:s7], $0x2800  }
0x4b3: {  	[sflag:s7] =	ssyncset.done $0x0  }
0x4b4: {  	[sflag:s7] =	ssyncadd.s32 $0xFFFFD800  }
0x4b5: {  	_ =	swait.ge [sflag:s8], $0x2710  }
0x4b6: {  	[sflag:s8] =	ssyncset.done $0x0  }
0x4b7: {  	[sflag:s8] =	ssyncadd.s32 $0xFFFFD8F0  }
0x4b8: {  	_ =	swait.ge [sflag:s8], $0x2710  }
0x4b9: {  	[sflag:s8] =	ssyncset.done $0x0  }
0x4ba: {  	[sflag:s8] =	ssyncadd.s32 $0xFFFFD8F0  }
0x4bb: {  	_ =	swait.ge [sflag:s8], $0x2710  }
0x4bc: {  	[sflag:s8] =	ssyncset.done $0x0  }
0x4bd: {  	[sflag:s8] =	ssyncadd.s32 $0xFFFFD8F0  }
0x4be: {  	_ =	swait.ge [sflag:s8], $0x2710  }
0x4bf: {  	[sflag:s8] =	ssyncset.done $0x0  }
0x4c0: {  	s14 =	simm.s32 $0xED20;
	[sflag:s8] =	ssyncadd.s32 $0xFFFFD8F0  }
0x4c1: {  	s15 =	simm.s32 $0x4F20;
	v1 =	vld [tilespmem:s14+$0x10]  }
0x4c2: {  	s16 =	simm.s32 $0x76A0;
	v2 =	vld [tilespmem:s15+$0x10]  }
0x4c3: {  	v3 =	vld [tilespmem:s16+$0x10]  }
0x4c4: {  	v4 =	vld [tilespmem:s15+$0xFFFFFFE0]  }
0x4c5: {  	v6 =	vld [tilespmem:s14+$0xFFFFFFF0]  }
0x4c6: {  	v7 =	vld [tilespmem:s15+$0xFFFFFFF0]  }
0x4c7: {  	v8 =	vld [tilespmem:s16+$0xFFFFFFF0]  }
0x4c8: {  	v9 =	vld [tilespmem:s14+$0x0]  }
0x4c9: {  	v10 =	vld [tilespmem:s16+$0x0];
	v2 =	vmul.f32 v2, v1  }
0x4ca: {  	v1 =	vmul.f32 v3, v1;
	v3 =	vld [tilespmem:s15+$0x0]  }
0x4cb: {  	v11 =	vld [tilespmem:s14+$0xFFFFFFE0];
	[tilespmem:s15+$0x10] =	vst v2  }
0x4cc: {  	s17 =	simm.s32 $0xED60;
	s11 =	simm.s32 $0x20;
	v5 =	vld [tilespmem:s16+$0xFFFFFFE0];
	[tilespmem:s16+$0x10] =	vst v1;
	v1 =	vpack.i.f32.bf16 v1, v2;
	v2 =	vmul.f32 v7, v6  }
0x4cd: {  	s13 =	simm.s32 $0x4F60;
	v7 =	vld [tilespmem:s17+$0x10];
	[tilespmem:s11+$0x10] =	vst v1;
	v1 =	vmul.f32 v8, v6  }
0x4ce: {  	s14 =	simm.s32 $0x76E0;
	v6 =	vld [tilespmem:s13+$0x10];
	[tilespmem:s15+$0xFFFFFFF0] =	vst v2  }
0x4cf: {  	v8 =	vld [tilespmem:s14+$0x10];
	v12 =	vmul.f32 v3, v9;
	[tilespmem:s16+$0xFFFFFFF0] =	vst v1;
	v1 =	vpack.i.f32.bf16 v1, v2  }
0x4d0: {  	v13 =	vld [tilespmem:s13+$0xFFFFFFF0];
	v9 =	vmul.f32 v10, v9;
	v10 =	vmul.f32 v4, v11;
	[tilespmem:s11+$0xFFFFFFF0] =	vst v1  }
0x4d1: {  	v4 =	vld [tilespmem:s17+$0xFFFFFFF0];
	[tilespmem:s15+$0x0] =	vst v12  }
0x4d2: {  	v11 =	vmul.f32 v5, v11;
	v3 =	vld [tilespmem:s17+$0x0];
	[tilespmem:s15+$0xFFFFFFE0] =	vst v10  }
0x4d3: {  	v2 =	vld [tilespmem:s13+$0xFFFFFFE0];
	[tilespmem:s16+$0x0] =	vst v9;
	v5 =	vmul.f32 v6, v7  }
0x4d4: {  	[tilespmem:s16+$0xFFFFFFE0] =	vst v11;
	v6 =	vld [tilespmem:s14+$0xFFFFFFF0];
	v7 =	vmul.f32 v8, v7  }
0x4d5: {  	v1 =	vld [tilespmem:s14+$0xFFFFFFE0];
	[tilespmem:s13+$0x10] =	vst v5  }
0x4d6: {  	v11 =	vpack.i.f32.bf16 v11, v10;
	[tilespmem:s14+$0x10] =	vst v7;
	v7 =	vpack.i.f32.bf16 v7, v5;
	v5 =	vld [tilespmem:s13+$0x0]  }
0x4d7: {  	s18 =	simm.s32 $0x4;
	s15 =	simm.s32 $0x60;
	v8 =	vld [tilespmem:s14+$0x0];
	[tilespmem:s11+$0xFFFFFFE0] =	vst v11  }
0x4d8: {  	s10 =	simm.s32 $0xEDA0;
	v9 =	vpack.i.f32.bf16 v9, v12;
	s16 =	simm.s32 $0x76E0;
	v10 =	vmul.f32 v13, v4;
	[tilespmem:s15+$0x10] =	vst v7;
	v7 =	vld [tilespmem:s17+$0xFFFFFFE0];
	s17 =	simm.s32 $0x4F60  }
.LBB2_42:
0x4d9: {  	v11 =	vld [tilespmem:s10+$0x10];
	v4 =	vmul.f32 v6, v4;
	s13 =	sadd.s32 $0x40, s13;
	[tilespmem:s11+$0x0] =	vst v9;
	s11 =	smov.u32 s15  }
0x4da: {  	s14 =	sadd.s32 $0x40, s14;
	v6 =	vld [tilespmem:s13+$0x10];
	[tilespmem:s17+$0xFFFFFFF0] =	vst v10  }
0x4db: {  	s18 =	sadd.s32 $0x4, s18;
	v12 =	vld [tilespmem:s14+$0x10];
	[tilespmem:s16+$0xFFFFFFF0] =	vst v4;
	v4 =	vpack.i.f32.bf16 v4, v10;
	v5 =	vmul.f32 v5, v3  }
0x4dc: {  	p0 =	slt.u32 s18, $0x26C;
	v10 =	vld [tilespmem:s13+$0xFFFFFFE0];
	[tilespmem:s15+$0xFFFFFFF0] =	vst v4;
	v3 =	vmul.f32 v8, v3  }
0x4dd: {  	v2 =	vmul.f32 v2, v7;
	v7 =	vmul.f32 v1, v7;
	v1 =	vld [tilespmem:s14+$0xFFFFFFE0];
	[tilespmem:s17+$0x0] =	vst v5  }
0x4de: {  	v4 =	vld [tilespmem:s10+$0xFFFFFFF0];
	[tilespmem:s16+$0x0] =	vst v3;
	v9 =	vpack.i.f32.bf16 v3, v5  }
0x4df: {  	v13 =	vld [tilespmem:s13+$0xFFFFFFF0];
	v8 =	vmul.f32 v6, v11;
	[tilespmem:s17+$0xFFFFFFE0] =	vst v2;
	v14 =	vpack.i.f32.bf16 v7, v2;
	s17 =	smov.u32 s13  }
.Ltmp22:
0x4e0: {  	v6 =	vld [tilespmem:s14+$0xFFFFFFF0];
	v11 =	vmul.f32 v12, v11;
	[tilespmem:s16+$0xFFFFFFE0] =	vst v7;
	s16 =	smov.u32 s14;
	(pc) =	sbr.rel @p0 .LBB2_42-.Ltmp22, $4  }
0x4e1: {  	v3 =	vld [tilespmem:s10+$0x0];
	[tilespmem:s13+$0x10] =	vst v8;
	v2 =	vmov v10  }
0x4e2: {  	s15 =	sadd.s32 $0x40, s15;
	v5 =	vld [tilespmem:s13+$0x0];
	[tilespmem:s14+$0x10] =	vst v11;
	v7 =	vpack.i.f32.bf16 v11, v8  }
0x4e3: {  	v8 =	vld [tilespmem:s14+$0x0];
	[tilespmem:s15+$0x10] =	vst v7  }
0x4e4: {  	v7 =	vld [tilespmem:s10+$0xFFFFFFE0];
	v10 =	vmul.f32 v13, v4;
	s10 =	sadd.s32 $0x40, s10;
	[tilespmem:s11+$0xFFFFFFE0] =	vst v14  }
0x4e5: {  	v4 =	vmul.f32 v6, v4;
	[tilespmem:s11+$0x0] =	vst v9  }
0x4e6: {  	[tilespmem:s17+$0xFFFFFFF0] =	vst v10  }
0x4e7: {  	[tilespmem:s16+$0xFFFFFFF0] =	vst v4;
	v4 =	vpack.i.f32.bf16 v4, v10;
	v5 =	vmul.f32 v5, v3  }
0x4e8: {  	[tilespmem:s15+$0xFFFFFFF0] =	vst v4;
	v3 =	vmul.f32 v8, v3  }
0x4e9: {  	v2 =	vmul.f32 v2, v7;
	[tilespmem:s17+$0x0] =	vst v5  }
0x4ea: {  	v1 =	vmul.f32 v1, v7;
	[tilespmem:s16+$0x0] =	vst v3  }
0x4eb: {  	[tilespmem:s17+$0xFFFFFFE0] =	vst v2  }
0x4ec: {  	v2 =	vpack.i.f32.bf16 v1, v2;
	[tilespmem:s16+$0xFFFFFFE0] =	vst v1  }
0x4ed: {  	v1 =	vpack.i.f32.bf16 v3, v5;
	[tilespmem:s15+$0xFFFFFFE0] =	vst v2  }
0x4ee: {  	[tilespmem:s15+$0x0] =	vst v1  }
0x4ef: {  	v1 =	vld [tilespmem:$0x11400]  }
0x4f0: {  	v2 =	vld [tilespmem:$0x7600]  }
0x4f1: {  	v3 =	vld [tilespmem:$0x9D80];
	_ =	sdelay $0x3  }
0x4f2: {  	v2 =	vmul.f32 v2, v1  }
0x4f3: {  	v1 =	vmul.f32 v3, v1  }
0x4f4: {  	[tilespmem:$0x7600] =	vst v2  }
0x4f5: {  	[tilespmem:$0x9D80] =	vst v1;
	v1 =	vpack.i.f32.bf16 v1, v2  }
0x4f6: {  	s10 =	simm.s32 $0xED20;
	[tilespmem:$0x2700] =	vst v1  }
0x4f7: {  	s16 =	simm.s32 $0x9E20;
	v1 =	vld [tilespmem:s10+$0x10]  }
0x4f8: {  	s18 =	simm.s32 $0xC5A0;
	v2 =	vld [tilespmem:s16+$0x10]  }
0x4f9: {  	v3 =	vld [tilespmem:s18+$0x10]  }
0x4fa: {  	v4 =	vld [tilespmem:s16+$0xFFFFFFE0]  }
0x4fb: {  	v6 =	vld [tilespmem:s10+$0xFFFFFFF0]  }
0x4fc: {  	v7 =	vld [tilespmem:s16+$0xFFFFFFF0]  }
0x4fd: {  	v8 =	vld [tilespmem:s18+$0xFFFFFFF0]  }
0x4fe: {  	v9 =	vld [tilespmem:s10+$0x0]  }
0x4ff: {  	v10 =	vld [tilespmem:s18+$0x0];
	v2 =	vmul.f32 v2, v1  }
0x500: {  	v1 =	vmul.f32 v3, v1;
	v3 =	vld [tilespmem:s16+$0x0]  }
0x501: {  	v11 =	vld [tilespmem:s10+$0xFFFFFFE0];
	[tilespmem:s16+$0x10] =	vst v2  }
0x502: {  	s11 =	simm.s32 $0x27A0;
	s17 =	simm.s32 $0xED60;
	v5 =	vld [tilespmem:s18+$0xFFFFFFE0];
	[tilespmem:s18+$0x10] =	vst v1;
	v1 =	vpack.i.f32.bf16 v1, v2;
	v2 =	vmul.f32 v7, v6  }
0x503: {  	s13 =	simm.s32 $0x9E60;
	v7 =	vld [tilespmem:s17+$0x10];
	[tilespmem:s11+$0x10] =	vst v1;
	v1 =	vmul.f32 v8, v6  }
0x504: {  	s14 =	simm.s32 $0xC5E0;
	v6 =	vld [tilespmem:s13+$0x10];
	[tilespmem:s16+$0xFFFFFFF0] =	vst v2  }
0x505: {  	v8 =	vld [tilespmem:s14+$0x10];
	v12 =	vmul.f32 v3, v9;
	[tilespmem:s18+$0xFFFFFFF0] =	vst v1;
	v1 =	vpack.i.f32.bf16 v1, v2  }
0x506: {  	v13 =	vld [tilespmem:s13+$0xFFFFFFF0];
	v9 =	vmul.f32 v10, v9;
	v10 =	vmul.f32 v4, v11;
	[tilespmem:s11+$0xFFFFFFF0] =	vst v1  }
0x507: {  	v4 =	vld [tilespmem:s17+$0xFFFFFFF0];
	[tilespmem:s16+$0x0] =	vst v12  }
0x508: {  	v11 =	vmul.f32 v5, v11;
	v3 =	vld [tilespmem:s17+$0x0];
	[tilespmem:s16+$0xFFFFFFE0] =	vst v10  }
0x509: {  	v2 =	vld [tilespmem:s13+$0xFFFFFFE0];
	[tilespmem:s18+$0x0] =	vst v9;
	v5 =	vmul.f32 v6, v7  }
0x50a: {  	[tilespmem:s18+$0xFFFFFFE0] =	vst v11;
	v6 =	vld [tilespmem:s14+$0xFFFFFFF0];
	v7 =	vmul.f32 v8, v7  }
0x50b: {  	v1 =	vld [tilespmem:s14+$0xFFFFFFE0];
	[tilespmem:s13+$0x10] =	vst v5  }
0x50c: {  	v11 =	vpack.i.f32.bf16 v11, v10;
	[tilespmem:s14+$0x10] =	vst v7;
	v7 =	vpack.i.f32.bf16 v7, v5;
	v5 =	vld [tilespmem:s13+$0x0]  }
0x50d: {  	s15 =	simm.s32 $0x27E0;
	s10 =	simm.s32 $0xEDA0;
	v8 =	vld [tilespmem:s14+$0x0];
	[tilespmem:s11+$0xFFFFFFE0] =	vst v11  }
0x50e: {  	s16 =	simm.s32 $0xC5E0;
	s18 =	simm.s32 $0x4;
	v9 =	vpack.i.f32.bf16 v9, v12;
	v10 =	vmul.f32 v13, v4;
	[tilespmem:s15+$0x10] =	vst v7;
	v7 =	vld [tilespmem:s17+$0xFFFFFFE0];
	s17 =	simm.s32 $0x9E60  }
.LBB2_44:
0x50f: {  	v11 =	vld [tilespmem:s10+$0x10];
	v4 =	vmul.f32 v6, v4;
	s13 =	sadd.s32 $0x40, s13;
	[tilespmem:s11+$0x0] =	vst v9;
	s11 =	smov.u32 s15  }
0x510: {  	s14 =	sadd.s32 $0x40, s14;
	v6 =	vld [tilespmem:s13+$0x10];
	[tilespmem:s17+$0xFFFFFFF0] =	vst v10  }
0x511: {  	s18 =	sadd.s32 $0x4, s18;
	v12 =	vld [tilespmem:s14+$0x10];
	[tilespmem:s16+$0xFFFFFFF0] =	vst v4;
	v4 =	vpack.i.f32.bf16 v4, v10;
	v5 =	vmul.f32 v5, v3  }
0x512: {  	p0 =	slt.u32 s18, $0x26C;
	v10 =	vld [tilespmem:s13+$0xFFFFFFE0];
	[tilespmem:s15+$0xFFFFFFF0] =	vst v4;
	v3 =	vmul.f32 v8, v3  }
0x513: {  	v2 =	vmul.f32 v2, v7;
	v7 =	vmul.f32 v1, v7;
	v1 =	vld [tilespmem:s14+$0xFFFFFFE0];
	[tilespmem:s17+$0x0] =	vst v5  }
0x514: {  	v4 =	vld [tilespmem:s10+$0xFFFFFFF0];
	[tilespmem:s16+$0x0] =	vst v3;
	v9 =	vpack.i.f32.bf16 v3, v5  }
0x515: {  	v13 =	vld [tilespmem:s13+$0xFFFFFFF0];
	v8 =	vmul.f32 v6, v11;
	[tilespmem:s17+$0xFFFFFFE0] =	vst v2;
	v14 =	vpack.i.f32.bf16 v7, v2;
	s17 =	smov.u32 s13  }
.Ltmp23:
0x516: {  	v6 =	vld [tilespmem:s14+$0xFFFFFFF0];
	v11 =	vmul.f32 v12, v11;
	[tilespmem:s16+$0xFFFFFFE0] =	vst v7;
	s16 =	smov.u32 s14;
	(pc) =	sbr.rel @p0 .LBB2_44-.Ltmp23, $4  }
0x517: {  	v3 =	vld [tilespmem:s10+$0x0];
	[tilespmem:s13+$0x10] =	vst v8;
	v2 =	vmov v10  }
0x518: {  	s15 =	sadd.s32 $0x40, s15;
	v5 =	vld [tilespmem:s13+$0x0];
	[tilespmem:s14+$0x10] =	vst v11;
	v7 =	vpack.i.f32.bf16 v11, v8  }
0x519: {  	v8 =	vld [tilespmem:s14+$0x0];
	[tilespmem:s15+$0x10] =	vst v7  }
0x51a: {  	v7 =	vld [tilespmem:s10+$0xFFFFFFE0];
	v10 =	vmul.f32 v13, v4;
	s10 =	sadd.s32 $0x40, s10;
	[tilespmem:s11+$0xFFFFFFE0] =	vst v14  }
0x51b: {  	v4 =	vmul.f32 v6, v4;
	[tilespmem:s11+$0x0] =	vst v9  }
0x51c: {  	[tilespmem:s17+$0xFFFFFFF0] =	vst v10  }
0x51d: {  	[tilespmem:s16+$0xFFFFFFF0] =	vst v4;
	v4 =	vpack.i.f32.bf16 v4, v10;
	v5 =	vmul.f32 v5, v3  }
0x51e: {  	[tilespmem:s15+$0xFFFFFFF0] =	vst v4;
	v3 =	vmul.f32 v8, v3  }
0x51f: {  	v2 =	vmul.f32 v2, v7;
	[tilespmem:s17+$0x0] =	vst v5  }
0x520: {  	v1 =	vmul.f32 v1, v7;
	[tilespmem:s16+$0x0] =	vst v3  }
0x521: {  	[tilespmem:s17+$0xFFFFFFE0] =	vst v2  }
0x522: {  	v2 =	vpack.i.f32.bf16 v1, v2;
	[tilespmem:s16+$0xFFFFFFE0] =	vst v1  }
0x523: {  	v1 =	vpack.i.f32.bf16 v3, v5;
	[tilespmem:s15+$0xFFFFFFE0] =	vst v2  }
0x524: {  	[tilespmem:s15+$0x0] =	vst v1  }
0x525: {  	v1 =	vld [tilespmem:$0x11400]  }
0x526: {  	v2 =	vld [tilespmem:$0xC500]  }
0x527: {  	v3 =	vld [tilespmem:$0xEC80];
	_ =	sdelay $0x3  }
0x528: {  	v2 =	vmul.f32 v2, v1  }
0x529: {  	v1 =	vmul.f32 v3, v1  }
0x52a: {  	[tilespmem:$0xC500] =	vst v2  }
0x52b: {  	[tilespmem:$0xEC80] =	vst v1;
	v1 =	vpack.i.f32.bf16 v1, v2  }
0x52c: {  	s11 =	simm.s32 $0x0;
	[tilespmem:$0x4E80] =	vst v1  }
0x52d: {  	[tilespmem:s29], [sflag:$0x1] =	stream.linear.gather [hbm4b:s23+s11], $0xC80, $0x38;
	[tilespmem:$0x17680] =	vst v63  }
0x52e: {  	_ = 	snop  }
0x52f: {  	[tilespmem:s30], [sflag:$0x1] =	stream.linear.gather [hbm4b:s2+s11], $0xC80, $0x38;
	[tilespmem:$0x17680] =	vst v63  }
.LBB2_46:
0x530: {  	s13 =	smul.u32 $0x1900, s11;
	_ =	sdelay $0x1  }
0x531: {  	s10 =	sshrl.u32 s13, $0x3  }
0x532: {  	s10 =	sadd.s32 $0x190, s10  }
0x533: {  	s14 =	sadd.s32 s23, s10  }
0x534: {  	[tilespmem:s31], [sflag:$0x2] =	stream.linear.gather [hbm4b:s14+s5], $0xC80, $0x38;
	[tilespmem:$0x17680] =	vst v63  }
0x535: {  	s10 =	sadd.s32 s2, s10  }
0x536: {  	[tilespmem:s3], [sflag:$0x2] =	stream.linear.gather [hbm4b:s10+s5], $0xC80, $0x38;
	[tilespmem:$0x17680] =	vst v63  }
0x537: {  	_ =	swait.ge [sflag:s1], $0xC80  }
0x538: {  	[sflag:s1] =	ssyncset.done $0x0  }
0x539: {  	[sflag:s1] =	ssyncadd.s32 $0xFFFFF380  }
0x53a: {  	_ =	swait.ge [sflag:s1], $0xC80  }
0x53b: {  	[sflag:s1] =	ssyncset.done $0x0  }
0x53c: {  	s16 =	simm.s32 $0x11520;
	[sflag:s1] =	ssyncadd.s32 $0xFFFFF380  }
0x53d: {  	v1 =	vld [tilespmem:s16+$0x10]  }
0x53e: {  	v3 =	vld [tilespmem:s16+$0xFFFFFFE0];
	_ =	sdelay $0x3  }
0x53f: {  	v2 =	vld [tilespmem:s16+$0xFFFFFFF0];
	v5 =	vshrl.u32 v1, $0xE  }
0x540: {  	v7 =	vshrl.u32 v3, $0xE  }
0x541: {  	s17 =	simm.s32 $0x12E20;
	v4 =	vld [tilespmem:s16+$0x0]  }
0x542: {  	v10 =	vld [tilespmem:s17+$0x10]  }
0x543: {  	v14 =	vld [tilespmem:s17+$0xFFFFFFE0]  }
0x544: {  	v6 =	vshrl.u32 v2, $0xE;
	v9 =	vld.idx.msk [tilespmem:v5+s5+$0x0], $0xffff  }
0x545: {  	v12 =	vld.idx.msk [tilespmem:v7+s5+$0x0], $0xffff  }
0x546: {  	v16 =	vld [tilespmem:s17+$0xFFFFFFF0];
	v8 =	vshrl.u32 v4, $0xE  }
0x547: {  	s18 =	simm.s32 $0x11560;
	v17 =	vld [tilespmem:s17+$0x0];
	v13 =	vand.u32 $0x3FFF, v1  }
0x548: {  	v55 =	vld [tilespmem:s18+$0x0];
	v3 =	vand.u32 $0x3FFF, v3  }
0x549: {  	s14 =	simm.s32 $0x12E60;
	v11 =	vld.idx.msk [tilespmem:v6+s5+$0x0], $0xffff;
	v1 =	vunpack.i.l.bf16.f32 v9  }
0x54a: {  	v60 =	vld [tilespmem:s14+$0x10];
	v18 =	vunpack.i.l.bf16.f32 v12;
	v1 =	vmul.f32 v1, v10  }
0x54b: {  	v15 =	vld.idx.msk [tilespmem:v8+s5+$0x0], $0xffff;
	v9 =	vunpack.i.u.bf16.f32 v9;
	v18 =	vmul.f32 v18, v14  }
0x54c: {  	v2 =	vand.u32 $0x3FFF, v2;
	v9 =	vmul.f32 v9, v10;
	[tilespmem:v13+s25+$0x0] =	vst.idx.add.f32.msk $0xffff, v1  }
0x54d: {  	v12 =	vunpack.i.u.bf16.f32 v12;
	[tilespmem:v3+s25+$0x0] =	vst.idx.add.f32.msk $0xffff, v18  }
0x54e: {  	v1 =	vand.u32 $0x3FFF, v4;
	v4 =	vunpack.i.l.bf16.f32 v11;
	[tilespmem:v13+s19+$0x0] =	vst.idx.add.f32.msk $0xffff, v9;
	v9 =	vmul.f32 v12, v14  }
0x54f: {  	v11 =	vunpack.i.u.bf16.f32 v11;
	v4 =	vmul.f32 v4, v16;
	v5 =	vld.idx.msk [tilespmem:v5+s9+$0x0], $0xffff  }
0x550: {  	v54 =	vunpack.i.l.bf16.f32 v15;
	v11 =	vmul.f32 v11, v16;
	[tilespmem:v3+s19+$0x0] =	vst.idx.add.f32.msk $0xffff, v9  }
0x551: {  	v12 =	vmul.f32 v54, v17;
	v9 =	vunpack.i.u.bf16.f32 v15;
	[tilespmem:v2+s25+$0x0] =	vst.idx.add.f32.msk $0xffff, v4  }
0x552: {  	v4 =	vmul.f32 v9, v17;
	[tilespmem:v2+s19+$0x0] =	vst.idx.add.f32.msk $0xffff, v11  }
0x553: {  	[tilespmem:v1+s25+$0x0] =	vst.idx.add.f32.msk $0xffff, v12  }
0x554: {  	[tilespmem:v1+s19+$0x0] =	vst.idx.add.f32.msk $0xffff, v4;
	v4 =	vunpack.i.l.bf16.f32 v5  }
0x555: {  	v6 =	vld.idx.msk [tilespmem:v6+s9+$0x0], $0xffff;
	v4 =	vmul.f32 v4, v10  }
0x556: {  	v11 =	vld [tilespmem:s18+$0xFFFFFFE0]  }
0x557: {  	v5 =	vunpack.i.u.bf16.f32 v5;
	[tilespmem:v13+s20+$0x0] =	vst.idx.add.f32.msk $0xffff, v4  }
0x558: {  	v4 =	vmul.f32 v5, v10;
	v5 =	vld [tilespmem:s18+$0x10]  }
0x559: {  	v7 =	vld.idx.msk [tilespmem:v7+s9+$0x0], $0xffff  }
0x55a: {  	v8 =	vld.idx.msk [tilespmem:v8+s9+$0x0], $0xffff;
	v9 =	vunpack.i.l.bf16.f32 v6  }
0x55b: {  	v58 =	vshrl.u32 v11, $0xE;
	v10 =	vld [tilespmem:s18+$0xFFFFFFF0];
	v9 =	vmul.f32 v9, v16  }
0x55c: {  	v6 =	vunpack.i.u.bf16.f32 v6;
	[tilespmem:v13+s21+$0x0] =	vst.idx.add.f32.msk $0xffff, v4  }
0x55d: {  	v6 =	vmul.f32 v6, v16;
	[tilespmem:v2+s20+$0x0] =	vst.idx.add.f32.msk $0xffff, v9;
	v56 =	vshrl.u32 v5, $0xE  }
0x55e: {  	v4 =	vunpack.i.l.bf16.f32 v7;
	v9 =	vld [tilespmem:s14+$0xFFFFFFE0]  }
0x55f: {  	v4 =	vmul.f32 v4, v14;
	[tilespmem:v2+s21+$0x0] =	vst.idx.add.f32.msk $0xffff, v6  }
0x560: {  	v7 =	vunpack.i.u.bf16.f32 v7;
	v19 =	vld.idx.msk [tilespmem:v58+s5+$0x0], $0xffff;
	v57 =	vshrl.u32 v10, $0xE  }
0x561: {  	v7 =	vmul.f32 v7, v14;
	[tilespmem:v3+s20+$0x0] =	vst.idx.add.f32.msk $0xffff, v4  }
0x562: {  	v2 =	vld.idx.msk [tilespmem:v56+s5+$0x0], $0xffff  }
0x563: {  	v4 =	vshrl.u32 v55, $0xE;
	[tilespmem:v3+s21+$0x0] =	vst.idx.add.f32.msk $0xffff, v7;
	v3 =	vunpack.i.l.bf16.f32 v8  }
0x564: {  	v21 =	vand.u32 $0x3FFF, v5;
	v5 =	vand.u32 $0x3FFF, v11;
	v7 =	vld [tilespmem:s14+$0xFFFFFFF0];
	v3 =	vmul.f32 v3, v17  }
0x565: {  	v59 =	vld.idx.msk [tilespmem:v57+s5+$0x0], $0xffff  }
0x566: {  	[tilespmem:v1+s20+$0x0] =	vst.idx.add.f32.msk $0xffff, v3;
	v3 =	vand.u32 $0x3FFF, v10;
	v10 =	vunpack.i.l.bf16.f32 v19  }
0x567: {  	v6 =	vld [tilespmem:s14+$0x0];
	v10 =	vmul.f32 v10, v9;
	v22 =	vunpack.i.l.bf16.f32 v2  }
0x568: {  	v20 =	vld.idx.msk [tilespmem:v4+s5+$0x0], $0xffff;
	v2 =	vunpack.i.u.bf16.f32 v2;
	v11 =	vmul.f32 v22, v60  }
0x569: {  	[tilespmem:v5+s25+$0x0] =	vst.idx.add.f32.msk $0xffff, v10;
	v2 =	vmul.f32 v2, v60  }
0x56a: {  	v61 =	vunpack.i.l.bf16.f32 v59;
	[tilespmem:v21+s25+$0x0] =	vst.idx.add.f32.msk $0xffff, v11  }
0x56b: {  	v12 =	vmul.f32 v61, v7;
	v11 =	vunpack.i.u.bf16.f32 v19;
	[tilespmem:v21+s19+$0x0] =	vst.idx.add.f32.msk $0xffff, v2;
	v2 =	vand.u32 $0x3FFF, v55  }
0x56c: {  	v16 =	vunpack.i.u.bf16.f32 v59;
	v11 =	vmul.f32 v11, v9;
	v13 =	vld.idx.msk [tilespmem:v56+s9+$0x0], $0xffff  }
0x56d: {  	v10 =	vunpack.i.l.bf16.f32 v20;
	v16 =	vmul.f32 v16, v7;
	[tilespmem:v3+s25+$0x0] =	vst.idx.add.f32.msk $0xffff, v12  }
0x56e: {  	v10 =	vmul.f32 v10, v6;
	[tilespmem:v5+s19+$0x0] =	vst.idx.add.f32.msk $0xffff, v11;
	v11 =	vunpack.i.u.bf16.f32 v20  }
0x56f: {  	[tilespmem:v3+s19+$0x0] =	vst.idx.add.f32.msk $0xffff, v16;
	v11 =	vmul.f32 v11, v6  }
0x570: {  	[tilespmem:v2+s25+$0x0] =	vst.idx.add.f32.msk $0xffff, v10  }
0x571: {  	[tilespmem:v2+s19+$0x0] =	vst.idx.add.f32.msk $0xffff, v11;
	v10 =	vunpack.i.l.bf16.f32 v13  }
0x572: {  	v11 =	vld.idx.msk [tilespmem:v58+s9+$0x0], $0xffff;
	v62 =	vunpack.i.u.bf16.f32 v13;
	v63 =	vmul.f32 v10, v60  }
0x573: {  	v10 =	vld.idx.msk [tilespmem:v57+s9+$0x0], $0xffff;
	v12 =	vmul.f32 v62, v60  }
0x574: {  	v8 =	vunpack.i.u.bf16.f32 v8;
	[tilespmem:v21+s20+$0x0] =	vst.idx.add.f32.msk $0xffff, v63  }
0x575: {  	s15 =	simm.s32 $0x4;
	s16 =	simm.s32 $0x115A0;
	v8 =	vmul.f32 v8, v17;
	[tilespmem:v21+s21+$0x0] =	vst.idx.add.f32.msk $0xffff, v12  }
.LBB2_47:
0x576: {  	v12 =	vld [tilespmem:s16+$0x10]  }
0x577: {  	v13 =	vld [tilespmem:s16+$0xFFFFFFF0]  }
0x578: {  	s15 =	sadd.s32 $0x4, s15;
	v15 =	vunpack.i.u.bf16.f32 v11;
	v11 =	vunpack.i.l.bf16.f32 v11;
	v14 =	vld [tilespmem:s16+$0x0]  }
0x579: {  	p0 =	slt.u32 s15, $0xC4;
	v11 =	vmul.f32 v11, v9;
	v17 =	vunpack.i.u.bf16.f32 v10;
	v10 =	vunpack.i.l.bf16.f32 v10;
	v16 =	vld [tilespmem:s16+$0xFFFFFFE0]  }
0x57a: {  	v9 =	vmul.f32 v15, v9;
	v10 =	vmul.f32 v10, v7;
	v15 =	vld.idx.msk [tilespmem:v4+s9+$0x0], $0xffff  }
0x57b: {  	v7 =	vmul.f32 v17, v7;
	v18 =	vshrl.u32 v12, $0xE;
	[tilespmem:v5+s20+$0x0] =	vst.idx.add.f32.msk $0xffff, v11  }
0x57c: {  	v17 =	vshrl.u32 v13, $0xE;
	v11 =	vand.u32 $0x3FFF, v13;
	[tilespmem:v5+s21+$0x0] =	vst.idx.add.f32.msk $0xffff, v9  }
0x57d: {  	v4 =	vshrl.u32 v14, $0xE;
	v9 =	vand.u32 $0x3FFF, v14;
	[tilespmem:v3+s20+$0x0] =	vst.idx.add.f32.msk $0xffff, v10  }
0x57e: {  	v10 =	vshrl.u32 v16, $0xE;
	v5 =	vand.u32 $0x3FFF, v16;
	[tilespmem:v3+s21+$0x0] =	vst.idx.add.f32.msk $0xffff, v7;
	v3 =	vmov v11  }
0x57f: {  	[tilespmem:v1+s21+$0x0] =	vst.idx.add.f32.msk $0xffff, v8;
	v1 =	vmov v2;
	v2 =	vmov v9  }
0x580: {  	v7 =	vunpack.i.u.bf16.f32 v15;
	v8 =	vunpack.i.l.bf16.f32 v15;
	v11 =	vld.idx.msk [tilespmem:v18+s5+$0x0], $0xffff  }
0x581: {  	s14 =	sadd.s32 $0x40, s14;
	v14 =	vmul.f32 v8, v6;
	v8 =	vmul.f32 v7, v6;
	v13 =	vld.idx.msk [tilespmem:v17+s5+$0x0], $0xffff  }
0x582: {  	v15 =	vld [tilespmem:s14+$0x10]  }
0x583: {  	v16 =	vld.idx.msk [tilespmem:v10+s5+$0x0], $0xffff  }
0x584: {  	v12 =	vand.u32 $0x3FFF, v12;
	v19 =	vld.idx.msk [tilespmem:v4+s5+$0x0], $0xffff  }
0x585: {  	v9 =	vld [tilespmem:s14+$0xFFFFFFE0]  }
0x586: {  	v20 =	vunpack.i.l.bf16.f32 v11;
	v7 =	vld [tilespmem:s14+$0xFFFFFFF0]  }
0x587: {  	v11 =	vunpack.i.u.bf16.f32 v11;
	v21 =	vunpack.i.u.bf16.f32 v13;
	v6 =	vld [tilespmem:s14+$0x0];
	v20 =	vmul.f32 v20, v15  }
0x588: {  	v13 =	vunpack.i.l.bf16.f32 v13;
	v11 =	vmul.f32 v11, v15;
	[tilespmem:v1+s20+$0x0] =	vst.idx.add.f32.msk $0xffff, v14  }
0x589: {  	v14 =	vunpack.i.u.bf16.f32 v16;
	v16 =	vunpack.i.l.bf16.f32 v16;
	[tilespmem:v12+s25+$0x0] =	vst.idx.add.f32.msk $0xffff, v20  }
0x58a: {  	v20 =	vunpack.i.u.bf16.f32 v19;
	v19 =	vunpack.i.l.bf16.f32 v19;
	v16 =	vmul.f32 v16, v9;
	[tilespmem:v12+s19+$0x0] =	vst.idx.add.f32.msk $0xffff, v11  }
0x58b: {  	v11 =	vmul.f32 v14, v9;
	v13 =	vmul.f32 v13, v7;
	v14 =	vld.idx.msk [tilespmem:v18+s9+$0x0], $0xffff  }
0x58c: {  	[tilespmem:v5+s25+$0x0] =	vst.idx.add.f32.msk $0xffff, v16;
	v16 =	vmul.f32 v21, v7;
	v18 =	vmul.f32 v19, v6  }
0x58d: {  	[tilespmem:v5+s19+$0x0] =	vst.idx.add.f32.msk $0xffff, v11;
	v11 =	vmul.f32 v20, v6  }
0x58e: {  	[tilespmem:v3+s25+$0x0] =	vst.idx.add.f32.msk $0xffff, v13  }
0x58f: {  	[tilespmem:v3+s19+$0x0] =	vst.idx.add.f32.msk $0xffff, v16  }
0x590: {  	[tilespmem:v2+s25+$0x0] =	vst.idx.add.f32.msk $0xffff, v18  }
.Ltmp24:
0x591: {  	v13 =	vunpack.i.l.bf16.f32 v14;
	[tilespmem:v2+s19+$0x0] =	vst.idx.add.f32.msk $0xffff, v11;
	(pc) =	sbr.rel @p0 .LBB2_47-.Ltmp24, $4  }
0x592: {  	v14 =	vunpack.i.u.bf16.f32 v14;
	v13 =	vmul.f32 v13, v15;
	v11 =	vld.idx.msk [tilespmem:v10+s9+$0x0], $0xffff  }
0x593: {  	v14 =	vmul.f32 v14, v15;
	v10 =	vld.idx.msk [tilespmem:v17+s9+$0x0], $0xffff  }
0x594: {  	[tilespmem:v12+s20+$0x0] =	vst.idx.add.f32.msk $0xffff, v13  }
0x595: {  	s16 =	sadd.s32 $0x40, s16;
	[tilespmem:v12+s21+$0x0] =	vst.idx.add.f32.msk $0xffff, v14  }
0x596: {  	_ =	sdelay $0x3  }
0x597: {  	v4 =	vld.idx.msk [tilespmem:v4+s9+$0x0], $0xffff;
	v12 =	vunpack.i.l.bf16.f32 v11  }
0x598: {  	v11 =	vunpack.i.u.bf16.f32 v11;
	v12 =	vmul.f32 v12, v9  }
0x599: {  	v13 =	vunpack.i.l.bf16.f32 v10;
	v9 =	vmul.f32 v11, v9  }
0x59a: {  	v10 =	vunpack.i.u.bf16.f32 v10;
	v11 =	vmul.f32 v13, v7;
	[tilespmem:v5+s20+$0x0] =	vst.idx.add.f32.msk $0xffff, v12  }
0x59b: {  	v7 =	vmul.f32 v10, v7;
	[tilespmem:v5+s21+$0x0] =	vst.idx.add.f32.msk $0xffff, v9  }
0x59c: {  	[tilespmem:v3+s20+$0x0] =	vst.idx.add.f32.msk $0xffff, v11;
	v5 =	vunpack.i.l.bf16.f32 v4  }
0x59d: {  	p0 =	seq.s32 s11, $0x18;
	[tilespmem:v3+s21+$0x0] =	vst.idx.add.f32.msk $0xffff, v7;
	v3 =	vunpack.i.u.bf16.f32 v4;
	v4 =	vmul.f32 v5, v6  }
0x59e: {  	[tilespmem:v1+s21+$0x0] =	vst.idx.add.f32.msk $0xffff, v8;
	s10 =	sshrl.u32 @!p0 s13, $0x3;
	v1 =	vmul.f32 v3, v6  }
0x59f: {  	s10 =	sadd.s32 @!p0 $0x320, s10;
	[tilespmem:v2+s20+$0x0] =	vst.idx.add.f32.msk $0xffff, v4  }
0x5a0: {  	s14 =	simm.s32 @!p0 $0x0;
	s15 =	simm.s32 @!p0 $0x11500;
	s13 =	sadd.s32 @!p0 s23, s10;
	[tilespmem:v2+s21+$0x0] =	vst.idx.add.f32.msk $0xffff, v1  }
0x5a1: {  	[tilespmem:s15], [sflag:$0x1] =	stream.linear.gather @!p0 [hbm4b:s13+s14], $0xC80, $0x38;
	[tilespmem:$0x17680] =	vst v63  }
0x5a2: {  	s10 =	sadd.s32 @!p0 s2, s10;
	s13 =	simm.s32 @!p0 $0x12E00  }
0x5a3: {  	[tilespmem:s13], [sflag:$0x1] =	stream.linear.gather @!p0 [hbm4b:s10+s14], $0xC80, $0x38;
	[tilespmem:$0x17680] =	vst v63  }
0x5a4: {  	_ =	swait.ge [sflag:s6], $0xC80  }
0x5a5: {  	[sflag:s6] =	ssyncset.done $0x0  }
0x5a6: {  	[sflag:s6] =	ssyncadd.s32 $0xFFFFF380  }
0x5a7: {  	_ =	swait.ge [sflag:s6], $0xC80  }
0x5a8: {  	[sflag:s6] =	ssyncset.done $0x0  }
0x5a9: {  	s14 =	simm.s32 $0x121B0;
	[sflag:s6] =	ssyncadd.s32 $0xFFFFF380  }
0x5aa: {  	v1 =	vld [tilespmem:s14+$0x0]  }
0x5ab: {  	s15 =	simm.s32 $0x0  }
0x5ac: {  	s13 =	sand.u32 $0xFC0, s15  }
0x5ad: {  	v2 =	vld [tilespmem:s13+$0x12180];
	_ =	sdelay $0x1  }
0x5ae: {  	v5 =	vshrl.u32 v1, $0xE  }
0x5af: {  	v3 =	vld [tilespmem:s14+$0xFFFFFFE0]  }
0x5b0: {  	v4 =	vld [tilespmem:s14+$0xFFFFFFF0]  }
0x5b1: {  	v6 =	vshrl.u32 v2, $0xE;
	_ =	sdelay $0x1  }
0x5b2: {  	s16 =	simm.s32 $0x13AB0;
	v9 =	vld.idx.msk [tilespmem:v5+s5+$0x0], $0xffff  }
0x5b3: {  	v10 =	vld [tilespmem:s16+$0x0];
	v7 =	vshrl.u32 v3, $0xE  }
0x5b4: {  	v14 =	vld [tilespmem:s13+$0x13A80];
	v8 =	vshrl.u32 v4, $0xE  }
0x5b5: {  	v13 =	vand.u32 $0x3FFF, v1;
	v11 =	vld.idx.msk [tilespmem:v6+s5+$0x0], $0xffff  }
0x5b6: {  	v16 =	vld [tilespmem:s16+$0xFFFFFFE0]  }
0x5b7: {  	v17 =	vld [tilespmem:s16+$0xFFFFFFF0];
	v1 =	vunpack.i.l.bf16.f32 v9  }
0x5b8: {  	v2 =	vand.u32 $0x3FFF, v2;
	v12 =	vld.idx.msk [tilespmem:v7+s5+$0x0], $0xffff;
	v9 =	vunpack.i.u.bf16.f32 v9;
	v1 =	vmul.f32 v1, v10  }
0x5b9: {  	v15 =	vld.idx.msk [tilespmem:v8+s5+$0x0], $0xffff;
	v9 =	vmul.f32 v9, v10  }
0x5ba: {  	v18 =	vunpack.i.l.bf16.f32 v11;
	[tilespmem:v13+s25+$0x0] =	vst.idx.add.f32.msk $0xffff, v1  }
0x5bb: {  	v3 =	vand.u32 $0x3FFF, v3;
	v1 =	vunpack.i.u.bf16.f32 v11;
	v11 =	vmul.f32 v18, v14;
	[tilespmem:v13+s19+$0x0] =	vst.idx.add.f32.msk $0xffff, v9  }
0x5bc: {  	v9 =	vmul.f32 v1, v14;
	v5 =	vld.idx.msk [tilespmem:v5+s9+$0x0], $0xffff  }
0x5bd: {  	v1 =	vand.u32 $0x3FFF, v4;
	v4 =	vunpack.i.l.bf16.f32 v12;
	[tilespmem:v2+s25+$0x0] =	vst.idx.add.f32.msk $0xffff, v11  }
0x5be: {  	v4 =	vmul.f32 v4, v16;
	[tilespmem:v2+s19+$0x0] =	vst.idx.add.f32.msk $0xffff, v9  }
0x5bf: {  	s13 =	simm.s32 $0x40;
	v11 =	vunpack.i.u.bf16.f32 v12;
	v6 =	vld.idx.msk [tilespmem:v6+s9+$0x0], $0xffff  }
0x5c0: {  	s18 =	sand.u32 $0xFC0, s13;
	v12 =	vunpack.i.u.bf16.f32 v15;
	v9 =	vunpack.i.l.bf16.f32 v15;
	v11 =	vmul.f32 v11, v16;
	[tilespmem:v3+s25+$0x0] =	vst.idx.add.f32.msk $0xffff, v4  }
0x5c1: {  	v9 =	vmul.f32 v9, v17;
	v4 =	vmul.f32 v12, v17;
	v12 =	vld [tilespmem:s18+$0x13A80]  }
0x5c2: {  	[tilespmem:v3+s19+$0x0] =	vst.idx.add.f32.msk $0xffff, v11  }
0x5c3: {  	[tilespmem:v1+s25+$0x0] =	vst.idx.add.f32.msk $0xffff, v9  }
0x5c4: {  	[tilespmem:v1+s19+$0x0] =	vst.idx.add.f32.msk $0xffff, v4;
	v4 =	vunpack.i.l.bf16.f32 v5  }
0x5c5: {  	s17 =	simm.s32 $0x121F0;
	v7 =	vld.idx.msk [tilespmem:v7+s9+$0x0], $0xffff;
	v5 =	vunpack.i.u.bf16.f32 v5;
	v4 =	vmul.f32 v4, v10  }
0x5c6: {  	v9 =	vld [tilespmem:s17+$0x0];
	v5 =	vmul.f32 v5, v10  }
0x5c7: {  	[tilespmem:v13+s20+$0x0] =	vst.idx.add.f32.msk $0xffff, v4  }
0x5c8: {  	v4 =	vunpack.i.l.bf16.f32 v6;
	[tilespmem:v13+s21+$0x0] =	vst.idx.add.f32.msk $0xffff, v5  }
0x5c9: {  	v6 =	vunpack.i.u.bf16.f32 v6;
	v4 =	vmul.f32 v4, v14;
	v5 =	vld [tilespmem:s18+$0x12180]  }
0x5ca: {  	v13 =	vld [tilespmem:s17+$0xFFFFFFE0];
	v6 =	vmul.f32 v6, v14  }
0x5cb: {  	v15 =	vshrl.u32 v9, $0xE;
	[tilespmem:v2+s20+$0x0] =	vst.idx.add.f32.msk $0xffff, v4;
	v4 =	vunpack.i.l.bf16.f32 v7  }
0x5cc: {  	[tilespmem:v2+s21+$0x0] =	vst.idx.add.f32.msk $0xffff, v6;
	v2 =	vunpack.i.u.bf16.f32 v7;
	v4 =	vmul.f32 v4, v16  }
0x5cd: {  	v14 =	vld [tilespmem:s17+$0xFFFFFFF0];
	v2 =	vmul.f32 v2, v16  }
0x5ce: {  	v7 =	vshrl.u32 v5, $0xE;
	[tilespmem:v3+s20+$0x0] =	vst.idx.add.f32.msk $0xffff, v4  }
0x5cf: {  	[tilespmem:v3+s21+$0x0] =	vst.idx.add.f32.msk $0xffff, v2  }
0x5d0: {  	s14 =	simm.s32 $0x13AF0;
	v16 =	vshrl.u32 v13, $0xE;
	v2 =	vld.idx.msk [tilespmem:v15+s5+$0x0], $0xffff  }
0x5d1: {  	v11 =	vld [tilespmem:s14+$0x0]  }
0x5d2: {  	v6 =	vld.idx.msk [tilespmem:v8+s9+$0x0], $0xffff;
	v3 =	vshrl.u32 v14, $0xE  }
0x5d3: {  	v9 =	vand.u32 $0x3FFF, v9;
	v18 =	vld.idx.msk [tilespmem:v7+s5+$0x0], $0xffff  }
0x5d4: {  	v8 =	vld [tilespmem:s14+$0xFFFFFFE0]  }
0x5d5: {  	v19 =	vld.idx.msk [tilespmem:v16+s5+$0x0], $0xffff;
	v4 =	vunpack.i.l.bf16.f32 v2  }
0x5d6: {  	v10 =	vand.u32 $0x3FFF, v5;
	v5 =	vld [tilespmem:s14+$0xFFFFFFF0];
	v2 =	vunpack.i.u.bf16.f32 v2;
	v4 =	vmul.f32 v4, v11  }
0x5d7: {  	v20 =	vld.idx.msk [tilespmem:v3+s5+$0x0], $0xffff;
	v2 =	vmul.f32 v2, v11  }
0x5d8: {  	[tilespmem:v9+s25+$0x0] =	vst.idx.add.f32.msk $0xffff, v4;
	v4 =	vand.u32 $0x3FFF, v13;
	v21 =	vunpack.i.l.bf16.f32 v18  }
0x5d9: {  	v13 =	vunpack.i.u.bf16.f32 v18;
	[tilespmem:v9+s19+$0x0] =	vst.idx.add.f32.msk $0xffff, v2;
	v18 =	vmul.f32 v21, v12  }
0x5da: {  	v2 =	vand.u32 $0x3FFF, v14;
	v14 =	vunpack.i.l.bf16.f32 v19;
	v13 =	vmul.f32 v13, v12;
	v15 =	vld.idx.msk [tilespmem:v15+s9+$0x0], $0xffff  }
0x5db: {  	v14 =	vmul.f32 v14, v8;
	[tilespmem:v10+s25+$0x0] =	vst.idx.add.f32.msk $0xffff, v18  }
0x5dc: {  	v18 =	vunpack.i.u.bf16.f32 v19;
	[tilespmem:v10+s19+$0x0] =	vst.idx.add.f32.msk $0xffff, v13  }
0x5dd: {  	v19 =	vunpack.i.l.bf16.f32 v20;
	v18 =	vmul.f32 v18, v8;
	[tilespmem:v4+s25+$0x0] =	vst.idx.add.f32.msk $0xffff, v14  }
0x5de: {  	v19 =	vmul.f32 v19, v5;
	v13 =	vld.idx.msk [tilespmem:v7+s9+$0x0], $0xffff;
	v7 =	vunpack.i.u.bf16.f32 v20  }
0x5df: {  	v14 =	vmul.f32 v7, v5;
	[tilespmem:v4+s19+$0x0] =	vst.idx.add.f32.msk $0xffff, v18  }
0x5e0: {  	v7 =	vunpack.i.l.bf16.f32 v6;
	[tilespmem:v2+s25+$0x0] =	vst.idx.add.f32.msk $0xffff, v19  }
0x5e1: {  	v6 =	vunpack.i.u.bf16.f32 v6;
	v18 =	vunpack.i.l.bf16.f32 v15;
	v7 =	vmul.f32 v7, v17;
	[tilespmem:v2+s19+$0x0] =	vst.idx.add.f32.msk $0xffff, v14  }
0x5e2: {  	s15 =	simm.s32 $0x4;
	s16 =	simm.s32 $0x12230;
	v6 =	vmul.f32 v6, v17;
	v14 =	vld.idx.msk [tilespmem:v16+s9+$0x0], $0xffff;
	v16 =	vunpack.i.u.bf16.f32 v15;
	v15 =	vmul.f32 v18, v11  }
.LBB2_49:
0x5e3: {  	v17 =	vld [tilespmem:s16+$0x0];
	v18 =	vunpack.i.l.bf16.f32 v13;
	v11 =	vmul.f32 v16, v11  }
0x5e4: {  	v13 =	vunpack.i.u.bf16.f32 v13;
	v16 =	vmul.f32 v18, v12;
	[tilespmem:v9+s20+$0x0] =	vst.idx.add.f32.msk $0xffff, v15  }
0x5e5: {  	v12 =	vmul.f32 v13, v12;
	[tilespmem:v9+s21+$0x0] =	vst.idx.add.f32.msk $0xffff, v11  }
0x5e6: {  	s13 =	sadd.s32 $0x40, s13;
	[tilespmem:v10+s20+$0x0] =	vst.idx.add.f32.msk $0xffff, v16  }
0x5e7: {  	s10 =	sand.u32 $0xFC0, s13;
	[tilespmem:v10+s21+$0x0] =	vst.idx.add.f32.msk $0xffff, v12  }
0x5e8: {  	v9 =	vunpack.i.u.bf16.f32 v14;
	v11 =	vunpack.i.l.bf16.f32 v14;
	v10 =	vld [tilespmem:s10+$0x12180]  }
0x5e9: {  	s15 =	sadd.s32 $0x4, s15;
	v11 =	vmul.f32 v11, v8;
	v8 =	vmul.f32 v9, v8;
	v12 =	vld [tilespmem:s16+$0xFFFFFFE0]  }
0x5ea: {  	p0 =	slt.u32 s15, $0xC4;
	v13 =	vshrl.u32 v17, $0xE;
	v9 =	vld [tilespmem:s16+$0xFFFFFFF0]  }
0x5eb: {  	v14 =	vld.idx.msk [tilespmem:v3+s9+$0x0], $0xffff  }
0x5ec: {  	[tilespmem:v4+s20+$0x0] =	vst.idx.add.f32.msk $0xffff, v11  }
0x5ed: {  	v15 =	vshrl.u32 v10, $0xE;
	[tilespmem:v4+s21+$0x0] =	vst.idx.add.f32.msk $0xffff, v8  }
0x5ee: {  	v16 =	vshrl.u32 v12, $0xE;
	v4 =	vand.u32 $0x3FFF, v12;
	[tilespmem:v1+s20+$0x0] =	vst.idx.add.f32.msk $0xffff, v7  }
0x5ef: {  	v3 =	vshrl.u32 v9, $0xE;
	v7 =	vand.u32 $0x3FFF, v9;
	v18 =	vld.idx.msk [tilespmem:v13+s5+$0x0], $0xffff  }
0x5f0: {  	s14 =	sadd.s32 $0x40, s14;
	[tilespmem:v1+s21+$0x0] =	vst.idx.add.f32.msk $0xffff, v6;
	v1 =	vmov v2;
	v2 =	vmov v7  }
0x5f1: {  	v6 =	vunpack.i.u.bf16.f32 v14;
	v7 =	vunpack.i.l.bf16.f32 v14;
	v11 =	vld [tilespmem:s14+$0x0]  }
0x5f2: {  	v7 =	vmul.f32 v7, v5;
	v6 =	vmul.f32 v6, v5;
	v14 =	vld.idx.msk [tilespmem:v15+s5+$0x0], $0xffff  }
0x5f3: {  	v9 =	vand.u32 $0x3FFF, v17;
	v19 =	vld.idx.msk [tilespmem:v16+s5+$0x0], $0xffff  }
0x5f4: {  	v12 =	vld [tilespmem:s10+$0x13A80]  }
0x5f5: {  	v5 =	vunpack.i.l.bf16.f32 v18;
	v17 =	vld.idx.msk [tilespmem:v3+s5+$0x0], $0xffff  }
0x5f6: {  	v10 =	vand.u32 $0x3FFF, v10;
	v18 =	vunpack.i.u.bf16.f32 v18;
	v8 =	vld [tilespmem:s14+$0xFFFFFFE0];
	v20 =	vmul.f32 v5, v11  }
0x5f7: {  	v18 =	vmul.f32 v18, v11;
	v5 =	vld [tilespmem:s14+$0xFFFFFFF0]  }
0x5f8: {  	v21 =	vunpack.i.l.bf16.f32 v14;
	[tilespmem:v9+s25+$0x0] =	vst.idx.add.f32.msk $0xffff, v20  }
0x5f9: {  	v14 =	vunpack.i.u.bf16.f32 v14;
	v20 =	vmul.f32 v21, v12;
	v21 =	vunpack.i.u.bf16.f32 v19;
	[tilespmem:v9+s19+$0x0] =	vst.idx.add.f32.msk $0xffff, v18  }
0x5fa: {  	v14 =	vmul.f32 v14, v12;
	v18 =	vunpack.i.l.bf16.f32 v19;
	v19 =	vld.idx.msk [tilespmem:v13+s9+$0x0], $0xffff  }
0x5fb: {  	v13 =	vunpack.i.l.bf16.f32 v17;
	[tilespmem:v10+s25+$0x0] =	vst.idx.add.f32.msk $0xffff, v20;
	v18 =	vmul.f32 v18, v8;
	v20 =	vunpack.i.u.bf16.f32 v17  }
0x5fc: {  	[tilespmem:v10+s19+$0x0] =	vst.idx.add.f32.msk $0xffff, v14;
	v14 =	vmul.f32 v21, v8;
	v17 =	vmul.f32 v13, v5  }
0x5fd: {  	v13 =	vld.idx.msk [tilespmem:v15+s9+$0x0], $0xffff;
	v15 =	vmul.f32 v20, v5  }
.Ltmp25:
0x5fe: {  	[tilespmem:v4+s25+$0x0] =	vst.idx.add.f32.msk $0xffff, v18;
	(pc) =	sbr.rel @p0 .LBB2_49-.Ltmp25, $4  }
0x5ff: {  	[tilespmem:v4+s19+$0x0] =	vst.idx.add.f32.msk $0xffff, v14  }
0x600: {  	[tilespmem:v2+s25+$0x0] =	vst.idx.add.f32.msk $0xffff, v17  }
0x601: {  	[tilespmem:v2+s19+$0x0] =	vst.idx.add.f32.msk $0xffff, v15;
	v15 =	vunpack.i.l.bf16.f32 v19  }
0x602: {  	s16 =	sadd.s32 $0x40, s16;
	v14 =	vld.idx.msk [tilespmem:v16+s9+$0x0], $0xffff;
	v16 =	vunpack.i.u.bf16.f32 v19;
	v15 =	vmul.f32 v15, v11  }
0x603: {  	_ =	sdelay $0x3  }
0x604: {  	v3 =	vld.idx.msk [tilespmem:v3+s9+$0x0], $0xffff  }
0x605: {  	[tilespmem:v1+s20+$0x0] =	vst.idx.add.f32.msk $0xffff, v7  }
0x606: {  	v17 =	vunpack.i.l.bf16.f32 v13;
	v11 =	vmul.f32 v16, v11;
	[tilespmem:v9+s20+$0x0] =	vst.idx.add.f32.msk $0xffff, v15  }
0x607: {  	v58 =	vmul.f32 v17, v12;
	[tilespmem:v1+s21+$0x0] =	vst.idx.add.f32.msk $0xffff, v6;
	v60 =	vunpack.i.l.bf16.f32 v14  }
0x608: {  	s11 =	sadd.s32 $0x1, s11;
	[tilespmem:v9+s21+$0x0] =	vst.idx.add.f32.msk $0xffff, v11;
	v61 =	vunpack.i.u.bf16.f32 v14;
	v9 =	vmul.f32 v60, v8  }
0x609: {  	v57 =	vunpack.i.u.bf16.f32 v13;
	p0 =	sne.s32 s11, $0x19;
	[tilespmem:v10+s20+$0x0] =	vst.idx.add.f32.msk $0xffff, v58;
	v62 =	vmul.f32 v61, v8  }
.Ltmp26:
0x60a: {  	v59 =	vmul.f32 v57, v12;
	v63 =	vunpack.i.l.bf16.f32 v3;
	[tilespmem:v4+s20+$0x0] =	vst.idx.add.f32.msk $0xffff, v9;
	(pc) =	sbr.rel @p0 .LBB2_46-.Ltmp26, $4  }
0x60b: {  	v3 =	vunpack.i.u.bf16.f32 v3;
	[tilespmem:v4+s21+$0x0] =	vst.idx.add.f32.msk $0xffff, v62;
	v4 =	vmul.f32 v63, v5  }
0x60c: {  	[tilespmem:v10+s21+$0x0] =	vst.idx.add.f32.msk $0xffff, v59;
	v1 =	vmul.f32 v3, v5  }
0x60d: {  	[tilespmem:v2+s20+$0x0] =	vst.idx.add.f32.msk $0xffff, v4  }
0x60e: {  	[tilespmem:v2+s21+$0x0] =	vst.idx.add.f32.msk $0xffff, v1  }
0x60f: {  	s10 =	simm.s32 $0x4F20  }
0x610: {  	s11 =	simm.s32 $0xED20;
	v6 =	vld [tilespmem:s10+$0x10]  }
0x611: {  	v7 =	vld [tilespmem:s11+$0x10]  }
0x612: {  	v3 =	vld [tilespmem:s11+$0xFFFFFFE0]  }
0x613: {  	v1 =	vld [tilespmem:s10+$0xFFFFFFF0]  }
0x614: {  	v5 =	vld [tilespmem:s11+$0xFFFFFFF0]  }
0x615: {  	v2 =	vld [tilespmem:s10+$0x0]  }
0x616: {  	v4 =	vld [tilespmem:s11+$0x0];
	v7 =	vmul.f32 v7, v6  }
0x617: {  	s13 =	simm.s32 $0x0;
	s14 =	simm.s32 $0x4F60;
	v6 =	vld [tilespmem:s10+$0xFFFFFFE0]  }
.LBB2_52:
0x618: {  	v8 =	vld [tilespmem:s14+$0x10];
	[tilespmem:s10+$0x10] =	vst v7;
	s11 =	sadd.s32 $0x40, s11  }
0x619: {  	s13 =	sadd.s32 $0x4, s13;
	v7 =	vld [tilespmem:s11+$0x10];
	v5 =	vmul.f32 v5, v1  }
0x61a: {  	p0 =	slt.u32 s13, $0x26C;
	v9 =	vld [tilespmem:s11+$0xFFFFFFE0]  }
.Ltmp27:
0x61b: {  	v1 =	vld [tilespmem:s14+$0xFFFFFFF0];
	[tilespmem:s10+$0xFFFFFFF0] =	vst v5;
	v4 =	vmul.f32 v4, v2;
	(pc) =	sbr.rel @p0 .LBB2_52-.Ltmp27, $4  }
0x61c: {  	v5 =	vld [tilespmem:s11+$0xFFFFFFF0];
	v10 =	vmul.f32 v3, v6  }
0x61d: {  	v2 =	vld [tilespmem:s14+$0x0];
	[tilespmem:s10+$0x0] =	vst v4  }
0x61e: {  	v4 =	vld [tilespmem:s11+$0x0];
	v7 =	vmul.f32 v7, v8;
	[tilespmem:s10+$0xFFFFFFE0] =	vst v10;
	s10 =	smov.u32 s14  }
0x61f: {  	s14 =	sadd.s32 $0x40, s14;
	v6 =	vld [tilespmem:s10+$0xFFFFFFE0];
	v3 =	vmov v9  }
0x620: {  	_ =	sdelay $0x1  }
0x621: {  	v1 =	vmul.f32 v5, v1  }
0x622: {  	[tilespmem:s10+$0x10] =	vst v7;
	v2 =	vmul.f32 v4, v2  }
0x623: {  	[tilespmem:s10+$0xFFFFFFF0] =	vst v1;
	v1 =	vmul.f32 v3, v6  }
0x624: {  	[tilespmem:s10+$0x0] =	vst v2  }
0x625: {  	[tilespmem:s10+$0xFFFFFFE0] =	vst v1  }
0x626: {  	v1 =	vld [tilespmem:$0x7600]  }
0x627: {  	v2 =	vld [tilespmem:$0x11400];
	_ =	sdelay $0x4  }
0x628: {  	v1 =	vmul.f32 v2, v1;
	_ =	sdelay $0x1  }
0x629: {  	s10 =	rddreg [dreg:$0x14];
	[tilespmem:$0x7600] =	vst v1  }
0x62a: {  	[hbm4b:s10+s5] =	stream.linear.scatter [tilespmem:s25], [sflag:$0x4], $0x2710, $0x38;
	[tilespmem:$0x17680] =	vst v63  }
0x62b: {  	_ =	swait.ge [sflag:s7], $0x2710  }
0x62c: {  	[sflag:s7] =	ssyncset.done $0x0  }
0x62d: {  	s10 =	simm.s32 $0x76A0;
	[sflag:s7] =	ssyncadd.s32 $0xFFFFD8F0  }
0x62e: {  	s11 =	simm.s32 $0xED20;
	v6 =	vld [tilespmem:s10+$0x10]  }
0x62f: {  	v7 =	vld [tilespmem:s11+$0x10]  }
0x630: {  	v3 =	vld [tilespmem:s11+$0xFFFFFFE0]  }
0x631: {  	v1 =	vld [tilespmem:s10+$0xFFFFFFF0]  }
0x632: {  	v5 =	vld [tilespmem:s11+$0xFFFFFFF0]  }
0x633: {  	v2 =	vld [tilespmem:s10+$0x0]  }
0x634: {  	v4 =	vld [tilespmem:s11+$0x0];
	v7 =	vmul.f32 v7, v6  }
0x635: {  	s13 =	simm.s32 $0x0;
	s14 =	simm.s32 $0x76E0;
	v6 =	vld [tilespmem:s10+$0xFFFFFFE0]  }
.LBB2_54:
0x636: {  	v8 =	vld [tilespmem:s14+$0x10];
	[tilespmem:s10+$0x10] =	vst v7;
	s11 =	sadd.s32 $0x40, s11  }
0x637: {  	s13 =	sadd.s32 $0x4, s13;
	v7 =	vld [tilespmem:s11+$0x10];
	v5 =	vmul.f32 v5, v1  }
0x638: {  	p0 =	slt.u32 s13, $0x26C;
	v9 =	vld [tilespmem:s11+$0xFFFFFFE0]  }
.Ltmp28:
0x639: {  	v1 =	vld [tilespmem:s14+$0xFFFFFFF0];
	[tilespmem:s10+$0xFFFFFFF0] =	vst v5;
	v4 =	vmul.f32 v4, v2;
	(pc) =	sbr.rel @p0 .LBB2_54-.Ltmp28, $4  }
0x63a: {  	v5 =	vld [tilespmem:s11+$0xFFFFFFF0];
	v10 =	vmul.f32 v3, v6  }
0x63b: {  	v2 =	vld [tilespmem:s14+$0x0];
	[tilespmem:s10+$0x0] =	vst v4  }
0x63c: {  	v4 =	vld [tilespmem:s11+$0x0];
	v7 =	vmul.f32 v7, v8;
	[tilespmem:s10+$0xFFFFFFE0] =	vst v10;
	s10 =	smov.u32 s14  }
0x63d: {  	s14 =	sadd.s32 $0x40, s14;
	v6 =	vld [tilespmem:s10+$0xFFFFFFE0];
	v3 =	vmov v9  }
0x63e: {  	_ =	sdelay $0x1  }
0x63f: {  	v1 =	vmul.f32 v5, v1  }
0x640: {  	[tilespmem:s10+$0x10] =	vst v7;
	v2 =	vmul.f32 v4, v2  }
0x641: {  	[tilespmem:s10+$0xFFFFFFF0] =	vst v1;
	v1 =	vmul.f32 v3, v6  }
0x642: {  	[tilespmem:s10+$0x0] =	vst v2  }
0x643: {  	[tilespmem:s10+$0xFFFFFFE0] =	vst v1  }
0x644: {  	v1 =	vld [tilespmem:$0x9D80]  }
0x645: {  	v2 =	vld [tilespmem:$0x11400];
	_ =	sdelay $0x4  }
0x646: {  	v1 =	vmul.f32 v2, v1;
	_ =	sdelay $0x1  }
0x647: {  	s10 =	rddreg [dreg:$0x15];
	[tilespmem:$0x9D80] =	vst v1  }
0x648: {  	[hbm4b:s10+s5] =	stream.linear.scatter [tilespmem:s19], [sflag:$0x4], $0x2710, $0x38;
	[tilespmem:$0x17680] =	vst v63  }
0x649: {  	_ =	swait.ge [sflag:s7], $0x2710  }
0x64a: {  	[sflag:s7] =	ssyncset.done $0x0  }
0x64b: {  	s10 =	simm.s32 $0x9E20;
	[sflag:s7] =	ssyncadd.s32 $0xFFFFD8F0  }
0x64c: {  	s11 =	simm.s32 $0xED20;
	v6 =	vld [tilespmem:s10+$0x10]  }
0x64d: {  	v7 =	vld [tilespmem:s11+$0x10]  }
0x64e: {  	v3 =	vld [tilespmem:s11+$0xFFFFFFE0]  }
0x64f: {  	v1 =	vld [tilespmem:s10+$0xFFFFFFF0]  }
0x650: {  	v5 =	vld [tilespmem:s11+$0xFFFFFFF0]  }
0x651: {  	v2 =	vld [tilespmem:s10+$0x0]  }
0x652: {  	v4 =	vld [tilespmem:s11+$0x0];
	v7 =	vmul.f32 v7, v6  }
0x653: {  	s13 =	simm.s32 $0x0;
	s14 =	simm.s32 $0x9E60;
	v6 =	vld [tilespmem:s10+$0xFFFFFFE0]  }
.LBB2_56:
0x654: {  	v8 =	vld [tilespmem:s14+$0x10];
	[tilespmem:s10+$0x10] =	vst v7;
	s11 =	sadd.s32 $0x40, s11  }
0x655: {  	s13 =	sadd.s32 $0x4, s13;
	v7 =	vld [tilespmem:s11+$0x10];
	v5 =	vmul.f32 v5, v1  }
0x656: {  	p0 =	slt.u32 s13, $0x26C;
	v9 =	vld [tilespmem:s11+$0xFFFFFFE0]  }
.Ltmp29:
0x657: {  	v1 =	vld [tilespmem:s14+$0xFFFFFFF0];
	[tilespmem:s10+$0xFFFFFFF0] =	vst v5;
	v4 =	vmul.f32 v4, v2;
	(pc) =	sbr.rel @p0 .LBB2_56-.Ltmp29, $4  }
0x658: {  	v5 =	vld [tilespmem:s11+$0xFFFFFFF0];
	v10 =	vmul.f32 v3, v6  }
0x659: {  	v2 =	vld [tilespmem:s14+$0x0];
	[tilespmem:s10+$0x0] =	vst v4  }
0x65a: {  	v4 =	vld [tilespmem:s11+$0x0];
	v7 =	vmul.f32 v7, v8;
	[tilespmem:s10+$0xFFFFFFE0] =	vst v10;
	s10 =	smov.u32 s14  }
0x65b: {  	s14 =	sadd.s32 $0x40, s14;
	v6 =	vld [tilespmem:s10+$0xFFFFFFE0];
	v3 =	vmov v9  }
0x65c: {  	_ =	sdelay $0x1  }
0x65d: {  	v1 =	vmul.f32 v5, v1  }
0x65e: {  	[tilespmem:s10+$0x10] =	vst v7;
	v2 =	vmul.f32 v4, v2  }
0x65f: {  	[tilespmem:s10+$0xFFFFFFF0] =	vst v1;
	v1 =	vmul.f32 v3, v6  }
0x660: {  	[tilespmem:s10+$0x0] =	vst v2  }
0x661: {  	[tilespmem:s10+$0xFFFFFFE0] =	vst v1  }
0x662: {  	v1 =	vld [tilespmem:$0xC500]  }
0x663: {  	v2 =	vld [tilespmem:$0x11400];
	_ =	sdelay $0x4  }
0x664: {  	v1 =	vmul.f32 v2, v1;
	_ =	sdelay $0x1  }
0x665: {  	s10 =	rddreg [dreg:$0x16];
	[tilespmem:$0xC500] =	vst v1  }
0x666: {  	[hbm4b:s10+s5] =	stream.linear.scatter [tilespmem:s20], [sflag:$0x4], $0x2710, $0x38;
	[tilespmem:$0x17680] =	vst v63  }
0x667: {  	_ =	swait.ge [sflag:s7], $0x2710  }
0x668: {  	[sflag:s7] =	ssyncset.done $0x0  }
0x669: {  	s10 =	simm.s32 $0xC5A0;
	[sflag:s7] =	ssyncadd.s32 $0xFFFFD8F0  }
0x66a: {  	s11 =	simm.s32 $0xED20;
	v6 =	vld [tilespmem:s10+$0x10]  }
0x66b: {  	v7 =	vld [tilespmem:s11+$0x10]  }
0x66c: {  	v3 =	vld [tilespmem:s11+$0xFFFFFFE0]  }
0x66d: {  	v1 =	vld [tilespmem:s10+$0xFFFFFFF0]  }
0x66e: {  	v5 =	vld [tilespmem:s11+$0xFFFFFFF0]  }
0x66f: {  	v2 =	vld [tilespmem:s10+$0x0]  }
0x670: {  	v4 =	vld [tilespmem:s11+$0x0];
	v7 =	vmul.f32 v7, v6  }
0x671: {  	s13 =	simm.s32 $0x0;
	s14 =	simm.s32 $0xC5E0;
	v6 =	vld [tilespmem:s10+$0xFFFFFFE0]  }
.LBB2_58:
0x672: {  	v8 =	vld [tilespmem:s14+$0x10];
	[tilespmem:s10+$0x10] =	vst v7;
	s11 =	sadd.s32 $0x40, s11  }
0x673: {  	s13 =	sadd.s32 $0x4, s13;
	v7 =	vld [tilespmem:s11+$0x10];
	v5 =	vmul.f32 v5, v1  }
0x674: {  	p0 =	slt.u32 s13, $0x26C;
	v9 =	vld [tilespmem:s11+$0xFFFFFFE0]  }
.Ltmp30:
0x675: {  	v1 =	vld [tilespmem:s14+$0xFFFFFFF0];
	[tilespmem:s10+$0xFFFFFFF0] =	vst v5;
	v4 =	vmul.f32 v4, v2;
	(pc) =	sbr.rel @p0 .LBB2_58-.Ltmp30, $4  }
0x676: {  	v5 =	vld [tilespmem:s11+$0xFFFFFFF0];
	v10 =	vmul.f32 v3, v6  }
0x677: {  	v2 =	vld [tilespmem:s14+$0x0];
	[tilespmem:s10+$0x0] =	vst v4  }
0x678: {  	v4 =	vld [tilespmem:s11+$0x0];
	v7 =	vmul.f32 v7, v8;
	[tilespmem:s10+$0xFFFFFFE0] =	vst v10;
	s10 =	smov.u32 s14  }
0x679: {  	s14 =	sadd.s32 $0x40, s14;
	v6 =	vld [tilespmem:s10+$0xFFFFFFE0];
	v3 =	vmov v9  }
0x67a: {  	_ =	sdelay $0x1  }
0x67b: {  	v1 =	vmul.f32 v5, v1  }
0x67c: {  	[tilespmem:s10+$0x10] =	vst v7;
	v2 =	vmul.f32 v4, v2  }
0x67d: {  	[tilespmem:s10+$0xFFFFFFF0] =	vst v1;
	v1 =	vmul.f32 v3, v6  }
0x67e: {  	[tilespmem:s10+$0x0] =	vst v2  }
0x67f: {  	[tilespmem:s10+$0xFFFFFFE0] =	vst v1  }
0x680: {  	v1 =	vld [tilespmem:$0xEC80]  }
0x681: {  	v2 =	vld [tilespmem:$0x11400];
	_ =	sdelay $0x4  }
0x682: {  	v1 =	vmul.f32 v2, v1;
	_ =	sdelay $0x1  }
0x683: {  	s10 =	rddreg [dreg:$0x17];
	[tilespmem:$0xEC80] =	vst v1  }
0x684: {  	[hbm4b:s10+s5] =	stream.linear.scatter [tilespmem:s21], [sflag:$0x4], $0x2710, $0x38;
	[tilespmem:$0x17680] =	vst v63  }
0x685: {  	_ =	swait.ge [sflag:s7], $0x2710  }
0x686: {  	s11 =	sld [smem:$0x7EE]  }
0x687: {  	s18 =	sld [smem:$0x7FD];
	_ =	sdelay $0x1  }
0x688: {  	s11 =	sadd.s32 $0x1, s11  }
0x689: {  	p0 =	sne.s32 s11, s18  }
.Ltmp31:
0x68a: {  	_ = 	snop;
	(pc) =	sbr.rel @p0 .LBB2_1-.Ltmp31, $3  }
0x68b: {  	_ =	sdelay $0x1  }
0x68c: {  	[sflag:s7] =	ssyncset.done $0x0  }
0x68d: {  	[sflag:s7] =	ssyncadd.s32 $0xFFFFD8F0  }
0x68e: {  	_ =	sfence.sel $0x180000  }
0x68f: {  	[bflag:$0x0] =	sbarrier.arrive $0xFFFF  }
0x690: {  	_ =	strace $0x90000047  }
0x691: {  	s0 =	stileid.u32;
	[bflag:$0x2] =	sbarrier.arrive $0xFFFF  }
0x692: {  	p0 =	sne.s32 s0, $0x0;
	s0 =	rddreg [dreg:$0x7]  }
0x693: {  	s0 =	sadd.s32 @!p0 $0x100000, s0  }
0x694: {  	[sflag:s0] =	ssyncadd.tile.s32 @!p0 $0x1;
	_ =	shalt  }
.Lfunc_end2:
_tile_overlayer_lowered:
.L_overlay_start_2:
0x695: {  	(tag) =	ssettag $0x2  }
0x696: {  	s0 =	rddreg [dreg:$0x0];
	s2 =	stileid.u32  }
0x697: {  	s1 =	rddreg [dreg:$0x1];
	p0 =	sne.s32 s2, $0x0  }
0x698: {  	s3 =	rddreg [dreg:$0x2];
	[bflag:$0x3] =	sbarrier.arrive $0xFFFF;
	s2 =	simm.s32 @!p0 $0x1C04  }
0x699: {  	[timem:s3], [sflag:s2] =	dma.local @!p0 [hbm:s0], s1  }
0x69a: {  	s0 =	simm.s32 @!p0 $0x4  }
0x69b: {  	_ =	swait.ge @!p0 [sflag:s0], s1  }
0x69c: {  	s1 =	ssub.s32 @!p0 $0x0, s1;
	[sflag:s0] =	ssyncset.done @!p0 $0x0  }
0x69d: {  	[sflag:s0] =	ssyncadd.s32 @!p0 s1  }
0x69e: {  	[bflag:$0x3] =	sbarrier.arrive $0xFFFF  }
0x69f: {  	_ =	shalt  }

</sc_bundles>
